<compile_context>
chip_gen: v7x
topology: tpu7x:2x2x1
jax: 0.10.2.dev20260603
libtpu: 0.0.44.dev20260713+nightly
codegen_flags: <defaults>
</compile_context>

<pallas_src>
import jax
import jax.numpy as jnp
from jax import lax
from jax.experimental import pallas as pl
from jax.experimental.pallas import tpu as pltpu
from jax.experimental.pallas import tpu_sc as plsc

_VOCAB = 100000
_D = 128
_POS_DIM = 5
_POS_VOCAB = 201
_B = 4096
_L = 200
_NC = 2
_NS = 16
_NW = _NC * _NS
_BPW = _B // _NW
_GRP = 8
_NGRP = _BPW // _GRP
_GTOK = _GRP * _L
_EROWS = 96


def _xp_body(X, XP1, XP2, table, p1w, p2w, xp_out,
             x_idx0, x_idx1, p1_idx0, p1_idx1, p2_idx0, p2_idx1,
             word0, word1, pos_sc, p1_v, p2_v,
             sem_g0, sem_g1, sem_w0, sem_w1, sem_r0, sem_r1, sem_p):
    sem_g = (sem_g0, sem_g1)
    sem_w = (sem_w0, sem_w1)
    sem_r = (sem_r0, sem_r1)
    x_idx = (x_idx0, x_idx1)
    p_idx = ((p1_idx0, p1_idx1), (p2_idx0, p2_idx1))
    word = (word0, word1)

    wid = lax.axis_index("s") * _NC + lax.axis_index("c")
    b0 = wid * _BPW
    lane = lax.iota(jnp.int32, 16)

    def grp_descs(kg, g):
        tok0 = (b0 + g * _GRP) * _L
        return (
            (X.at[pl.ds(tok0, _GTOK)], x_idx[kg].at[pl.ds(0, _GTOK)], sem_r[kg]),
            (XP1.at[pl.ds(tok0, _GTOK)], p_idx[0][kg].at[pl.ds(0, _GTOK)], sem_r[kg]),
            (XP2.at[pl.ds(tok0, _GTOK)], p_idx[1][kg].at[pl.ds(0, _GTOK)], sem_r[kg]),
        )

    def issue_grp(kg, g):
        for d in grp_descs(kg, g):
            pltpu.async_copy(*d)

    def drain_grp(kg, g):
        for d in grp_descs(kg, g):
            pltpu.make_async_copy(*d).wait()

    def issue_gather(kg, s, p):
        t0 = s * _L
        pltpu.async_copy(table.at[x_idx[kg].at[pl.ds(t0, 104)]],
                         word[p].at[pl.ds(0, 104)], sem_g[p])
        pltpu.async_copy(table.at[x_idx[kg].at[pl.ds(t0 + 104, 96)]],
                         word[p].at[pl.ds(104, 96)], sem_g[p])

    def drain_gather(p):
        pltpu.make_async_copy(table.at[pl.ds(0, 104)],
                              word[p].at[pl.ds(0, 104)], sem_g[p]).wait()
        pltpu.make_async_copy(table.at[pl.ds(0, 96)],
                              word[p].at[pl.ds(104, 96)], sem_g[p]).wait()

    def word_desc(p, b):
        return (word[p], xp_out.at[b, :, pl.ds(0, _D)], sem_w[p])

    def pos_desc(b):
        return (pos_sc, xp_out.at[b, :, pl.ds(_D, 2 * _POS_DIM)], sem_p)

    def pos_compute(kg, s):
        base = s * _L

        def pos_body(t, c):
            rows = t * 16 + lane
            msk = rows < _L
            for tbl, pidx, cbase in ((p1_v, p_idx[0][kg], 0),
                                     (p2_v, p_idx[1][kg], _POS_DIM)):
                iv = pidx[pl.ds(base + t * 16, 16)]
                iv = jnp.where(msk, iv * _POS_DIM, 0)
                for j in range(_POS_DIM):
                    colv = jnp.full((16,), j, jnp.int32)
                    vals = plsc.load_gather(tbl, [iv + j])
                    plsc.store_scatter(pos_sc, [rows, colv + cbase],
                                       vals, mask=msk)
            return c

        lax.fori_loop(0, (_L + 15) // 16, pos_body, 0)

    def sentence(i_w, kg, s, p, b, nxt=None):
        drain_gather(p)
        pltpu.async_copy(*word_desc(p, b))

        @pl.when(i_w >= 1)
        def _():
            pltpu.make_async_copy(*word_desc(1 - p, b)).wait()

        if nxt is not None:
            nxt()

        @pl.when(i_w >= 1)
        def _():
            pltpu.make_async_copy(*pos_desc(b)).wait()

        pos_compute(kg, s)
        pltpu.async_copy(*pos_desc(b))

    pltpu.sync_copy(p1w, p1_v)
    pltpu.sync_copy(p2w, p2_v)
    issue_grp(0, 0)

    def run_group(sg, gi):
        g = 2 * sg + gi
        bg = b0 + g * _GRP
        drain_grp(gi, g)
        if gi == 0:
            issue_grp(1, g + 1)
        else:
            @pl.when(sg <= _NGRP // 2 - 2)
            def _():
                issue_grp(0, g + 1)
        issue_gather(gi, 0, 0)

        def pair(j2, c):
            i_w = g * _GRP + 2 * j2
            b = bg + 2 * j2
            s = 2 * j2
            sentence(i_w, gi, s, 0, b, nxt=lambda: issue_gather(gi, s + 1, 1))

            def nxt1():
                @pl.when(j2 <= 2)
                def _():
                    issue_gather(gi, s + 2, 0)

            sentence(i_w + 1, gi, s + 1, 1, b + 1, nxt=nxt1)
            return c

        lax.fori_loop(0, _GRP // 2, pair, 0)

    def sg_body(sg, c):
        run_group(sg, 0)
        run_group(sg, 1)
        return c

    lax.fori_loop(0, _NGRP // 2, sg_body, 0)

    pltpu.make_async_copy(*word_desc(1, b0)).wait()
    pltpu.make_async_copy(*pos_desc(b0)).wait()


def _xe_body(XE1, XE2, table, xp_in, xe_out,
             e_idx0, e_idx1, e_rows0, e_rows1, word0, word1, e12a, e12b,
             sem_g0, sem_g1, sem_w0, sem_w1, sem_o0, sem_o1,
             sem_r0, sem_r1):
    sem_g = (sem_g0, sem_g1)
    sem_w = (sem_w0, sem_w1)
    sem_o = (sem_o0, sem_o1)
    sem_r = (sem_r0, sem_r1)
    e_idx = (e_idx0, e_idx1)
    e_rows = (e_rows0, e_rows1)
    word = (word0, word1)
    e12 = (e12a, e12b)

    wid = lax.axis_index("s") * _NC + lax.axis_index("c")
    b0 = wid * _BPW

    def grp_descs(kg):
        return (
            (table.at[e_idx[kg].at[pl.ds(0, _GRP)]],
             e_rows[kg].at[pl.ds(0, _GRP)], sem_r[kg]),
            (table.at[e_idx[kg].at[pl.ds(_GRP, _GRP)]],
             e_rows[kg].at[pl.ds(_GRP, _GRP)], sem_r[kg]),
        )

    def grp_drain_descs(kg):
        return (
            (table.at[pl.ds(0, _GRP)], e_rows[kg].at[pl.ds(0, _GRP)], sem_r[kg]),
            (table.at[pl.ds(0, _GRP)], e_rows[kg].at[pl.ds(_GRP, _GRP)], sem_r[kg]),
        )

    def issue_grp(kg, bg):
        pltpu.sync_copy(XE1.at[pl.ds(bg, _GRP)], e_idx[kg].at[pl.ds(0, _GRP)])
        pltpu.sync_copy(XE2.at[pl.ds(bg, _GRP)], e_idx[kg].at[pl.ds(_GRP, _GRP)])
        for d in grp_descs(kg):
            pltpu.async_copy(*d)

    def drain_grp(kg):
        for d in grp_drain_descs(kg):
            pltpu.make_async_copy(*d).wait()

    def read_desc(p, b):
        return (xp_in.at[b, :, pl.ds(0, _D)], word[p], sem_g[p])

    def word_desc(p, b):
        return (word[p], xe_out.at[b, :, pl.ds(0, _D)], sem_w[p])

    def other_descs(p, b):
        ds = []
        for k in range(2):
            ds.append((e12[p],
                       xe_out.at[b, pl.ds(_EROWS * k, _EROWS), pl.ds(_D, 2 * _D)],
                       sem_o[p]))
        ds.append((e12[p].at[pl.ds(0, 8)],
                   xe_out.at[b, pl.ds(192, 8), pl.ds(_D, 2 * _D)], sem_o[p]))
        return ds

    def e12_fill(kg, s, p):
        evs = ([e_rows[kg][s, pl.ds(16 * v, 16)] for v in range(8)] +
               [e_rows[kg][_GRP + s, pl.ds(16 * v, 16)] for v in range(8)])

        def brow(r, c):
            for v in range(16):
                e12[p][r, pl.ds(16 * v, 16)] = evs[v]
            return c

        lax.fori_loop(0, _EROWS, brow, 0, unroll=4)

    def sentence(i_w, kg, s, p, b, nxt=None):
        pltpu.make_async_copy(*read_desc(p, b)).wait()
        pltpu.async_copy(*word_desc(p, b))

        @pl.when(i_w >= 1)
        def _():
            pltpu.make_async_copy(*word_desc(1 - p, b)).wait()

        if nxt is not None:
            nxt()

        @pl.when(i_w >= 2)
        def _():
            for d in other_descs(p, b):
                pltpu.make_async_copy(*d).wait()

        e12_fill(kg, s, p)
        for d in other_descs(p, b):
            pltpu.async_copy(*d)

    issue_grp(0, b0)
    pltpu.async_copy(*read_desc(0, b0))

    def run_group(sg, gi):
        g = 2 * sg + gi
        bg = b0 + g * _GRP
        drain_grp(gi)
        if gi == 0:
            issue_grp(1, bg + _GRP)
        else:
            @pl.when(sg <= _NGRP // 2 - 2)
            def _():
                issue_grp(0, bg + _GRP)

        def pair(j2, c):
            i_w = g * _GRP + 2 * j2
            b = bg + 2 * j2
            s = 2 * j2
            sentence(i_w, gi, s, 0, b,
                     nxt=lambda: pltpu.async_copy(*read_desc(1, b + 1)))

            def nxt1():
                @pl.when(i_w + 2 <= _BPW - 1)
                def _():
                    pltpu.async_copy(*read_desc(0, b + 2))

            sentence(i_w + 1, gi, s + 1, 1, b + 1, nxt=nxt1)
            return c

        lax.fori_loop(0, _GRP // 2, pair, 0)

    def sg_body(sg, c):
        run_group(sg, 0)
        run_group(sg, 1)
        return c

    lax.fori_loop(0, _NGRP // 2, sg_body, 0)

    for d in other_descs(0, b0):
        pltpu.make_async_copy(*d).wait()
    for d in other_descs(1, b0):
        pltpu.make_async_copy(*d).wait()
    pltpu.make_async_copy(*word_desc(1, b0)).wait()


def _run(X, XP1, XP2, XE1, XE2, table, p1w, p2w):
    mesh = plsc.VectorSubcoreMesh(core_axis_name="c", subcore_axis_name="s")
    xp_k = pl.kernel(
        _xp_body,
        mesh=mesh,
        compiler_params=pltpu.CompilerParams(needs_layout_passes=False),
        out_type=jax.ShapeDtypeStruct((_B, _L, _D + 2 * _POS_DIM), jnp.float32),
        scratch_types=[
            pltpu.VMEM((_GTOK + 8,), jnp.int32),
            pltpu.VMEM((_GTOK + 8,), jnp.int32),
            pltpu.VMEM((_GTOK + 8,), jnp.int32),
            pltpu.VMEM((_GTOK + 8,), jnp.int32),
            pltpu.VMEM((_GTOK + 8,), jnp.int32),
            pltpu.VMEM((_GTOK + 8,), jnp.int32),
            pltpu.VMEM((_L, _D), jnp.float32),
            pltpu.VMEM((_L, _D), jnp.float32),
            pltpu.VMEM((_L, 2 * _POS_DIM), jnp.float32),
            pltpu.VMEM((1024,), jnp.float32),
            pltpu.VMEM((1024,), jnp.float32),
        ] + [pltpu.SemaphoreType.DMA] * 7,
    )
    xe_k = pl.kernel(
        _xe_body,
        mesh=mesh,
        compiler_params=pltpu.CompilerParams(needs_layout_passes=False),
        out_type=jax.ShapeDtypeStruct((_B, _L, 3 * _D), jnp.float32),
        scratch_types=[
            pltpu.VMEM((2 * _GRP,), jnp.int32),
            pltpu.VMEM((2 * _GRP,), jnp.int32),
            pltpu.VMEM((2 * _GRP, _D), jnp.float32),
            pltpu.VMEM((2 * _GRP, _D), jnp.float32),
            pltpu.VMEM((_L, _D), jnp.float32),
            pltpu.VMEM((_L, _D), jnp.float32),
            pltpu.VMEM((_EROWS, 2 * _D), jnp.float32),
            pltpu.VMEM((_EROWS, 2 * _D), jnp.float32),
        ] + [pltpu.SemaphoreType.DMA] * 8,
    )
    xp = xp_k(X, XP1, XP2, table, p1w, p2w)
    xe = xe_k(XE1, XE2, table, xp)
    return xp, xe


_run = jax.jit(_run)


def kernel(X, X_Pos1, X_Pos2, X_Ent1, X_Ent2, word_embedding, pos1_weight, pos2_weight):
    p1f = jnp.pad(pos1_weight.reshape(-1), (0, 1024 - _POS_VOCAB * _POS_DIM))
    p2f = jnp.pad(pos2_weight.reshape(-1), (0, 1024 - _POS_VOCAB * _POS_DIM))
    return _run(X.reshape(-1), X_Pos1.reshape(-1), X_Pos2.reshape(-1),
                X_Ent1, X_Ent2, word_embedding, p1f, p2f)

# --- scband reference (transcript-rebuilt; emitter-appended) ---
"""Pipeline reference for scband-entity-aware-embedding-68169720922362 (READ-ONLY COPY).

The authoritative reference and input builder live on the scoring server;
editing this copy changes nothing except your own understanding.
"""

import jax, jax.numpy as jnp
import numpy as np

VOCAB = 100000
D = 128
POS_LEN = 100
POS_DIM = 5
POS_VOCAB = 2 * POS_LEN + 1
B = 4096
L = 200


def setup_inputs(seed: int = 0) -> dict:
    key = jax.random.key(seed)
    ks = jax.random.split(key, 8)
    X = jax.random.randint(ks[0], (B, L), 0, VOCAB, dtype=jnp.int32)
    X_Pos1 = jax.random.randint(ks[1], (B, L), 0, POS_VOCAB, dtype=jnp.int32)
    X_Pos2 = jax.random.randint(ks[2], (B, L), 0, POS_VOCAB, dtype=jnp.int32)
    X_Ent1 = jax.random.randint(ks[3], (B,), 0, VOCAB, dtype=jnp.int32)
    X_Ent2 = jax.random.randint(ks[4], (B,), 0, VOCAB, dtype=jnp.int32)
    word_embedding = jax.random.normal(ks[5], (VOCAB, D), dtype=jnp.float32) * 0.02
    # xavier_uniform for pos tables: bound = sqrt(6/(fan_in+fan_out))
    bound = float(np.sqrt(6.0 / (POS_VOCAB + POS_DIM)))
    pos1_weight = jax.random.uniform(ks[6], (POS_VOCAB, POS_DIM), minval=-bound, maxval=bound, dtype=jnp.float32)
    pos2_weight = jax.random.uniform(ks[7], (POS_VOCAB, POS_DIM), minval=-bound, maxval=bound, dtype=jnp.float32)
    return {
        "X": X,
        "X_Pos1": X_Pos1,
        "X_Pos2": X_Pos2,
        "X_Ent1": X_Ent1,
        "X_Ent2": X_Ent2,
        "word_embedding": word_embedding,
        "pos1_weight": pos1_weight,
        "pos2_weight": pos2_weight,
    }


def reference(X, X_Pos1, X_Pos2, X_Ent1, X_Ent2, word_embedding, pos1_weight, pos2_weight):
    # word embedding lookup: [B, L, D]
    Xw = jnp.take(word_embedding, X, axis=0)
    # positional embeddings: [B, L, POS_DIM]
    P1 = jnp.take(pos1_weight, X_Pos1, axis=0)
    P2 = jnp.take(pos2_weight, X_Pos2, axis=0)
    Xp = jnp.concatenate([Xw, P1, P2], axis=-1)  # [B, L, D + 2*POS_DIM]
    # entity embeddings: [B, D] -> broadcast to [B, L, D]
    E1 = jnp.broadcast_to(jnp.take(word_embedding, X_Ent1, axis=0)[:, None, :], Xw.shape)
    E2 = jnp.broadcast_to(jnp.take(word_embedding, X_Ent2, axis=0)[:, None, :], Xw.shape)
    Xe = jnp.concatenate([Xw, E1, E2], axis=-1)  # [B, L, 3*D]
    return (Xp, Xe)

if __name__ == "__main__":
    import jax
    _d = setup_inputs()
    print(jax.jit(kernel)(*tuple(_d.values())))

</pallas_src>

<mosaic_0001>
#map = affine_map<(d0, d1) -> (0)>
#map1 = affine_map<(d0, d1) -> (0, 0)>
#map2 = affine_map<(d0, d1) -> (0, 0, 0)>
module attributes {stable_mosaic.version = 14 : i64} {
  func.func @_xp_body(%arg0: i32, %arg1: i32, %arg2: memref<819200xi32, #tpu.memory_space<hbm>>, %arg3: memref<819200xi32, #tpu.memory_space<hbm>>, %arg4: memref<819200xi32, #tpu.memory_space<hbm>>, %arg5: memref<100000x128xf32, #tpu.memory_space<hbm>>, %arg6: memref<1024xf32, #tpu.memory_space<hbm>>, %arg7: memref<1024xf32, #tpu.memory_space<hbm>>, %arg8: memref<4096x200x138xf32, #tpu.memory_space<hbm>>, %arg9: memref<1608xi32, #tpu.memory_space<vmem>>, %arg10: memref<1608xi32, #tpu.memory_space<vmem>>, %arg11: memref<1608xi32, #tpu.memory_space<vmem>>, %arg12: memref<1608xi32, #tpu.memory_space<vmem>>, %arg13: memref<1608xi32, #tpu.memory_space<vmem>>, %arg14: memref<1608xi32, #tpu.memory_space<vmem>>, %arg15: memref<200x128xf32, #tpu.memory_space<vmem>>, %arg16: memref<200x128xf32, #tpu.memory_space<vmem>>, %arg17: memref<200x10xf32, #tpu.memory_space<vmem>>, %arg18: memref<1024xf32, #tpu.memory_space<vmem>>, %arg19: memref<1024xf32, #tpu.memory_space<vmem>>, %arg20: memref<!tpu.dma_semaphore, #tpu.memory_space<semaphore_mem>>, %arg21: memref<!tpu.dma_semaphore, #tpu.memory_space<semaphore_mem>>, %arg22: memref<!tpu.dma_semaphore, #tpu.memory_space<semaphore_mem>>, %arg23: memref<!tpu.dma_semaphore, #tpu.memory_space<semaphore_mem>>, %arg24: memref<!tpu.dma_semaphore, #tpu.memory_space<semaphore_mem>>, %arg25: memref<!tpu.dma_semaphore, #tpu.memory_space<semaphore_mem>>, %arg26: memref<!tpu.dma_semaphore, #tpu.memory_space<semaphore_mem>>) attributes {dimension_semantics = [#tpu.dimension_semantics<core_parallel>, #tpu.dimension_semantics<subcore_parallel>], iteration_bounds = array<i64: 2, 16>, scalar_prefetch = 0 : i64, scratch_operands = 18 : i64, tpu.core_type = #tpu.core_type<sc_vector_subcore>, window_params = [{transform_indices = #map}, {transform_indices = #map}, {transform_indices = #map}, {transform_indices = #map1}, {transform_indices = #map}, {transform_indices = #map}, {transform_indices = #map2}]} {
    %mul3A = arith.constant 2 : i32
    %mul3A_0 = arith.muli %arg1, %mul3A : i32
    %add3A = arith.addi %mul3A_0, %arg0 : i32
    %mul3A_1 = arith.constant 128 : i32
    %mul3A_2 = arith.muli %add3A, %mul3A_1 : i32
    %iota3A = tpu.iota {dimensions = array<i32: 0>} : vector<16xi32>
    "tpu.region"() ({
      %run_scoped3A = tpu.sem_alloc : memref<!tpu.dma_semaphore, #tpu.memory_space<semaphore_mem>>
      tpu.enqueue_dma source(%arg6 : memref<1024xf32, #tpu.memory_space<hbm>>) target(%arg18 : memref<1024xf32, #tpu.memory_space<vmem>>) target_semaphore(%run_scoped3A : memref<!tpu.dma_semaphore, #tpu.memory_space<semaphore_mem>>)
      tpu.wait_dma2 semaphore(%run_scoped3A : memref<!tpu.dma_semaphore, #tpu.memory_space<semaphore_mem>>) src(%arg6 : memref<1024xf32, #tpu.memory_space<hbm>>) dst(%arg18 : memref<1024xf32, #tpu.memory_space<vmem>>)
      tpu.yield
    }) : () -> ()
    "tpu.region"() ({
      %run_scoped3A = tpu.sem_alloc : memref<!tpu.dma_semaphore, #tpu.memory_space<semaphore_mem>>
      tpu.enqueue_dma source(%arg7 : memref<1024xf32, #tpu.memory_space<hbm>>) target(%arg19 : memref<1024xf32, #tpu.memory_space<vmem>>) target_semaphore(%run_scoped3A : memref<!tpu.dma_semaphore, #tpu.memory_space<semaphore_mem>>)
      tpu.wait_dma2 semaphore(%run_scoped3A : memref<!tpu.dma_semaphore, #tpu.memory_space<semaphore_mem>>) src(%arg7 : memref<1024xf32, #tpu.memory_space<hbm>>) dst(%arg19 : memref<1024xf32, #tpu.memory_space<vmem>>)
      tpu.yield
    }) : () -> ()
    %add3A_3 = arith.constant 0 : i32
    %add3A_4 = arith.addi %mul3A_2, %add3A_3 : i32
    %mul3A_5 = arith.constant 200 : i32
    %mul3A_6 = arith.muli %add3A_4, %mul3A_5 : i32
    %dma_start3A = arith.constant 0 : i32
    %dma_start3A_7 = tpu.memref_slice %arg9[%dma_start3A] : memref<1608xi32, #tpu.memory_space<vmem>> -> memref<1600xi32, #tpu.memory_space<vmem>>
    %dma_start3A_8 = tpu.memref_slice %arg2[%mul3A_6] : memref<819200xi32, #tpu.memory_space<hbm>> -> memref<1600xi32, #tpu.memory_space<hbm>>
    %dma_start3A_9 = arith.constant 0 : i32
    %dma_start3A_10 = tpu.memref_slice %arg9[%dma_start3A_9] : memref<1608xi32, #tpu.memory_space<vmem>> -> memref<1600xi32, #tpu.memory_space<vmem>>
    %dma_start3A_11 = tpu.memref_slice %arg2[%mul3A_6] : memref<819200xi32, #tpu.memory_space<hbm>> -> memref<1600xi32, #tpu.memory_space<hbm>>
    tpu.enqueue_dma source(%dma_start3A_11 : memref<1600xi32, #tpu.memory_space<hbm>>) target(%dma_start3A_10 : memref<1600xi32, #tpu.memory_space<vmem>>) target_semaphore(%arg24 : memref<!tpu.dma_semaphore, #tpu.memory_space<semaphore_mem>>)
    %dma_start3A_12 = arith.constant 0 : i32
    %dma_start3A_13 = tpu.memref_slice %arg11[%dma_start3A_12] : memref<1608xi32, #tpu.memory_space<vmem>> -> memref<1600xi32, #tpu.memory_space<vmem>>
    %dma_start3A_14 = tpu.memref_slice %arg3[%mul3A_6] : memref<819200xi32, #tpu.memory_space<hbm>> -> memref<1600xi32, #tpu.memory_space<hbm>>
    %dma_start3A_15 = arith.constant 0 : i32
    %dma_start3A_16 = tpu.memref_slice %arg11[%dma_start3A_15] : memref<1608xi32, #tpu.memory_space<vmem>> -> memref<1600xi32, #tpu.memory_space<vmem>>
    %dma_start3A_17 = tpu.memref_slice %arg3[%mul3A_6] : memref<819200xi32, #tpu.memory_space<hbm>> -> memref<1600xi32, #tpu.memory_space<hbm>>
    tpu.enqueue_dma source(%dma_start3A_17 : memref<1600xi32, #tpu.memory_space<hbm>>) target(%dma_start3A_16 : memref<1600xi32, #tpu.memory_space<vmem>>) target_semaphore(%arg24 : memref<!tpu.dma_semaphore, #tpu.memory_space<semaphore_mem>>)
    %dma_start3A_18 = arith.constant 0 : i32
    %dma_start3A_19 = tpu.memref_slice %arg13[%dma_start3A_18] : memref<1608xi32, #tpu.memory_space<vmem>> -> memref<1600xi32, #tpu.memory_space<vmem>>
    %dma_start3A_20 = tpu.memref_slice %arg4[%mul3A_6] : memref<819200xi32, #tpu.memory_space<hbm>> -> memref<1600xi32, #tpu.memory_space<hbm>>
    %dma_start3A_21 = arith.constant 0 : i32
    %dma_start3A_22 = tpu.memref_slice %arg13[%dma_start3A_21] : memref<1608xi32, #tpu.memory_space<vmem>> -> memref<1600xi32, #tpu.memory_space<vmem>>
    %dma_start3A_23 = tpu.memref_slice %arg4[%mul3A_6] : memref<819200xi32, #tpu.memory_space<hbm>> -> memref<1600xi32, #tpu.memory_space<hbm>>
    tpu.enqueue_dma source(%dma_start3A_23 : memref<1600xi32, #tpu.memory_space<hbm>>) target(%dma_start3A_22 : memref<1600xi32, #tpu.memory_space<vmem>>) target_semaphore(%arg24 : memref<!tpu.dma_semaphore, #tpu.memory_space<semaphore_mem>>)
    %scan3A = arith.constant 0 : i32
    %scan3A_24 = arith.constant 0 : i32
    %scan3A_25 = arith.constant 8 : i32
    %scan3A_26 = arith.addi %scan3A_24, %scan3A_25 : i32
    %scan3A_27 = arith.constant 1 : i32
    scf.for %scan3A_44 = %scan3A_24 to %scan3A_26 step %scan3A_27  : i32 {
      %mul3A_45 = arith.constant 2 : i32
      %mul3A_46 = arith.muli %mul3A_45, %scan3A_44 : i32
      %add3A_47 = arith.constant 0 : i32
      %add3A_48 = arith.addi %mul3A_46, %add3A_47 : i32
      %mul3A_49 = arith.constant 8 : i32
      %mul3A_50 = arith.muli %add3A_48, %mul3A_49 : i32
      %add3A_51 = arith.addi %mul3A_2, %mul3A_50 : i32
      %mul3A_52 = arith.constant 8 : i32
      %mul3A_53 = arith.muli %add3A_48, %mul3A_52 : i32
      %add3A_54 = arith.addi %mul3A_2, %mul3A_53 : i32
      %mul3A_55 = arith.constant 200 : i32
      %mul3A_56 = arith.muli %add3A_54, %mul3A_55 : i32
      %dma_wait3A_57 = arith.constant 0 : i32
      %dma_wait3A_58 = tpu.memref_slice %arg9[%dma_wait3A_57] : memref<1608xi32, #tpu.memory_space<vmem>> -> memref<1600xi32, #tpu.memory_space<vmem>>
      %dma_wait3A_59 = tpu.memref_slice %arg2[%mul3A_56] : memref<819200xi32, #tpu.memory_space<hbm>> -> memref<1600xi32, #tpu.memory_space<hbm>>
      %dma_wait3A_60 = arith.constant 0 : i32
      %dma_wait3A_61 = tpu.memref_slice %arg9[%dma_wait3A_60] : memref<1608xi32, #tpu.memory_space<vmem>> -> memref<1600xi32, #tpu.memory_space<vmem>>
      %dma_wait3A_62 = tpu.memref_slice %arg2[%mul3A_56] : memref<819200xi32, #tpu.memory_space<hbm>> -> memref<1600xi32, #tpu.memory_space<hbm>>
      tpu.wait_dma2 semaphore(%arg24 : memref<!tpu.dma_semaphore, #tpu.memory_space<semaphore_mem>>) src(%dma_wait3A_62 : memref<1600xi32, #tpu.memory_space<hbm>>) dst(%dma_wait3A_61 : memref<1600xi32, #tpu.memory_space<vmem>>)
      %dma_wait3A_63 = arith.constant 0 : i32
      %dma_wait3A_64 = tpu.memref_slice %arg11[%dma_wait3A_63] : memref<1608xi32, #tpu.memory_space<vmem>> -> memref<1600xi32, #tpu.memory_space<vmem>>
      %dma_wait3A_65 = tpu.memref_slice %arg3[%mul3A_56] : memref<819200xi32, #tpu.memory_space<hbm>> -> memref<1600xi32, #tpu.memory_space<hbm>>
      %dma_wait3A_66 = arith.constant 0 : i32
      %dma_wait3A_67 = tpu.memref_slice %arg11[%dma_wait3A_66] : memref<1608xi32, #tpu.memory_space<vmem>> -> memref<1600xi32, #tpu.memory_space<vmem>>
      %dma_wait3A_68 = tpu.memref_slice %arg3[%mul3A_56] : memref<819200xi32, #tpu.memory_space<hbm>> -> memref<1600xi32, #tpu.memory_space<hbm>>
      tpu.wait_dma2 semaphore(%arg24 : memref<!tpu.dma_semaphore, #tpu.memory_space<semaphore_mem>>) src(%dma_wait3A_68 : memref<1600xi32, #tpu.memory_space<hbm>>) dst(%dma_wait3A_67 : memref<1600xi32, #tpu.memory_space<vmem>>)
      %dma_wait3A_69 = arith.constant 0 : i32
      %dma_wait3A_70 = tpu.memref_slice %arg13[%dma_wait3A_69] : memref<1608xi32, #tpu.memory_space<vmem>> -> memref<1600xi32, #tpu.memory_space<vmem>>
      %dma_wait3A_71 = tpu.memref_slice %arg4[%mul3A_56] : memref<819200xi32, #tpu.memory_space<hbm>> -> memref<1600xi32, #tpu.memory_space<hbm>>
      %dma_wait3A_72 = arith.constant 0 : i32
      %dma_wait3A_73 = tpu.memref_slice %arg13[%dma_wait3A_72] : memref<1608xi32, #tpu.memory_space<vmem>> -> memref<1600xi32, #tpu.memory_space<vmem>>
      %dma_wait3A_74 = tpu.memref_slice %arg4[%mul3A_56] : memref<819200xi32, #tpu.memory_space<hbm>> -> memref<1600xi32, #tpu.memory_space<hbm>>
      tpu.wait_dma2 semaphore(%arg24 : memref<!tpu.dma_semaphore, #tpu.memory_space<semaphore_mem>>) src(%dma_wait3A_74 : memref<1600xi32, #tpu.memory_space<hbm>>) dst(%dma_wait3A_73 : memref<1600xi32, #tpu.memory_space<vmem>>)
      %add3A_75 = arith.constant 1 : i32
      %add3A_76 = arith.addi %add3A_48, %add3A_75 : i32
      %mul3A_77 = arith.constant 8 : i32
      %mul3A_78 = arith.muli %add3A_76, %mul3A_77 : i32
      %add3A_79 = arith.addi %mul3A_2, %mul3A_78 : i32
      %mul3A_80 = arith.constant 200 : i32
      %mul3A_81 = arith.muli %add3A_79, %mul3A_80 : i32
      %dma_start3A_82 = arith.constant 0 : i32
      %dma_start3A_83 = tpu.memref_slice %arg10[%dma_start3A_82] : memref<1608xi32, #tpu.memory_space<vmem>> -> memref<1600xi32, #tpu.memory_space<vmem>>
      %dma_start3A_84 = tpu.memref_slice %arg2[%mul3A_81] : memref<819200xi32, #tpu.memory_space<hbm>> -> memref<1600xi32, #tpu.memory_space<hbm>>
      %dma_start3A_85 = arith.constant 0 : i32
      %dma_start3A_86 = tpu.memref_slice %arg10[%dma_start3A_85] : memref<1608xi32, #tpu.memory_space<vmem>> -> memref<1600xi32, #tpu.memory_space<vmem>>
      %dma_start3A_87 = tpu.memref_slice %arg2[%mul3A_81] : memref<819200xi32, #tpu.memory_space<hbm>> -> memref<1600xi32, #tpu.memory_space<hbm>>
      tpu.enqueue_dma source(%dma_start3A_87 : memref<1600xi32, #tpu.memory_space<hbm>>) target(%dma_start3A_86 : memref<1600xi32, #tpu.memory_space<vmem>>) target_semaphore(%arg25 : memref<!tpu.dma_semaphore, #tpu.memory_space<semaphore_mem>>)
      %dma_start3A_88 = arith.constant 0 : i32
      %dma_start3A_89 = tpu.memref_slice %arg12[%dma_start3A_88] : memref<1608xi32, #tpu.memory_space<vmem>> -> memref<1600xi32, #tpu.memory_space<vmem>>
      %dma_start3A_90 = tpu.memref_slice %arg3[%mul3A_81] : memref<819200xi32, #tpu.memory_space<hbm>> -> memref<1600xi32, #tpu.memory_space<hbm>>
      %dma_start3A_91 = arith.constant 0 : i32
      %dma_start3A_92 = tpu.memref_slice %arg12[%dma_start3A_91] : memref<1608xi32, #tpu.memory_space<vmem>> -> memref<1600xi32, #tpu.memory_space<vmem>>
      %dma_start3A_93 = tpu.memref_slice %arg3[%mul3A_81] : memref<819200xi32, #tpu.memory_space<hbm>> -> memref<1600xi32, #tpu.memory_space<hbm>>
      tpu.enqueue_dma source(%dma_start3A_93 : memref<1600xi32, #tpu.memory_space<hbm>>) target(%dma_start3A_92 : memref<1600xi32, #tpu.memory_space<vmem>>) target_semaphore(%arg25 : memref<!tpu.dma_semaphore, #tpu.memory_space<semaphore_mem>>)
      %dma_start3A_94 = arith.constant 0 : i32
      %dma_start3A_95 = tpu.memref_slice %arg14[%dma_start3A_94] : memref<1608xi32, #tpu.memory_space<vmem>> -> memref<1600xi32, #tpu.memory_space<vmem>>
      %dma_start3A_96 = tpu.memref_slice %arg4[%mul3A_81] : memref<819200xi32, #tpu.memory_space<hbm>> -> memref<1600xi32, #tpu.memory_space<hbm>>
      %dma_start3A_97 = arith.constant 0 : i32
      %dma_start3A_98 = tpu.memref_slice %arg14[%dma_start3A_97] : memref<1608xi32, #tpu.memory_space<vmem>> -> memref<1600xi32, #tpu.memory_space<vmem>>
      %dma_start3A_99 = tpu.memref_slice %arg4[%mul3A_81] : memref<819200xi32, #tpu.memory_space<hbm>> -> memref<1600xi32, #tpu.memory_space<hbm>>
      tpu.enqueue_dma source(%dma_start3A_99 : memref<1600xi32, #tpu.memory_space<hbm>>) target(%dma_start3A_98 : memref<1600xi32, #tpu.memory_space<vmem>>) target_semaphore(%arg25 : memref<!tpu.dma_semaphore, #tpu.memory_space<semaphore_mem>>)
      %dma_start3A_100 = arith.constant 0 : i32
      %dma_start3A_101 = arith.constant 0 : i32
      %dma_start3A_102 = tpu.memref_slice %arg15[%dma_start3A_100, %dma_start3A_101] : memref<200x128xf32, #tpu.memory_space<vmem>> -> memref<104x128xf32, #tpu.memory_space<vmem>>
      %dma_start3A_103 = arith.constant 0 : i32
      %dma_start3A_104 = tpu.memref_slice %arg9[%dma_start3A_103] : memref<1608xi32, #tpu.memory_space<vmem>> -> memref<104xi32, #tpu.memory_space<vmem>>
      %dma_start3A_105 = arith.constant 0 : i32
      %dma_start3A_106 = arith.constant 0 : i32
      %dma_start3A_107 = tpu.memref_slice %arg5[%dma_start3A_105, %dma_start3A_106] : memref<100000x128xf32, #tpu.memory_space<hbm>> -> memref<100000x128xf32, #tpu.memory_space<hbm>>
      tpu.enqueue_indirect_dma source(%dma_start3A_107 : memref<100000x128xf32, #tpu.memory_space<hbm>>) target(%dma_start3A_102 : memref<104x128xf32, #tpu.memory_space<vmem>>) offsets(%dma_start3A_104 : memref<104xi32, #tpu.memory_space<vmem>>) semaphore(%arg20 : memref<!tpu.dma_semaphore, #tpu.memory_space<semaphore_mem>>)
      %dma_start3A_108 = arith.constant 104 : i32
      %dma_start3A_109 = arith.constant 0 : i32
      %dma_start3A_110 = tpu.memref_slice %arg15[%dma_start3A_108, %dma_start3A_109] : memref<200x128xf32, #tpu.memory_space<vmem>> -> memref<96x128xf32, #tpu.memory_space<vmem>>
      %dma_start3A_111 = arith.constant 104 : i32
      %dma_start3A_112 = tpu.memref_slice %arg9[%dma_start3A_111] : memref<1608xi32, #tpu.memory_space<vmem>> -> memref<96xi32, #tpu.memory_space<vmem>>
      %dma_start3A_113 = arith.constant 0 : i32
      %dma_start3A_114 = arith.constant 0 : i32
      %dma_start3A_115 = tpu.memref_slice %arg5[%dma_start3A_113, %dma_start3A_114] : memref<100000x128xf32, #tpu.memory_space<hbm>> -> memref<100000x128xf32, #tpu.memory_space<hbm>>
      tpu.enqueue_indirect_dma source(%dma_start3A_115 : memref<100000x128xf32, #tpu.memory_space<hbm>>) target(%dma_start3A_110 : memref<96x128xf32, #tpu.memory_space<vmem>>) offsets(%dma_start3A_112 : memref<96xi32, #tpu.memory_space<vmem>>) semaphore(%arg20 : memref<!tpu.dma_semaphore, #tpu.memory_space<semaphore_mem>>)
      %scan3A_116 = arith.constant 0 : i32
      %scan3A_117 = arith.constant 0 : i32
      %scan3A_118 = arith.constant 4 : i32
      %scan3A_119 = arith.addi %scan3A_117, %scan3A_118 : i32
      %scan3A_120 = arith.constant 1 : i32
      scf.for %scan3A_176 = %scan3A_117 to %scan3A_119 step %scan3A_120  : i32 {
        %mul3A_177 = arith.constant 8 : i32
        %mul3A_178 = arith.muli %add3A_48, %mul3A_177 : i32
        %mul3A_179 = arith.constant 2 : i32
        %mul3A_180 = arith.muli %mul3A_179, %scan3A_176 : i32
        %add3A_181 = arith.addi %mul3A_178, %mul3A_180 : i32
        %mul3A_182 = arith.constant 2 : i32
        %mul3A_183 = arith.muli %mul3A_182, %scan3A_176 : i32
        %add3A_184 = arith.addi %add3A_51, %mul3A_183 : i32
        %mul3A_185 = arith.constant 2 : i32
        %mul3A_186 = arith.muli %mul3A_185, %scan3A_176 : i32
        %dma_wait3A_187 = arith.constant 0 : i32
        %dma_wait3A_188 = arith.constant 0 : i32
        %dma_wait3A_189 = tpu.memref_slice %arg15[%dma_wait3A_187, %dma_wait3A_188] : memref<200x128xf32, #tpu.memory_space<vmem>> -> memref<104x128xf32, #tpu.memory_space<vmem>>
        %dma_wait3A_190 = arith.constant 0 : i32
        %dma_wait3A_191 = arith.constant 0 : i32
        %dma_wait3A_192 = tpu.memref_slice %arg5[%dma_wait3A_190, %dma_wait3A_191] : memref<100000x128xf32, #tpu.memory_space<hbm>> -> memref<104x128xf32, #tpu.memory_space<hbm>>
        %dma_wait3A_193 = arith.constant 0 : i32
        %dma_wait3A_194 = arith.constant 0 : i32
        %dma_wait3A_195 = tpu.memref_slice %arg15[%dma_wait3A_193, %dma_wait3A_194] : memref<200x128xf32, #tpu.memory_space<vmem>> -> memref<104x128xf32, #tpu.memory_space<vmem>>
        %dma_wait3A_196 = arith.constant 0 : i32
        %dma_wait3A_197 = arith.constant 0 : i32
        %dma_wait3A_198 = tpu.memref_slice %arg5[%dma_wait3A_196, %dma_wait3A_197] : memref<100000x128xf32, #tpu.memory_space<hbm>> -> memref<104x128xf32, #tpu.memory_space<hbm>>
        tpu.wait_dma2 semaphore(%arg20 : memref<!tpu.dma_semaphore, #tpu.memory_space<semaphore_mem>>) src(%dma_wait3A_198 : memref<104x128xf32, #tpu.memory_space<hbm>>) dst(%dma_wait3A_195 : memref<104x128xf32, #tpu.memory_space<vmem>>)
        %dma_wait3A_199 = arith.constant 104 : i32
        %dma_wait3A_200 = arith.constant 0 : i32
        %dma_wait3A_201 = tpu.memref_slice %arg15[%dma_wait3A_199, %dma_wait3A_200] : memref<200x128xf32, #tpu.memory_space<vmem>> -> memref<96x128xf32, #tpu.memory_space<vmem>>
        %dma_wait3A_202 = arith.constant 0 : i32
        %dma_wait3A_203 = arith.constant 0 : i32
        %dma_wait3A_204 = tpu.memref_slice %arg5[%dma_wait3A_202, %dma_wait3A_203] : memref<100000x128xf32, #tpu.memory_space<hbm>> -> memref<96x128xf32, #tpu.memory_space<hbm>>
        %dma_wait3A_205 = arith.constant 104 : i32
        %dma_wait3A_206 = arith.constant 0 : i32
        %dma_wait3A_207 = tpu.memref_slice %arg15[%dma_wait3A_205, %dma_wait3A_206] : memref<200x128xf32, #tpu.memory_space<vmem>> -> memref<96x128xf32, #tpu.memory_space<vmem>>
        %dma_wait3A_208 = arith.constant 0 : i32
        %dma_wait3A_209 = arith.constant 0 : i32
        %dma_wait3A_210 = tpu.memref_slice %arg5[%dma_wait3A_208, %dma_wait3A_209] : memref<100000x128xf32, #tpu.memory_space<hbm>> -> memref<96x128xf32, #tpu.memory_space<hbm>>
        tpu.wait_dma2 semaphore(%arg20 : memref<!tpu.dma_semaphore, #tpu.memory_space<semaphore_mem>>) src(%dma_wait3A_210 : memref<96x128xf32, #tpu.memory_space<hbm>>) dst(%dma_wait3A_207 : memref<96x128xf32, #tpu.memory_space<vmem>>)
        %dma_start3A_211 = arith.constant 0 : i32
        %dma_start3A_212 = arith.constant 0 : i32
        %dma_start3A_213 = tpu.memref_slice %arg8[%add3A_184, %dma_start3A_211, %dma_start3A_212] : memref<4096x200x138xf32, #tpu.memory_space<hbm>> -> memref<1x200x128xf32, #tpu.memory_space<hbm>>
        %dma_start3A_214 = tpu.memref_squeeze %dma_start3A_213 : memref<1x200x128xf32, #tpu.memory_space<hbm>> -> memref<200x128xf32, #tpu.memory_space<hbm>>
        %dma_start3A_215 = arith.constant 0 : i32
        %dma_start3A_216 = arith.constant 0 : i32
        %dma_start3A_217 = tpu.memref_slice %arg8[%add3A_184, %dma_start3A_215, %dma_start3A_216] : memref<4096x200x138xf32, #tpu.memory_space<hbm>> -> memref<1x200x128xf32, #tpu.memory_space<hbm>>
        %dma_start3A_218 = tpu.memref_squeeze %dma_start3A_217 : memref<1x200x128xf32, #tpu.memory_space<hbm>> -> memref<200x128xf32, #tpu.memory_space<hbm>>
        tpu.enqueue_dma source(%arg15 : memref<200x128xf32, #tpu.memory_space<vmem>>) target(%dma_start3A_218 : memref<200x128xf32, #tpu.memory_space<hbm>>) target_semaphore(%arg22 : memref<!tpu.dma_semaphore, #tpu.memory_space<semaphore_mem>>)
        %ge3A = arith.constant 1 : i32
        %ge3A_219 = arith.cmpi sge, %add3A_181, %ge3A : i32
        %convert_element_type3A_220 = arith.extui %ge3A_219 : i1 to i32
        %cond3A_221 = arith.constant 0 : i32
        %cond3A_222 = arith.cmpi ne, %convert_element_type3A_220, %cond3A_221 : i32
        scf.if %cond3A_222 {
          %dma_wait3A_333 = arith.constant 0 : i32
          %dma_wait3A_334 = arith.constant 0 : i32
          %dma_wait3A_335 = tpu.memref_slice %arg8[%add3A_184, %dma_wait3A_333, %dma_wait3A_334] : memref<4096x200x138xf32, #tpu.memory_space<hbm>> -> memref<1x200x128xf32, #tpu.memory_space<hbm>>
          %dma_wait3A_336 = tpu.memref_squeeze %dma_wait3A_335 : memref<1x200x128xf32, #tpu.memory_space<hbm>> -> memref<200x128xf32, #tpu.memory_space<hbm>>
          %dma_wait3A_337 = arith.constant 0 : i32
          %dma_wait3A_338 = arith.constant 0 : i32
          %dma_wait3A_339 = tpu.memref_slice %arg8[%add3A_184, %dma_wait3A_337, %dma_wait3A_338] : memref<4096x200x138xf32, #tpu.memory_space<hbm>> -> memref<1x200x128xf32, #tpu.memory_space<hbm>>
          %dma_wait3A_340 = tpu.memref_squeeze %dma_wait3A_339 : memref<1x200x128xf32, #tpu.memory_space<hbm>> -> memref<200x128xf32, #tpu.memory_space<hbm>>
          tpu.wait_dma2 semaphore(%arg23 : memref<!tpu.dma_semaphore, #tpu.memory_space<semaphore_mem>>) src(%arg16 : memref<200x128xf32, #tpu.memory_space<vmem>>) dst(%dma_wait3A_340 : memref<200x128xf32, #tpu.memory_space<hbm>>)
        } else {
        }
        %add3A_223 = arith.constant 1 : i32
        %add3A_224 = arith.addi %mul3A_186, %add3A_223 : i32
        %mul3A_225 = arith.constant 200 : i32
        %mul3A_226 = arith.muli %add3A_224, %mul3A_225 : i32
        %dma_start3A_227 = arith.constant 0 : i32
        %dma_start3A_228 = arith.constant 0 : i32
        %dma_start3A_229 = tpu.memref_slice %arg16[%dma_start3A_227, %dma_start3A_228] : memref<200x128xf32, #tpu.memory_space<vmem>> -> memref<104x128xf32, #tpu.memory_space<vmem>>
        %dma_start3A_230 = tpu.memref_slice %arg9[%mul3A_226] : memref<1608xi32, #tpu.memory_space<vmem>> -> memref<104xi32, #tpu.memory_space<vmem>>
        %dma_start3A_231 = arith.constant 0 : i32
        %dma_start3A_232 = arith.constant 0 : i32
        %dma_start3A_233 = tpu.memref_slice %arg5[%dma_start3A_231, %dma_start3A_232] : memref<100000x128xf32, #tpu.memory_space<hbm>> -> memref<100000x128xf32, #tpu.memory_space<hbm>>
        tpu.enqueue_indirect_dma source(%dma_start3A_233 : memref<100000x128xf32, #tpu.memory_space<hbm>>) target(%dma_start3A_229 : memref<104x128xf32, #tpu.memory_space<vmem>>) offsets(%dma_start3A_230 : memref<104xi32, #tpu.memory_space<vmem>>) semaphore(%arg21 : memref<!tpu.dma_semaphore, #tpu.memory_space<semaphore_mem>>)
        %add3A_234 = arith.constant 104 : i32
        %add3A_235 = arith.addi %mul3A_226, %add3A_234 : i32
        %dma_start3A_236 = arith.constant 104 : i32
        %dma_start3A_237 = arith.constant 0 : i32
        %dma_start3A_238 = tpu.memref_slice %arg16[%dma_start3A_236, %dma_start3A_237] : memref<200x128xf32, #tpu.memory_space<vmem>> -> memref<96x128xf32, #tpu.memory_space<vmem>>
        %dma_start3A_239 = tpu.memref_slice %arg9[%add3A_235] : memref<1608xi32, #tpu.memory_space<vmem>> -> memref<96xi32, #tpu.memory_space<vmem>>
        %dma_start3A_240 = arith.constant 0 : i32
        %dma_start3A_241 = arith.constant 0 : i32
        %dma_start3A_242 = tpu.memref_slice %arg5[%dma_start3A_240, %dma_start3A_241] : memref<100000x128xf32, #tpu.memory_space<hbm>> -> memref<100000x128xf32, #tpu.memory_space<hbm>>
        tpu.enqueue_indirect_dma source(%dma_start3A_242 : memref<100000x128xf32, #tpu.memory_space<hbm>>) target(%dma_start3A_238 : memref<96x128xf32, #tpu.memory_space<vmem>>) offsets(%dma_start3A_239 : memref<96xi32, #tpu.memory_space<vmem>>) semaphore(%arg21 : memref<!tpu.dma_semaphore, #tpu.memory_space<semaphore_mem>>)
        %ge3A_243 = arith.constant 1 : i32
        %ge3A_244 = arith.cmpi sge, %add3A_181, %ge3A_243 : i32
        %convert_element_type3A_245 = arith.extui %ge3A_244 : i1 to i32
        %cond3A_246 = arith.constant 0 : i32
        %cond3A_247 = arith.cmpi ne, %convert_element_type3A_245, %cond3A_246 : i32
        scf.if %cond3A_247 {
          %dma_wait3A_333 = arith.constant 0 : i32
          %dma_wait3A_334 = arith.constant 128 : i32
          %dma_wait3A_335 = tpu.memref_slice %arg8[%add3A_184, %dma_wait3A_333, %dma_wait3A_334] : memref<4096x200x138xf32, #tpu.memory_space<hbm>> -> memref<1x200x10xf32, #tpu.memory_space<hbm>>
          %dma_wait3A_336 = tpu.memref_squeeze %dma_wait3A_335 : memref<1x200x10xf32, #tpu.memory_space<hbm>> -> memref<200x10xf32, #tpu.memory_space<hbm>>
          %dma_wait3A_337 = arith.constant 0 : i32
          %dma_wait3A_338 = arith.constant 128 : i32
          %dma_wait3A_339 = tpu.memref_slice %arg8[%add3A_184, %dma_wait3A_337, %dma_wait3A_338] : memref<4096x200x138xf32, #tpu.memory_space<hbm>> -> memref<1x200x10xf32, #tpu.memory_space<hbm>>
          %dma_wait3A_340 = tpu.memref_squeeze %dma_wait3A_339 : memref<1x200x10xf32, #tpu.memory_space<hbm>> -> memref<200x10xf32, #tpu.memory_space<hbm>>
          tpu.wait_dma2 semaphore(%arg26 : memref<!tpu.dma_semaphore, #tpu.memory_space<semaphore_mem>>) src(%arg17 : memref<200x10xf32, #tpu.memory_space<vmem>>) dst(%dma_wait3A_340 : memref<200x10xf32, #tpu.memory_space<hbm>>)
        } else {
        }
        %mul3A_248 = arith.constant 200 : i32
        %mul3A_249 = arith.muli %mul3A_186, %mul3A_248 : i32
        %scan3A_250 = arith.constant 0 : i32
        %scan3A_251 = arith.constant 0 : i32
        %scan3A_252 = arith.constant 13 : i32
        %scan3A_253 = arith.addi %scan3A_251, %scan3A_252 : i32
        %scan3A_254 = arith.constant 1 : i32
        scf.for %scan3A_333 = %scan3A_251 to %scan3A_253 step %scan3A_254  : i32 {
          %mul3A_334 = arith.constant 16 : i32
          %mul3A_335 = arith.muli %scan3A_333, %mul3A_334 : i32
          %add3A_336 = vector.broadcast %mul3A_335 : i32 to vector<16xi32>
          %add3A_337 = arith.addi %add3A_336, %iota3A : vector<16xi32>
          %lt3A = arith.constant 200 : i32
          %lt3A_338 = vector.broadcast %lt3A : i32 to vector<16xi32>
          %lt3A_339 = arith.cmpi slt, %add3A_337, %lt3A_338 : vector<16xi32>
          %mul3A_340 = arith.constant 16 : i32
          %mul3A_341 = arith.muli %scan3A_333, %mul3A_340 : i32
          %add3A_342 = arith.addi %mul3A_249, %mul3A_341 : i32
          %get3A = arith.index_cast %add3A_342 : i32 to index
          %get3A_343 = tpu.vector_load %arg11[%get3A] {strides = array<i32>} : memref<1608xi32, #tpu.memory_space<vmem>>, vector<16xi32>,
          %mul3A_344 = arith.constant 5 : i32
          %mul3A_345 = vector.broadcast %mul3A_344 : i32 to vector<16xi32>
          %mul3A_346 = arith.muli %get3A_343, %mul3A_345 : vector<16xi32>
          %jit3A = arith.constant 0 : i32
          %broadcast_in_dim3A = vector.broadcast %jit3A : i32 to vector<16xi32>
          %select_n3A = arith.select %lt3A_339, %mul3A_346, %broadcast_in_dim3A : vector<16xi1>, vector<16xi32>
          %broadcast_in_dim3A_347 = arith.constant 0 : i32
          %broadcast_in_dim3A_348 = vector.broadcast %broadcast_in_dim3A_347 : i32 to vector<16xi32>
          %add3A_349 = arith.constant 0 : i32
          %add3A_350 = vector.broadcast %add3A_349 : i32 to vector<16xi32>
          %add3A_351 = arith.addi %select_n3A, %add3A_350 : vector<16xi32>
          %gather3A = tpu.vector_load_idx %arg18[%add3A_351] : memref<1024xf32, #tpu.memory_space<vmem>>[vector<16xi32>], vector<16xf32>,
          %add3A_352 = arith.constant 0 : i32
          %add3A_353 = vector.broadcast %add3A_352 : i32 to vector<16xi32>
          %add3A_354 = arith.addi %broadcast_in_dim3A_348, %add3A_353 : vector<16xi32>
          tpu.vector_store_idx %arg17[%add3A_337, %add3A_354], %gather3A masked %lt3A_339 : memref<200x10xf32, #tpu.memory_space<vmem>>[vector<16xi32>, vector<16xi32>], vector<16xf32>, vector<16xi1>
          %broadcast_in_dim3A_355 = arith.constant 1 : i32
          %broadcast_in_dim3A_356 = vector.broadcast %broadcast_in_dim3A_355 : i32 to vector<16xi32>
          %add3A_357 = arith.constant 1 : i32
          %add3A_358 = vector.broadcast %add3A_357 : i32 to vector<16xi32>
          %add3A_359 = arith.addi %select_n3A, %add3A_358 : vector<16xi32>
          %gather3A_360 = tpu.vector_load_idx %arg18[%add3A_359] : memref<1024xf32, #tpu.memory_space<vmem>>[vector<16xi32>], vector<16xf32>,
          %add3A_361 = arith.constant 0 : i32
          %add3A_362 = vector.broadcast %add3A_361 : i32 to vector<16xi32>
          %add3A_363 = arith.addi %broadcast_in_dim3A_356, %add3A_362 : vector<16xi32>
          tpu.vector_store_idx %arg17[%add3A_337, %add3A_363], %gather3A_360 masked %lt3A_339 : memref<200x10xf32, #tpu.memory_space<vmem>>[vector<16xi32>, vector<16xi32>], vector<16xf32>, vector<16xi1>
          %broadcast_in_dim3A_364 = arith.constant 2 : i32
          %broadcast_in_dim3A_365 = vector.broadcast %broadcast_in_dim3A_364 : i32 to vector<16xi32>
          %add3A_366 = arith.constant 2 : i32
          %add3A_367 = vector.broadcast %add3A_366 : i32 to vector<16xi32>
          %add3A_368 = arith.addi %select_n3A, %add3A_367 : vector<16xi32>
          %gather3A_369 = tpu.vector_load_idx %arg18[%add3A_368] : memref<1024xf32, #tpu.memory_space<vmem>>[vector<16xi32>], vector<16xf32>,
          %add3A_370 = arith.constant 0 : i32
          %add3A_371 = vector.broadcast %add3A_370 : i32 to vector<16xi32>
          %add3A_372 = arith.addi %broadcast_in_dim3A_365, %add3A_371 : vector<16xi32>
          tpu.vector_store_idx %arg17[%add3A_337, %add3A_372], %gather3A_369 masked %lt3A_339 : memref<200x10xf32, #tpu.memory_space<vmem>>[vector<16xi32>, vector<16xi32>], vector<16xf32>, vector<16xi1>
          %broadcast_in_dim3A_373 = arith.constant 3 : i32
          %broadcast_in_dim3A_374 = vector.broadcast %broadcast_in_dim3A_373 : i32 to vector<16xi32>
          %add3A_375 = arith.constant 3 : i32
          %add3A_376 = vector.broadcast %add3A_375 : i32 to vector<16xi32>
          %add3A_377 = arith.addi %select_n3A, %add3A_376 : vector<16xi32>
          %gather3A_378 = tpu.vector_load_idx %arg18[%add3A_377] : memref<1024xf32, #tpu.memory_space<vmem>>[vector<16xi32>], vector<16xf32>,
          %add3A_379 = arith.constant 0 : i32
          %add3A_380 = vector.broadcast %add3A_379 : i32 to vector<16xi32>
          %add3A_381 = arith.addi %broadcast_in_dim3A_374, %add3A_380 : vector<16xi32>
          tpu.vector_store_idx %arg17[%add3A_337, %add3A_381], %gather3A_378 masked %lt3A_339 : memref<200x10xf32, #tpu.memory_space<vmem>>[vector<16xi32>, vector<16xi32>], vector<16xf32>, vector<16xi1>
          %broadcast_in_dim3A_382 = arith.constant 4 : i32
          %broadcast_in_dim3A_383 = vector.broadcast %broadcast_in_dim3A_382 : i32 to vector<16xi32>
          %add3A_384 = arith.constant 4 : i32
          %add3A_385 = vector.broadcast %add3A_384 : i32 to vector<16xi32>
          %add3A_386 = arith.addi %select_n3A, %add3A_385 : vector<16xi32>
          %gather3A_387 = tpu.vector_load_idx %arg18[%add3A_386] : memref<1024xf32, #tpu.memory_space<vmem>>[vector<16xi32>], vector<16xf32>,
          %add3A_388 = arith.constant 0 : i32
          %add3A_389 = vector.broadcast %add3A_388 : i32 to vector<16xi32>
          %add3A_390 = arith.addi %broadcast_in_dim3A_383, %add3A_389 : vector<16xi32>
          tpu.vector_store_idx %arg17[%add3A_337, %add3A_390], %gather3A_387 masked %lt3A_339 : memref<200x10xf32, #tpu.memory_space<vmem>>[vector<16xi32>, vector<16xi32>], vector<16xf32>, vector<16xi1>
          %mul3A_391 = arith.constant 16 : i32
          %mul3A_392 = arith.muli %scan3A_333, %mul3A_391 : i32
          %add3A_393 = arith.addi %mul3A_249, %mul3A_392 : i32
          %get3A_394 = arith.index_cast %add3A_393 : i32 to index
          %get3A_395 = tpu.vector_load %arg13[%get3A_394] {strides = array<i32>} : memref<1608xi32, #tpu.memory_space<vmem>>, vector<16xi32>,
          %mul3A_396 = arith.constant 5 : i32
          %mul3A_397 = vector.broadcast %mul3A_396 : i32 to vector<16xi32>
          %mul3A_398 = arith.muli %get3A_395, %mul3A_397 : vector<16xi32>
          %jit3A_399 = arith.constant 0 : i32
          %broadcast_in_dim3A_400 = vector.broadcast %jit3A_399 : i32 to vector<16xi32>
          %select_n3A_401 = arith.select %lt3A_339, %mul3A_398, %broadcast_in_dim3A_400 : vector<16xi1>, vector<16xi32>
          %broadcast_in_dim3A_402 = arith.constant 0 : i32
          %broadcast_in_dim3A_403 = vector.broadcast %broadcast_in_dim3A_402 : i32 to vector<16xi32>
          %add3A_404 = arith.constant 0 : i32
          %add3A_405 = vector.broadcast %add3A_404 : i32 to vector<16xi32>
          %add3A_406 = arith.addi %select_n3A_401, %add3A_405 : vector<16xi32>
          %gather3A_407 = tpu.vector_load_idx %arg19[%add3A_406] : memref<1024xf32, #tpu.memory_space<vmem>>[vector<16xi32>], vector<16xf32>,
          %add3A_408 = arith.constant 5 : i32
          %add3A_409 = vector.broadcast %add3A_408 : i32 to vector<16xi32>
          %add3A_410 = arith.addi %broadcast_in_dim3A_403, %add3A_409 : vector<16xi32>
          tpu.vector_store_idx %arg17[%add3A_337, %add3A_410], %gather3A_407 masked %lt3A_339 : memref<200x10xf32, #tpu.memory_space<vmem>>[vector<16xi32>, vector<16xi32>], vector<16xf32>, vector<16xi1>
          %broadcast_in_dim3A_411 = arith.constant 1 : i32
          %broadcast_in_dim3A_412 = vector.broadcast %broadcast_in_dim3A_411 : i32 to vector<16xi32>
          %add3A_413 = arith.constant 1 : i32
          %add3A_414 = vector.broadcast %add3A_413 : i32 to vector<16xi32>
          %add3A_415 = arith.addi %select_n3A_401, %add3A_414 : vector<16xi32>
          %gather3A_416 = tpu.vector_load_idx %arg19[%add3A_415] : memref<1024xf32, #tpu.memory_space<vmem>>[vector<16xi32>], vector<16xf32>,
          %add3A_417 = arith.constant 5 : i32
          %add3A_418 = vector.broadcast %add3A_417 : i32 to vector<16xi32>
          %add3A_419 = arith.addi %broadcast_in_dim3A_412, %add3A_418 : vector<16xi32>
          tpu.vector_store_idx %arg17[%add3A_337, %add3A_419], %gather3A_416 masked %lt3A_339 : memref<200x10xf32, #tpu.memory_space<vmem>>[vector<16xi32>, vector<16xi32>], vector<16xf32>, vector<16xi1>
          %broadcast_in_dim3A_420 = arith.constant 2 : i32
          %broadcast_in_dim3A_421 = vector.broadcast %broadcast_in_dim3A_420 : i32 to vector<16xi32>
          %add3A_422 = arith.constant 2 : i32
          %add3A_423 = vector.broadcast %add3A_422 : i32 to vector<16xi32>
          %add3A_424 = arith.addi %select_n3A_401, %add3A_423 : vector<16xi32>
          %gather3A_425 = tpu.vector_load_idx %arg19[%add3A_424] : memref<1024xf32, #tpu.memory_space<vmem>>[vector<16xi32>], vector<16xf32>,
          %add3A_426 = arith.constant 5 : i32
          %add3A_427 = vector.broadcast %add3A_426 : i32 to vector<16xi32>
          %add3A_428 = arith.addi %broadcast_in_dim3A_421, %add3A_427 : vector<16xi32>
          tpu.vector_store_idx %arg17[%add3A_337, %add3A_428], %gather3A_425 masked %lt3A_339 : memref<200x10xf32, #tpu.memory_space<vmem>>[vector<16xi32>, vector<16xi32>], vector<16xf32>, vector<16xi1>
          %broadcast_in_dim3A_429 = arith.constant 3 : i32
          %broadcast_in_dim3A_430 = vector.broadcast %broadcast_in_dim3A_429 : i32 to vector<16xi32>
          %add3A_431 = arith.constant 3 : i32
          %add3A_432 = vector.broadcast %add3A_431 : i32 to vector<16xi32>
          %add3A_433 = arith.addi %select_n3A_401, %add3A_432 : vector<16xi32>
          %gather3A_434 = tpu.vector_load_idx %arg19[%add3A_433] : memref<1024xf32, #tpu.memory_space<vmem>>[vector<16xi32>], vector<16xf32>,
          %add3A_435 = arith.constant 5 : i32
          %add3A_436 = vector.broadcast %add3A_435 : i32 to vector<16xi32>
          %add3A_437 = arith.addi %broadcast_in_dim3A_430, %add3A_436 : vector<16xi32>
          tpu.vector_store_idx %arg17[%add3A_337, %add3A_437], %gather3A_434 masked %lt3A_339 : memref<200x10xf32, #tpu.memory_space<vmem>>[vector<16xi32>, vector<16xi32>], vector<16xf32>, vector<16xi1>
          %broadcast_in_dim3A_438 = arith.constant 4 : i32
          %broadcast_in_dim3A_439 = vector.broadcast %broadcast_in_dim3A_438 : i32 to vector<16xi32>
          %add3A_440 = arith.constant 4 : i32
          %add3A_441 = vector.broadcast %add3A_440 : i32 to vector<16xi32>
          %add3A_442 = arith.addi %select_n3A_401, %add3A_441 : vector<16xi32>
          %gather3A_443 = tpu.vector_load_idx %arg19[%add3A_442] : memref<1024xf32, #tpu.memory_space<vmem>>[vector<16xi32>], vector<16xf32>,
          %add3A_444 = arith.constant 5 : i32
          %add3A_445 = vector.broadcast %add3A_444 : i32 to vector<16xi32>
          %add3A_446 = arith.addi %broadcast_in_dim3A_439, %add3A_445 : vector<16xi32>
          tpu.vector_store_idx %arg17[%add3A_337, %add3A_446], %gather3A_443 masked %lt3A_339 : memref<200x10xf32, #tpu.memory_space<vmem>>[vector<16xi32>, vector<16xi32>], vector<16xf32>, vector<16xi1>
        }
        %scan3A_255 = arith.constant 13 : i32
        %dma_start3A_256 = arith.constant 0 : i32
        %dma_start3A_257 = arith.constant 128 : i32
        %dma_start3A_258 = tpu.memref_slice %arg8[%add3A_184, %dma_start3A_256, %dma_start3A_257] : memref<4096x200x138xf32, #tpu.memory_space<hbm>> -> memref<1x200x10xf32, #tpu.memory_space<hbm>>
        %dma_start3A_259 = tpu.memref_squeeze %dma_start3A_258 : memref<1x200x10xf32, #tpu.memory_space<hbm>> -> memref<200x10xf32, #tpu.memory_space<hbm>>
        %dma_start3A_260 = arith.constant 0 : i32
        %dma_start3A_261 = arith.constant 128 : i32
        %dma_start3A_262 = tpu.memref_slice %arg8[%add3A_184, %dma_start3A_260, %dma_start3A_261] : memref<4096x200x138xf32, #tpu.memory_space<hbm>> -> memref<1x200x10xf32, #tpu.memory_space<hbm>>
        %dma_start3A_263 = tpu.memref_squeeze %dma_start3A_262 : memref<1x200x10xf32, #tpu.memory_space<hbm>> -> memref<200x10xf32, #tpu.memory_space<hbm>>
        tpu.enqueue_dma source(%arg17 : memref<200x10xf32, #tpu.memory_space<vmem>>) target(%dma_start3A_263 : memref<200x10xf32, #tpu.memory_space<hbm>>) target_semaphore(%arg26 : memref<!tpu.dma_semaphore, #tpu.memory_space<semaphore_mem>>)
        %add3A_264 = arith.constant 1 : i32
        %add3A_265 = arith.addi %add3A_181, %add3A_264 : i32
        %add3A_266 = arith.constant 1 : i32
        %add3A_267 = arith.addi %mul3A_186, %add3A_266 : i32
        %add3A_268 = arith.constant 1 : i32
        %add3A_269 = arith.addi %add3A_184, %add3A_268 : i32
        %dma_wait3A_270 = arith.constant 0 : i32
        %dma_wait3A_271 = arith.constant 0 : i32
        %dma_wait3A_272 = tpu.memref_slice %arg16[%dma_wait3A_270, %dma_wait3A_271] : memref<200x128xf32, #tpu.memory_space<vmem>> -> memref<104x128xf32, #tpu.memory_space<vmem>>
        %dma_wait3A_273 = arith.constant 0 : i32
        %dma_wait3A_274 = arith.constant 0 : i32
        %dma_wait3A_275 = tpu.memref_slice %arg5[%dma_wait3A_273, %dma_wait3A_274] : memref<100000x128xf32, #tpu.memory_space<hbm>> -> memref<104x128xf32, #tpu.memory_space<hbm>>
        %dma_wait3A_276 = arith.constant 0 : i32
        %dma_wait3A_277 = arith.constant 0 : i32
        %dma_wait3A_278 = tpu.memref_slice %arg16[%dma_wait3A_276, %dma_wait3A_277] : memref<200x128xf32, #tpu.memory_space<vmem>> -> memref<104x128xf32, #tpu.memory_space<vmem>>
        %dma_wait3A_279 = arith.constant 0 : i32
        %dma_wait3A_280 = arith.constant 0 : i32
        %dma_wait3A_281 = tpu.memref_slice %arg5[%dma_wait3A_279, %dma_wait3A_280] : memref<100000x128xf32, #tpu.memory_space<hbm>> -> memref<104x128xf32, #tpu.memory_space<hbm>>
        tpu.wait_dma2 semaphore(%arg21 : memref<!tpu.dma_semaphore, #tpu.memory_space<semaphore_mem>>) src(%dma_wait3A_281 : memref<104x128xf32, #tpu.memory_space<hbm>>) dst(%dma_wait3A_278 : memref<104x128xf32, #tpu.memory_space<vmem>>)
        %dma_wait3A_282 = arith.constant 104 : i32
        %dma_wait3A_283 = arith.constant 0 : i32
        %dma_wait3A_284 = tpu.memref_slice %arg16[%dma_wait3A_282, %dma_wait3A_283] : memref<200x128xf32, #tpu.memory_space<vmem>> -> memref<96x128xf32, #tpu.memory_space<vmem>>
        %dma_wait3A_285 = arith.constant 0 : i32
        %dma_wait3A_286 = arith.constant 0 : i32
        %dma_wait3A_287 = tpu.memref_slice %arg5[%dma_wait3A_285, %dma_wait3A_286] : memref<100000x128xf32, #tpu.memory_space<hbm>> -> memref<96x128xf32, #tpu.memory_space<hbm>>
        %dma_wait3A_288 = arith.constant 104 : i32
        %dma_wait3A_289 = arith.constant 0 : i32
        %dma_wait3A_290 = tpu.memref_slice %arg16[%dma_wait3A_288, %dma_wait3A_289] : memref<200x128xf32, #tpu.memory_space<vmem>> -> memref<96x128xf32, #tpu.memory_space<vmem>>
        %dma_wait3A_291 = arith.constant 0 : i32
        %dma_wait3A_292 = arith.constant 0 : i32
        %dma_wait3A_293 = tpu.memref_slice %arg5[%dma_wait3A_291, %dma_wait3A_292] : memref<100000x128xf32, #tpu.memory_space<hbm>> -> memref<96x128xf32, #tpu.memory_space<hbm>>
        tpu.wait_dma2 semaphore(%arg21 : memref<!tpu.dma_semaphore, #tpu.memory_space<semaphore_mem>>) src(%dma_wait3A_293 : memref<96x128xf32, #tpu.memory_space<hbm>>) dst(%dma_wait3A_290 : memref<96x128xf32, #tpu.memory_space<vmem>>)
        %dma_start3A_294 = arith.constant 0 : i32
        %dma_start3A_295 = arith.constant 0 : i32
        %dma_start3A_296 = tpu.memref_slice %arg8[%add3A_269, %dma_start3A_294, %dma_start3A_295] : memref<4096x200x138xf32, #tpu.memory_space<hbm>> -> memref<1x200x128xf32, #tpu.memory_space<hbm>>
        %dma_start3A_297 = tpu.memref_squeeze %dma_start3A_296 : memref<1x200x128xf32, #tpu.memory_space<hbm>> -> memref<200x128xf32, #tpu.memory_space<hbm>>
        %dma_start3A_298 = arith.constant 0 : i32
        %dma_start3A_299 = arith.constant 0 : i32
        %dma_start3A_300 = tpu.memref_slice %arg8[%add3A_269, %dma_start3A_298, %dma_start3A_299] : memref<4096x200x138xf32, #tpu.memory_space<hbm>> -> memref<1x200x128xf32, #tpu.memory_space<hbm>>
        %dma_start3A_301 = tpu.memref_squeeze %dma_start3A_300 : memref<1x200x128xf32, #tpu.memory_space<hbm>> -> memref<200x128xf32, #tpu.memory_space<hbm>>
        tpu.enqueue_dma source(%arg16 : memref<200x128xf32, #tpu.memory_space<vmem>>) target(%dma_start3A_301 : memref<200x128xf32, #tpu.memory_space<hbm>>) target_semaphore(%arg23 : memref<!tpu.dma_semaphore, #tpu.memory_space<semaphore_mem>>)
        %ge3A_302 = arith.constant 1 : i32
        %ge3A_303 = arith.cmpi sge, %add3A_265, %ge3A_302 : i32
        %convert_element_type3A_304 = arith.extui %ge3A_303 : i1 to i32
        %cond3A_305 = arith.constant 0 : i32
        %cond3A_306 = arith.cmpi ne, %convert_element_type3A_304, %cond3A_305 : i32
        scf.if %cond3A_306 {
          %dma_wait3A_333 = arith.constant 0 : i32
          %dma_wait3A_334 = arith.constant 0 : i32
          %dma_wait3A_335 = tpu.memref_slice %arg8[%add3A_269, %dma_wait3A_333, %dma_wait3A_334] : memref<4096x200x138xf32, #tpu.memory_space<hbm>> -> memref<1x200x128xf32, #tpu.memory_space<hbm>>
          %dma_wait3A_336 = tpu.memref_squeeze %dma_wait3A_335 : memref<1x200x128xf32, #tpu.memory_space<hbm>> -> memref<200x128xf32, #tpu.memory_space<hbm>>
          %dma_wait3A_337 = arith.constant 0 : i32
          %dma_wait3A_338 = arith.constant 0 : i32
          %dma_wait3A_339 = tpu.memref_slice %arg8[%add3A_269, %dma_wait3A_337, %dma_wait3A_338] : memref<4096x200x138xf32, #tpu.memory_space<hbm>> -> memref<1x200x128xf32, #tpu.memory_space<hbm>>
          %dma_wait3A_340 = tpu.memref_squeeze %dma_wait3A_339 : memref<1x200x128xf32, #tpu.memory_space<hbm>> -> memref<200x128xf32, #tpu.memory_space<hbm>>
          tpu.wait_dma2 semaphore(%arg22 : memref<!tpu.dma_semaphore, #tpu.memory_space<semaphore_mem>>) src(%arg15 : memref<200x128xf32, #tpu.memory_space<vmem>>) dst(%dma_wait3A_340 : memref<200x128xf32, #tpu.memory_space<hbm>>)
        } else {
        }
        %le3A_307 = arith.constant 2 : i32
        %le3A_308 = arith.cmpi sle, %scan3A_176, %le3A_307 : i32
        %convert_element_type3A_309 = arith.extui %le3A_308 : i1 to i32
        %cond3A_310 = arith.constant 0 : i32
        %cond3A_311 = arith.cmpi ne, %convert_element_type3A_309, %cond3A_310 : i32
        scf.if %cond3A_311 {
          %add3A_333 = arith.constant 2 : i32
          %add3A_334 = arith.addi %mul3A_186, %add3A_333 : i32
          %mul3A_335 = arith.constant 200 : i32
          %mul3A_336 = arith.muli %add3A_334, %mul3A_335 : i32
          %dma_start3A_337 = arith.constant 0 : i32
          %dma_start3A_338 = arith.constant 0 : i32
          %dma_start3A_339 = tpu.memref_slice %arg15[%dma_start3A_337, %dma_start3A_338] : memref<200x128xf32, #tpu.memory_space<vmem>> -> memref<104x128xf32, #tpu.memory_space<vmem>>
          %dma_start3A_340 = tpu.memref_slice %arg9[%mul3A_336] : memref<1608xi32, #tpu.memory_space<vmem>> -> memref<104xi32, #tpu.memory_space<vmem>>
          %dma_start3A_341 = arith.constant 0 : i32
          %dma_start3A_342 = arith.constant 0 : i32
          %dma_start3A_343 = tpu.memref_slice %arg5[%dma_start3A_341, %dma_start3A_342] : memref<100000x128xf32, #tpu.memory_space<hbm>> -> memref<100000x128xf32, #tpu.memory_space<hbm>>
          tpu.enqueue_indirect_dma source(%dma_start3A_343 : memref<100000x128xf32, #tpu.memory_space<hbm>>) target(%dma_start3A_339 : memref<104x128xf32, #tpu.memory_space<vmem>>) offsets(%dma_start3A_340 : memref<104xi32, #tpu.memory_space<vmem>>) semaphore(%arg20 : memref<!tpu.dma_semaphore, #tpu.memory_space<semaphore_mem>>)
          %add3A_344 = arith.constant 104 : i32
          %add3A_345 = arith.addi %mul3A_336, %add3A_344 : i32
          %dma_start3A_346 = arith.constant 104 : i32
          %dma_start3A_347 = arith.constant 0 : i32
          %dma_start3A_348 = tpu.memref_slice %arg15[%dma_start3A_346, %dma_start3A_347] : memref<200x128xf32, #tpu.memory_space<vmem>> -> memref<96x128xf32, #tpu.memory_space<vmem>>
          %dma_start3A_349 = tpu.memref_slice %arg9[%add3A_345] : memref<1608xi32, #tpu.memory_space<vmem>> -> memref<96xi32, #tpu.memory_space<vmem>>
          %dma_start3A_350 = arith.constant 0 : i32
          %dma_start3A_351 = arith.constant 0 : i32
          %dma_start3A_352 = tpu.memref_slice %arg5[%dma_start3A_350, %dma_start3A_351] : memref<100000x128xf32, #tpu.memory_space<hbm>> -> memref<100000x128xf32, #tpu.memory_space<hbm>>
          tpu.enqueue_indirect_dma source(%dma_start3A_352 : memref<100000x128xf32, #tpu.memory_space<hbm>>) target(%dma_start3A_348 : memref<96x128xf32, #tpu.memory_space<vmem>>) offsets(%dma_start3A_349 : memref<96xi32, #tpu.memory_space<vmem>>) semaphore(%arg20 : memref<!tpu.dma_semaphore, #tpu.memory_space<semaphore_mem>>)
        } else {
        }
        %ge3A_312 = arith.constant 1 : i32
        %ge3A_313 = arith.cmpi sge, %add3A_265, %ge3A_312 : i32
        %convert_element_type3A_314 = arith.extui %ge3A_313 : i1 to i32
        %cond3A_315 = arith.constant 0 : i32
        %cond3A_316 = arith.cmpi ne, %convert_element_type3A_314, %cond3A_315 : i32
        scf.if %cond3A_316 {
          %dma_wait3A_333 = arith.constant 0 : i32
          %dma_wait3A_334 = arith.constant 128 : i32
          %dma_wait3A_335 = tpu.memref_slice %arg8[%add3A_269, %dma_wait3A_333, %dma_wait3A_334] : memref<4096x200x138xf32, #tpu.memory_space<hbm>> -> memref<1x200x10xf32, #tpu.memory_space<hbm>>
          %dma_wait3A_336 = tpu.memref_squeeze %dma_wait3A_335 : memref<1x200x10xf32, #tpu.memory_space<hbm>> -> memref<200x10xf32, #tpu.memory_space<hbm>>
          %dma_wait3A_337 = arith.constant 0 : i32
          %dma_wait3A_338 = arith.constant 128 : i32
          %dma_wait3A_339 = tpu.memref_slice %arg8[%add3A_269, %dma_wait3A_337, %dma_wait3A_338] : memref<4096x200x138xf32, #tpu.memory_space<hbm>> -> memref<1x200x10xf32, #tpu.memory_space<hbm>>
          %dma_wait3A_340 = tpu.memref_squeeze %dma_wait3A_339 : memref<1x200x10xf32, #tpu.memory_space<hbm>> -> memref<200x10xf32, #tpu.memory_space<hbm>>
          tpu.wait_dma2 semaphore(%arg26 : memref<!tpu.dma_semaphore, #tpu.memory_space<semaphore_mem>>) src(%arg17 : memref<200x10xf32, #tpu.memory_space<vmem>>) dst(%dma_wait3A_340 : memref<200x10xf32, #tpu.memory_space<hbm>>)
        } else {
        }
        %mul3A_317 = arith.constant 200 : i32
        %mul3A_318 = arith.muli %add3A_267, %mul3A_317 : i32
        %scan3A_319 = arith.constant 0 : i32
        %scan3A_320 = arith.constant 0 : i32
        %scan3A_321 = arith.constant 13 : i32
        %scan3A_322 = arith.addi %scan3A_320, %scan3A_321 : i32
        %scan3A_323 = arith.constant 1 : i32
        scf.for %scan3A_333 = %scan3A_320 to %scan3A_322 step %scan3A_323  : i32 {
          %mul3A_334 = arith.constant 16 : i32
          %mul3A_335 = arith.muli %scan3A_333, %mul3A_334 : i32
          %add3A_336 = vector.broadcast %mul3A_335 : i32 to vector<16xi32>
          %add3A_337 = arith.addi %add3A_336, %iota3A : vector<16xi32>
          %lt3A = arith.constant 200 : i32
          %lt3A_338 = vector.broadcast %lt3A : i32 to vector<16xi32>
          %lt3A_339 = arith.cmpi slt, %add3A_337, %lt3A_338 : vector<16xi32>
          %mul3A_340 = arith.constant 16 : i32
          %mul3A_341 = arith.muli %scan3A_333, %mul3A_340 : i32
          %add3A_342 = arith.addi %mul3A_318, %mul3A_341 : i32
          %get3A = arith.index_cast %add3A_342 : i32 to index
          %get3A_343 = tpu.vector_load %arg11[%get3A] {strides = array<i32>} : memref<1608xi32, #tpu.memory_space<vmem>>, vector<16xi32>,
          %mul3A_344 = arith.constant 5 : i32
          %mul3A_345 = vector.broadcast %mul3A_344 : i32 to vector<16xi32>
          %mul3A_346 = arith.muli %get3A_343, %mul3A_345 : vector<16xi32>
          %jit3A = arith.constant 0 : i32
          %broadcast_in_dim3A = vector.broadcast %jit3A : i32 to vector<16xi32>
          %select_n3A = arith.select %lt3A_339, %mul3A_346, %broadcast_in_dim3A : vector<16xi1>, vector<16xi32>
          %broadcast_in_dim3A_347 = arith.constant 0 : i32
          %broadcast_in_dim3A_348 = vector.broadcast %broadcast_in_dim3A_347 : i32 to vector<16xi32>
          %add3A_349 = arith.constant 0 : i32
          %add3A_350 = vector.broadcast %add3A_349 : i32 to vector<16xi32>
          %add3A_351 = arith.addi %select_n3A, %add3A_350 : vector<16xi32>
          %gather3A = tpu.vector_load_idx %arg18[%add3A_351] : memref<1024xf32, #tpu.memory_space<vmem>>[vector<16xi32>], vector<16xf32>,
          %add3A_352 = arith.constant 0 : i32
          %add3A_353 = vector.broadcast %add3A_352 : i32 to vector<16xi32>
          %add3A_354 = arith.addi %broadcast_in_dim3A_348, %add3A_353 : vector<16xi32>
          tpu.vector_store_idx %arg17[%add3A_337, %add3A_354], %gather3A masked %lt3A_339 : memref<200x10xf32, #tpu.memory_space<vmem>>[vector<16xi32>, vector<16xi32>], vector<16xf32>, vector<16xi1>
          %broadcast_in_dim3A_355 = arith.constant 1 : i32
          %broadcast_in_dim3A_356 = vector.broadcast %broadcast_in_dim3A_355 : i32 to vector<16xi32>
          %add3A_357 = arith.constant 1 : i32
          %add3A_358 = vector.broadcast %add3A_357 : i32 to vector<16xi32>
          %add3A_359 = arith.addi %select_n3A, %add3A_358 : vector<16xi32>
          %gather3A_360 = tpu.vector_load_idx %arg18[%add3A_359] : memref<1024xf32, #tpu.memory_space<vmem>>[vector<16xi32>], vector<16xf32>,
          %add3A_361 = arith.constant 0 : i32
          %add3A_362 = vector.broadcast %add3A_361 : i32 to vector<16xi32>
          %add3A_363 = arith.addi %broadcast_in_dim3A_356, %add3A_362 : vector<16xi32>
          tpu.vector_store_idx %arg17[%add3A_337, %add3A_363], %gather3A_360 masked %lt3A_339 : memref<200x10xf32, #tpu.memory_space<vmem>>[vector<16xi32>, vector<16xi32>], vector<16xf32>, vector<16xi1>
          %broadcast_in_dim3A_364 = arith.constant 2 : i32
          %broadcast_in_dim3A_365 = vector.broadcast %broadcast_in_dim3A_364 : i32 to vector<16xi32>
          %add3A_366 = arith.constant 2 : i32
          %add3A_367 = vector.broadcast %add3A_366 : i32 to vector<16xi32>
          %add3A_368 = arith.addi %select_n3A, %add3A_367 : vector<16xi32>
          %gather3A_369 = tpu.vector_load_idx %arg18[%add3A_368] : memref<1024xf32, #tpu.memory_space<vmem>>[vector<16xi32>], vector<16xf32>,
          %add3A_370 = arith.constant 0 : i32
          %add3A_371 = vector.broadcast %add3A_370 : i32 to vector<16xi32>
          %add3A_372 = arith.addi %broadcast_in_dim3A_365, %add3A_371 : vector<16xi32>
          tpu.vector_store_idx %arg17[%add3A_337, %add3A_372], %gather3A_369 masked %lt3A_339 : memref<200x10xf32, #tpu.memory_space<vmem>>[vector<16xi32>, vector<16xi32>], vector<16xf32>, vector<16xi1>
          %broadcast_in_dim3A_373 = arith.constant 3 : i32
          %broadcast_in_dim3A_374 = vector.broadcast %broadcast_in_dim3A_373 : i32 to vector<16xi32>
          %add3A_375 = arith.constant 3 : i32
          %add3A_376 = vector.broadcast %add3A_375 : i32 to vector<16xi32>
          %add3A_377 = arith.addi %select_n3A, %add3A_376 : vector<16xi32>
          %gather3A_378 = tpu.vector_load_idx %arg18[%add3A_377] : memref<1024xf32, #tpu.memory_space<vmem>>[vector<16xi32>], vector<16xf32>,
          %add3A_379 = arith.constant 0 : i32
          %add3A_380 = vector.broadcast %add3A_379 : i32 to vector<16xi32>
          %add3A_381 = arith.addi %broadcast_in_dim3A_374, %add3A_380 : vector<16xi32>
          tpu.vector_store_idx %arg17[%add3A_337, %add3A_381], %gather3A_378 masked %lt3A_339 : memref<200x10xf32, #tpu.memory_space<vmem>>[vector<16xi32>, vector<16xi32>], vector<16xf32>, vector<16xi1>
          %broadcast_in_dim3A_382 = arith.constant 4 : i32
          %broadcast_in_dim3A_383 = vector.broadcast %broadcast_in_dim3A_382 : i32 to vector<16xi32>
          %add3A_384 = arith.constant 4 : i32
          %add3A_385 = vector.broadcast %add3A_384 : i32 to vector<16xi32>
          %add3A_386 = arith.addi %select_n3A, %add3A_385 : vector<16xi32>
          %gather3A_387 = tpu.vector_load_idx %arg18[%add3A_386] : memref<1024xf32, #tpu.memory_space<vmem>>[vector<16xi32>], vector<16xf32>,
          %add3A_388 = arith.constant 0 : i32
          %add3A_389 = vector.broadcast %add3A_388 : i32 to vector<16xi32>
          %add3A_390 = arith.addi %broadcast_in_dim3A_383, %add3A_389 : vector<16xi32>
          tpu.vector_store_idx %arg17[%add3A_337, %add3A_390], %gather3A_387 masked %lt3A_339 : memref<200x10xf32, #tpu.memory_space<vmem>>[vector<16xi32>, vector<16xi32>], vector<16xf32>, vector<16xi1>
          %mul3A_391 = arith.constant 16 : i32
          %mul3A_392 = arith.muli %scan3A_333, %mul3A_391 : i32
          %add3A_393 = arith.addi %mul3A_318, %mul3A_392 : i32
          %get3A_394 = arith.index_cast %add3A_393 : i32 to index
          %get3A_395 = tpu.vector_load %arg13[%get3A_394] {strides = array<i32>} : memref<1608xi32, #tpu.memory_space<vmem>>, vector<16xi32>,
          %mul3A_396 = arith.constant 5 : i32
          %mul3A_397 = vector.broadcast %mul3A_396 : i32 to vector<16xi32>
          %mul3A_398 = arith.muli %get3A_395, %mul3A_397 : vector<16xi32>
          %jit3A_399 = arith.constant 0 : i32
          %broadcast_in_dim3A_400 = vector.broadcast %jit3A_399 : i32 to vector<16xi32>
          %select_n3A_401 = arith.select %lt3A_339, %mul3A_398, %broadcast_in_dim3A_400 : vector<16xi1>, vector<16xi32>
          %broadcast_in_dim3A_402 = arith.constant 0 : i32
          %broadcast_in_dim3A_403 = vector.broadcast %broadcast_in_dim3A_402 : i32 to vector<16xi32>
          %add3A_404 = arith.constant 0 : i32
          %add3A_405 = vector.broadcast %add3A_404 : i32 to vector<16xi32>
          %add3A_406 = arith.addi %select_n3A_401, %add3A_405 : vector<16xi32>
          %gather3A_407 = tpu.vector_load_idx %arg19[%add3A_406] : memref<1024xf32, #tpu.memory_space<vmem>>[vector<16xi32>], vector<16xf32>,
          %add3A_408 = arith.constant 5 : i32
          %add3A_409 = vector.broadcast %add3A_408 : i32 to vector<16xi32>
          %add3A_410 = arith.addi %broadcast_in_dim3A_403, %add3A_409 : vector<16xi32>
          tpu.vector_store_idx %arg17[%add3A_337, %add3A_410], %gather3A_407 masked %lt3A_339 : memref<200x10xf32, #tpu.memory_space<vmem>>[vector<16xi32>, vector<16xi32>], vector<16xf32>, vector<16xi1>
          %broadcast_in_dim3A_411 = arith.constant 1 : i32
          %broadcast_in_dim3A_412 = vector.broadcast %broadcast_in_dim3A_411 : i32 to vector<16xi32>
          %add3A_413 = arith.constant 1 : i32
          %add3A_414 = vector.broadcast %add3A_413 : i32 to vector<16xi32>
          %add3A_415 = arith.addi %select_n3A_401, %add3A_414 : vector<16xi32>
          %gather3A_416 = tpu.vector_load_idx %arg19[%add3A_415] : memref<1024xf32, #tpu.memory_space<vmem>>[vector<16xi32>], vector<16xf32>,
          %add3A_417 = arith.constant 5 : i32
          %add3A_418 = vector.broadcast %add3A_417 : i32 to vector<16xi32>
          %add3A_419 = arith.addi %broadcast_in_dim3A_412, %add3A_418 : vector<16xi32>
          tpu.vector_store_idx %arg17[%add3A_337, %add3A_419], %gather3A_416 masked %lt3A_339 : memref<200x10xf32, #tpu.memory_space<vmem>>[vector<16xi32>, vector<16xi32>], vector<16xf32>, vector<16xi1>
          %broadcast_in_dim3A_420 = arith.constant 2 : i32
          %broadcast_in_dim3A_421 = vector.broadcast %broadcast_in_dim3A_420 : i32 to vector<16xi32>
          %add3A_422 = arith.constant 2 : i32
          %add3A_423 = vector.broadcast %add3A_422 : i32 to vector<16xi32>
          %add3A_424 = arith.addi %select_n3A_401, %add3A_423 : vector<16xi32>
          %gather3A_425 = tpu.vector_load_idx %arg19[%add3A_424] : memref<1024xf32, #tpu.memory_space<vmem>>[vector<16xi32>], vector<16xf32>,
          %add3A_426 = arith.constant 5 : i32
          %add3A_427 = vector.broadcast %add3A_426 : i32 to vector<16xi32>
          %add3A_428 = arith.addi %broadcast_in_dim3A_421, %add3A_427 : vector<16xi32>
          tpu.vector_store_idx %arg17[%add3A_337, %add3A_428], %gather3A_425 masked %lt3A_339 : memref<200x10xf32, #tpu.memory_space<vmem>>[vector<16xi32>, vector<16xi32>], vector<16xf32>, vector<16xi1>
          %broadcast_in_dim3A_429 = arith.constant 3 : i32
          %broadcast_in_dim3A_430 = vector.broadcast %broadcast_in_dim3A_429 : i32 to vector<16xi32>
          %add3A_431 = arith.constant 3 : i32
          %add3A_432 = vector.broadcast %add3A_431 : i32 to vector<16xi32>
          %add3A_433 = arith.addi %select_n3A_401, %add3A_432 : vector<16xi32>
          %gather3A_434 = tpu.vector_load_idx %arg19[%add3A_433] : memref<1024xf32, #tpu.memory_space<vmem>>[vector<16xi32>], vector<16xf32>,
          %add3A_435 = arith.constant 5 : i32
          %add3A_436 = vector.broadcast %add3A_435 : i32 to vector<16xi32>
          %add3A_437 = arith.addi %broadcast_in_dim3A_430, %add3A_436 : vector<16xi32>
          tpu.vector_store_idx %arg17[%add3A_337, %add3A_437], %gather3A_434 masked %lt3A_339 : memref<200x10xf32, #tpu.memory_space<vmem>>[vector<16xi32>, vector<16xi32>], vector<16xf32>, vector<16xi1>
          %broadcast_in_dim3A_438 = arith.constant 4 : i32
          %broadcast_in_dim3A_439 = vector.broadcast %broadcast_in_dim3A_438 : i32 to vector<16xi32>
          %add3A_440 = arith.constant 4 : i32
          %add3A_441 = vector.broadcast %add3A_440 : i32 to vector<16xi32>
          %add3A_442 = arith.addi %select_n3A_401, %add3A_441 : vector<16xi32>
          %gather3A_443 = tpu.vector_load_idx %arg19[%add3A_442] : memref<1024xf32, #tpu.memory_space<vmem>>[vector<16xi32>], vector<16xf32>,
          %add3A_444 = arith.constant 5 : i32
          %add3A_445 = vector.broadcast %add3A_444 : i32 to vector<16xi32>
          %add3A_446 = arith.addi %broadcast_in_dim3A_439, %add3A_445 : vector<16xi32>
          tpu.vector_store_idx %arg17[%add3A_337, %add3A_446], %gather3A_443 masked %lt3A_339 : memref<200x10xf32, #tpu.memory_space<vmem>>[vector<16xi32>, vector<16xi32>], vector<16xf32>, vector<16xi1>
        }
        %scan3A_324 = arith.constant 13 : i32
        %dma_start3A_325 = arith.constant 0 : i32
        %dma_start3A_326 = arith.constant 128 : i32
        %dma_start3A_327 = tpu.memref_slice %arg8[%add3A_269, %dma_start3A_325, %dma_start3A_326] : memref<4096x200x138xf32, #tpu.memory_space<hbm>> -> memref<1x200x10xf32, #tpu.memory_space<hbm>>
        %dma_start3A_328 = tpu.memref_squeeze %dma_start3A_327 : memref<1x200x10xf32, #tpu.memory_space<hbm>> -> memref<200x10xf32, #tpu.memory_space<hbm>>
        %dma_start3A_329 = arith.constant 0 : i32
        %dma_start3A_330 = arith.constant 128 : i32
        %dma_start3A_331 = tpu.memref_slice %arg8[%add3A_269, %dma_start3A_329, %dma_start3A_330] : memref<4096x200x138xf32, #tpu.memory_space<hbm>> -> memref<1x200x10xf32, #tpu.memory_space<hbm>>
        %dma_start3A_332 = tpu.memref_squeeze %dma_start3A_331 : memref<1x200x10xf32, #tpu.memory_space<hbm>> -> memref<200x10xf32, #tpu.memory_space<hbm>>
        tpu.enqueue_dma source(%arg17 : memref<200x10xf32, #tpu.memory_space<vmem>>) target(%dma_start3A_332 : memref<200x10xf32, #tpu.memory_space<hbm>>) target_semaphore(%arg26 : memref<!tpu.dma_semaphore, #tpu.memory_space<semaphore_mem>>)
      }
      %scan3A_121 = arith.constant 4 : i32
      %mul3A_122 = arith.constant 2 : i32
      %mul3A_123 = arith.muli %mul3A_122, %scan3A_44 : i32
      %add3A_124 = arith.constant 1 : i32
      %add3A_125 = arith.addi %mul3A_123, %add3A_124 : i32
      %mul3A_126 = arith.constant 8 : i32
      %mul3A_127 = arith.muli %add3A_125, %mul3A_126 : i32
      %add3A_128 = arith.addi %mul3A_2, %mul3A_127 : i32
      %mul3A_129 = arith.constant 8 : i32
      %mul3A_130 = arith.muli %add3A_125, %mul3A_129 : i32
      %add3A_131 = arith.addi %mul3A_2, %mul3A_130 : i32
      %mul3A_132 = arith.constant 200 : i32
      %mul3A_133 = arith.muli %add3A_131, %mul3A_132 : i32
      %dma_wait3A_134 = arith.constant 0 : i32
      %dma_wait3A_135 = tpu.memref_slice %arg10[%dma_wait3A_134] : memref<1608xi32, #tpu.memory_space<vmem>> -> memref<1600xi32, #tpu.memory_space<vmem>>
      %dma_wait3A_136 = tpu.memref_slice %arg2[%mul3A_133] : memref<819200xi32, #tpu.memory_space<hbm>> -> memref<1600xi32, #tpu.memory_space<hbm>>
      %dma_wait3A_137 = arith.constant 0 : i32
      %dma_wait3A_138 = tpu.memref_slice %arg10[%dma_wait3A_137] : memref<1608xi32, #tpu.memory_space<vmem>> -> memref<1600xi32, #tpu.memory_space<vmem>>
      %dma_wait3A_139 = tpu.memref_slice %arg2[%mul3A_133] : memref<819200xi32, #tpu.memory_space<hbm>> -> memref<1600xi32, #tpu.memory_space<hbm>>
      tpu.wait_dma2 semaphore(%arg25 : memref<!tpu.dma_semaphore, #tpu.memory_space<semaphore_mem>>) src(%dma_wait3A_139 : memref<1600xi32, #tpu.memory_space<hbm>>) dst(%dma_wait3A_138 : memref<1600xi32, #tpu.memory_space<vmem>>)
      %dma_wait3A_140 = arith.constant 0 : i32
      %dma_wait3A_141 = tpu.memref_slice %arg12[%dma_wait3A_140] : memref<1608xi32, #tpu.memory_space<vmem>> -> memref<1600xi32, #tpu.memory_space<vmem>>
      %dma_wait3A_142 = tpu.memref_slice %arg3[%mul3A_133] : memref<819200xi32, #tpu.memory_space<hbm>> -> memref<1600xi32, #tpu.memory_space<hbm>>
      %dma_wait3A_143 = arith.constant 0 : i32
      %dma_wait3A_144 = tpu.memref_slice %arg12[%dma_wait3A_143] : memref<1608xi32, #tpu.memory_space<vmem>> -> memref<1600xi32, #tpu.memory_space<vmem>>
      %dma_wait3A_145 = tpu.memref_slice %arg3[%mul3A_133] : memref<819200xi32, #tpu.memory_space<hbm>> -> memref<1600xi32, #tpu.memory_space<hbm>>
      tpu.wait_dma2 semaphore(%arg25 : memref<!tpu.dma_semaphore, #tpu.memory_space<semaphore_mem>>) src(%dma_wait3A_145 : memref<1600xi32, #tpu.memory_space<hbm>>) dst(%dma_wait3A_144 : memref<1600xi32, #tpu.memory_space<vmem>>)
      %dma_wait3A_146 = arith.constant 0 : i32
      %dma_wait3A_147 = tpu.memref_slice %arg14[%dma_wait3A_146] : memref<1608xi32, #tpu.memory_space<vmem>> -> memref<1600xi32, #tpu.memory_space<vmem>>
      %dma_wait3A_148 = tpu.memref_slice %arg4[%mul3A_133] : memref<819200xi32, #tpu.memory_space<hbm>> -> memref<1600xi32, #tpu.memory_space<hbm>>
      %dma_wait3A_149 = arith.constant 0 : i32
      %dma_wait3A_150 = tpu.memref_slice %arg14[%dma_wait3A_149] : memref<1608xi32, #tpu.memory_space<vmem>> -> memref<1600xi32, #tpu.memory_space<vmem>>
      %dma_wait3A_151 = tpu.memref_slice %arg4[%mul3A_133] : memref<819200xi32, #tpu.memory_space<hbm>> -> memref<1600xi32, #tpu.memory_space<hbm>>
      tpu.wait_dma2 semaphore(%arg25 : memref<!tpu.dma_semaphore, #tpu.memory_space<semaphore_mem>>) src(%dma_wait3A_151 : memref<1600xi32, #tpu.memory_space<hbm>>) dst(%dma_wait3A_150 : memref<1600xi32, #tpu.memory_space<vmem>>)
      %le3A = arith.constant 6 : i32
      %le3A_152 = arith.cmpi sle, %scan3A_44, %le3A : i32
      %convert_element_type3A = arith.extui %le3A_152 : i1 to i32
      %cond3A = arith.constant 0 : i32
      %cond3A_153 = arith.cmpi ne, %convert_element_type3A, %cond3A : i32
      scf.if %cond3A_153 {
        %add3A_176 = arith.constant 1 : i32
        %add3A_177 = arith.addi %add3A_125, %add3A_176 : i32
        %mul3A_178 = arith.constant 8 : i32
        %mul3A_179 = arith.muli %add3A_177, %mul3A_178 : i32
        %add3A_180 = arith.addi %mul3A_2, %mul3A_179 : i32
        %mul3A_181 = arith.constant 200 : i32
        %mul3A_182 = arith.muli %add3A_180, %mul3A_181 : i32
        %dma_start3A_183 = arith.constant 0 : i32
        %dma_start3A_184 = tpu.memref_slice %arg9[%dma_start3A_183] : memref<1608xi32, #tpu.memory_space<vmem>> -> memref<1600xi32, #tpu.memory_space<vmem>>
        %dma_start3A_185 = tpu.memref_slice %arg2[%mul3A_182] : memref<819200xi32, #tpu.memory_space<hbm>> -> memref<1600xi32, #tpu.memory_space<hbm>>
        %dma_start3A_186 = arith.constant 0 : i32
        %dma_start3A_187 = tpu.memref_slice %arg9[%dma_start3A_186] : memref<1608xi32, #tpu.memory_space<vmem>> -> memref<1600xi32, #tpu.memory_space<vmem>>
        %dma_start3A_188 = tpu.memref_slice %arg2[%mul3A_182] : memref<819200xi32, #tpu.memory_space<hbm>> -> memref<1600xi32, #tpu.memory_space<hbm>>
        tpu.enqueue_dma source(%dma_start3A_188 : memref<1600xi32, #tpu.memory_space<hbm>>) target(%dma_start3A_187 : memref<1600xi32, #tpu.memory_space<vmem>>) target_semaphore(%arg24 : memref<!tpu.dma_semaphore, #tpu.memory_space<semaphore_mem>>)
        %dma_start3A_189 = arith.constant 0 : i32
        %dma_start3A_190 = tpu.memref_slice %arg11[%dma_start3A_189] : memref<1608xi32, #tpu.memory_space<vmem>> -> memref<1600xi32, #tpu.memory_space<vmem>>
        %dma_start3A_191 = tpu.memref_slice %arg3[%mul3A_182] : memref<819200xi32, #tpu.memory_space<hbm>> -> memref<1600xi32, #tpu.memory_space<hbm>>
        %dma_start3A_192 = arith.constant 0 : i32
        %dma_start3A_193 = tpu.memref_slice %arg11[%dma_start3A_192] : memref<1608xi32, #tpu.memory_space<vmem>> -> memref<1600xi32, #tpu.memory_space<vmem>>
        %dma_start3A_194 = tpu.memref_slice %arg3[%mul3A_182] : memref<819200xi32, #tpu.memory_space<hbm>> -> memref<1600xi32, #tpu.memory_space<hbm>>
        tpu.enqueue_dma source(%dma_start3A_194 : memref<1600xi32, #tpu.memory_space<hbm>>) target(%dma_start3A_193 : memref<1600xi32, #tpu.memory_space<vmem>>) target_semaphore(%arg24 : memref<!tpu.dma_semaphore, #tpu.memory_space<semaphore_mem>>)
        %dma_start3A_195 = arith.constant 0 : i32
        %dma_start3A_196 = tpu.memref_slice %arg13[%dma_start3A_195] : memref<1608xi32, #tpu.memory_space<vmem>> -> memref<1600xi32, #tpu.memory_space<vmem>>
        %dma_start3A_197 = tpu.memref_slice %arg4[%mul3A_182] : memref<819200xi32, #tpu.memory_space<hbm>> -> memref<1600xi32, #tpu.memory_space<hbm>>
        %dma_start3A_198 = arith.constant 0 : i32
        %dma_start3A_199 = tpu.memref_slice %arg13[%dma_start3A_198] : memref<1608xi32, #tpu.memory_space<vmem>> -> memref<1600xi32, #tpu.memory_space<vmem>>
        %dma_start3A_200 = tpu.memref_slice %arg4[%mul3A_182] : memref<819200xi32, #tpu.memory_space<hbm>> -> memref<1600xi32, #tpu.memory_space<hbm>>
        tpu.enqueue_dma source(%dma_start3A_200 : memref<1600xi32, #tpu.memory_space<hbm>>) target(%dma_start3A_199 : memref<1600xi32, #tpu.memory_space<vmem>>) target_semaphore(%arg24 : memref<!tpu.dma_semaphore, #tpu.memory_space<semaphore_mem>>)
      } else {
      }
      %dma_start3A_154 = arith.constant 0 : i32
      %dma_start3A_155 = arith.constant 0 : i32
      %dma_start3A_156 = tpu.memref_slice %arg15[%dma_start3A_154, %dma_start3A_155] : memref<200x128xf32, #tpu.memory_space<vmem>> -> memref<104x128xf32, #tpu.memory_space<vmem>>
      %dma_start3A_157 = arith.constant 0 : i32
      %dma_start3A_158 = tpu.memref_slice %arg10[%dma_start3A_157] : memref<1608xi32, #tpu.memory_space<vmem>> -> memref<104xi32, #tpu.memory_space<vmem>>
      %dma_start3A_159 = arith.constant 0 : i32
      %dma_start3A_160 = arith.constant 0 : i32
      %dma_start3A_161 = tpu.memref_slice %arg5[%dma_start3A_159, %dma_start3A_160] : memref<100000x128xf32, #tpu.memory_space<hbm>> -> memref<100000x128xf32, #tpu.memory_space<hbm>>
      tpu.enqueue_indirect_dma source(%dma_start3A_161 : memref<100000x128xf32, #tpu.memory_space<hbm>>) target(%dma_start3A_156 : memref<104x128xf32, #tpu.memory_space<vmem>>) offsets(%dma_start3A_158 : memref<104xi32, #tpu.memory_space<vmem>>) semaphore(%arg20 : memref<!tpu.dma_semaphore, #tpu.memory_space<semaphore_mem>>)
      %dma_start3A_162 = arith.constant 104 : i32
      %dma_start3A_163 = arith.constant 0 : i32
      %dma_start3A_164 = tpu.memref_slice %arg15[%dma_start3A_162, %dma_start3A_163] : memref<200x128xf32, #tpu.memory_space<vmem>> -> memref<96x128xf32, #tpu.memory_space<vmem>>
      %dma_start3A_165 = arith.constant 104 : i32
      %dma_start3A_166 = tpu.memref_slice %arg10[%dma_start3A_165] : memref<1608xi32, #tpu.memory_space<vmem>> -> memref<96xi32, #tpu.memory_space<vmem>>
      %dma_start3A_167 = arith.constant 0 : i32
      %dma_start3A_168 = arith.constant 0 : i32
      %dma_start3A_169 = tpu.memref_slice %arg5[%dma_start3A_167, %dma_start3A_168] : memref<100000x128xf32, #tpu.memory_space<hbm>> -> memref<100000x128xf32, #tpu.memory_space<hbm>>
      tpu.enqueue_indirect_dma source(%dma_start3A_169 : memref<100000x128xf32, #tpu.memory_space<hbm>>) target(%dma_start3A_164 : memref<96x128xf32, #tpu.memory_space<vmem>>) offsets(%dma_start3A_166 : memref<96xi32, #tpu.memory_space<vmem>>) semaphore(%arg20 : memref<!tpu.dma_semaphore, #tpu.memory_space<semaphore_mem>>)
      %scan3A_170 = arith.constant 0 : i32
      %scan3A_171 = arith.constant 0 : i32
      %scan3A_172 = arith.constant 4 : i32
      %scan3A_173 = arith.addi %scan3A_171, %scan3A_172 : i32
      %scan3A_174 = arith.constant 1 : i32
      scf.for %scan3A_176 = %scan3A_171 to %scan3A_173 step %scan3A_174  : i32 {
        %mul3A_177 = arith.constant 8 : i32
        %mul3A_178 = arith.muli %add3A_125, %mul3A_177 : i32
        %mul3A_179 = arith.constant 2 : i32
        %mul3A_180 = arith.muli %mul3A_179, %scan3A_176 : i32
        %add3A_181 = arith.addi %mul3A_178, %mul3A_180 : i32
        %mul3A_182 = arith.constant 2 : i32
        %mul3A_183 = arith.muli %mul3A_182, %scan3A_176 : i32
        %add3A_184 = arith.addi %add3A_128, %mul3A_183 : i32
        %mul3A_185 = arith.constant 2 : i32
        %mul3A_186 = arith.muli %mul3A_185, %scan3A_176 : i32
        %dma_wait3A_187 = arith.constant 0 : i32
        %dma_wait3A_188 = arith.constant 0 : i32
        %dma_wait3A_189 = tpu.memref_slice %arg15[%dma_wait3A_187, %dma_wait3A_188] : memref<200x128xf32, #tpu.memory_space<vmem>> -> memref<104x128xf32, #tpu.memory_space<vmem>>
        %dma_wait3A_190 = arith.constant 0 : i32
        %dma_wait3A_191 = arith.constant 0 : i32
        %dma_wait3A_192 = tpu.memref_slice %arg5[%dma_wait3A_190, %dma_wait3A_191] : memref<100000x128xf32, #tpu.memory_space<hbm>> -> memref<104x128xf32, #tpu.memory_space<hbm>>
        %dma_wait3A_193 = arith.constant 0 : i32
        %dma_wait3A_194 = arith.constant 0 : i32
        %dma_wait3A_195 = tpu.memref_slice %arg15[%dma_wait3A_193, %dma_wait3A_194] : memref<200x128xf32, #tpu.memory_space<vmem>> -> memref<104x128xf32, #tpu.memory_space<vmem>>
        %dma_wait3A_196 = arith.constant 0 : i32
        %dma_wait3A_197 = arith.constant 0 : i32
        %dma_wait3A_198 = tpu.memref_slice %arg5[%dma_wait3A_196, %dma_wait3A_197] : memref<100000x128xf32, #tpu.memory_space<hbm>> -> memref<104x128xf32, #tpu.memory_space<hbm>>
        tpu.wait_dma2 semaphore(%arg20 : memref<!tpu.dma_semaphore, #tpu.memory_space<semaphore_mem>>) src(%dma_wait3A_198 : memref<104x128xf32, #tpu.memory_space<hbm>>) dst(%dma_wait3A_195 : memref<104x128xf32, #tpu.memory_space<vmem>>)
        %dma_wait3A_199 = arith.constant 104 : i32
        %dma_wait3A_200 = arith.constant 0 : i32
        %dma_wait3A_201 = tpu.memref_slice %arg15[%dma_wait3A_199, %dma_wait3A_200] : memref<200x128xf32, #tpu.memory_space<vmem>> -> memref<96x128xf32, #tpu.memory_space<vmem>>
        %dma_wait3A_202 = arith.constant 0 : i32
        %dma_wait3A_203 = arith.constant 0 : i32
        %dma_wait3A_204 = tpu.memref_slice %arg5[%dma_wait3A_202, %dma_wait3A_203] : memref<100000x128xf32, #tpu.memory_space<hbm>> -> memref<96x128xf32, #tpu.memory_space<hbm>>
        %dma_wait3A_205 = arith.constant 104 : i32
        %dma_wait3A_206 = arith.constant 0 : i32
        %dma_wait3A_207 = tpu.memref_slice %arg15[%dma_wait3A_205, %dma_wait3A_206] : memref<200x128xf32, #tpu.memory_space<vmem>> -> memref<96x128xf32, #tpu.memory_space<vmem>>
        %dma_wait3A_208 = arith.constant 0 : i32
        %dma_wait3A_209 = arith.constant 0 : i32
        %dma_wait3A_210 = tpu.memref_slice %arg5[%dma_wait3A_208, %dma_wait3A_209] : memref<100000x128xf32, #tpu.memory_space<hbm>> -> memref<96x128xf32, #tpu.memory_space<hbm>>
        tpu.wait_dma2 semaphore(%arg20 : memref<!tpu.dma_semaphore, #tpu.memory_space<semaphore_mem>>) src(%dma_wait3A_210 : memref<96x128xf32, #tpu.memory_space<hbm>>) dst(%dma_wait3A_207 : memref<96x128xf32, #tpu.memory_space<vmem>>)
        %dma_start3A_211 = arith.constant 0 : i32
        %dma_start3A_212 = arith.constant 0 : i32
        %dma_start3A_213 = tpu.memref_slice %arg8[%add3A_184, %dma_start3A_211, %dma_start3A_212] : memref<4096x200x138xf32, #tpu.memory_space<hbm>> -> memref<1x200x128xf32, #tpu.memory_space<hbm>>
        %dma_start3A_214 = tpu.memref_squeeze %dma_start3A_213 : memref<1x200x128xf32, #tpu.memory_space<hbm>> -> memref<200x128xf32, #tpu.memory_space<hbm>>
        %dma_start3A_215 = arith.constant 0 : i32
        %dma_start3A_216 = arith.constant 0 : i32
        %dma_start3A_217 = tpu.memref_slice %arg8[%add3A_184, %dma_start3A_215, %dma_start3A_216] : memref<4096x200x138xf32, #tpu.memory_space<hbm>> -> memref<1x200x128xf32, #tpu.memory_space<hbm>>
        %dma_start3A_218 = tpu.memref_squeeze %dma_start3A_217 : memref<1x200x128xf32, #tpu.memory_space<hbm>> -> memref<200x128xf32, #tpu.memory_space<hbm>>
        tpu.enqueue_dma source(%arg15 : memref<200x128xf32, #tpu.memory_space<vmem>>) target(%dma_start3A_218 : memref<200x128xf32, #tpu.memory_space<hbm>>) target_semaphore(%arg22 : memref<!tpu.dma_semaphore, #tpu.memory_space<semaphore_mem>>)
        %ge3A = arith.constant 1 : i32
        %ge3A_219 = arith.cmpi sge, %add3A_181, %ge3A : i32
        %convert_element_type3A_220 = arith.extui %ge3A_219 : i1 to i32
        %cond3A_221 = arith.constant 0 : i32
        %cond3A_222 = arith.cmpi ne, %convert_element_type3A_220, %cond3A_221 : i32
        scf.if %cond3A_222 {
          %dma_wait3A_333 = arith.constant 0 : i32
          %dma_wait3A_334 = arith.constant 0 : i32
          %dma_wait3A_335 = tpu.memref_slice %arg8[%add3A_184, %dma_wait3A_333, %dma_wait3A_334] : memref<4096x200x138xf32, #tpu.memory_space<hbm>> -> memref<1x200x128xf32, #tpu.memory_space<hbm>>
          %dma_wait3A_336 = tpu.memref_squeeze %dma_wait3A_335 : memref<1x200x128xf32, #tpu.memory_space<hbm>> -> memref<200x128xf32, #tpu.memory_space<hbm>>
          %dma_wait3A_337 = arith.constant 0 : i32
          %dma_wait3A_338 = arith.constant 0 : i32
          %dma_wait3A_339 = tpu.memref_slice %arg8[%add3A_184, %dma_wait3A_337, %dma_wait3A_338] : memref<4096x200x138xf32, #tpu.memory_space<hbm>> -> memref<1x200x128xf32, #tpu.memory_space<hbm>>
          %dma_wait3A_340 = tpu.memref_squeeze %dma_wait3A_339 : memref<1x200x128xf32, #tpu.memory_space<hbm>> -> memref<200x128xf32, #tpu.memory_space<hbm>>
          tpu.wait_dma2 semaphore(%arg23 : memref<!tpu.dma_semaphore, #tpu.memory_space<semaphore_mem>>) src(%arg16 : memref<200x128xf32, #tpu.memory_space<vmem>>) dst(%dma_wait3A_340 : memref<200x128xf32, #tpu.memory_space<hbm>>)
        } else {
        }
        %add3A_223 = arith.constant 1 : i32
        %add3A_224 = arith.addi %mul3A_186, %add3A_223 : i32
        %mul3A_225 = arith.constant 200 : i32
        %mul3A_226 = arith.muli %add3A_224, %mul3A_225 : i32
        %dma_start3A_227 = arith.constant 0 : i32
        %dma_start3A_228 = arith.constant 0 : i32
        %dma_start3A_229 = tpu.memref_slice %arg16[%dma_start3A_227, %dma_start3A_228] : memref<200x128xf32, #tpu.memory_space<vmem>> -> memref<104x128xf32, #tpu.memory_space<vmem>>
        %dma_start3A_230 = tpu.memref_slice %arg10[%mul3A_226] : memref<1608xi32, #tpu.memory_space<vmem>> -> memref<104xi32, #tpu.memory_space<vmem>>
        %dma_start3A_231 = arith.constant 0 : i32
        %dma_start3A_232 = arith.constant 0 : i32
        %dma_start3A_233 = tpu.memref_slice %arg5[%dma_start3A_231, %dma_start3A_232] : memref<100000x128xf32, #tpu.memory_space<hbm>> -> memref<100000x128xf32, #tpu.memory_space<hbm>>
        tpu.enqueue_indirect_dma source(%dma_start3A_233 : memref<100000x128xf32, #tpu.memory_space<hbm>>) target(%dma_start3A_229 : memref<104x128xf32, #tpu.memory_space<vmem>>) offsets(%dma_start3A_230 : memref<104xi32, #tpu.memory_space<vmem>>) semaphore(%arg21 : memref<!tpu.dma_semaphore, #tpu.memory_space<semaphore_mem>>)
        %add3A_234 = arith.constant 104 : i32
        %add3A_235 = arith.addi %mul3A_226, %add3A_234 : i32
        %dma_start3A_236 = arith.constant 104 : i32
        %dma_start3A_237 = arith.constant 0 : i32
        %dma_start3A_238 = tpu.memref_slice %arg16[%dma_start3A_236, %dma_start3A_237] : memref<200x128xf32, #tpu.memory_space<vmem>> -> memref<96x128xf32, #tpu.memory_space<vmem>>
        %dma_start3A_239 = tpu.memref_slice %arg10[%add3A_235] : memref<1608xi32, #tpu.memory_space<vmem>> -> memref<96xi32, #tpu.memory_space<vmem>>
        %dma_start3A_240 = arith.constant 0 : i32
        %dma_start3A_241 = arith.constant 0 : i32
        %dma_start3A_242 = tpu.memref_slice %arg5[%dma_start3A_240, %dma_start3A_241] : memref<100000x128xf32, #tpu.memory_space<hbm>> -> memref<100000x128xf32, #tpu.memory_space<hbm>>
        tpu.enqueue_indirect_dma source(%dma_start3A_242 : memref<100000x128xf32, #tpu.memory_space<hbm>>) target(%dma_start3A_238 : memref<96x128xf32, #tpu.memory_space<vmem>>) offsets(%dma_start3A_239 : memref<96xi32, #tpu.memory_space<vmem>>) semaphore(%arg21 : memref<!tpu.dma_semaphore, #tpu.memory_space<semaphore_mem>>)
        %ge3A_243 = arith.constant 1 : i32
        %ge3A_244 = arith.cmpi sge, %add3A_181, %ge3A_243 : i32
        %convert_element_type3A_245 = arith.extui %ge3A_244 : i1 to i32
        %cond3A_246 = arith.constant 0 : i32
        %cond3A_247 = arith.cmpi ne, %convert_element_type3A_245, %cond3A_246 : i32
        scf.if %cond3A_247 {
          %dma_wait3A_333 = arith.constant 0 : i32
          %dma_wait3A_334 = arith.constant 128 : i32
          %dma_wait3A_335 = tpu.memref_slice %arg8[%add3A_184, %dma_wait3A_333, %dma_wait3A_334] : memref<4096x200x138xf32, #tpu.memory_space<hbm>> -> memref<1x200x10xf32, #tpu.memory_space<hbm>>
          %dma_wait3A_336 = tpu.memref_squeeze %dma_wait3A_335 : memref<1x200x10xf32, #tpu.memory_space<hbm>> -> memref<200x10xf32, #tpu.memory_space<hbm>>
          %dma_wait3A_337 = arith.constant 0 : i32
          %dma_wait3A_338 = arith.constant 128 : i32
          %dma_wait3A_339 = tpu.memref_slice %arg8[%add3A_184, %dma_wait3A_337, %dma_wait3A_338] : memref<4096x200x138xf32, #tpu.memory_space<hbm>> -> memref<1x200x10xf32, #tpu.memory_space<hbm>>
          %dma_wait3A_340 = tpu.memref_squeeze %dma_wait3A_339 : memref<1x200x10xf32, #tpu.memory_space<hbm>> -> memref<200x10xf32, #tpu.memory_space<hbm>>
          tpu.wait_dma2 semaphore(%arg26 : memref<!tpu.dma_semaphore, #tpu.memory_space<semaphore_mem>>) src(%arg17 : memref<200x10xf32, #tpu.memory_space<vmem>>) dst(%dma_wait3A_340 : memref<200x10xf32, #tpu.memory_space<hbm>>)
        } else {
        }
        %mul3A_248 = arith.constant 200 : i32
        %mul3A_249 = arith.muli %mul3A_186, %mul3A_248 : i32
        %scan3A_250 = arith.constant 0 : i32
        %scan3A_251 = arith.constant 0 : i32
        %scan3A_252 = arith.constant 13 : i32
        %scan3A_253 = arith.addi %scan3A_251, %scan3A_252 : i32
        %scan3A_254 = arith.constant 1 : i32
        scf.for %scan3A_333 = %scan3A_251 to %scan3A_253 step %scan3A_254  : i32 {
          %mul3A_334 = arith.constant 16 : i32
          %mul3A_335 = arith.muli %scan3A_333, %mul3A_334 : i32
          %add3A_336 = vector.broadcast %mul3A_335 : i32 to vector<16xi32>
          %add3A_337 = arith.addi %add3A_336, %iota3A : vector<16xi32>
          %lt3A = arith.constant 200 : i32
          %lt3A_338 = vector.broadcast %lt3A : i32 to vector<16xi32>
          %lt3A_339 = arith.cmpi slt, %add3A_337, %lt3A_338 : vector<16xi32>
          %mul3A_340 = arith.constant 16 : i32
          %mul3A_341 = arith.muli %scan3A_333, %mul3A_340 : i32
          %add3A_342 = arith.addi %mul3A_249, %mul3A_341 : i32
          %get3A = arith.index_cast %add3A_342 : i32 to index
          %get3A_343 = tpu.vector_load %arg12[%get3A] {strides = array<i32>} : memref<1608xi32, #tpu.memory_space<vmem>>, vector<16xi32>,
          %mul3A_344 = arith.constant 5 : i32
          %mul3A_345 = vector.broadcast %mul3A_344 : i32 to vector<16xi32>
          %mul3A_346 = arith.muli %get3A_343, %mul3A_345 : vector<16xi32>
          %jit3A = arith.constant 0 : i32
          %broadcast_in_dim3A = vector.broadcast %jit3A : i32 to vector<16xi32>
          %select_n3A = arith.select %lt3A_339, %mul3A_346, %broadcast_in_dim3A : vector<16xi1>, vector<16xi32>
          %broadcast_in_dim3A_347 = arith.constant 0 : i32
          %broadcast_in_dim3A_348 = vector.broadcast %broadcast_in_dim3A_347 : i32 to vector<16xi32>
          %add3A_349 = arith.constant 0 : i32
          %add3A_350 = vector.broadcast %add3A_349 : i32 to vector<16xi32>
          %add3A_351 = arith.addi %select_n3A, %add3A_350 : vector<16xi32>
          %gather3A = tpu.vector_load_idx %arg18[%add3A_351] : memref<1024xf32, #tpu.memory_space<vmem>>[vector<16xi32>], vector<16xf32>,
          %add3A_352 = arith.constant 0 : i32
          %add3A_353 = vector.broadcast %add3A_352 : i32 to vector<16xi32>
          %add3A_354 = arith.addi %broadcast_in_dim3A_348, %add3A_353 : vector<16xi32>
          tpu.vector_store_idx %arg17[%add3A_337, %add3A_354], %gather3A masked %lt3A_339 : memref<200x10xf32, #tpu.memory_space<vmem>>[vector<16xi32>, vector<16xi32>], vector<16xf32>, vector<16xi1>
          %broadcast_in_dim3A_355 = arith.constant 1 : i32
          %broadcast_in_dim3A_356 = vector.broadcast %broadcast_in_dim3A_355 : i32 to vector<16xi32>
          %add3A_357 = arith.constant 1 : i32
          %add3A_358 = vector.broadcast %add3A_357 : i32 to vector<16xi32>
          %add3A_359 = arith.addi %select_n3A, %add3A_358 : vector<16xi32>
          %gather3A_360 = tpu.vector_load_idx %arg18[%add3A_359] : memref<1024xf32, #tpu.memory_space<vmem>>[vector<16xi32>], vector<16xf32>,
          %add3A_361 = arith.constant 0 : i32
          %add3A_362 = vector.broadcast %add3A_361 : i32 to vector<16xi32>
          %add3A_363 = arith.addi %broadcast_in_dim3A_356, %add3A_362 : vector<16xi32>
          tpu.vector_store_idx %arg17[%add3A_337, %add3A_363], %gather3A_360 masked %lt3A_339 : memref<200x10xf32, #tpu.memory_space<vmem>>[vector<16xi32>, vector<16xi32>], vector<16xf32>, vector<16xi1>
          %broadcast_in_dim3A_364 = arith.constant 2 : i32
          %broadcast_in_dim3A_365 = vector.broadcast %broadcast_in_dim3A_364 : i32 to vector<16xi32>
          %add3A_366 = arith.constant 2 : i32
          %add3A_367 = vector.broadcast %add3A_366 : i32 to vector<16xi32>
          %add3A_368 = arith.addi %select_n3A, %add3A_367 : vector<16xi32>
          %gather3A_369 = tpu.vector_load_idx %arg18[%add3A_368] : memref<1024xf32, #tpu.memory_space<vmem>>[vector<16xi32>], vector<16xf32>,
          %add3A_370 = arith.constant 0 : i32
          %add3A_371 = vector.broadcast %add3A_370 : i32 to vector<16xi32>
          %add3A_372 = arith.addi %broadcast_in_dim3A_365, %add3A_371 : vector<16xi32>
          tpu.vector_store_idx %arg17[%add3A_337, %add3A_372], %gather3A_369 masked %lt3A_339 : memref<200x10xf32, #tpu.memory_space<vmem>>[vector<16xi32>, vector<16xi32>], vector<16xf32>, vector<16xi1>
          %broadcast_in_dim3A_373 = arith.constant 3 : i32
          %broadcast_in_dim3A_374 = vector.broadcast %broadcast_in_dim3A_373 : i32 to vector<16xi32>
          %add3A_375 = arith.constant 3 : i32
          %add3A_376 = vector.broadcast %add3A_375 : i32 to vector<16xi32>
          %add3A_377 = arith.addi %select_n3A, %add3A_376 : vector<16xi32>
          %gather3A_378 = tpu.vector_load_idx %arg18[%add3A_377] : memref<1024xf32, #tpu.memory_space<vmem>>[vector<16xi32>], vector<16xf32>,
          %add3A_379 = arith.constant 0 : i32
          %add3A_380 = vector.broadcast %add3A_379 : i32 to vector<16xi32>
          %add3A_381 = arith.addi %broadcast_in_dim3A_374, %add3A_380 : vector<16xi32>
          tpu.vector_store_idx %arg17[%add3A_337, %add3A_381], %gather3A_378 masked %lt3A_339 : memref<200x10xf32, #tpu.memory_space<vmem>>[vector<16xi32>, vector<16xi32>], vector<16xf32>, vector<16xi1>
          %broadcast_in_dim3A_382 = arith.constant 4 : i32
          %broadcast_in_dim3A_383 = vector.broadcast %broadcast_in_dim3A_382 : i32 to vector<16xi32>
          %add3A_384 = arith.constant 4 : i32
          %add3A_385 = vector.broadcast %add3A_384 : i32 to vector<16xi32>
          %add3A_386 = arith.addi %select_n3A, %add3A_385 : vector<16xi32>
          %gather3A_387 = tpu.vector_load_idx %arg18[%add3A_386] : memref<1024xf32, #tpu.memory_space<vmem>>[vector<16xi32>], vector<16xf32>,
          %add3A_388 = arith.constant 0 : i32
          %add3A_389 = vector.broadcast %add3A_388 : i32 to vector<16xi32>
          %add3A_390 = arith.addi %broadcast_in_dim3A_383, %add3A_389 : vector<16xi32>
          tpu.vector_store_idx %arg17[%add3A_337, %add3A_390], %gather3A_387 masked %lt3A_339 : memref<200x10xf32, #tpu.memory_space<vmem>>[vector<16xi32>, vector<16xi32>], vector<16xf32>, vector<16xi1>
          %mul3A_391 = arith.constant 16 : i32
          %mul3A_392 = arith.muli %scan3A_333, %mul3A_391 : i32
          %add3A_393 = arith.addi %mul3A_249, %mul3A_392 : i32
          %get3A_394 = arith.index_cast %add3A_393 : i32 to index
          %get3A_395 = tpu.vector_load %arg14[%get3A_394] {strides = array<i32>} : memref<1608xi32, #tpu.memory_space<vmem>>, vector<16xi32>,
          %mul3A_396 = arith.constant 5 : i32
          %mul3A_397 = vector.broadcast %mul3A_396 : i32 to vector<16xi32>
          %mul3A_398 = arith.muli %get3A_395, %mul3A_397 : vector<16xi32>
          %jit3A_399 = arith.constant 0 : i32
          %broadcast_in_dim3A_400 = vector.broadcast %jit3A_399 : i32 to vector<16xi32>
          %select_n3A_401 = arith.select %lt3A_339, %mul3A_398, %broadcast_in_dim3A_400 : vector<16xi1>, vector<16xi32>
          %broadcast_in_dim3A_402 = arith.constant 0 : i32
          %broadcast_in_dim3A_403 = vector.broadcast %broadcast_in_dim3A_402 : i32 to vector<16xi32>
          %add3A_404 = arith.constant 0 : i32
          %add3A_405 = vector.broadcast %add3A_404 : i32 to vector<16xi32>
          %add3A_406 = arith.addi %select_n3A_401, %add3A_405 : vector<16xi32>
          %gather3A_407 = tpu.vector_load_idx %arg19[%add3A_406] : memref<1024xf32, #tpu.memory_space<vmem>>[vector<16xi32>], vector<16xf32>,
          %add3A_408 = arith.constant 5 : i32
          %add3A_409 = vector.broadcast %add3A_408 : i32 to vector<16xi32>
          %add3A_410 = arith.addi %broadcast_in_dim3A_403, %add3A_409 : vector<16xi32>
          tpu.vector_store_idx %arg17[%add3A_337, %add3A_410], %gather3A_407 masked %lt3A_339 : memref<200x10xf32, #tpu.memory_space<vmem>>[vector<16xi32>, vector<16xi32>], vector<16xf32>, vector<16xi1>
          %broadcast_in_dim3A_411 = arith.constant 1 : i32
          %broadcast_in_dim3A_412 = vector.broadcast %broadcast_in_dim3A_411 : i32 to vector<16xi32>
          %add3A_413 = arith.constant 1 : i32
          %add3A_414 = vector.broadcast %add3A_413 : i32 to vector<16xi32>
          %add3A_415 = arith.addi %select_n3A_401, %add3A_414 : vector<16xi32>
          %gather3A_416 = tpu.vector_load_idx %arg19[%add3A_415] : memref<1024xf32, #tpu.memory_space<vmem>>[vector<16xi32>], vector<16xf32>,
          %add3A_417 = arith.constant 5 : i32
          %add3A_418 = vector.broadcast %add3A_417 : i32 to vector<16xi32>
          %add3A_419 = arith.addi %broadcast_in_dim3A_412, %add3A_418 : vector<16xi32>
          tpu.vector_store_idx %arg17[%add3A_337, %add3A_419], %gather3A_416 masked %lt3A_339 : memref<200x10xf32, #tpu.memory_space<vmem>>[vector<16xi32>, vector<16xi32>], vector<16xf32>, vector<16xi1>
          %broadcast_in_dim3A_420 = arith.constant 2 : i32
          %broadcast_in_dim3A_421 = vector.broadcast %broadcast_in_dim3A_420 : i32 to vector<16xi32>
          %add3A_422 = arith.constant 2 : i32
          %add3A_423 = vector.broadcast %add3A_422 : i32 to vector<16xi32>
          %add3A_424 = arith.addi %select_n3A_401, %add3A_423 : vector<16xi32>
          %gather3A_425 = tpu.vector_load_idx %arg19[%add3A_424] : memref<1024xf32, #tpu.memory_space<vmem>>[vector<16xi32>], vector<16xf32>,
          %add3A_426 = arith.constant 5 : i32
          %add3A_427 = vector.broadcast %add3A_426 : i32 to vector<16xi32>
          %add3A_428 = arith.addi %broadcast_in_dim3A_421, %add3A_427 : vector<16xi32>
          tpu.vector_store_idx %arg17[%add3A_337, %add3A_428], %gather3A_425 masked %lt3A_339 : memref<200x10xf32, #tpu.memory_space<vmem>>[vector<16xi32>, vector<16xi32>], vector<16xf32>, vector<16xi1>
          %broadcast_in_dim3A_429 = arith.constant 3 : i32
          %broadcast_in_dim3A_430 = vector.broadcast %broadcast_in_dim3A_429 : i32 to vector<16xi32>
          %add3A_431 = arith.constant 3 : i32
          %add3A_432 = vector.broadcast %add3A_431 : i32 to vector<16xi32>
          %add3A_433 = arith.addi %select_n3A_401, %add3A_432 : vector<16xi32>
          %gather3A_434 = tpu.vector_load_idx %arg19[%add3A_433] : memref<1024xf32, #tpu.memory_space<vmem>>[vector<16xi32>], vector<16xf32>,
          %add3A_435 = arith.constant 5 : i32
          %add3A_436 = vector.broadcast %add3A_435 : i32 to vector<16xi32>
          %add3A_437 = arith.addi %broadcast_in_dim3A_430, %add3A_436 : vector<16xi32>
          tpu.vector_store_idx %arg17[%add3A_337, %add3A_437], %gather3A_434 masked %lt3A_339 : memref<200x10xf32, #tpu.memory_space<vmem>>[vector<16xi32>, vector<16xi32>], vector<16xf32>, vector<16xi1>
          %broadcast_in_dim3A_438 = arith.constant 4 : i32
          %broadcast_in_dim3A_439 = vector.broadcast %broadcast_in_dim3A_438 : i32 to vector<16xi32>
          %add3A_440 = arith.constant 4 : i32
          %add3A_441 = vector.broadcast %add3A_440 : i32 to vector<16xi32>
          %add3A_442 = arith.addi %select_n3A_401, %add3A_441 : vector<16xi32>
          %gather3A_443 = tpu.vector_load_idx %arg19[%add3A_442] : memref<1024xf32, #tpu.memory_space<vmem>>[vector<16xi32>], vector<16xf32>,
          %add3A_444 = arith.constant 5 : i32
          %add3A_445 = vector.broadcast %add3A_444 : i32 to vector<16xi32>
          %add3A_446 = arith.addi %broadcast_in_dim3A_439, %add3A_445 : vector<16xi32>
          tpu.vector_store_idx %arg17[%add3A_337, %add3A_446], %gather3A_443 masked %lt3A_339 : memref<200x10xf32, #tpu.memory_space<vmem>>[vector<16xi32>, vector<16xi32>], vector<16xf32>, vector<16xi1>
        }
        %scan3A_255 = arith.constant 13 : i32
        %dma_start3A_256 = arith.constant 0 : i32
        %dma_start3A_257 = arith.constant 128 : i32
        %dma_start3A_258 = tpu.memref_slice %arg8[%add3A_184, %dma_start3A_256, %dma_start3A_257] : memref<4096x200x138xf32, #tpu.memory_space<hbm>> -> memref<1x200x10xf32, #tpu.memory_space<hbm>>
        %dma_start3A_259 = tpu.memref_squeeze %dma_start3A_258 : memref<1x200x10xf32, #tpu.memory_space<hbm>> -> memref<200x10xf32, #tpu.memory_space<hbm>>
        %dma_start3A_260 = arith.constant 0 : i32
        %dma_start3A_261 = arith.constant 128 : i32
        %dma_start3A_262 = tpu.memref_slice %arg8[%add3A_184, %dma_start3A_260, %dma_start3A_261] : memref<4096x200x138xf32, #tpu.memory_space<hbm>> -> memref<1x200x10xf32, #tpu.memory_space<hbm>>
        %dma_start3A_263 = tpu.memref_squeeze %dma_start3A_262 : memref<1x200x10xf32, #tpu.memory_space<hbm>> -> memref<200x10xf32, #tpu.memory_space<hbm>>
        tpu.enqueue_dma source(%arg17 : memref<200x10xf32, #tpu.memory_space<vmem>>) target(%dma_start3A_263 : memref<200x10xf32, #tpu.memory_space<hbm>>) target_semaphore(%arg26 : memref<!tpu.dma_semaphore, #tpu.memory_space<semaphore_mem>>)
        %add3A_264 = arith.constant 1 : i32
        %add3A_265 = arith.addi %add3A_181, %add3A_264 : i32
        %add3A_266 = arith.constant 1 : i32
        %add3A_267 = arith.addi %mul3A_186, %add3A_266 : i32
        %add3A_268 = arith.constant 1 : i32
        %add3A_269 = arith.addi %add3A_184, %add3A_268 : i32
        %dma_wait3A_270 = arith.constant 0 : i32
        %dma_wait3A_271 = arith.constant 0 : i32
        %dma_wait3A_272 = tpu.memref_slice %arg16[%dma_wait3A_270, %dma_wait3A_271] : memref<200x128xf32, #tpu.memory_space<vmem>> -> memref<104x128xf32, #tpu.memory_space<vmem>>
        %dma_wait3A_273 = arith.constant 0 : i32
        %dma_wait3A_274 = arith.constant 0 : i32
        %dma_wait3A_275 = tpu.memref_slice %arg5[%dma_wait3A_273, %dma_wait3A_274] : memref<100000x128xf32, #tpu.memory_space<hbm>> -> memref<104x128xf32, #tpu.memory_space<hbm>>
        %dma_wait3A_276 = arith.constant 0 : i32
        %dma_wait3A_277 = arith.constant 0 : i32
        %dma_wait3A_278 = tpu.memref_slice %arg16[%dma_wait3A_276, %dma_wait3A_277] : memref<200x128xf32, #tpu.memory_space<vmem>> -> memref<104x128xf32, #tpu.memory_space<vmem>>
        %dma_wait3A_279 = arith.constant 0 : i32
        %dma_wait3A_280 = arith.constant 0 : i32
        %dma_wait3A_281 = tpu.memref_slice %arg5[%dma_wait3A_279, %dma_wait3A_280] : memref<100000x128xf32, #tpu.memory_space<hbm>> -> memref<104x128xf32, #tpu.memory_space<hbm>>
        tpu.wait_dma2 semaphore(%arg21 : memref<!tpu.dma_semaphore, #tpu.memory_space<semaphore_mem>>) src(%dma_wait3A_281 : memref<104x128xf32, #tpu.memory_space<hbm>>) dst(%dma_wait3A_278 : memref<104x128xf32, #tpu.memory_space<vmem>>)
        %dma_wait3A_282 = arith.constant 104 : i32
        %dma_wait3A_283 = arith.constant 0 : i32
        %dma_wait3A_284 = tpu.memref_slice %arg16[%dma_wait3A_282, %dma_wait3A_283] : memref<200x128xf32, #tpu.memory_space<vmem>> -> memref<96x128xf32, #tpu.memory_space<vmem>>
        %dma_wait3A_285 = arith.constant 0 : i32
        %dma_wait3A_286 = arith.constant 0 : i32
        %dma_wait3A_287 = tpu.memref_slice %arg5[%dma_wait3A_285, %dma_wait3A_286] : memref<100000x128xf32, #tpu.memory_space<hbm>> -> memref<96x128xf32, #tpu.memory_space<hbm>>
        %dma_wait3A_288 = arith.constant 104 : i32
        %dma_wait3A_289 = arith.constant 0 : i32
        %dma_wait3A_290 = tpu.memref_slice %arg16[%dma_wait3A_288, %dma_wait3A_289] : memref<200x128xf32, #tpu.memory_space<vmem>> -> memref<96x128xf32, #tpu.memory_space<vmem>>
        %dma_wait3A_291 = arith.constant 0 : i32
        %dma_wait3A_292 = arith.constant 0 : i32
        %dma_wait3A_293 = tpu.memref_slice %arg5[%dma_wait3A_291, %dma_wait3A_292] : memref<100000x128xf32, #tpu.memory_space<hbm>> -> memref<96x128xf32, #tpu.memory_space<hbm>>
        tpu.wait_dma2 semaphore(%arg21 : memref<!tpu.dma_semaphore, #tpu.memory_space<semaphore_mem>>) src(%dma_wait3A_293 : memref<96x128xf32, #tpu.memory_space<hbm>>) dst(%dma_wait3A_290 : memref<96x128xf32, #tpu.memory_space<vmem>>)
        %dma_start3A_294 = arith.constant 0 : i32
        %dma_start3A_295 = arith.constant 0 : i32
        %dma_start3A_296 = tpu.memref_slice %arg8[%add3A_269, %dma_start3A_294, %dma_start3A_295] : memref<4096x200x138xf32, #tpu.memory_space<hbm>> -> memref<1x200x128xf32, #tpu.memory_space<hbm>>
        %dma_start3A_297 = tpu.memref_squeeze %dma_start3A_296 : memref<1x200x128xf32, #tpu.memory_space<hbm>> -> memref<200x128xf32, #tpu.memory_space<hbm>>
        %dma_start3A_298 = arith.constant 0 : i32
        %dma_start3A_299 = arith.constant 0 : i32
        %dma_start3A_300 = tpu.memref_slice %arg8[%add3A_269, %dma_start3A_298, %dma_start3A_299] : memref<4096x200x138xf32, #tpu.memory_space<hbm>> -> memref<1x200x128xf32, #tpu.memory_space<hbm>>
        %dma_start3A_301 = tpu.memref_squeeze %dma_start3A_300 : memref<1x200x128xf32, #tpu.memory_space<hbm>> -> memref<200x128xf32, #tpu.memory_space<hbm>>
        tpu.enqueue_dma source(%arg16 : memref<200x128xf32, #tpu.memory_space<vmem>>) target(%dma_start3A_301 : memref<200x128xf32, #tpu.memory_space<hbm>>) target_semaphore(%arg23 : memref<!tpu.dma_semaphore, #tpu.memory_space<semaphore_mem>>)
        %ge3A_302 = arith.constant 1 : i32
        %ge3A_303 = arith.cmpi sge, %add3A_265, %ge3A_302 : i32
        %convert_element_type3A_304 = arith.extui %ge3A_303 : i1 to i32
        %cond3A_305 = arith.constant 0 : i32
        %cond3A_306 = arith.cmpi ne, %convert_element_type3A_304, %cond3A_305 : i32
        scf.if %cond3A_306 {
          %dma_wait3A_333 = arith.constant 0 : i32
          %dma_wait3A_334 = arith.constant 0 : i32
          %dma_wait3A_335 = tpu.memref_slice %arg8[%add3A_269, %dma_wait3A_333, %dma_wait3A_334] : memref<4096x200x138xf32, #tpu.memory_space<hbm>> -> memref<1x200x128xf32, #tpu.memory_space<hbm>>
          %dma_wait3A_336 = tpu.memref_squeeze %dma_wait3A_335 : memref<1x200x128xf32, #tpu.memory_space<hbm>> -> memref<200x128xf32, #tpu.memory_space<hbm>>
          %dma_wait3A_337 = arith.constant 0 : i32
          %dma_wait3A_338 = arith.constant 0 : i32
          %dma_wait3A_339 = tpu.memref_slice %arg8[%add3A_269, %dma_wait3A_337, %dma_wait3A_338] : memref<4096x200x138xf32, #tpu.memory_space<hbm>> -> memref<1x200x128xf32, #tpu.memory_space<hbm>>
          %dma_wait3A_340 = tpu.memref_squeeze %dma_wait3A_339 : memref<1x200x128xf32, #tpu.memory_space<hbm>> -> memref<200x128xf32, #tpu.memory_space<hbm>>
          tpu.wait_dma2 semaphore(%arg22 : memref<!tpu.dma_semaphore, #tpu.memory_space<semaphore_mem>>) src(%arg15 : memref<200x128xf32, #tpu.memory_space<vmem>>) dst(%dma_wait3A_340 : memref<200x128xf32, #tpu.memory_space<hbm>>)
        } else {
        }
        %le3A_307 = arith.constant 2 : i32
        %le3A_308 = arith.cmpi sle, %scan3A_176, %le3A_307 : i32
        %convert_element_type3A_309 = arith.extui %le3A_308 : i1 to i32
        %cond3A_310 = arith.constant 0 : i32
        %cond3A_311 = arith.cmpi ne, %convert_element_type3A_309, %cond3A_310 : i32
        scf.if %cond3A_311 {
          %add3A_333 = arith.constant 2 : i32
          %add3A_334 = arith.addi %mul3A_186, %add3A_333 : i32
          %mul3A_335 = arith.constant 200 : i32
          %mul3A_336 = arith.muli %add3A_334, %mul3A_335 : i32
          %dma_start3A_337 = arith.constant 0 : i32
          %dma_start3A_338 = arith.constant 0 : i32
          %dma_start3A_339 = tpu.memref_slice %arg15[%dma_start3A_337, %dma_start3A_338] : memref<200x128xf32, #tpu.memory_space<vmem>> -> memref<104x128xf32, #tpu.memory_space<vmem>>
          %dma_start3A_340 = tpu.memref_slice %arg10[%mul3A_336] : memref<1608xi32, #tpu.memory_space<vmem>> -> memref<104xi32, #tpu.memory_space<vmem>>
          %dma_start3A_341 = arith.constant 0 : i32
          %dma_start3A_342 = arith.constant 0 : i32
          %dma_start3A_343 = tpu.memref_slice %arg5[%dma_start3A_341, %dma_start3A_342] : memref<100000x128xf32, #tpu.memory_space<hbm>> -> memref<100000x128xf32, #tpu.memory_space<hbm>>
          tpu.enqueue_indirect_dma source(%dma_start3A_343 : memref<100000x128xf32, #tpu.memory_space<hbm>>) target(%dma_start3A_339 : memref<104x128xf32, #tpu.memory_space<vmem>>) offsets(%dma_start3A_340 : memref<104xi32, #tpu.memory_space<vmem>>) semaphore(%arg20 : memref<!tpu.dma_semaphore, #tpu.memory_space<semaphore_mem>>)
          %add3A_344 = arith.constant 104 : i32
          %add3A_345 = arith.addi %mul3A_336, %add3A_344 : i32
          %dma_start3A_346 = arith.constant 104 : i32
          %dma_start3A_347 = arith.constant 0 : i32
          %dma_start3A_348 = tpu.memref_slice %arg15[%dma_start3A_346, %dma_start3A_347] : memref<200x128xf32, #tpu.memory_space<vmem>> -> memref<96x128xf32, #tpu.memory_space<vmem>>
          %dma_start3A_349 = tpu.memref_slice %arg10[%add3A_345] : memref<1608xi32, #tpu.memory_space<vmem>> -> memref<96xi32, #tpu.memory_space<vmem>>
          %dma_start3A_350 = arith.constant 0 : i32
          %dma_start3A_351 = arith.constant 0 : i32
          %dma_start3A_352 = tpu.memref_slice %arg5[%dma_start3A_350, %dma_start3A_351] : memref<100000x128xf32, #tpu.memory_space<hbm>> -> memref<100000x128xf32, #tpu.memory_space<hbm>>
          tpu.enqueue_indirect_dma source(%dma_start3A_352 : memref<100000x128xf32, #tpu.memory_space<hbm>>) target(%dma_start3A_348 : memref<96x128xf32, #tpu.memory_space<vmem>>) offsets(%dma_start3A_349 : memref<96xi32, #tpu.memory_space<vmem>>) semaphore(%arg20 : memref<!tpu.dma_semaphore, #tpu.memory_space<semaphore_mem>>)
        } else {
        }
        %ge3A_312 = arith.constant 1 : i32
        %ge3A_313 = arith.cmpi sge, %add3A_265, %ge3A_312 : i32
        %convert_element_type3A_314 = arith.extui %ge3A_313 : i1 to i32
        %cond3A_315 = arith.constant 0 : i32
        %cond3A_316 = arith.cmpi ne, %convert_element_type3A_314, %cond3A_315 : i32
        scf.if %cond3A_316 {
          %dma_wait3A_333 = arith.constant 0 : i32
          %dma_wait3A_334 = arith.constant 128 : i32
          %dma_wait3A_335 = tpu.memref_slice %arg8[%add3A_269, %dma_wait3A_333, %dma_wait3A_334] : memref<4096x200x138xf32, #tpu.memory_space<hbm>> -> memref<1x200x10xf32, #tpu.memory_space<hbm>>
          %dma_wait3A_336 = tpu.memref_squeeze %dma_wait3A_335 : memref<1x200x10xf32, #tpu.memory_space<hbm>> -> memref<200x10xf32, #tpu.memory_space<hbm>>
          %dma_wait3A_337 = arith.constant 0 : i32
          %dma_wait3A_338 = arith.constant 128 : i32
          %dma_wait3A_339 = tpu.memref_slice %arg8[%add3A_269, %dma_wait3A_337, %dma_wait3A_338] : memref<4096x200x138xf32, #tpu.memory_space<hbm>> -> memref<1x200x10xf32, #tpu.memory_space<hbm>>
          %dma_wait3A_340 = tpu.memref_squeeze %dma_wait3A_339 : memref<1x200x10xf32, #tpu.memory_space<hbm>> -> memref<200x10xf32, #tpu.memory_space<hbm>>
          tpu.wait_dma2 semaphore(%arg26 : memref<!tpu.dma_semaphore, #tpu.memory_space<semaphore_mem>>) src(%arg17 : memref<200x10xf32, #tpu.memory_space<vmem>>) dst(%dma_wait3A_340 : memref<200x10xf32, #tpu.memory_space<hbm>>)
        } else {
        }
        %mul3A_317 = arith.constant 200 : i32
        %mul3A_318 = arith.muli %add3A_267, %mul3A_317 : i32
        %scan3A_319 = arith.constant 0 : i32
        %scan3A_320 = arith.constant 0 : i32
        %scan3A_321 = arith.constant 13 : i32
        %scan3A_322 = arith.addi %scan3A_320, %scan3A_321 : i32
        %scan3A_323 = arith.constant 1 : i32
        scf.for %scan3A_333 = %scan3A_320 to %scan3A_322 step %scan3A_323  : i32 {
          %mul3A_334 = arith.constant 16 : i32
          %mul3A_335 = arith.muli %scan3A_333, %mul3A_334 : i32
          %add3A_336 = vector.broadcast %mul3A_335 : i32 to vector<16xi32>
          %add3A_337 = arith.addi %add3A_336, %iota3A : vector<16xi32>
          %lt3A = arith.constant 200 : i32
          %lt3A_338 = vector.broadcast %lt3A : i32 to vector<16xi32>
          %lt3A_339 = arith.cmpi slt, %add3A_337, %lt3A_338 : vector<16xi32>
          %mul3A_340 = arith.constant 16 : i32
          %mul3A_341 = arith.muli %scan3A_333, %mul3A_340 : i32
          %add3A_342 = arith.addi %mul3A_318, %mul3A_341 : i32
          %get3A = arith.index_cast %add3A_342 : i32 to index
          %get3A_343 = tpu.vector_load %arg12[%get3A] {strides = array<i32>} : memref<1608xi32, #tpu.memory_space<vmem>>, vector<16xi32>,
          %mul3A_344 = arith.constant 5 : i32
          %mul3A_345 = vector.broadcast %mul3A_344 : i32 to vector<16xi32>
          %mul3A_346 = arith.muli %get3A_343, %mul3A_345 : vector<16xi32>
          %jit3A = arith.constant 0 : i32
          %broadcast_in_dim3A = vector.broadcast %jit3A : i32 to vector<16xi32>
          %select_n3A = arith.select %lt3A_339, %mul3A_346, %broadcast_in_dim3A : vector<16xi1>, vector<16xi32>
          %broadcast_in_dim3A_347 = arith.constant 0 : i32
          %broadcast_in_dim3A_348 = vector.broadcast %broadcast_in_dim3A_347 : i32 to vector<16xi32>
          %add3A_349 = arith.constant 0 : i32
          %add3A_350 = vector.broadcast %add3A_349 : i32 to vector<16xi32>
          %add3A_351 = arith.addi %select_n3A, %add3A_350 : vector<16xi32>
          %gather3A = tpu.vector_load_idx %arg18[%add3A_351] : memref<1024xf32, #tpu.memory_space<vmem>>[vector<16xi32>], vector<16xf32>,
          %add3A_352 = arith.constant 0 : i32
          %add3A_353 = vector.broadcast %add3A_352 : i32 to vector<16xi32>
          %add3A_354 = arith.addi %broadcast_in_dim3A_348, %add3A_353 : vector<16xi32>
          tpu.vector_store_idx %arg17[%add3A_337, %add3A_354], %gather3A masked %lt3A_339 : memref<200x10xf32, #tpu.memory_space<vmem>>[vector<16xi32>, vector<16xi32>], vector<16xf32>, vector<16xi1>
          %broadcast_in_dim3A_355 = arith.constant 1 : i32
          %broadcast_in_dim3A_356 = vector.broadcast %broadcast_in_dim3A_355 : i32 to vector<16xi32>
          %add3A_357 = arith.constant 1 : i32
          %add3A_358 = vector.broadcast %add3A_357 : i32 to vector<16xi32>
          %add3A_359 = arith.addi %select_n3A, %add3A_358 : vector<16xi32>
          %gather3A_360 = tpu.vector_load_idx %arg18[%add3A_359] : memref<1024xf32, #tpu.memory_space<vmem>>[vector<16xi32>], vector<16xf32>,
          %add3A_361 = arith.constant 0 : i32
          %add3A_362 = vector.broadcast %add3A_361 : i32 to vector<16xi32>
          %add3A_363 = arith.addi %broadcast_in_dim3A_356, %add3A_362 : vector<16xi32>
          tpu.vector_store_idx %arg17[%add3A_337, %add3A_363], %gather3A_360 masked %lt3A_339 : memref<200x10xf32, #tpu.memory_space<vmem>>[vector<16xi32>, vector<16xi32>], vector<16xf32>, vector<16xi1>
          %broadcast_in_dim3A_364 = arith.constant 2 : i32
          %broadcast_in_dim3A_365 = vector.broadcast %broadcast_in_dim3A_364 : i32 to vector<16xi32>
          %add3A_366 = arith.constant 2 : i32
          %add3A_367 = vector.broadcast %add3A_366 : i32 to vector<16xi32>
          %add3A_368 = arith.addi %select_n3A, %add3A_367 : vector<16xi32>
          %gather3A_369 = tpu.vector_load_idx %arg18[%add3A_368] : memref<1024xf32, #tpu.memory_space<vmem>>[vector<16xi32>], vector<16xf32>,
          %add3A_370 = arith.constant 0 : i32
          %add3A_371 = vector.broadcast %add3A_370 : i32 to vector<16xi32>
          %add3A_372 = arith.addi %broadcast_in_dim3A_365, %add3A_371 : vector<16xi32>
          tpu.vector_store_idx %arg17[%add3A_337, %add3A_372], %gather3A_369 masked %lt3A_339 : memref<200x10xf32, #tpu.memory_space<vmem>>[vector<16xi32>, vector<16xi32>], vector<16xf32>, vector<16xi1>
          %broadcast_in_dim3A_373 = arith.constant 3 : i32
          %broadcast_in_dim3A_374 = vector.broadcast %broadcast_in_dim3A_373 : i32 to vector<16xi32>
          %add3A_375 = arith.constant 3 : i32
          %add3A_376 = vector.broadcast %add3A_375 : i32 to vector<16xi32>
          %add3A_377 = arith.addi %select_n3A, %add3A_376 : vector<16xi32>
          %gather3A_378 = tpu.vector_load_idx %arg18[%add3A_377] : memref<1024xf32, #tpu.memory_space<vmem>>[vector<16xi32>], vector<16xf32>,
          %add3A_379 = arith.constant 0 : i32
          %add3A_380 = vector.broadcast %add3A_379 : i32 to vector<16xi32>
          %add3A_381 = arith.addi %broadcast_in_dim3A_374, %add3A_380 : vector<16xi32>
          tpu.vector_store_idx %arg17[%add3A_337, %add3A_381], %gather3A_378 masked %lt3A_339 : memref<200x10xf32, #tpu.memory_space<vmem>>[vector<16xi32>, vector<16xi32>], vector<16xf32>, vector<16xi1>
          %broadcast_in_dim3A_382 = arith.constant 4 : i32
          %broadcast_in_dim3A_383 = vector.broadcast %broadcast_in_dim3A_382 : i32 to vector<16xi32>
          %add3A_384 = arith.constant 4 : i32
          %add3A_385 = vector.broadcast %add3A_384 : i32 to vector<16xi32>
          %add3A_386 = arith.addi %select_n3A, %add3A_385 : vector<16xi32>
          %gather3A_387 = tpu.vector_load_idx %arg18[%add3A_386] : memref<1024xf32, #tpu.memory_space<vmem>>[vector<16xi32>], vector<16xf32>,
          %add3A_388 = arith.constant 0 : i32
          %add3A_389 = vector.broadcast %add3A_388 : i32 to vector<16xi32>
          %add3A_390 = arith.addi %broadcast_in_dim3A_383, %add3A_389 : vector<16xi32>
          tpu.vector_store_idx %arg17[%add3A_337, %add3A_390], %gather3A_387 masked %lt3A_339 : memref<200x10xf32, #tpu.memory_space<vmem>>[vector<16xi32>, vector<16xi32>], vector<16xf32>, vector<16xi1>
          %mul3A_391 = arith.constant 16 : i32
          %mul3A_392 = arith.muli %scan3A_333, %mul3A_391 : i32
          %add3A_393 = arith.addi %mul3A_318, %mul3A_392 : i32
          %get3A_394 = arith.index_cast %add3A_393 : i32 to index
          %get3A_395 = tpu.vector_load %arg14[%get3A_394] {strides = array<i32>} : memref<1608xi32, #tpu.memory_space<vmem>>, vector<16xi32>,
          %mul3A_396 = arith.constant 5 : i32
          %mul3A_397 = vector.broadcast %mul3A_396 : i32 to vector<16xi32>
          %mul3A_398 = arith.muli %get3A_395, %mul3A_397 : vector<16xi32>
          %jit3A_399 = arith.constant 0 : i32
          %broadcast_in_dim3A_400 = vector.broadcast %jit3A_399 : i32 to vector<16xi32>
          %select_n3A_401 = arith.select %lt3A_339, %mul3A_398, %broadcast_in_dim3A_400 : vector<16xi1>, vector<16xi32>
          %broadcast_in_dim3A_402 = arith.constant 0 : i32
          %broadcast_in_dim3A_403 = vector.broadcast %broadcast_in_dim3A_402 : i32 to vector<16xi32>
          %add3A_404 = arith.constant 0 : i32
          %add3A_405 = vector.broadcast %add3A_404 : i32 to vector<16xi32>
          %add3A_406 = arith.addi %select_n3A_401, %add3A_405 : vector<16xi32>
          %gather3A_407 = tpu.vector_load_idx %arg19[%add3A_406] : memref<1024xf32, #tpu.memory_space<vmem>>[vector<16xi32>], vector<16xf32>,
          %add3A_408 = arith.constant 5 : i32
          %add3A_409 = vector.broadcast %add3A_408 : i32 to vector<16xi32>
          %add3A_410 = arith.addi %broadcast_in_dim3A_403, %add3A_409 : vector<16xi32>
          tpu.vector_store_idx %arg17[%add3A_337, %add3A_410], %gather3A_407 masked %lt3A_339 : memref<200x10xf32, #tpu.memory_space<vmem>>[vector<16xi32>, vector<16xi32>], vector<16xf32>, vector<16xi1>
          %broadcast_in_dim3A_411 = arith.constant 1 : i32
          %broadcast_in_dim3A_412 = vector.broadcast %broadcast_in_dim3A_411 : i32 to vector<16xi32>
          %add3A_413 = arith.constant 1 : i32
          %add3A_414 = vector.broadcast %add3A_413 : i32 to vector<16xi32>
          %add3A_415 = arith.addi %select_n3A_401, %add3A_414 : vector<16xi32>
          %gather3A_416 = tpu.vector_load_idx %arg19[%add3A_415] : memref<1024xf32, #tpu.memory_space<vmem>>[vector<16xi32>], vector<16xf32>,
          %add3A_417 = arith.constant 5 : i32
          %add3A_418 = vector.broadcast %add3A_417 : i32 to vector<16xi32>
          %add3A_419 = arith.addi %broadcast_in_dim3A_412, %add3A_418 : vector<16xi32>
          tpu.vector_store_idx %arg17[%add3A_337, %add3A_419], %gather3A_416 masked %lt3A_339 : memref<200x10xf32, #tpu.memory_space<vmem>>[vector<16xi32>, vector<16xi32>], vector<16xf32>, vector<16xi1>
          %broadcast_in_dim3A_420 = arith.constant 2 : i32
          %broadcast_in_dim3A_421 = vector.broadcast %broadcast_in_dim3A_420 : i32 to vector<16xi32>
          %add3A_422 = arith.constant 2 : i32
          %add3A_423 = vector.broadcast %add3A_422 : i32 to vector<16xi32>
          %add3A_424 = arith.addi %select_n3A_401, %add3A_423 : vector<16xi32>
          %gather3A_425 = tpu.vector_load_idx %arg19[%add3A_424] : memref<1024xf32, #tpu.memory_space<vmem>>[vector<16xi32>], vector<16xf32>,
          %add3A_426 = arith.constant 5 : i32
          %add3A_427 = vector.broadcast %add3A_426 : i32 to vector<16xi32>
          %add3A_428 = arith.addi %broadcast_in_dim3A_421, %add3A_427 : vector<16xi32>
          tpu.vector_store_idx %arg17[%add3A_337, %add3A_428], %gather3A_425 masked %lt3A_339 : memref<200x10xf32, #tpu.memory_space<vmem>>[vector<16xi32>, vector<16xi32>], vector<16xf32>, vector<16xi1>
          %broadcast_in_dim3A_429 = arith.constant 3 : i32
          %broadcast_in_dim3A_430 = vector.broadcast %broadcast_in_dim3A_429 : i32 to vector<16xi32>
          %add3A_431 = arith.constant 3 : i32
          %add3A_432 = vector.broadcast %add3A_431 : i32 to vector<16xi32>
          %add3A_433 = arith.addi %select_n3A_401, %add3A_432 : vector<16xi32>
          %gather3A_434 = tpu.vector_load_idx %arg19[%add3A_433] : memref<1024xf32, #tpu.memory_space<vmem>>[vector<16xi32>], vector<16xf32>,
          %add3A_435 = arith.constant 5 : i32
          %add3A_436 = vector.broadcast %add3A_435 : i32 to vector<16xi32>
          %add3A_437 = arith.addi %broadcast_in_dim3A_430, %add3A_436 : vector<16xi32>
          tpu.vector_store_idx %arg17[%add3A_337, %add3A_437], %gather3A_434 masked %lt3A_339 : memref<200x10xf32, #tpu.memory_space<vmem>>[vector<16xi32>, vector<16xi32>], vector<16xf32>, vector<16xi1>
          %broadcast_in_dim3A_438 = arith.constant 4 : i32
          %broadcast_in_dim3A_439 = vector.broadcast %broadcast_in_dim3A_438 : i32 to vector<16xi32>
          %add3A_440 = arith.constant 4 : i32
          %add3A_441 = vector.broadcast %add3A_440 : i32 to vector<16xi32>
          %add3A_442 = arith.addi %select_n3A_401, %add3A_441 : vector<16xi32>
          %gather3A_443 = tpu.vector_load_idx %arg19[%add3A_442] : memref<1024xf32, #tpu.memory_space<vmem>>[vector<16xi32>], vector<16xf32>,
          %add3A_444 = arith.constant 5 : i32
          %add3A_445 = vector.broadcast %add3A_444 : i32 to vector<16xi32>
          %add3A_446 = arith.addi %broadcast_in_dim3A_439, %add3A_445 : vector<16xi32>
          tpu.vector_store_idx %arg17[%add3A_337, %add3A_446], %gather3A_443 masked %lt3A_339 : memref<200x10xf32, #tpu.memory_space<vmem>>[vector<16xi32>, vector<16xi32>], vector<16xf32>, vector<16xi1>
        }
        %scan3A_324 = arith.constant 13 : i32
        %dma_start3A_325 = arith.constant 0 : i32
        %dma_start3A_326 = arith.constant 128 : i32
        %dma_start3A_327 = tpu.memref_slice %arg8[%add3A_269, %dma_start3A_325, %dma_start3A_326] : memref<4096x200x138xf32, #tpu.memory_space<hbm>> -> memref<1x200x10xf32, #tpu.memory_space<hbm>>
        %dma_start3A_328 = tpu.memref_squeeze %dma_start3A_327 : memref<1x200x10xf32, #tpu.memory_space<hbm>> -> memref<200x10xf32, #tpu.memory_space<hbm>>
        %dma_start3A_329 = arith.constant 0 : i32
        %dma_start3A_330 = arith.constant 128 : i32
        %dma_start3A_331 = tpu.memref_slice %arg8[%add3A_269, %dma_start3A_329, %dma_start3A_330] : memref<4096x200x138xf32, #tpu.memory_space<hbm>> -> memref<1x200x10xf32, #tpu.memory_space<hbm>>
        %dma_start3A_332 = tpu.memref_squeeze %dma_start3A_331 : memref<1x200x10xf32, #tpu.memory_space<hbm>> -> memref<200x10xf32, #tpu.memory_space<hbm>>
        tpu.enqueue_dma source(%arg17 : memref<200x10xf32, #tpu.memory_space<vmem>>) target(%dma_start3A_332 : memref<200x10xf32, #tpu.memory_space<hbm>>) target_semaphore(%arg26 : memref<!tpu.dma_semaphore, #tpu.memory_space<semaphore_mem>>)
      }
      %scan3A_175 = arith.constant 4 : i32
    }
    %scan3A_28 = arith.constant 8 : i32
    %dma_wait3A = arith.constant 0 : i32
    %dma_wait3A_29 = arith.constant 0 : i32
    %dma_wait3A_30 = tpu.memref_slice %arg8[%mul3A_2, %dma_wait3A, %dma_wait3A_29] : memref<4096x200x138xf32, #tpu.memory_space<hbm>> -> memref<1x200x128xf32, #tpu.memory_space<hbm>>
    %dma_wait3A_31 = tpu.memref_squeeze %dma_wait3A_30 : memref<1x200x128xf32, #tpu.memory_space<hbm>> -> memref<200x128xf32, #tpu.memory_space<hbm>>
    %dma_wait3A_32 = arith.constant 0 : i32
    %dma_wait3A_33 = arith.constant 0 : i32
    %dma_wait3A_34 = tpu.memref_slice %arg8[%mul3A_2, %dma_wait3A_32, %dma_wait3A_33] : memref<4096x200x138xf32, #tpu.memory_space<hbm>> -> memref<1x200x128xf32, #tpu.memory_space<hbm>>
    %dma_wait3A_35 = tpu.memref_squeeze %dma_wait3A_34 : memref<1x200x128xf32, #tpu.memory_space<hbm>> -> memref<200x128xf32, #tpu.memory_space<hbm>>
    tpu.wait_dma2 semaphore(%arg23 : memref<!tpu.dma_semaphore, #tpu.memory_space<semaphore_mem>>) src(%arg16 : memref<200x128xf32, #tpu.memory_space<vmem>>) dst(%dma_wait3A_35 : memref<200x128xf32, #tpu.memory_space<hbm>>)
    %dma_wait3A_36 = arith.constant 0 : i32
    %dma_wait3A_37 = arith.constant 128 : i32
    %dma_wait3A_38 = tpu.memref_slice %arg8[%mul3A_2, %dma_wait3A_36, %dma_wait3A_37] : memref<4096x200x138xf32, #tpu.memory_space<hbm>> -> memref<1x200x10xf32, #tpu.memory_space<hbm>>
    %dma_wait3A_39 = tpu.memref_squeeze %dma_wait3A_38 : memref<1x200x10xf32, #tpu.memory_space<hbm>> -> memref<200x10xf32, #tpu.memory_space<hbm>>
    %dma_wait3A_40 = arith.constant 0 : i32
    %dma_wait3A_41 = arith.constant 128 : i32
    %dma_wait3A_42 = tpu.memref_slice %arg8[%mul3A_2, %dma_wait3A_40, %dma_wait3A_41] : memref<4096x200x138xf32, #tpu.memory_space<hbm>> -> memref<1x200x10xf32, #tpu.memory_space<hbm>>
    %dma_wait3A_43 = tpu.memref_squeeze %dma_wait3A_42 : memref<1x200x10xf32, #tpu.memory_space<hbm>> -> memref<200x10xf32, #tpu.memory_space<hbm>>
    tpu.wait_dma2 semaphore(%arg26 : memref<!tpu.dma_semaphore, #tpu.memory_space<semaphore_mem>>) src(%arg17 : memref<200x10xf32, #tpu.memory_space<vmem>>) dst(%dma_wait3A_43 : memref<200x10xf32, #tpu.memory_space<hbm>>)
    return
  }
}

#map = affine_map<(d0, d1) -> (0)>
#map1 = affine_map<(d0, d1) -> (0, 0)>
#map2 = affine_map<(d0, d1) -> (0, 0, 0)>
module attributes {stable_mosaic.version = 14 : i64} {
  func.func @_xe_body(%arg0: i32, %arg1: i32, %arg2: memref<4096xi32, #tpu.memory_space<hbm>>, %arg3: memref<4096xi32, #tpu.memory_space<hbm>>, %arg4: memref<100000x128xf32, #tpu.memory_space<hbm>>, %arg5: memref<4096x200x138xf32, #tpu.memory_space<hbm>>, %arg6: memref<4096x200x384xf32, #tpu.memory_space<hbm>>, %arg7: memref<16xi32, #tpu.memory_space<vmem>>, %arg8: memref<16xi32, #tpu.memory_space<vmem>>, %arg9: memref<16x128xf32, #tpu.memory_space<vmem>>, %arg10: memref<16x128xf32, #tpu.memory_space<vmem>>, %arg11: memref<200x128xf32, #tpu.memory_space<vmem>>, %arg12: memref<200x128xf32, #tpu.memory_space<vmem>>, %arg13: memref<96x256xf32, #tpu.memory_space<vmem>>, %arg14: memref<96x256xf32, #tpu.memory_space<vmem>>, %arg15: memref<!tpu.dma_semaphore, #tpu.memory_space<semaphore_mem>>, %arg16: memref<!tpu.dma_semaphore, #tpu.memory_space<semaphore_mem>>, %arg17: memref<!tpu.dma_semaphore, #tpu.memory_space<semaphore_mem>>, %arg18: memref<!tpu.dma_semaphore, #tpu.memory_space<semaphore_mem>>, %arg19: memref<!tpu.dma_semaphore, #tpu.memory_space<semaphore_mem>>, %arg20: memref<!tpu.dma_semaphore, #tpu.memory_space<semaphore_mem>>, %arg21: memref<!tpu.dma_semaphore, #tpu.memory_space<semaphore_mem>>, %arg22: memref<!tpu.dma_semaphore, #tpu.memory_space<semaphore_mem>>) attributes {dimension_semantics = [#tpu.dimension_semantics<core_parallel>, #tpu.dimension_semantics<subcore_parallel>], iteration_bounds = array<i64: 2, 16>, scalar_prefetch = 0 : i64, scratch_operands = 16 : i64, tpu.core_type = #tpu.core_type<sc_vector_subcore>, window_params = [{transform_indices = #map}, {transform_indices = #map}, {transform_indices = #map1}, {transform_indices = #map2}, {transform_indices = #map2}]} {
    %mul3A = arith.constant 2 : i32
    %mul3A_0 = arith.muli %arg1, %mul3A : i32
    %add3A = arith.addi %mul3A_0, %arg0 : i32
    %mul3A_1 = arith.constant 128 : i32
    %mul3A_2 = arith.muli %add3A, %mul3A_1 : i32
    "tpu.region"() ({
      %run_scoped3A = tpu.sem_alloc : memref<!tpu.dma_semaphore, #tpu.memory_space<semaphore_mem>>
      %dma_start3A_98 = arith.constant 0 : i32
      %dma_start3A_99 = tpu.memref_slice %arg7[%dma_start3A_98] : memref<16xi32, #tpu.memory_space<vmem>> -> memref<8xi32, #tpu.memory_space<vmem>>
      %dma_start3A_100 = tpu.memref_slice %arg2[%mul3A_2] : memref<4096xi32, #tpu.memory_space<hbm>> -> memref<8xi32, #tpu.memory_space<hbm>>
      %dma_start3A_101 = arith.constant 0 : i32
      %dma_start3A_102 = tpu.memref_slice %arg7[%dma_start3A_101] : memref<16xi32, #tpu.memory_space<vmem>> -> memref<8xi32, #tpu.memory_space<vmem>>
      %dma_start3A_103 = tpu.memref_slice %arg2[%mul3A_2] : memref<4096xi32, #tpu.memory_space<hbm>> -> memref<8xi32, #tpu.memory_space<hbm>>
      tpu.enqueue_dma source(%dma_start3A_103 : memref<8xi32, #tpu.memory_space<hbm>>) target(%dma_start3A_102 : memref<8xi32, #tpu.memory_space<vmem>>) target_semaphore(%run_scoped3A : memref<!tpu.dma_semaphore, #tpu.memory_space<semaphore_mem>>)
      %dma_wait3A_104 = arith.constant 0 : i32
      %dma_wait3A_105 = tpu.memref_slice %arg7[%dma_wait3A_104] : memref<16xi32, #tpu.memory_space<vmem>> -> memref<8xi32, #tpu.memory_space<vmem>>
      %dma_wait3A_106 = tpu.memref_slice %arg2[%mul3A_2] : memref<4096xi32, #tpu.memory_space<hbm>> -> memref<8xi32, #tpu.memory_space<hbm>>
      %dma_wait3A_107 = arith.constant 0 : i32
      %dma_wait3A_108 = tpu.memref_slice %arg7[%dma_wait3A_107] : memref<16xi32, #tpu.memory_space<vmem>> -> memref<8xi32, #tpu.memory_space<vmem>>
      %dma_wait3A_109 = tpu.memref_slice %arg2[%mul3A_2] : memref<4096xi32, #tpu.memory_space<hbm>> -> memref<8xi32, #tpu.memory_space<hbm>>
      tpu.wait_dma2 semaphore(%run_scoped3A : memref<!tpu.dma_semaphore, #tpu.memory_space<semaphore_mem>>) src(%dma_wait3A_109 : memref<8xi32, #tpu.memory_space<hbm>>) dst(%dma_wait3A_108 : memref<8xi32, #tpu.memory_space<vmem>>)
      tpu.yield
    }) : () -> ()
    "tpu.region"() ({
      %run_scoped3A = tpu.sem_alloc : memref<!tpu.dma_semaphore, #tpu.memory_space<semaphore_mem>>
      %dma_start3A_98 = arith.constant 8 : i32
      %dma_start3A_99 = tpu.memref_slice %arg7[%dma_start3A_98] : memref<16xi32, #tpu.memory_space<vmem>> -> memref<8xi32, #tpu.memory_space<vmem>>
      %dma_start3A_100 = tpu.memref_slice %arg3[%mul3A_2] : memref<4096xi32, #tpu.memory_space<hbm>> -> memref<8xi32, #tpu.memory_space<hbm>>
      %dma_start3A_101 = arith.constant 8 : i32
      %dma_start3A_102 = tpu.memref_slice %arg7[%dma_start3A_101] : memref<16xi32, #tpu.memory_space<vmem>> -> memref<8xi32, #tpu.memory_space<vmem>>
      %dma_start3A_103 = tpu.memref_slice %arg3[%mul3A_2] : memref<4096xi32, #tpu.memory_space<hbm>> -> memref<8xi32, #tpu.memory_space<hbm>>
      tpu.enqueue_dma source(%dma_start3A_103 : memref<8xi32, #tpu.memory_space<hbm>>) target(%dma_start3A_102 : memref<8xi32, #tpu.memory_space<vmem>>) target_semaphore(%run_scoped3A : memref<!tpu.dma_semaphore, #tpu.memory_space<semaphore_mem>>)
      %dma_wait3A_104 = arith.constant 8 : i32
      %dma_wait3A_105 = tpu.memref_slice %arg7[%dma_wait3A_104] : memref<16xi32, #tpu.memory_space<vmem>> -> memref<8xi32, #tpu.memory_space<vmem>>
      %dma_wait3A_106 = tpu.memref_slice %arg3[%mul3A_2] : memref<4096xi32, #tpu.memory_space<hbm>> -> memref<8xi32, #tpu.memory_space<hbm>>
      %dma_wait3A_107 = arith.constant 8 : i32
      %dma_wait3A_108 = tpu.memref_slice %arg7[%dma_wait3A_107] : memref<16xi32, #tpu.memory_space<vmem>> -> memref<8xi32, #tpu.memory_space<vmem>>
      %dma_wait3A_109 = tpu.memref_slice %arg3[%mul3A_2] : memref<4096xi32, #tpu.memory_space<hbm>> -> memref<8xi32, #tpu.memory_space<hbm>>
      tpu.wait_dma2 semaphore(%run_scoped3A : memref<!tpu.dma_semaphore, #tpu.memory_space<semaphore_mem>>) src(%dma_wait3A_109 : memref<8xi32, #tpu.memory_space<hbm>>) dst(%dma_wait3A_108 : memref<8xi32, #tpu.memory_space<vmem>>)
      tpu.yield
    }) : () -> ()
    %dma_start3A = arith.constant 0 : i32
    %dma_start3A_3 = arith.constant 0 : i32
    %dma_start3A_4 = tpu.memref_slice %arg9[%dma_start3A, %dma_start3A_3] : memref<16x128xf32, #tpu.memory_space<vmem>> -> memref<8x128xf32, #tpu.memory_space<vmem>>
    %dma_start3A_5 = arith.constant 0 : i32
    %dma_start3A_6 = tpu.memref_slice %arg7[%dma_start3A_5] : memref<16xi32, #tpu.memory_space<vmem>> -> memref<8xi32, #tpu.memory_space<vmem>>
    %dma_start3A_7 = arith.constant 0 : i32
    %dma_start3A_8 = arith.constant 0 : i32
    %dma_start3A_9 = tpu.memref_slice %arg4[%dma_start3A_7, %dma_start3A_8] : memref<100000x128xf32, #tpu.memory_space<hbm>> -> memref<100000x128xf32, #tpu.memory_space<hbm>>
    tpu.enqueue_indirect_dma source(%dma_start3A_9 : memref<100000x128xf32, #tpu.memory_space<hbm>>) target(%dma_start3A_4 : memref<8x128xf32, #tpu.memory_space<vmem>>) offsets(%dma_start3A_6 : memref<8xi32, #tpu.memory_space<vmem>>) semaphore(%arg21 : memref<!tpu.dma_semaphore, #tpu.memory_space<semaphore_mem>>)
    %dma_start3A_10 = arith.constant 8 : i32
    %dma_start3A_11 = arith.constant 0 : i32
    %dma_start3A_12 = tpu.memref_slice %arg9[%dma_start3A_10, %dma_start3A_11] : memref<16x128xf32, #tpu.memory_space<vmem>> -> memref<8x128xf32, #tpu.memory_space<vmem>>
    %dma_start3A_13 = arith.constant 8 : i32
    %dma_start3A_14 = tpu.memref_slice %arg7[%dma_start3A_13] : memref<16xi32, #tpu.memory_space<vmem>> -> memref<8xi32, #tpu.memory_space<vmem>>
    %dma_start3A_15 = arith.constant 0 : i32
    %dma_start3A_16 = arith.constant 0 : i32
    %dma_start3A_17 = tpu.memref_slice %arg4[%dma_start3A_15, %dma_start3A_16] : memref<100000x128xf32, #tpu.memory_space<hbm>> -> memref<100000x128xf32, #tpu.memory_space<hbm>>
    tpu.enqueue_indirect_dma source(%dma_start3A_17 : memref<100000x128xf32, #tpu.memory_space<hbm>>) target(%dma_start3A_12 : memref<8x128xf32, #tpu.memory_space<vmem>>) offsets(%dma_start3A_14 : memref<8xi32, #tpu.memory_space<vmem>>) semaphore(%arg21 : memref<!tpu.dma_semaphore, #tpu.memory_space<semaphore_mem>>)
    %dma_start3A_18 = arith.constant 0 : i32
    %dma_start3A_19 = arith.constant 0 : i32
    %dma_start3A_20 = tpu.memref_slice %arg5[%mul3A_2, %dma_start3A_18, %dma_start3A_19] : memref<4096x200x138xf32, #tpu.memory_space<hbm>> -> memref<1x200x128xf32, #tpu.memory_space<hbm>>
    %dma_start3A_21 = tpu.memref_squeeze %dma_start3A_20 : memref<1x200x128xf32, #tpu.memory_space<hbm>> -> memref<200x128xf32, #tpu.memory_space<hbm>>
    %dma_start3A_22 = arith.constant 0 : i32
    %dma_start3A_23 = arith.constant 0 : i32
    %dma_start3A_24 = tpu.memref_slice %arg5[%mul3A_2, %dma_start3A_22, %dma_start3A_23] : memref<4096x200x138xf32, #tpu.memory_space<hbm>> -> memref<1x200x128xf32, #tpu.memory_space<hbm>>
    %dma_start3A_25 = tpu.memref_squeeze %dma_start3A_24 : memref<1x200x128xf32, #tpu.memory_space<hbm>> -> memref<200x128xf32, #tpu.memory_space<hbm>>
    tpu.enqueue_dma source(%dma_start3A_25 : memref<200x128xf32, #tpu.memory_space<hbm>>) target(%arg11 : memref<200x128xf32, #tpu.memory_space<vmem>>) target_semaphore(%arg15 : memref<!tpu.dma_semaphore, #tpu.memory_space<semaphore_mem>>)
    %scan3A = arith.constant 0 : i32
    %scan3A_26 = arith.constant 0 : i32
    %scan3A_27 = arith.constant 8 : i32
    %scan3A_28 = arith.addi %scan3A_26, %scan3A_27 : i32
    %scan3A_29 = arith.constant 1 : i32
    scf.for %scan3A_98 = %scan3A_26 to %scan3A_28 step %scan3A_29  : i32 {
      %mul3A_99 = arith.constant 2 : i32
      %mul3A_100 = arith.muli %mul3A_99, %scan3A_98 : i32
      %add3A_101 = arith.constant 0 : i32
      %add3A_102 = arith.addi %mul3A_100, %add3A_101 : i32
      %mul3A_103 = arith.constant 8 : i32
      %mul3A_104 = arith.muli %add3A_102, %mul3A_103 : i32
      %add3A_105 = arith.addi %mul3A_2, %mul3A_104 : i32
      %dma_wait3A_106 = arith.constant 0 : i32
      %dma_wait3A_107 = arith.constant 0 : i32
      %dma_wait3A_108 = tpu.memref_slice %arg9[%dma_wait3A_106, %dma_wait3A_107] : memref<16x128xf32, #tpu.memory_space<vmem>> -> memref<8x128xf32, #tpu.memory_space<vmem>>
      %dma_wait3A_109 = arith.constant 0 : i32
      %dma_wait3A_110 = arith.constant 0 : i32
      %dma_wait3A_111 = tpu.memref_slice %arg4[%dma_wait3A_109, %dma_wait3A_110] : memref<100000x128xf32, #tpu.memory_space<hbm>> -> memref<8x128xf32, #tpu.memory_space<hbm>>
      %dma_wait3A_112 = arith.constant 0 : i32
      %dma_wait3A_113 = arith.constant 0 : i32
      %dma_wait3A_114 = tpu.memref_slice %arg9[%dma_wait3A_112, %dma_wait3A_113] : memref<16x128xf32, #tpu.memory_space<vmem>> -> memref<8x128xf32, #tpu.memory_space<vmem>>
      %dma_wait3A_115 = arith.constant 0 : i32
      %dma_wait3A_116 = arith.constant 0 : i32
      %dma_wait3A_117 = tpu.memref_slice %arg4[%dma_wait3A_115, %dma_wait3A_116] : memref<100000x128xf32, #tpu.memory_space<hbm>> -> memref<8x128xf32, #tpu.memory_space<hbm>>
      tpu.wait_dma2 semaphore(%arg21 : memref<!tpu.dma_semaphore, #tpu.memory_space<semaphore_mem>>) src(%dma_wait3A_117 : memref<8x128xf32, #tpu.memory_space<hbm>>) dst(%dma_wait3A_114 : memref<8x128xf32, #tpu.memory_space<vmem>>)
      %dma_wait3A_118 = arith.constant 8 : i32
      %dma_wait3A_119 = arith.constant 0 : i32
      %dma_wait3A_120 = tpu.memref_slice %arg9[%dma_wait3A_118, %dma_wait3A_119] : memref<16x128xf32, #tpu.memory_space<vmem>> -> memref<8x128xf32, #tpu.memory_space<vmem>>
      %dma_wait3A_121 = arith.constant 0 : i32
      %dma_wait3A_122 = arith.constant 0 : i32
      %dma_wait3A_123 = tpu.memref_slice %arg4[%dma_wait3A_121, %dma_wait3A_122] : memref<100000x128xf32, #tpu.memory_space<hbm>> -> memref<8x128xf32, #tpu.memory_space<hbm>>
      %dma_wait3A_124 = arith.constant 8 : i32
      %dma_wait3A_125 = arith.constant 0 : i32
      %dma_wait3A_126 = tpu.memref_slice %arg9[%dma_wait3A_124, %dma_wait3A_125] : memref<16x128xf32, #tpu.memory_space<vmem>> -> memref<8x128xf32, #tpu.memory_space<vmem>>
      %dma_wait3A_127 = arith.constant 0 : i32
      %dma_wait3A_128 = arith.constant 0 : i32
      %dma_wait3A_129 = tpu.memref_slice %arg4[%dma_wait3A_127, %dma_wait3A_128] : memref<100000x128xf32, #tpu.memory_space<hbm>> -> memref<8x128xf32, #tpu.memory_space<hbm>>
      tpu.wait_dma2 semaphore(%arg21 : memref<!tpu.dma_semaphore, #tpu.memory_space<semaphore_mem>>) src(%dma_wait3A_129 : memref<8x128xf32, #tpu.memory_space<hbm>>) dst(%dma_wait3A_126 : memref<8x128xf32, #tpu.memory_space<vmem>>)
      %add3A_130 = arith.constant 8 : i32
      %add3A_131 = arith.addi %add3A_105, %add3A_130 : i32
      "tpu.region"() ({
        %run_scoped3A = tpu.sem_alloc : memref<!tpu.dma_semaphore, #tpu.memory_space<semaphore_mem>>
        %dma_start3A_193 = arith.constant 0 : i32
        %dma_start3A_194 = tpu.memref_slice %arg8[%dma_start3A_193] : memref<16xi32, #tpu.memory_space<vmem>> -> memref<8xi32, #tpu.memory_space<vmem>>
        %dma_start3A_195 = tpu.memref_slice %arg2[%add3A_131] : memref<4096xi32, #tpu.memory_space<hbm>> -> memref<8xi32, #tpu.memory_space<hbm>>
        %dma_start3A_196 = arith.constant 0 : i32
        %dma_start3A_197 = tpu.memref_slice %arg8[%dma_start3A_196] : memref<16xi32, #tpu.memory_space<vmem>> -> memref<8xi32, #tpu.memory_space<vmem>>
        %dma_start3A_198 = tpu.memref_slice %arg2[%add3A_131] : memref<4096xi32, #tpu.memory_space<hbm>> -> memref<8xi32, #tpu.memory_space<hbm>>
        tpu.enqueue_dma source(%dma_start3A_198 : memref<8xi32, #tpu.memory_space<hbm>>) target(%dma_start3A_197 : memref<8xi32, #tpu.memory_space<vmem>>) target_semaphore(%run_scoped3A : memref<!tpu.dma_semaphore, #tpu.memory_space<semaphore_mem>>)
        %dma_wait3A_199 = arith.constant 0 : i32
        %dma_wait3A_200 = tpu.memref_slice %arg8[%dma_wait3A_199] : memref<16xi32, #tpu.memory_space<vmem>> -> memref<8xi32, #tpu.memory_space<vmem>>
        %dma_wait3A_201 = tpu.memref_slice %arg2[%add3A_131] : memref<4096xi32, #tpu.memory_space<hbm>> -> memref<8xi32, #tpu.memory_space<hbm>>
        %dma_wait3A_202 = arith.constant 0 : i32
        %dma_wait3A_203 = tpu.memref_slice %arg8[%dma_wait3A_202] : memref<16xi32, #tpu.memory_space<vmem>> -> memref<8xi32, #tpu.memory_space<vmem>>
        %dma_wait3A_204 = tpu.memref_slice %arg2[%add3A_131] : memref<4096xi32, #tpu.memory_space<hbm>> -> memref<8xi32, #tpu.memory_space<hbm>>
        tpu.wait_dma2 semaphore(%run_scoped3A : memref<!tpu.dma_semaphore, #tpu.memory_space<semaphore_mem>>) src(%dma_wait3A_204 : memref<8xi32, #tpu.memory_space<hbm>>) dst(%dma_wait3A_203 : memref<8xi32, #tpu.memory_space<vmem>>)
        tpu.yield
      }) : () -> ()
      "tpu.region"() ({
        %run_scoped3A = tpu.sem_alloc : memref<!tpu.dma_semaphore, #tpu.memory_space<semaphore_mem>>
        %dma_start3A_193 = arith.constant 8 : i32
        %dma_start3A_194 = tpu.memref_slice %arg8[%dma_start3A_193] : memref<16xi32, #tpu.memory_space<vmem>> -> memref<8xi32, #tpu.memory_space<vmem>>
        %dma_start3A_195 = tpu.memref_slice %arg3[%add3A_131] : memref<4096xi32, #tpu.memory_space<hbm>> -> memref<8xi32, #tpu.memory_space<hbm>>
        %dma_start3A_196 = arith.constant 8 : i32
        %dma_start3A_197 = tpu.memref_slice %arg8[%dma_start3A_196] : memref<16xi32, #tpu.memory_space<vmem>> -> memref<8xi32, #tpu.memory_space<vmem>>
        %dma_start3A_198 = tpu.memref_slice %arg3[%add3A_131] : memref<4096xi32, #tpu.memory_space<hbm>> -> memref<8xi32, #tpu.memory_space<hbm>>
        tpu.enqueue_dma source(%dma_start3A_198 : memref<8xi32, #tpu.memory_space<hbm>>) target(%dma_start3A_197 : memref<8xi32, #tpu.memory_space<vmem>>) target_semaphore(%run_scoped3A : memref<!tpu.dma_semaphore, #tpu.memory_space<semaphore_mem>>)
        %dma_wait3A_199 = arith.constant 8 : i32
        %dma_wait3A_200 = tpu.memref_slice %arg8[%dma_wait3A_199] : memref<16xi32, #tpu.memory_space<vmem>> -> memref<8xi32, #tpu.memory_space<vmem>>
        %dma_wait3A_201 = tpu.memref_slice %arg3[%add3A_131] : memref<4096xi32, #tpu.memory_space<hbm>> -> memref<8xi32, #tpu.memory_space<hbm>>
        %dma_wait3A_202 = arith.constant 8 : i32
        %dma_wait3A_203 = tpu.memref_slice %arg8[%dma_wait3A_202] : memref<16xi32, #tpu.memory_space<vmem>> -> memref<8xi32, #tpu.memory_space<vmem>>
        %dma_wait3A_204 = tpu.memref_slice %arg3[%add3A_131] : memref<4096xi32, #tpu.memory_space<hbm>> -> memref<8xi32, #tpu.memory_space<hbm>>
        tpu.wait_dma2 semaphore(%run_scoped3A : memref<!tpu.dma_semaphore, #tpu.memory_space<semaphore_mem>>) src(%dma_wait3A_204 : memref<8xi32, #tpu.memory_space<hbm>>) dst(%dma_wait3A_203 : memref<8xi32, #tpu.memory_space<vmem>>)
        tpu.yield
      }) : () -> ()
      %dma_start3A_132 = arith.constant 0 : i32
      %dma_start3A_133 = arith.constant 0 : i32
      %dma_start3A_134 = tpu.memref_slice %arg10[%dma_start3A_132, %dma_start3A_133] : memref<16x128xf32, #tpu.memory_space<vmem>> -> memref<8x128xf32, #tpu.memory_space<vmem>>
      %dma_start3A_135 = arith.constant 0 : i32
      %dma_start3A_136 = tpu.memref_slice %arg8[%dma_start3A_135] : memref<16xi32, #tpu.memory_space<vmem>> -> memref<8xi32, #tpu.memory_space<vmem>>
      %dma_start3A_137 = arith.constant 0 : i32
      %dma_start3A_138 = arith.constant 0 : i32
      %dma_start3A_139 = tpu.memref_slice %arg4[%dma_start3A_137, %dma_start3A_138] : memref<100000x128xf32, #tpu.memory_space<hbm>> -> memref<100000x128xf32, #tpu.memory_space<hbm>>
      tpu.enqueue_indirect_dma source(%dma_start3A_139 : memref<100000x128xf32, #tpu.memory_space<hbm>>) target(%dma_start3A_134 : memref<8x128xf32, #tpu.memory_space<vmem>>) offsets(%dma_start3A_136 : memref<8xi32, #tpu.memory_space<vmem>>) semaphore(%arg22 : memref<!tpu.dma_semaphore, #tpu.memory_space<semaphore_mem>>)
      %dma_start3A_140 = arith.constant 8 : i32
      %dma_start3A_141 = arith.constant 0 : i32
      %dma_start3A_142 = tpu.memref_slice %arg10[%dma_start3A_140, %dma_start3A_141] : memref<16x128xf32, #tpu.memory_space<vmem>> -> memref<8x128xf32, #tpu.memory_space<vmem>>
      %dma_start3A_143 = arith.constant 8 : i32
      %dma_start3A_144 = tpu.memref_slice %arg8[%dma_start3A_143] : memref<16xi32, #tpu.memory_space<vmem>> -> memref<8xi32, #tpu.memory_space<vmem>>
      %dma_start3A_145 = arith.constant 0 : i32
      %dma_start3A_146 = arith.constant 0 : i32
      %dma_start3A_147 = tpu.memref_slice %arg4[%dma_start3A_145, %dma_start3A_146] : memref<100000x128xf32, #tpu.memory_space<hbm>> -> memref<100000x128xf32, #tpu.memory_space<hbm>>
      tpu.enqueue_indirect_dma source(%dma_start3A_147 : memref<100000x128xf32, #tpu.memory_space<hbm>>) target(%dma_start3A_142 : memref<8x128xf32, #tpu.memory_space<vmem>>) offsets(%dma_start3A_144 : memref<8xi32, #tpu.memory_space<vmem>>) semaphore(%arg22 : memref<!tpu.dma_semaphore, #tpu.memory_space<semaphore_mem>>)
      %scan3A_148 = arith.constant 0 : i32
      %scan3A_149 = arith.constant 0 : i32
      %scan3A_150 = arith.constant 4 : i32
      %scan3A_151 = arith.addi %scan3A_149, %scan3A_150 : i32
      %scan3A_152 = arith.constant 1 : i32
      scf.for %scan3A_193 = %scan3A_149 to %scan3A_151 step %scan3A_152  : i32 {
        %mul3A_194 = arith.constant 8 : i32
        %mul3A_195 = arith.muli %add3A_102, %mul3A_194 : i32
        %mul3A_196 = arith.constant 2 : i32
        %mul3A_197 = arith.muli %mul3A_196, %scan3A_193 : i32
        %add3A_198 = arith.addi %mul3A_195, %mul3A_197 : i32
        %mul3A_199 = arith.constant 2 : i32
        %mul3A_200 = arith.muli %mul3A_199, %scan3A_193 : i32
        %add3A_201 = arith.addi %add3A_105, %mul3A_200 : i32
        %mul3A_202 = arith.constant 2 : i32
        %mul3A_203 = arith.muli %mul3A_202, %scan3A_193 : i32
        %dma_wait3A_204 = arith.constant 0 : i32
        %dma_wait3A_205 = arith.constant 0 : i32
        %dma_wait3A_206 = tpu.memref_slice %arg5[%add3A_201, %dma_wait3A_204, %dma_wait3A_205] : memref<4096x200x138xf32, #tpu.memory_space<hbm>> -> memref<1x200x128xf32, #tpu.memory_space<hbm>>
        %dma_wait3A_207 = tpu.memref_squeeze %dma_wait3A_206 : memref<1x200x128xf32, #tpu.memory_space<hbm>> -> memref<200x128xf32, #tpu.memory_space<hbm>>
        %dma_wait3A_208 = arith.constant 0 : i32
        %dma_wait3A_209 = arith.constant 0 : i32
        %dma_wait3A_210 = tpu.memref_slice %arg5[%add3A_201, %dma_wait3A_208, %dma_wait3A_209] : memref<4096x200x138xf32, #tpu.memory_space<hbm>> -> memref<1x200x128xf32, #tpu.memory_space<hbm>>
        %dma_wait3A_211 = tpu.memref_squeeze %dma_wait3A_210 : memref<1x200x128xf32, #tpu.memory_space<hbm>> -> memref<200x128xf32, #tpu.memory_space<hbm>>
        tpu.wait_dma2 semaphore(%arg15 : memref<!tpu.dma_semaphore, #tpu.memory_space<semaphore_mem>>) src(%dma_wait3A_211 : memref<200x128xf32, #tpu.memory_space<hbm>>) dst(%arg11 : memref<200x128xf32, #tpu.memory_space<vmem>>)
        %dma_start3A_212 = arith.constant 0 : i32
        %dma_start3A_213 = arith.constant 0 : i32
        %dma_start3A_214 = tpu.memref_slice %arg6[%add3A_201, %dma_start3A_212, %dma_start3A_213] : memref<4096x200x384xf32, #tpu.memory_space<hbm>> -> memref<1x200x128xf32, #tpu.memory_space<hbm>>
        %dma_start3A_215 = tpu.memref_squeeze %dma_start3A_214 : memref<1x200x128xf32, #tpu.memory_space<hbm>> -> memref<200x128xf32, #tpu.memory_space<hbm>>
        %dma_start3A_216 = arith.constant 0 : i32
        %dma_start3A_217 = arith.constant 0 : i32
        %dma_start3A_218 = tpu.memref_slice %arg6[%add3A_201, %dma_start3A_216, %dma_start3A_217] : memref<4096x200x384xf32, #tpu.memory_space<hbm>> -> memref<1x200x128xf32, #tpu.memory_space<hbm>>
        %dma_start3A_219 = tpu.memref_squeeze %dma_start3A_218 : memref<1x200x128xf32, #tpu.memory_space<hbm>> -> memref<200x128xf32, #tpu.memory_space<hbm>>
        tpu.enqueue_dma source(%arg11 : memref<200x128xf32, #tpu.memory_space<vmem>>) target(%dma_start3A_219 : memref<200x128xf32, #tpu.memory_space<hbm>>) target_semaphore(%arg17 : memref<!tpu.dma_semaphore, #tpu.memory_space<semaphore_mem>>)
        %ge3A = arith.constant 1 : i32
        %ge3A_220 = arith.cmpi sge, %add3A_198, %ge3A : i32
        %convert_element_type3A_221 = arith.extui %ge3A_220 : i1 to i32
        %cond3A_222 = arith.constant 0 : i32
        %cond3A_223 = arith.cmpi ne, %convert_element_type3A_221, %cond3A_222 : i32
        scf.if %cond3A_223 {
          %dma_wait3A_477 = arith.constant 0 : i32
          %dma_wait3A_478 = arith.constant 0 : i32
          %dma_wait3A_479 = tpu.memref_slice %arg6[%add3A_201, %dma_wait3A_477, %dma_wait3A_478] : memref<4096x200x384xf32, #tpu.memory_space<hbm>> -> memref<1x200x128xf32, #tpu.memory_space<hbm>>
          %dma_wait3A_480 = tpu.memref_squeeze %dma_wait3A_479 : memref<1x200x128xf32, #tpu.memory_space<hbm>> -> memref<200x128xf32, #tpu.memory_space<hbm>>
          %dma_wait3A_481 = arith.constant 0 : i32
          %dma_wait3A_482 = arith.constant 0 : i32
          %dma_wait3A_483 = tpu.memref_slice %arg6[%add3A_201, %dma_wait3A_481, %dma_wait3A_482] : memref<4096x200x384xf32, #tpu.memory_space<hbm>> -> memref<1x200x128xf32, #tpu.memory_space<hbm>>
          %dma_wait3A_484 = tpu.memref_squeeze %dma_wait3A_483 : memref<1x200x128xf32, #tpu.memory_space<hbm>> -> memref<200x128xf32, #tpu.memory_space<hbm>>
          tpu.wait_dma2 semaphore(%arg18 : memref<!tpu.dma_semaphore, #tpu.memory_space<semaphore_mem>>) src(%arg12 : memref<200x128xf32, #tpu.memory_space<vmem>>) dst(%dma_wait3A_484 : memref<200x128xf32, #tpu.memory_space<hbm>>)
        } else {
        }
        %add3A_224 = arith.constant 1 : i32
        %add3A_225 = arith.addi %add3A_201, %add3A_224 : i32
        %dma_start3A_226 = arith.constant 0 : i32
        %dma_start3A_227 = arith.constant 0 : i32
        %dma_start3A_228 = tpu.memref_slice %arg5[%add3A_225, %dma_start3A_226, %dma_start3A_227] : memref<4096x200x138xf32, #tpu.memory_space<hbm>> -> memref<1x200x128xf32, #tpu.memory_space<hbm>>
        %dma_start3A_229 = tpu.memref_squeeze %dma_start3A_228 : memref<1x200x128xf32, #tpu.memory_space<hbm>> -> memref<200x128xf32, #tpu.memory_space<hbm>>
        %dma_start3A_230 = arith.constant 0 : i32
        %dma_start3A_231 = arith.constant 0 : i32
        %dma_start3A_232 = tpu.memref_slice %arg5[%add3A_225, %dma_start3A_230, %dma_start3A_231] : memref<4096x200x138xf32, #tpu.memory_space<hbm>> -> memref<1x200x128xf32, #tpu.memory_space<hbm>>
        %dma_start3A_233 = tpu.memref_squeeze %dma_start3A_232 : memref<1x200x128xf32, #tpu.memory_space<hbm>> -> memref<200x128xf32, #tpu.memory_space<hbm>>
        tpu.enqueue_dma source(%dma_start3A_233 : memref<200x128xf32, #tpu.memory_space<hbm>>) target(%arg12 : memref<200x128xf32, #tpu.memory_space<vmem>>) target_semaphore(%arg16 : memref<!tpu.dma_semaphore, #tpu.memory_space<semaphore_mem>>)
        %ge3A_234 = arith.constant 2 : i32
        %ge3A_235 = arith.cmpi sge, %add3A_198, %ge3A_234 : i32
        %convert_element_type3A_236 = arith.extui %ge3A_235 : i1 to i32
        %cond3A_237 = arith.constant 0 : i32
        %cond3A_238 = arith.cmpi ne, %convert_element_type3A_236, %cond3A_237 : i32
        scf.if %cond3A_238 {
          %dma_wait3A_477 = arith.constant 0 : i32
          %dma_wait3A_478 = arith.constant 128 : i32
          %dma_wait3A_479 = tpu.memref_slice %arg6[%add3A_201, %dma_wait3A_477, %dma_wait3A_478] : memref<4096x200x384xf32, #tpu.memory_space<hbm>> -> memref<1x96x256xf32, #tpu.memory_space<hbm>>
          %dma_wait3A_480 = tpu.memref_squeeze %dma_wait3A_479 : memref<1x96x256xf32, #tpu.memory_space<hbm>> -> memref<96x256xf32, #tpu.memory_space<hbm>>
          %dma_wait3A_481 = arith.constant 0 : i32
          %dma_wait3A_482 = arith.constant 128 : i32
          %dma_wait3A_483 = tpu.memref_slice %arg6[%add3A_201, %dma_wait3A_481, %dma_wait3A_482] : memref<4096x200x384xf32, #tpu.memory_space<hbm>> -> memref<1x96x256xf32, #tpu.memory_space<hbm>>
          %dma_wait3A_484 = tpu.memref_squeeze %dma_wait3A_483 : memref<1x96x256xf32, #tpu.memory_space<hbm>> -> memref<96x256xf32, #tpu.memory_space<hbm>>
          tpu.wait_dma2 semaphore(%arg19 : memref<!tpu.dma_semaphore, #tpu.memory_space<semaphore_mem>>) src(%arg13 : memref<96x256xf32, #tpu.memory_space<vmem>>) dst(%dma_wait3A_484 : memref<96x256xf32, #tpu.memory_space<hbm>>)
          %dma_wait3A_485 = arith.constant 96 : i32
          %dma_wait3A_486 = arith.constant 128 : i32
          %dma_wait3A_487 = tpu.memref_slice %arg6[%add3A_201, %dma_wait3A_485, %dma_wait3A_486] : memref<4096x200x384xf32, #tpu.memory_space<hbm>> -> memref<1x96x256xf32, #tpu.memory_space<hbm>>
          %dma_wait3A_488 = tpu.memref_squeeze %dma_wait3A_487 : memref<1x96x256xf32, #tpu.memory_space<hbm>> -> memref<96x256xf32, #tpu.memory_space<hbm>>
          %dma_wait3A_489 = arith.constant 96 : i32
          %dma_wait3A_490 = arith.constant 128 : i32
          %dma_wait3A_491 = tpu.memref_slice %arg6[%add3A_201, %dma_wait3A_489, %dma_wait3A_490] : memref<4096x200x384xf32, #tpu.memory_space<hbm>> -> memref<1x96x256xf32, #tpu.memory_space<hbm>>
          %dma_wait3A_492 = tpu.memref_squeeze %dma_wait3A_491 : memref<1x96x256xf32, #tpu.memory_space<hbm>> -> memref<96x256xf32, #tpu.memory_space<hbm>>
          tpu.wait_dma2 semaphore(%arg19 : memref<!tpu.dma_semaphore, #tpu.memory_space<semaphore_mem>>) src(%arg13 : memref<96x256xf32, #tpu.memory_space<vmem>>) dst(%dma_wait3A_492 : memref<96x256xf32, #tpu.memory_space<hbm>>)
          %dma_wait3A_493 = arith.constant 0 : i32
          %dma_wait3A_494 = arith.constant 0 : i32
          %dma_wait3A_495 = tpu.memref_slice %arg13[%dma_wait3A_493, %dma_wait3A_494] : memref<96x256xf32, #tpu.memory_space<vmem>> -> memref<8x256xf32, #tpu.memory_space<vmem>>
          %dma_wait3A_496 = arith.constant 192 : i32
          %dma_wait3A_497 = arith.constant 128 : i32
          %dma_wait3A_498 = tpu.memref_slice %arg6[%add3A_201, %dma_wait3A_496, %dma_wait3A_497] : memref<4096x200x384xf32, #tpu.memory_space<hbm>> -> memref<1x8x256xf32, #tpu.memory_space<hbm>>
          %dma_wait3A_499 = tpu.memref_squeeze %dma_wait3A_498 : memref<1x8x256xf32, #tpu.memory_space<hbm>> -> memref<8x256xf32, #tpu.memory_space<hbm>>
          %dma_wait3A_500 = arith.constant 192 : i32
          %dma_wait3A_501 = arith.constant 128 : i32
          %dma_wait3A_502 = tpu.memref_slice %arg6[%add3A_201, %dma_wait3A_500, %dma_wait3A_501] : memref<4096x200x384xf32, #tpu.memory_space<hbm>> -> memref<1x8x256xf32, #tpu.memory_space<hbm>>
          %dma_wait3A_503 = tpu.memref_squeeze %dma_wait3A_502 : memref<1x8x256xf32, #tpu.memory_space<hbm>> -> memref<8x256xf32, #tpu.memory_space<hbm>>
          %dma_wait3A_504 = arith.constant 0 : i32
          %dma_wait3A_505 = arith.constant 0 : i32
          %dma_wait3A_506 = tpu.memref_slice %arg13[%dma_wait3A_504, %dma_wait3A_505] : memref<96x256xf32, #tpu.memory_space<vmem>> -> memref<8x256xf32, #tpu.memory_space<vmem>>
          tpu.wait_dma2 semaphore(%arg19 : memref<!tpu.dma_semaphore, #tpu.memory_space<semaphore_mem>>) src(%dma_wait3A_506 : memref<8x256xf32, #tpu.memory_space<vmem>>) dst(%dma_wait3A_503 : memref<8x256xf32, #tpu.memory_space<hbm>>)
        } else {
        }
        %get3A = arith.index_cast %mul3A_203 : i32 to index
        %get3A_239 = arith.constant 0 : index
        %get3A_240 = tpu.vector_load %arg9[%get3A, %get3A_239] {strides = array<i32>} : memref<16x128xf32, #tpu.memory_space<vmem>>, vector<16xf32>,
        %get3A_241 = arith.index_cast %mul3A_203 : i32 to index
        %get3A_242 = arith.constant 16 : index
        %get3A_243 = tpu.vector_load %arg9[%get3A_241, %get3A_242] {strides = array<i32>} : memref<16x128xf32, #tpu.memory_space<vmem>>, vector<16xf32>,
        %get3A_244 = arith.index_cast %mul3A_203 : i32 to index
        %get3A_245 = arith.constant 32 : index
        %get3A_246 = tpu.vector_load %arg9[%get3A_244, %get3A_245] {strides = array<i32>} : memref<16x128xf32, #tpu.memory_space<vmem>>, vector<16xf32>,
        %get3A_247 = arith.index_cast %mul3A_203 : i32 to index
        %get3A_248 = arith.constant 48 : index
        %get3A_249 = tpu.vector_load %arg9[%get3A_247, %get3A_248] {strides = array<i32>} : memref<16x128xf32, #tpu.memory_space<vmem>>, vector<16xf32>,
        %get3A_250 = arith.index_cast %mul3A_203 : i32 to index
        %get3A_251 = arith.constant 64 : index
        %get3A_252 = tpu.vector_load %arg9[%get3A_250, %get3A_251] {strides = array<i32>} : memref<16x128xf32, #tpu.memory_space<vmem>>, vector<16xf32>,
        %get3A_253 = arith.index_cast %mul3A_203 : i32 to index
        %get3A_254 = arith.constant 80 : index
        %get3A_255 = tpu.vector_load %arg9[%get3A_253, %get3A_254] {strides = array<i32>} : memref<16x128xf32, #tpu.memory_space<vmem>>, vector<16xf32>,
        %get3A_256 = arith.index_cast %mul3A_203 : i32 to index
        %get3A_257 = arith.constant 96 : index
        %get3A_258 = tpu.vector_load %arg9[%get3A_256, %get3A_257] {strides = array<i32>} : memref<16x128xf32, #tpu.memory_space<vmem>>, vector<16xf32>,
        %get3A_259 = arith.index_cast %mul3A_203 : i32 to index
        %get3A_260 = arith.constant 112 : index
        %get3A_261 = tpu.vector_load %arg9[%get3A_259, %get3A_260] {strides = array<i32>} : memref<16x128xf32, #tpu.memory_space<vmem>>, vector<16xf32>,
        %add3A_262 = arith.constant 8 : i32
        %add3A_263 = arith.addi %add3A_262, %mul3A_203 : i32
        %get3A_264 = arith.index_cast %add3A_263 : i32 to index
        %get3A_265 = arith.constant 0 : index
        %get3A_266 = tpu.vector_load %arg9[%get3A_264, %get3A_265] {strides = array<i32>} : memref<16x128xf32, #tpu.memory_space<vmem>>, vector<16xf32>,
        %add3A_267 = arith.constant 8 : i32
        %add3A_268 = arith.addi %add3A_267, %mul3A_203 : i32
        %get3A_269 = arith.index_cast %add3A_268 : i32 to index
        %get3A_270 = arith.constant 16 : index
        %get3A_271 = tpu.vector_load %arg9[%get3A_269, %get3A_270] {strides = array<i32>} : memref<16x128xf32, #tpu.memory_space<vmem>>, vector<16xf32>,
        %add3A_272 = arith.constant 8 : i32
        %add3A_273 = arith.addi %add3A_272, %mul3A_203 : i32
        %get3A_274 = arith.index_cast %add3A_273 : i32 to index
        %get3A_275 = arith.constant 32 : index
        %get3A_276 = tpu.vector_load %arg9[%get3A_274, %get3A_275] {strides = array<i32>} : memref<16x128xf32, #tpu.memory_space<vmem>>, vector<16xf32>,
        %add3A_277 = arith.constant 8 : i32
        %add3A_278 = arith.addi %add3A_277, %mul3A_203 : i32
        %get3A_279 = arith.index_cast %add3A_278 : i32 to index
        %get3A_280 = arith.constant 48 : index
        %get3A_281 = tpu.vector_load %arg9[%get3A_279, %get3A_280] {strides = array<i32>} : memref<16x128xf32, #tpu.memory_space<vmem>>, vector<16xf32>,
        %add3A_282 = arith.constant 8 : i32
        %add3A_283 = arith.addi %add3A_282, %mul3A_203 : i32
        %get3A_284 = arith.index_cast %add3A_283 : i32 to index
        %get3A_285 = arith.constant 64 : index
        %get3A_286 = tpu.vector_load %arg9[%get3A_284, %get3A_285] {strides = array<i32>} : memref<16x128xf32, #tpu.memory_space<vmem>>, vector<16xf32>,
        %add3A_287 = arith.constant 8 : i32
        %add3A_288 = arith.addi %add3A_287, %mul3A_203 : i32
        %get3A_289 = arith.index_cast %add3A_288 : i32 to index
        %get3A_290 = arith.constant 80 : index
        %get3A_291 = tpu.vector_load %arg9[%get3A_289, %get3A_290] {strides = array<i32>} : memref<16x128xf32, #tpu.memory_space<vmem>>, vector<16xf32>,
        %add3A_292 = arith.constant 8 : i32
        %add3A_293 = arith.addi %add3A_292, %mul3A_203 : i32
        %get3A_294 = arith.index_cast %add3A_293 : i32 to index
        %get3A_295 = arith.constant 96 : index
        %get3A_296 = tpu.vector_load %arg9[%get3A_294, %get3A_295] {strides = array<i32>} : memref<16x128xf32, #tpu.memory_space<vmem>>, vector<16xf32>,
        %add3A_297 = arith.constant 8 : i32
        %add3A_298 = arith.addi %add3A_297, %mul3A_203 : i32
        %get3A_299 = arith.index_cast %add3A_298 : i32 to index
        %get3A_300 = arith.constant 112 : index
        %get3A_301 = tpu.vector_load %arg9[%get3A_299, %get3A_300] {strides = array<i32>} : memref<16x128xf32, #tpu.memory_space<vmem>>, vector<16xf32>,
        %scan3A_302 = arith.constant 0 : i32
        %scan3A_303 = arith.constant 0 : i32
        %scan3A_304 = arith.constant 96 : i32
        %scan3A_305 = arith.addi %scan3A_303, %scan3A_304 : i32
        %scan3A_306 = arith.constant 4 : i32
        scf.for %scan3A_477 = %scan3A_303 to %scan3A_305 step %scan3A_306  : i32 {
          %swap3A = arith.index_cast %scan3A_477 : i32 to index
          %swap3A_478 = arith.constant 0 : index
          %swap3A_479 = tpu.vector_load %arg13[%swap3A, %swap3A_478] {strides = array<i32>} : memref<96x256xf32, #tpu.memory_space<vmem>>, vector<16xf32>,
          tpu.vector_store %arg13[%swap3A, %swap3A_478], %get3A_240 {strides = array<i32>} : memref<96x256xf32, #tpu.memory_space<vmem>>, vector<16xf32>,
          %swap3A_480 = arith.index_cast %scan3A_477 : i32 to index
          %swap3A_481 = arith.constant 16 : index
          %swap3A_482 = tpu.vector_load %arg13[%swap3A_480, %swap3A_481] {strides = array<i32>} : memref<96x256xf32, #tpu.memory_space<vmem>>, vector<16xf32>,
          tpu.vector_store %arg13[%swap3A_480, %swap3A_481], %get3A_243 {strides = array<i32>} : memref<96x256xf32, #tpu.memory_space<vmem>>, vector<16xf32>,
          %swap3A_483 = arith.index_cast %scan3A_477 : i32 to index
          %swap3A_484 = arith.constant 32 : index
          %swap3A_485 = tpu.vector_load %arg13[%swap3A_483, %swap3A_484] {strides = array<i32>} : memref<96x256xf32, #tpu.memory_space<vmem>>, vector<16xf32>,
          tpu.vector_store %arg13[%swap3A_483, %swap3A_484], %get3A_246 {strides = array<i32>} : memref<96x256xf32, #tpu.memory_space<vmem>>, vector<16xf32>,
          %swap3A_486 = arith.index_cast %scan3A_477 : i32 to index
          %swap3A_487 = arith.constant 48 : index
          %swap3A_488 = tpu.vector_load %arg13[%swap3A_486, %swap3A_487] {strides = array<i32>} : memref<96x256xf32, #tpu.memory_space<vmem>>, vector<16xf32>,
          tpu.vector_store %arg13[%swap3A_486, %swap3A_487], %get3A_249 {strides = array<i32>} : memref<96x256xf32, #tpu.memory_space<vmem>>, vector<16xf32>,
          %swap3A_489 = arith.index_cast %scan3A_477 : i32 to index
          %swap3A_490 = arith.constant 64 : index
          %swap3A_491 = tpu.vector_load %arg13[%swap3A_489, %swap3A_490] {strides = array<i32>} : memref<96x256xf32, #tpu.memory_space<vmem>>, vector<16xf32>,
          tpu.vector_store %arg13[%swap3A_489, %swap3A_490], %get3A_252 {strides = array<i32>} : memref<96x256xf32, #tpu.memory_space<vmem>>, vector<16xf32>,
          %swap3A_492 = arith.index_cast %scan3A_477 : i32 to index
          %swap3A_493 = arith.constant 80 : index
          %swap3A_494 = tpu.vector_load %arg13[%swap3A_492, %swap3A_493] {strides = array<i32>} : memref<96x256xf32, #tpu.memory_space<vmem>>, vector<16xf32>,
          tpu.vector_store %arg13[%swap3A_492, %swap3A_493], %get3A_255 {strides = array<i32>} : memref<96x256xf32, #tpu.memory_space<vmem>>, vector<16xf32>,
          %swap3A_495 = arith.index_cast %scan3A_477 : i32 to index
          %swap3A_496 = arith.constant 96 : index
          %swap3A_497 = tpu.vector_load %arg13[%swap3A_495, %swap3A_496] {strides = array<i32>} : memref<96x256xf32, #tpu.memory_space<vmem>>, vector<16xf32>,
          tpu.vector_store %arg13[%swap3A_495, %swap3A_496], %get3A_258 {strides = array<i32>} : memref<96x256xf32, #tpu.memory_space<vmem>>, vector<16xf32>,
          %swap3A_498 = arith.index_cast %scan3A_477 : i32 to index
          %swap3A_499 = arith.constant 112 : index
          %swap3A_500 = tpu.vector_load %arg13[%swap3A_498, %swap3A_499] {strides = array<i32>} : memref<96x256xf32, #tpu.memory_space<vmem>>, vector<16xf32>,
          tpu.vector_store %arg13[%swap3A_498, %swap3A_499], %get3A_261 {strides = array<i32>} : memref<96x256xf32, #tpu.memory_space<vmem>>, vector<16xf32>,
          %swap3A_501 = arith.index_cast %scan3A_477 : i32 to index
          %swap3A_502 = arith.constant 128 : index
          %swap3A_503 = tpu.vector_load %arg13[%swap3A_501, %swap3A_502] {strides = array<i32>} : memref<96x256xf32, #tpu.memory_space<vmem>>, vector<16xf32>,
          tpu.vector_store %arg13[%swap3A_501, %swap3A_502], %get3A_266 {strides = array<i32>} : memref<96x256xf32, #tpu.memory_space<vmem>>, vector<16xf32>,
          %swap3A_504 = arith.index_cast %scan3A_477 : i32 to index
          %swap3A_505 = arith.constant 144 : index
          %swap3A_506 = tpu.vector_load %arg13[%swap3A_504, %swap3A_505] {strides = array<i32>} : memref<96x256xf32, #tpu.memory_space<vmem>>, vector<16xf32>,
          tpu.vector_store %arg13[%swap3A_504, %swap3A_505], %get3A_271 {strides = array<i32>} : memref<96x256xf32, #tpu.memory_space<vmem>>, vector<16xf32>,
          %swap3A_507 = arith.index_cast %scan3A_477 : i32 to index
          %swap3A_508 = arith.constant 160 : index
          %swap3A_509 = tpu.vector_load %arg13[%swap3A_507, %swap3A_508] {strides = array<i32>} : memref<96x256xf32, #tpu.memory_space<vmem>>, vector<16xf32>,
          tpu.vector_store %arg13[%swap3A_507, %swap3A_508], %get3A_276 {strides = array<i32>} : memref<96x256xf32, #tpu.memory_space<vmem>>, vector<16xf32>,
          %swap3A_510 = arith.index_cast %scan3A_477 : i32 to index
          %swap3A_511 = arith.constant 176 : index
          %swap3A_512 = tpu.vector_load %arg13[%swap3A_510, %swap3A_511] {strides = array<i32>} : memref<96x256xf32, #tpu.memory_space<vmem>>, vector<16xf32>,
          tpu.vector_store %arg13[%swap3A_510, %swap3A_511], %get3A_281 {strides = array<i32>} : memref<96x256xf32, #tpu.memory_space<vmem>>, vector<16xf32>,
          %swap3A_513 = arith.index_cast %scan3A_477 : i32 to index
          %swap3A_514 = arith.constant 192 : index
          %swap3A_515 = tpu.vector_load %arg13[%swap3A_513, %swap3A_514] {strides = array<i32>} : memref<96x256xf32, #tpu.memory_space<vmem>>, vector<16xf32>,
          tpu.vector_store %arg13[%swap3A_513, %swap3A_514], %get3A_286 {strides = array<i32>} : memref<96x256xf32, #tpu.memory_space<vmem>>, vector<16xf32>,
          %swap3A_516 = arith.index_cast %scan3A_477 : i32 to index
          %swap3A_517 = arith.constant 208 : index
          %swap3A_518 = tpu.vector_load %arg13[%swap3A_516, %swap3A_517] {strides = array<i32>} : memref<96x256xf32, #tpu.memory_space<vmem>>, vector<16xf32>,
          tpu.vector_store %arg13[%swap3A_516, %swap3A_517], %get3A_291 {strides = array<i32>} : memref<96x256xf32, #tpu.memory_space<vmem>>, vector<16xf32>,
          %swap3A_519 = arith.index_cast %scan3A_477 : i32 to index
          %swap3A_520 = arith.constant 224 : index
          %swap3A_521 = tpu.vector_load %arg13[%swap3A_519, %swap3A_520] {strides = array<i32>} : memref<96x256xf32, #tpu.memory_space<vmem>>, vector<16xf32>,
          tpu.vector_store %arg13[%swap3A_519, %swap3A_520], %get3A_296 {strides = array<i32>} : memref<96x256xf32, #tpu.memory_space<vmem>>, vector<16xf32>,
          %swap3A_522 = arith.index_cast %scan3A_477 : i32 to index
          %swap3A_523 = arith.constant 240 : index
          %swap3A_524 = tpu.vector_load %arg13[%swap3A_522, %swap3A_523] {strides = array<i32>} : memref<96x256xf32, #tpu.memory_space<vmem>>, vector<16xf32>,
          tpu.vector_store %arg13[%swap3A_522, %swap3A_523], %get3A_301 {strides = array<i32>} : memref<96x256xf32, #tpu.memory_space<vmem>>, vector<16xf32>,
          %scan3A_525 = arith.constant 1 : i32
          %scan3A_526 = arith.addi %scan3A_477, %scan3A_525 : i32
          %swap3A_527 = arith.index_cast %scan3A_526 : i32 to index
          %swap3A_528 = arith.constant 0 : index
          %swap3A_529 = tpu.vector_load %arg13[%swap3A_527, %swap3A_528] {strides = array<i32>} : memref<96x256xf32, #tpu.memory_space<vmem>>, vector<16xf32>,
          tpu.vector_store %arg13[%swap3A_527, %swap3A_528], %get3A_240 {strides = array<i32>} : memref<96x256xf32, #tpu.memory_space<vmem>>, vector<16xf32>,
          %swap3A_530 = arith.index_cast %scan3A_526 : i32 to index
          %swap3A_531 = arith.constant 16 : index
          %swap3A_532 = tpu.vector_load %arg13[%swap3A_530, %swap3A_531] {strides = array<i32>} : memref<96x256xf32, #tpu.memory_space<vmem>>, vector<16xf32>,
          tpu.vector_store %arg13[%swap3A_530, %swap3A_531], %get3A_243 {strides = array<i32>} : memref<96x256xf32, #tpu.memory_space<vmem>>, vector<16xf32>,
          %swap3A_533 = arith.index_cast %scan3A_526 : i32 to index
          %swap3A_534 = arith.constant 32 : index
          %swap3A_535 = tpu.vector_load %arg13[%swap3A_533, %swap3A_534] {strides = array<i32>} : memref<96x256xf32, #tpu.memory_space<vmem>>, vector<16xf32>,
          tpu.vector_store %arg13[%swap3A_533, %swap3A_534], %get3A_246 {strides = array<i32>} : memref<96x256xf32, #tpu.memory_space<vmem>>, vector<16xf32>,
          %swap3A_536 = arith.index_cast %scan3A_526 : i32 to index
          %swap3A_537 = arith.constant 48 : index
          %swap3A_538 = tpu.vector_load %arg13[%swap3A_536, %swap3A_537] {strides = array<i32>} : memref<96x256xf32, #tpu.memory_space<vmem>>, vector<16xf32>,
          tpu.vector_store %arg13[%swap3A_536, %swap3A_537], %get3A_249 {strides = array<i32>} : memref<96x256xf32, #tpu.memory_space<vmem>>, vector<16xf32>,
          %swap3A_539 = arith.index_cast %scan3A_526 : i32 to index
          %swap3A_540 = arith.constant 64 : index
          %swap3A_541 = tpu.vector_load %arg13[%swap3A_539, %swap3A_540] {strides = array<i32>} : memref<96x256xf32, #tpu.memory_space<vmem>>, vector<16xf32>,
          tpu.vector_store %arg13[%swap3A_539, %swap3A_540], %get3A_252 {strides = array<i32>} : memref<96x256xf32, #tpu.memory_space<vmem>>, vector<16xf32>,
          %swap3A_542 = arith.index_cast %scan3A_526 : i32 to index
          %swap3A_543 = arith.constant 80 : index
          %swap3A_544 = tpu.vector_load %arg13[%swap3A_542, %swap3A_543] {strides = array<i32>} : memref<96x256xf32, #tpu.memory_space<vmem>>, vector<16xf32>,
          tpu.vector_store %arg13[%swap3A_542, %swap3A_543], %get3A_255 {strides = array<i32>} : memref<96x256xf32, #tpu.memory_space<vmem>>, vector<16xf32>,
          %swap3A_545 = arith.index_cast %scan3A_526 : i32 to index
          %swap3A_546 = arith.constant 96 : index
          %swap3A_547 = tpu.vector_load %arg13[%swap3A_545, %swap3A_546] {strides = array<i32>} : memref<96x256xf32, #tpu.memory_space<vmem>>, vector<16xf32>,
          tpu.vector_store %arg13[%swap3A_545, %swap3A_546], %get3A_258 {strides = array<i32>} : memref<96x256xf32, #tpu.memory_space<vmem>>, vector<16xf32>,
          %swap3A_548 = arith.index_cast %scan3A_526 : i32 to index
          %swap3A_549 = arith.constant 112 : index
          %swap3A_550 = tpu.vector_load %arg13[%swap3A_548, %swap3A_549] {strides = array<i32>} : memref<96x256xf32, #tpu.memory_space<vmem>>, vector<16xf32>,
          tpu.vector_store %arg13[%swap3A_548, %swap3A_549], %get3A_261 {strides = array<i32>} : memref<96x256xf32, #tpu.memory_space<vmem>>, vector<16xf32>,
          %swap3A_551 = arith.index_cast %scan3A_526 : i32 to index
          %swap3A_552 = arith.constant 128 : index
          %swap3A_553 = tpu.vector_load %arg13[%swap3A_551, %swap3A_552] {strides = array<i32>} : memref<96x256xf32, #tpu.memory_space<vmem>>, vector<16xf32>,
          tpu.vector_store %arg13[%swap3A_551, %swap3A_552], %get3A_266 {strides = array<i32>} : memref<96x256xf32, #tpu.memory_space<vmem>>, vector<16xf32>,
          %swap3A_554 = arith.index_cast %scan3A_526 : i32 to index
          %swap3A_555 = arith.constant 144 : index
          %swap3A_556 = tpu.vector_load %arg13[%swap3A_554, %swap3A_555] {strides = array<i32>} : memref<96x256xf32, #tpu.memory_space<vmem>>, vector<16xf32>,
          tpu.vector_store %arg13[%swap3A_554, %swap3A_555], %get3A_271 {strides = array<i32>} : memref<96x256xf32, #tpu.memory_space<vmem>>, vector<16xf32>,
          %swap3A_557 = arith.index_cast %scan3A_526 : i32 to index
          %swap3A_558 = arith.constant 160 : index
          %swap3A_559 = tpu.vector_load %arg13[%swap3A_557, %swap3A_558] {strides = array<i32>} : memref<96x256xf32, #tpu.memory_space<vmem>>, vector<16xf32>,
          tpu.vector_store %arg13[%swap3A_557, %swap3A_558], %get3A_276 {strides = array<i32>} : memref<96x256xf32, #tpu.memory_space<vmem>>, vector<16xf32>,
          %swap3A_560 = arith.index_cast %scan3A_526 : i32 to index
          %swap3A_561 = arith.constant 176 : index
          %swap3A_562 = tpu.vector_load %arg13[%swap3A_560, %swap3A_561] {strides = array<i32>} : memref<96x256xf32, #tpu.memory_space<vmem>>, vector<16xf32>,
          tpu.vector_store %arg13[%swap3A_560, %swap3A_561], %get3A_281 {strides = array<i32>} : memref<96x256xf32, #tpu.memory_space<vmem>>, vector<16xf32>,
          %swap3A_563 = arith.index_cast %scan3A_526 : i32 to index
          %swap3A_564 = arith.constant 192 : index
          %swap3A_565 = tpu.vector_load %arg13[%swap3A_563, %swap3A_564] {strides = array<i32>} : memref<96x256xf32, #tpu.memory_space<vmem>>, vector<16xf32>,
          tpu.vector_store %arg13[%swap3A_563, %swap3A_564], %get3A_286 {strides = array<i32>} : memref<96x256xf32, #tpu.memory_space<vmem>>, vector<16xf32>,
          %swap3A_566 = arith.index_cast %scan3A_526 : i32 to index
          %swap3A_567 = arith.constant 208 : index
          %swap3A_568 = tpu.vector_load %arg13[%swap3A_566, %swap3A_567] {strides = array<i32>} : memref<96x256xf32, #tpu.memory_space<vmem>>, vector<16xf32>,
          tpu.vector_store %arg13[%swap3A_566, %swap3A_567], %get3A_291 {strides = array<i32>} : memref<96x256xf32, #tpu.memory_space<vmem>>, vector<16xf32>,
          %swap3A_569 = arith.index_cast %scan3A_526 : i32 to index
          %swap3A_570 = arith.constant 224 : index
          %swap3A_571 = tpu.vector_load %arg13[%swap3A_569, %swap3A_570] {strides = array<i32>} : memref<96x256xf32, #tpu.memory_space<vmem>>, vector<16xf32>,
          tpu.vector_store %arg13[%swap3A_569, %swap3A_570], %get3A_296 {strides = array<i32>} : memref<96x256xf32, #tpu.memory_space<vmem>>, vector<16xf32>,
          %swap3A_572 = arith.index_cast %scan3A_526 : i32 to index
          %swap3A_573 = arith.constant 240 : index
          %swap3A_574 = tpu.vector_load %arg13[%swap3A_572, %swap3A_573] {strides = array<i32>} : memref<96x256xf32, #tpu.memory_space<vmem>>, vector<16xf32>,
          tpu.vector_store %arg13[%swap3A_572, %swap3A_573], %get3A_301 {strides = array<i32>} : memref<96x256xf32, #tpu.memory_space<vmem>>, vector<16xf32>,
          %scan3A_575 = arith.constant 2 : i32
          %scan3A_576 = arith.addi %scan3A_477, %scan3A_575 : i32
          %swap3A_577 = arith.index_cast %scan3A_576 : i32 to index
          %swap3A_578 = arith.constant 0 : index
          %swap3A_579 = tpu.vector_load %arg13[%swap3A_577, %swap3A_578] {strides = array<i32>} : memref<96x256xf32, #tpu.memory_space<vmem>>, vector<16xf32>,
          tpu.vector_store %arg13[%swap3A_577, %swap3A_578], %get3A_240 {strides = array<i32>} : memref<96x256xf32, #tpu.memory_space<vmem>>, vector<16xf32>,
          %swap3A_580 = arith.index_cast %scan3A_576 : i32 to index
          %swap3A_581 = arith.constant 16 : index
          %swap3A_582 = tpu.vector_load %arg13[%swap3A_580, %swap3A_581] {strides = array<i32>} : memref<96x256xf32, #tpu.memory_space<vmem>>, vector<16xf32>,
          tpu.vector_store %arg13[%swap3A_580, %swap3A_581], %get3A_243 {strides = array<i32>} : memref<96x256xf32, #tpu.memory_space<vmem>>, vector<16xf32>,
          %swap3A_583 = arith.index_cast %scan3A_576 : i32 to index
          %swap3A_584 = arith.constant 32 : index
          %swap3A_585 = tpu.vector_load %arg13[%swap3A_583, %swap3A_584] {strides = array<i32>} : memref<96x256xf32, #tpu.memory_space<vmem>>, vector<16xf32>,
          tpu.vector_store %arg13[%swap3A_583, %swap3A_584], %get3A_246 {strides = array<i32>} : memref<96x256xf32, #tpu.memory_space<vmem>>, vector<16xf32>,
          %swap3A_586 = arith.index_cast %scan3A_576 : i32 to index
          %swap3A_587 = arith.constant 48 : index
          %swap3A_588 = tpu.vector_load %arg13[%swap3A_586, %swap3A_587] {strides = array<i32>} : memref<96x256xf32, #tpu.memory_space<vmem>>, vector<16xf32>,
          tpu.vector_store %arg13[%swap3A_586, %swap3A_587], %get3A_249 {strides = array<i32>} : memref<96x256xf32, #tpu.memory_space<vmem>>, vector<16xf32>,
          %swap3A_589 = arith.index_cast %scan3A_576 : i32 to index
          %swap3A_590 = arith.constant 64 : index
          %swap3A_591 = tpu.vector_load %arg13[%swap3A_589, %swap3A_590] {strides = array<i32>} : memref<96x256xf32, #tpu.memory_space<vmem>>, vector<16xf32>,
          tpu.vector_store %arg13[%swap3A_589, %swap3A_590], %get3A_252 {strides = array<i32>} : memref<96x256xf32, #tpu.memory_space<vmem>>, vector<16xf32>,
          %swap3A_592 = arith.index_cast %scan3A_576 : i32 to index
          %swap3A_593 = arith.constant 80 : index
          %swap3A_594 = tpu.vector_load %arg13[%swap3A_592, %swap3A_593] {strides = array<i32>} : memref<96x256xf32, #tpu.memory_space<vmem>>, vector<16xf32>,
          tpu.vector_store %arg13[%swap3A_592, %swap3A_593], %get3A_255 {strides = array<i32>} : memref<96x256xf32, #tpu.memory_space<vmem>>, vector<16xf32>,
          %swap3A_595 = arith.index_cast %scan3A_576 : i32 to index
          %swap3A_596 = arith.constant 96 : index
          %swap3A_597 = tpu.vector_load %arg13[%swap3A_595, %swap3A_596] {strides = array<i32>} : memref<96x256xf32, #tpu.memory_space<vmem>>, vector<16xf32>,
          tpu.vector_store %arg13[%swap3A_595, %swap3A_596], %get3A_258 {strides = array<i32>} : memref<96x256xf32, #tpu.memory_space<vmem>>, vector<16xf32>,
          %swap3A_598 = arith.index_cast %scan3A_576 : i32 to index
          %swap3A_599 = arith.constant 112 : index
          %swap3A_600 = tpu.vector_load %arg13[%swap3A_598, %swap3A_599] {strides = array<i32>} : memref<96x256xf32, #tpu.memory_space<vmem>>, vector<16xf32>,
          tpu.vector_store %arg13[%swap3A_598, %swap3A_599], %get3A_261 {strides = array<i32>} : memref<96x256xf32, #tpu.memory_space<vmem>>, vector<16xf32>,
          %swap3A_601 = arith.index_cast %scan3A_576 : i32 to index
          %swap3A_602 = arith.constant 128 : index
          %swap3A_603 = tpu.vector_load %arg13[%swap3A_601, %swap3A_602] {strides = array<i32>} : memref<96x256xf32, #tpu.memory_space<vmem>>, vector<16xf32>,
          tpu.vector_store %arg13[%swap3A_601, %swap3A_602], %get3A_266 {strides = array<i32>} : memref<96x256xf32, #tpu.memory_space<vmem>>, vector<16xf32>,
          %swap3A_604 = arith.index_cast %scan3A_576 : i32 to index
          %swap3A_605 = arith.constant 144 : index
          %swap3A_606 = tpu.vector_load %arg13[%swap3A_604, %swap3A_605] {strides = array<i32>} : memref<96x256xf32, #tpu.memory_space<vmem>>, vector<16xf32>,
          tpu.vector_store %arg13[%swap3A_604, %swap3A_605], %get3A_271 {strides = array<i32>} : memref<96x256xf32, #tpu.memory_space<vmem>>, vector<16xf32>,
          %swap3A_607 = arith.index_cast %scan3A_576 : i32 to index
          %swap3A_608 = arith.constant 160 : index
          %swap3A_609 = tpu.vector_load %arg13[%swap3A_607, %swap3A_608] {strides = array<i32>} : memref<96x256xf32, #tpu.memory_space<vmem>>, vector<16xf32>,
          tpu.vector_store %arg13[%swap3A_607, %swap3A_608], %get3A_276 {strides = array<i32>} : memref<96x256xf32, #tpu.memory_space<vmem>>, vector<16xf32>,
          %swap3A_610 = arith.index_cast %scan3A_576 : i32 to index
          %swap3A_611 = arith.constant 176 : index
          %swap3A_612 = tpu.vector_load %arg13[%swap3A_610, %swap3A_611] {strides = array<i32>} : memref<96x256xf32, #tpu.memory_space<vmem>>, vector<16xf32>,
          tpu.vector_store %arg13[%swap3A_610, %swap3A_611], %get3A_281 {strides = array<i32>} : memref<96x256xf32, #tpu.memory_space<vmem>>, vector<16xf32>,
          %swap3A_613 = arith.index_cast %scan3A_576 : i32 to index
          %swap3A_614 = arith.constant 192 : index
          %swap3A_615 = tpu.vector_load %arg13[%swap3A_613, %swap3A_614] {strides = array<i32>} : memref<96x256xf32, #tpu.memory_space<vmem>>, vector<16xf32>,
          tpu.vector_store %arg13[%swap3A_613, %swap3A_614], %get3A_286 {strides = array<i32>} : memref<96x256xf32, #tpu.memory_space<vmem>>, vector<16xf32>,
          %swap3A_616 = arith.index_cast %scan3A_576 : i32 to index
          %swap3A_617 = arith.constant 208 : index
          %swap3A_618 = tpu.vector_load %arg13[%swap3A_616, %swap3A_617] {strides = array<i32>} : memref<96x256xf32, #tpu.memory_space<vmem>>, vector<16xf32>,
          tpu.vector_store %arg13[%swap3A_616, %swap3A_617], %get3A_291 {strides = array<i32>} : memref<96x256xf32, #tpu.memory_space<vmem>>, vector<16xf32>,
          %swap3A_619 = arith.index_cast %scan3A_576 : i32 to index
          %swap3A_620 = arith.constant 224 : index
          %swap3A_621 = tpu.vector_load %arg13[%swap3A_619, %swap3A_620] {strides = array<i32>} : memref<96x256xf32, #tpu.memory_space<vmem>>, vector<16xf32>,
          tpu.vector_store %arg13[%swap3A_619, %swap3A_620], %get3A_296 {strides = array<i32>} : memref<96x256xf32, #tpu.memory_space<vmem>>, vector<16xf32>,
          %swap3A_622 = arith.index_cast %scan3A_576 : i32 to index
          %swap3A_623 = arith.constant 240 : index
          %swap3A_624 = tpu.vector_load %arg13[%swap3A_622, %swap3A_623] {strides = array<i32>} : memref<96x256xf32, #tpu.memory_space<vmem>>, vector<16xf32>,
          tpu.vector_store %arg13[%swap3A_622, %swap3A_623], %get3A_301 {strides = array<i32>} : memref<96x256xf32, #tpu.memory_space<vmem>>, vector<16xf32>,
          %scan3A_625 = arith.constant 3 : i32
          %scan3A_626 = arith.addi %scan3A_477, %scan3A_625 : i32
          %swap3A_627 = arith.index_cast %scan3A_626 : i32 to index
          %swap3A_628 = arith.constant 0 : index
          %swap3A_629 = tpu.vector_load %arg13[%swap3A_627, %swap3A_628] {strides = array<i32>} : memref<96x256xf32, #tpu.memory_space<vmem>>, vector<16xf32>,
          tpu.vector_store %arg13[%swap3A_627, %swap3A_628], %get3A_240 {strides = array<i32>} : memref<96x256xf32, #tpu.memory_space<vmem>>, vector<16xf32>,
          %swap3A_630 = arith.index_cast %scan3A_626 : i32 to index
          %swap3A_631 = arith.constant 16 : index
          %swap3A_632 = tpu.vector_load %arg13[%swap3A_630, %swap3A_631] {strides = array<i32>} : memref<96x256xf32, #tpu.memory_space<vmem>>, vector<16xf32>,
          tpu.vector_store %arg13[%swap3A_630, %swap3A_631], %get3A_243 {strides = array<i32>} : memref<96x256xf32, #tpu.memory_space<vmem>>, vector<16xf32>,
          %swap3A_633 = arith.index_cast %scan3A_626 : i32 to index
          %swap3A_634 = arith.constant 32 : index
          %swap3A_635 = tpu.vector_load %arg13[%swap3A_633, %swap3A_634] {strides = array<i32>} : memref<96x256xf32, #tpu.memory_space<vmem>>, vector<16xf32>,
          tpu.vector_store %arg13[%swap3A_633, %swap3A_634], %get3A_246 {strides = array<i32>} : memref<96x256xf32, #tpu.memory_space<vmem>>, vector<16xf32>,
          %swap3A_636 = arith.index_cast %scan3A_626 : i32 to index
          %swap3A_637 = arith.constant 48 : index
          %swap3A_638 = tpu.vector_load %arg13[%swap3A_636, %swap3A_637] {strides = array<i32>} : memref<96x256xf32, #tpu.memory_space<vmem>>, vector<16xf32>,
          tpu.vector_store %arg13[%swap3A_636, %swap3A_637], %get3A_249 {strides = array<i32>} : memref<96x256xf32, #tpu.memory_space<vmem>>, vector<16xf32>,
          %swap3A_639 = arith.index_cast %scan3A_626 : i32 to index
          %swap3A_640 = arith.constant 64 : index
          %swap3A_641 = tpu.vector_load %arg13[%swap3A_639, %swap3A_640] {strides = array<i32>} : memref<96x256xf32, #tpu.memory_space<vmem>>, vector<16xf32>,
          tpu.vector_store %arg13[%swap3A_639, %swap3A_640], %get3A_252 {strides = array<i32>} : memref<96x256xf32, #tpu.memory_space<vmem>>, vector<16xf32>,
          %swap3A_642 = arith.index_cast %scan3A_626 : i32 to index
          %swap3A_643 = arith.constant 80 : index
          %swap3A_644 = tpu.vector_load %arg13[%swap3A_642, %swap3A_643] {strides = array<i32>} : memref<96x256xf32, #tpu.memory_space<vmem>>, vector<16xf32>,
          tpu.vector_store %arg13[%swap3A_642, %swap3A_643], %get3A_255 {strides = array<i32>} : memref<96x256xf32, #tpu.memory_space<vmem>>, vector<16xf32>,
          %swap3A_645 = arith.index_cast %scan3A_626 : i32 to index
          %swap3A_646 = arith.constant 96 : index
          %swap3A_647 = tpu.vector_load %arg13[%swap3A_645, %swap3A_646] {strides = array<i32>} : memref<96x256xf32, #tpu.memory_space<vmem>>, vector<16xf32>,
          tpu.vector_store %arg13[%swap3A_645, %swap3A_646], %get3A_258 {strides = array<i32>} : memref<96x256xf32, #tpu.memory_space<vmem>>, vector<16xf32>,
          %swap3A_648 = arith.index_cast %scan3A_626 : i32 to index
          %swap3A_649 = arith.constant 112 : index
          %swap3A_650 = tpu.vector_load %arg13[%swap3A_648, %swap3A_649] {strides = array<i32>} : memref<96x256xf32, #tpu.memory_space<vmem>>, vector<16xf32>,
          tpu.vector_store %arg13[%swap3A_648, %swap3A_649], %get3A_261 {strides = array<i32>} : memref<96x256xf32, #tpu.memory_space<vmem>>, vector<16xf32>,
          %swap3A_651 = arith.index_cast %scan3A_626 : i32 to index
          %swap3A_652 = arith.constant 128 : index
          %swap3A_653 = tpu.vector_load %arg13[%swap3A_651, %swap3A_652] {strides = array<i32>} : memref<96x256xf32, #tpu.memory_space<vmem>>, vector<16xf32>,
          tpu.vector_store %arg13[%swap3A_651, %swap3A_652], %get3A_266 {strides = array<i32>} : memref<96x256xf32, #tpu.memory_space<vmem>>, vector<16xf32>,
          %swap3A_654 = arith.index_cast %scan3A_626 : i32 to index
          %swap3A_655 = arith.constant 144 : index
          %swap3A_656 = tpu.vector_load %arg13[%swap3A_654, %swap3A_655] {strides = array<i32>} : memref<96x256xf32, #tpu.memory_space<vmem>>, vector<16xf32>,
          tpu.vector_store %arg13[%swap3A_654, %swap3A_655], %get3A_271 {strides = array<i32>} : memref<96x256xf32, #tpu.memory_space<vmem>>, vector<16xf32>,
          %swap3A_657 = arith.index_cast %scan3A_626 : i32 to index
          %swap3A_658 = arith.constant 160 : index
          %swap3A_659 = tpu.vector_load %arg13[%swap3A_657, %swap3A_658] {strides = array<i32>} : memref<96x256xf32, #tpu.memory_space<vmem>>, vector<16xf32>,
          tpu.vector_store %arg13[%swap3A_657, %swap3A_658], %get3A_276 {strides = array<i32>} : memref<96x256xf32, #tpu.memory_space<vmem>>, vector<16xf32>,
          %swap3A_660 = arith.index_cast %scan3A_626 : i32 to index
          %swap3A_661 = arith.constant 176 : index
          %swap3A_662 = tpu.vector_load %arg13[%swap3A_660, %swap3A_661] {strides = array<i32>} : memref<96x256xf32, #tpu.memory_space<vmem>>, vector<16xf32>,
          tpu.vector_store %arg13[%swap3A_660, %swap3A_661], %get3A_281 {strides = array<i32>} : memref<96x256xf32, #tpu.memory_space<vmem>>, vector<16xf32>,
          %swap3A_663 = arith.index_cast %scan3A_626 : i32 to index
          %swap3A_664 = arith.constant 192 : index
          %swap3A_665 = tpu.vector_load %arg13[%swap3A_663, %swap3A_664] {strides = array<i32>} : memref<96x256xf32, #tpu.memory_space<vmem>>, vector<16xf32>,
          tpu.vector_store %arg13[%swap3A_663, %swap3A_664], %get3A_286 {strides = array<i32>} : memref<96x256xf32, #tpu.memory_space<vmem>>, vector<16xf32>,
          %swap3A_666 = arith.index_cast %scan3A_626 : i32 to index
          %swap3A_667 = arith.constant 208 : index
          %swap3A_668 = tpu.vector_load %arg13[%swap3A_666, %swap3A_667] {strides = array<i32>} : memref<96x256xf32, #tpu.memory_space<vmem>>, vector<16xf32>,
          tpu.vector_store %arg13[%swap3A_666, %swap3A_667], %get3A_291 {strides = array<i32>} : memref<96x256xf32, #tpu.memory_space<vmem>>, vector<16xf32>,
          %swap3A_669 = arith.index_cast %scan3A_626 : i32 to index
          %swap3A_670 = arith.constant 224 : index
          %swap3A_671 = tpu.vector_load %arg13[%swap3A_669, %swap3A_670] {strides = array<i32>} : memref<96x256xf32, #tpu.memory_space<vmem>>, vector<16xf32>,
          tpu.vector_store %arg13[%swap3A_669, %swap3A_670], %get3A_296 {strides = array<i32>} : memref<96x256xf32, #tpu.memory_space<vmem>>, vector<16xf32>,
          %swap3A_672 = arith.index_cast %scan3A_626 : i32 to index
          %swap3A_673 = arith.constant 240 : index
          %swap3A_674 = tpu.vector_load %arg13[%swap3A_672, %swap3A_673] {strides = array<i32>} : memref<96x256xf32, #tpu.memory_space<vmem>>, vector<16xf32>,
          tpu.vector_store %arg13[%swap3A_672, %swap3A_673], %get3A_301 {strides = array<i32>} : memref<96x256xf32, #tpu.memory_space<vmem>>, vector<16xf32>,
        }
        %scan3A_307 = arith.constant 96 : i32
        %dma_start3A_308 = arith.constant 0 : i32
        %dma_start3A_309 = arith.constant 128 : i32
        %dma_start3A_310 = tpu.memref_slice %arg6[%add3A_201, %dma_start3A_308, %dma_start3A_309] : memref<4096x200x384xf32, #tpu.memory_space<hbm>> -> memref<1x96x256xf32, #tpu.memory_space<hbm>>
        %dma_start3A_311 = tpu.memref_squeeze %dma_start3A_310 : memref<1x96x256xf32, #tpu.memory_space<hbm>> -> memref<96x256xf32, #tpu.memory_space<hbm>>
        %dma_start3A_312 = arith.constant 0 : i32
        %dma_start3A_313 = arith.constant 128 : i32
        %dma_start3A_314 = tpu.memref_slice %arg6[%add3A_201, %dma_start3A_312, %dma_start3A_313] : memref<4096x200x384xf32, #tpu.memory_space<hbm>> -> memref<1x96x256xf32, #tpu.memory_space<hbm>>
        %dma_start3A_315 = tpu.memref_squeeze %dma_start3A_314 : memref<1x96x256xf32, #tpu.memory_space<hbm>> -> memref<96x256xf32, #tpu.memory_space<hbm>>
        tpu.enqueue_dma source(%arg13 : memref<96x256xf32, #tpu.memory_space<vmem>>) target(%dma_start3A_315 : memref<96x256xf32, #tpu.memory_space<hbm>>) target_semaphore(%arg19 : memref<!tpu.dma_semaphore, #tpu.memory_space<semaphore_mem>>)
        %dma_start3A_316 = arith.constant 96 : i32
        %dma_start3A_317 = arith.constant 128 : i32
        %dma_start3A_318 = tpu.memref_slice %arg6[%add3A_201, %dma_start3A_316, %dma_start3A_317] : memref<4096x200x384xf32, #tpu.memory_space<hbm>> -> memref<1x96x256xf32, #tpu.memory_space<hbm>>
        %dma_start3A_319 = tpu.memref_squeeze %dma_start3A_318 : memref<1x96x256xf32, #tpu.memory_space<hbm>> -> memref<96x256xf32, #tpu.memory_space<hbm>>
        %dma_start3A_320 = arith.constant 96 : i32
        %dma_start3A_321 = arith.constant 128 : i32
        %dma_start3A_322 = tpu.memref_slice %arg6[%add3A_201, %dma_start3A_320, %dma_start3A_321] : memref<4096x200x384xf32, #tpu.memory_space<hbm>> -> memref<1x96x256xf32, #tpu.memory_space<hbm>>
        %dma_start3A_323 = tpu.memref_squeeze %dma_start3A_322 : memref<1x96x256xf32, #tpu.memory_space<hbm>> -> memref<96x256xf32, #tpu.memory_space<hbm>>
        tpu.enqueue_dma source(%arg13 : memref<96x256xf32, #tpu.memory_space<vmem>>) target(%dma_start3A_323 : memref<96x256xf32, #tpu.memory_space<hbm>>) target_semaphore(%arg19 : memref<!tpu.dma_semaphore, #tpu.memory_space<semaphore_mem>>)
        %dma_start3A_324 = arith.constant 0 : i32
        %dma_start3A_325 = arith.constant 0 : i32
        %dma_start3A_326 = tpu.memref_slice %arg13[%dma_start3A_324, %dma_start3A_325] : memref<96x256xf32, #tpu.memory_space<vmem>> -> memref<8x256xf32, #tpu.memory_space<vmem>>
        %dma_start3A_327 = arith.constant 192 : i32
        %dma_start3A_328 = arith.constant 128 : i32
        %dma_start3A_329 = tpu.memref_slice %arg6[%add3A_201, %dma_start3A_327, %dma_start3A_328] : memref<4096x200x384xf32, #tpu.memory_space<hbm>> -> memref<1x8x256xf32, #tpu.memory_space<hbm>>
        %dma_start3A_330 = tpu.memref_squeeze %dma_start3A_329 : memref<1x8x256xf32, #tpu.memory_space<hbm>> -> memref<8x256xf32, #tpu.memory_space<hbm>>
        %dma_start3A_331 = arith.constant 192 : i32
        %dma_start3A_332 = arith.constant 128 : i32
        %dma_start3A_333 = tpu.memref_slice %arg6[%add3A_201, %dma_start3A_331, %dma_start3A_332] : memref<4096x200x384xf32, #tpu.memory_space<hbm>> -> memref<1x8x256xf32, #tpu.memory_space<hbm>>
        %dma_start3A_334 = tpu.memref_squeeze %dma_start3A_333 : memref<1x8x256xf32, #tpu.memory_space<hbm>> -> memref<8x256xf32, #tpu.memory_space<hbm>>
        %dma_start3A_335 = arith.constant 0 : i32
        %dma_start3A_336 = arith.constant 0 : i32
        %dma_start3A_337 = tpu.memref_slice %arg13[%dma_start3A_335, %dma_start3A_336] : memref<96x256xf32, #tpu.memory_space<vmem>> -> memref<8x256xf32, #tpu.memory_space<vmem>>
        tpu.enqueue_dma source(%dma_start3A_337 : memref<8x256xf32, #tpu.memory_space<vmem>>) target(%dma_start3A_334 : memref<8x256xf32, #tpu.memory_space<hbm>>) target_semaphore(%arg19 : memref<!tpu.dma_semaphore, #tpu.memory_space<semaphore_mem>>)
        %add3A_338 = arith.constant 1 : i32
        %add3A_339 = arith.addi %add3A_198, %add3A_338 : i32
        %add3A_340 = arith.constant 1 : i32
        %add3A_341 = arith.addi %mul3A_203, %add3A_340 : i32
        %add3A_342 = arith.constant 1 : i32
        %add3A_343 = arith.addi %add3A_201, %add3A_342 : i32
        %dma_wait3A_344 = arith.constant 0 : i32
        %dma_wait3A_345 = arith.constant 0 : i32
        %dma_wait3A_346 = tpu.memref_slice %arg5[%add3A_343, %dma_wait3A_344, %dma_wait3A_345] : memref<4096x200x138xf32, #tpu.memory_space<hbm>> -> memref<1x200x128xf32, #tpu.memory_space<hbm>>
        %dma_wait3A_347 = tpu.memref_squeeze %dma_wait3A_346 : memref<1x200x128xf32, #tpu.memory_space<hbm>> -> memref<200x128xf32, #tpu.memory_space<hbm>>
        %dma_wait3A_348 = arith.constant 0 : i32
        %dma_wait3A_349 = arith.constant 0 : i32
        %dma_wait3A_350 = tpu.memref_slice %arg5[%add3A_343, %dma_wait3A_348, %dma_wait3A_349] : memref<4096x200x138xf32, #tpu.memory_space<hbm>> -> memref<1x200x128xf32, #tpu.memory_space<hbm>>
        %dma_wait3A_351 = tpu.memref_squeeze %dma_wait3A_350 : memref<1x200x128xf32, #tpu.memory_space<hbm>> -> memref<200x128xf32, #tpu.memory_space<hbm>>
        tpu.wait_dma2 semaphore(%arg16 : memref<!tpu.dma_semaphore, #tpu.memory_space<semaphore_mem>>) src(%dma_wait3A_351 : memref<200x128xf32, #tpu.memory_space<hbm>>) dst(%arg12 : memref<200x128xf32, #tpu.memory_space<vmem>>)
        %dma_start3A_352 = arith.constant 0 : i32
        %dma_start3A_353 = arith.constant 0 : i32
        %dma_start3A_354 = tpu.memref_slice %arg6[%add3A_343, %dma_start3A_352, %dma_start3A_353] : memref<4096x200x384xf32, #tpu.memory_space<hbm>> -> memref<1x200x128xf32, #tpu.memory_space<hbm>>
        %dma_start3A_355 = tpu.memref_squeeze %dma_start3A_354 : memref<1x200x128xf32, #tpu.memory_space<hbm>> -> memref<200x128xf32, #tpu.memory_space<hbm>>
        %dma_start3A_356 = arith.constant 0 : i32
        %dma_start3A_357 = arith.constant 0 : i32
        %dma_start3A_358 = tpu.memref_slice %arg6[%add3A_343, %dma_start3A_356, %dma_start3A_357] : memref<4096x200x384xf32, #tpu.memory_space<hbm>> -> memref<1x200x128xf32, #tpu.memory_space<hbm>>
        %dma_start3A_359 = tpu.memref_squeeze %dma_start3A_358 : memref<1x200x128xf32, #tpu.memory_space<hbm>> -> memref<200x128xf32, #tpu.memory_space<hbm>>
        tpu.enqueue_dma source(%arg12 : memref<200x128xf32, #tpu.memory_space<vmem>>) target(%dma_start3A_359 : memref<200x128xf32, #tpu.memory_space<hbm>>) target_semaphore(%arg18 : memref<!tpu.dma_semaphore, #tpu.memory_space<semaphore_mem>>)
        %ge3A_360 = arith.constant 1 : i32
        %ge3A_361 = arith.cmpi sge, %add3A_339, %ge3A_360 : i32
        %convert_element_type3A_362 = arith.extui %ge3A_361 : i1 to i32
        %cond3A_363 = arith.constant 0 : i32
        %cond3A_364 = arith.cmpi ne, %convert_element_type3A_362, %cond3A_363 : i32
        scf.if %cond3A_364 {
          %dma_wait3A_477 = arith.constant 0 : i32
          %dma_wait3A_478 = arith.constant 0 : i32
          %dma_wait3A_479 = tpu.memref_slice %arg6[%add3A_343, %dma_wait3A_477, %dma_wait3A_478] : memref<4096x200x384xf32, #tpu.memory_space<hbm>> -> memref<1x200x128xf32, #tpu.memory_space<hbm>>
          %dma_wait3A_480 = tpu.memref_squeeze %dma_wait3A_479 : memref<1x200x128xf32, #tpu.memory_space<hbm>> -> memref<200x128xf32, #tpu.memory_space<hbm>>
          %dma_wait3A_481 = arith.constant 0 : i32
          %dma_wait3A_482 = arith.constant 0 : i32
          %dma_wait3A_483 = tpu.memref_slice %arg6[%add3A_343, %dma_wait3A_481, %dma_wait3A_482] : memref<4096x200x384xf32, #tpu.memory_space<hbm>> -> memref<1x200x128xf32, #tpu.memory_space<hbm>>
          %dma_wait3A_484 = tpu.memref_squeeze %dma_wait3A_483 : memref<1x200x128xf32, #tpu.memory_space<hbm>> -> memref<200x128xf32, #tpu.memory_space<hbm>>
          tpu.wait_dma2 semaphore(%arg17 : memref<!tpu.dma_semaphore, #tpu.memory_space<semaphore_mem>>) src(%arg11 : memref<200x128xf32, #tpu.memory_space<vmem>>) dst(%dma_wait3A_484 : memref<200x128xf32, #tpu.memory_space<hbm>>)
        } else {
        }
        %add3A_365 = arith.constant 2 : i32
        %add3A_366 = arith.addi %add3A_198, %add3A_365 : i32
        %le3A_367 = arith.constant 127 : i32
        %le3A_368 = arith.cmpi sle, %add3A_366, %le3A_367 : i32
        %convert_element_type3A_369 = arith.extui %le3A_368 : i1 to i32
        %cond3A_370 = arith.constant 0 : i32
        %cond3A_371 = arith.cmpi ne, %convert_element_type3A_369, %cond3A_370 : i32
        scf.if %cond3A_371 {
          %add3A_477 = arith.constant 2 : i32
          %add3A_478 = arith.addi %add3A_201, %add3A_477 : i32
          %dma_start3A_479 = arith.constant 0 : i32
          %dma_start3A_480 = arith.constant 0 : i32
          %dma_start3A_481 = tpu.memref_slice %arg5[%add3A_478, %dma_start3A_479, %dma_start3A_480] : memref<4096x200x138xf32, #tpu.memory_space<hbm>> -> memref<1x200x128xf32, #tpu.memory_space<hbm>>
          %dma_start3A_482 = tpu.memref_squeeze %dma_start3A_481 : memref<1x200x128xf32, #tpu.memory_space<hbm>> -> memref<200x128xf32, #tpu.memory_space<hbm>>
          %dma_start3A_483 = arith.constant 0 : i32
          %dma_start3A_484 = arith.constant 0 : i32
          %dma_start3A_485 = tpu.memref_slice %arg5[%add3A_478, %dma_start3A_483, %dma_start3A_484] : memref<4096x200x138xf32, #tpu.memory_space<hbm>> -> memref<1x200x128xf32, #tpu.memory_space<hbm>>
          %dma_start3A_486 = tpu.memref_squeeze %dma_start3A_485 : memref<1x200x128xf32, #tpu.memory_space<hbm>> -> memref<200x128xf32, #tpu.memory_space<hbm>>
          tpu.enqueue_dma source(%dma_start3A_486 : memref<200x128xf32, #tpu.memory_space<hbm>>) target(%arg11 : memref<200x128xf32, #tpu.memory_space<vmem>>) target_semaphore(%arg15 : memref<!tpu.dma_semaphore, #tpu.memory_space<semaphore_mem>>)
        } else {
        }
        %ge3A_372 = arith.constant 2 : i32
        %ge3A_373 = arith.cmpi sge, %add3A_339, %ge3A_372 : i32
        %convert_element_type3A_374 = arith.extui %ge3A_373 : i1 to i32
        %cond3A_375 = arith.constant 0 : i32
        %cond3A_376 = arith.cmpi ne, %convert_element_type3A_374, %cond3A_375 : i32
        scf.if %cond3A_376 {
          %dma_wait3A_477 = arith.constant 0 : i32
          %dma_wait3A_478 = arith.constant 128 : i32
          %dma_wait3A_479 = tpu.memref_slice %arg6[%add3A_343, %dma_wait3A_477, %dma_wait3A_478] : memref<4096x200x384xf32, #tpu.memory_space<hbm>> -> memref<1x96x256xf32, #tpu.memory_space<hbm>>
          %dma_wait3A_480 = tpu.memref_squeeze %dma_wait3A_479 : memref<1x96x256xf32, #tpu.memory_space<hbm>> -> memref<96x256xf32, #tpu.memory_space<hbm>>
          %dma_wait3A_481 = arith.constant 0 : i32
          %dma_wait3A_482 = arith.constant 128 : i32
          %dma_wait3A_483 = tpu.memref_slice %arg6[%add3A_343, %dma_wait3A_481, %dma_wait3A_482] : memref<4096x200x384xf32, #tpu.memory_space<hbm>> -> memref<1x96x256xf32, #tpu.memory_space<hbm>>
          %dma_wait3A_484 = tpu.memref_squeeze %dma_wait3A_483 : memref<1x96x256xf32, #tpu.memory_space<hbm>> -> memref<96x256xf32, #tpu.memory_space<hbm>>
          tpu.wait_dma2 semaphore(%arg20 : memref<!tpu.dma_semaphore, #tpu.memory_space<semaphore_mem>>) src(%arg14 : memref<96x256xf32, #tpu.memory_space<vmem>>) dst(%dma_wait3A_484 : memref<96x256xf32, #tpu.memory_space<hbm>>)
          %dma_wait3A_485 = arith.constant 96 : i32
          %dma_wait3A_486 = arith.constant 128 : i32
          %dma_wait3A_487 = tpu.memref_slice %arg6[%add3A_343, %dma_wait3A_485, %dma_wait3A_486] : memref<4096x200x384xf32, #tpu.memory_space<hbm>> -> memref<1x96x256xf32, #tpu.memory_space<hbm>>
          %dma_wait3A_488 = tpu.memref_squeeze %dma_wait3A_487 : memref<1x96x256xf32, #tpu.memory_space<hbm>> -> memref<96x256xf32, #tpu.memory_space<hbm>>
          %dma_wait3A_489 = arith.constant 96 : i32
          %dma_wait3A_490 = arith.constant 128 : i32
          %dma_wait3A_491 = tpu.memref_slice %arg6[%add3A_343, %dma_wait3A_489, %dma_wait3A_490] : memref<4096x200x384xf32, #tpu.memory_space<hbm>> -> memref<1x96x256xf32, #tpu.memory_space<hbm>>
          %dma_wait3A_492 = tpu.memref_squeeze %dma_wait3A_491 : memref<1x96x256xf32, #tpu.memory_space<hbm>> -> memref<96x256xf32, #tpu.memory_space<hbm>>
          tpu.wait_dma2 semaphore(%arg20 : memref<!tpu.dma_semaphore, #tpu.memory_space<semaphore_mem>>) src(%arg14 : memref<96x256xf32, #tpu.memory_space<vmem>>) dst(%dma_wait3A_492 : memref<96x256xf32, #tpu.memory_space<hbm>>)
          %dma_wait3A_493 = arith.constant 0 : i32
          %dma_wait3A_494 = arith.constant 0 : i32
          %dma_wait3A_495 = tpu.memref_slice %arg14[%dma_wait3A_493, %dma_wait3A_494] : memref<96x256xf32, #tpu.memory_space<vmem>> -> memref<8x256xf32, #tpu.memory_space<vmem>>
          %dma_wait3A_496 = arith.constant 192 : i32
          %dma_wait3A_497 = arith.constant 128 : i32
          %dma_wait3A_498 = tpu.memref_slice %arg6[%add3A_343, %dma_wait3A_496, %dma_wait3A_497] : memref<4096x200x384xf32, #tpu.memory_space<hbm>> -> memref<1x8x256xf32, #tpu.memory_space<hbm>>
          %dma_wait3A_499 = tpu.memref_squeeze %dma_wait3A_498 : memref<1x8x256xf32, #tpu.memory_space<hbm>> -> memref<8x256xf32, #tpu.memory_space<hbm>>
          %dma_wait3A_500 = arith.constant 192 : i32
          %dma_wait3A_501 = arith.constant 128 : i32
          %dma_wait3A_502 = tpu.memref_slice %arg6[%add3A_343, %dma_wait3A_500, %dma_wait3A_501] : memref<4096x200x384xf32, #tpu.memory_space<hbm>> -> memref<1x8x256xf32, #tpu.memory_space<hbm>>
          %dma_wait3A_503 = tpu.memref_squeeze %dma_wait3A_502 : memref<1x8x256xf32, #tpu.memory_space<hbm>> -> memref<8x256xf32, #tpu.memory_space<hbm>>
          %dma_wait3A_504 = arith.constant 0 : i32
          %dma_wait3A_505 = arith.constant 0 : i32
          %dma_wait3A_506 = tpu.memref_slice %arg14[%dma_wait3A_504, %dma_wait3A_505] : memref<96x256xf32, #tpu.memory_space<vmem>> -> memref<8x256xf32, #tpu.memory_space<vmem>>
          tpu.wait_dma2 semaphore(%arg20 : memref<!tpu.dma_semaphore, #tpu.memory_space<semaphore_mem>>) src(%dma_wait3A_506 : memref<8x256xf32, #tpu.memory_space<vmem>>) dst(%dma_wait3A_503 : memref<8x256xf32, #tpu.memory_space<hbm>>)
        } else {
        }
        %get3A_377 = arith.index_cast %add3A_341 : i32 to index
        %get3A_378 = arith.constant 0 : index
        %get3A_379 = tpu.vector_load %arg9[%get3A_377, %get3A_378] {strides = array<i32>} : memref<16x128xf32, #tpu.memory_space<vmem>>, vector<16xf32>,
        %get3A_380 = arith.index_cast %add3A_341 : i32 to index
        %get3A_381 = arith.constant 16 : index
        %get3A_382 = tpu.vector_load %arg9[%get3A_380, %get3A_381] {strides = array<i32>} : memref<16x128xf32, #tpu.memory_space<vmem>>, vector<16xf32>,
        %get3A_383 = arith.index_cast %add3A_341 : i32 to index
        %get3A_384 = arith.constant 32 : index
        %get3A_385 = tpu.vector_load %arg9[%get3A_383, %get3A_384] {strides = array<i32>} : memref<16x128xf32, #tpu.memory_space<vmem>>, vector<16xf32>,
        %get3A_386 = arith.index_cast %add3A_341 : i32 to index
        %get3A_387 = arith.constant 48 : index
        %get3A_388 = tpu.vector_load %arg9[%get3A_386, %get3A_387] {strides = array<i32>} : memref<16x128xf32, #tpu.memory_space<vmem>>, vector<16xf32>,
        %get3A_389 = arith.index_cast %add3A_341 : i32 to index
        %get3A_390 = arith.constant 64 : index
        %get3A_391 = tpu.vector_load %arg9[%get3A_389, %get3A_390] {strides = array<i32>} : memref<16x128xf32, #tpu.memory_space<vmem>>, vector<16xf32>,
        %get3A_392 = arith.index_cast %add3A_341 : i32 to index
        %get3A_393 = arith.constant 80 : index
        %get3A_394 = tpu.vector_load %arg9[%get3A_392, %get3A_393] {strides = array<i32>} : memref<16x128xf32, #tpu.memory_space<vmem>>, vector<16xf32>,
        %get3A_395 = arith.index_cast %add3A_341 : i32 to index
        %get3A_396 = arith.constant 96 : index
        %get3A_397 = tpu.vector_load %arg9[%get3A_395, %get3A_396] {strides = array<i32>} : memref<16x128xf32, #tpu.memory_space<vmem>>, vector<16xf32>,
        %get3A_398 = arith.index_cast %add3A_341 : i32 to index
        %get3A_399 = arith.constant 112 : index
        %get3A_400 = tpu.vector_load %arg9[%get3A_398, %get3A_399] {strides = array<i32>} : memref<16x128xf32, #tpu.memory_space<vmem>>, vector<16xf32>,
        %add3A_401 = arith.constant 8 : i32
        %add3A_402 = arith.addi %add3A_401, %add3A_341 : i32
        %get3A_403 = arith.index_cast %add3A_402 : i32 to index
        %get3A_404 = arith.constant 0 : index
        %get3A_405 = tpu.vector_load %arg9[%get3A_403, %get3A_404] {strides = array<i32>} : memref<16x128xf32, #tpu.memory_space<vmem>>, vector<16xf32>,
        %add3A_406 = arith.constant 8 : i32
        %add3A_407 = arith.addi %add3A_406, %add3A_341 : i32
        %get3A_408 = arith.index_cast %add3A_407 : i32 to index
        %get3A_409 = arith.constant 16 : index
        %get3A_410 = tpu.vector_load %arg9[%get3A_408, %get3A_409] {strides = array<i32>} : memref<16x128xf32, #tpu.memory_space<vmem>>, vector<16xf32>,
        %add3A_411 = arith.constant 8 : i32
        %add3A_412 = arith.addi %add3A_411, %add3A_341 : i32
        %get3A_413 = arith.index_cast %add3A_412 : i32 to index
        %get3A_414 = arith.constant 32 : index
        %get3A_415 = tpu.vector_load %arg9[%get3A_413, %get3A_414] {strides = array<i32>} : memref<16x128xf32, #tpu.memory_space<vmem>>, vector<16xf32>,
        %add3A_416 = arith.constant 8 : i32
        %add3A_417 = arith.addi %add3A_416, %add3A_341 : i32
        %get3A_418 = arith.index_cast %add3A_417 : i32 to index
        %get3A_419 = arith.constant 48 : index
        %get3A_420 = tpu.vector_load %arg9[%get3A_418, %get3A_419] {strides = array<i32>} : memref<16x128xf32, #tpu.memory_space<vmem>>, vector<16xf32>,
        %add3A_421 = arith.constant 8 : i32
        %add3A_422 = arith.addi %add3A_421, %add3A_341 : i32
        %get3A_423 = arith.index_cast %add3A_422 : i32 to index
        %get3A_424 = arith.constant 64 : index
        %get3A_425 = tpu.vector_load %arg9[%get3A_423, %get3A_424] {strides = array<i32>} : memref<16x128xf32, #tpu.memory_space<vmem>>, vector<16xf32>,
        %add3A_426 = arith.constant 8 : i32
        %add3A_427 = arith.addi %add3A_426, %add3A_341 : i32
        %get3A_428 = arith.index_cast %add3A_427 : i32 to index
        %get3A_429 = arith.constant 80 : index
        %get3A_430 = tpu.vector_load %arg9[%get3A_428, %get3A_429] {strides = array<i32>} : memref<16x128xf32, #tpu.memory_space<vmem>>, vector<16xf32>,
        %add3A_431 = arith.constant 8 : i32
        %add3A_432 = arith.addi %add3A_431, %add3A_341 : i32
        %get3A_433 = arith.index_cast %add3A_432 : i32 to index
        %get3A_434 = arith.constant 96 : index
        %get3A_435 = tpu.vector_load %arg9[%get3A_433, %get3A_434] {strides = array<i32>} : memref<16x128xf32, #tpu.memory_space<vmem>>, vector<16xf32>,
        %add3A_436 = arith.constant 8 : i32
        %add3A_437 = arith.addi %add3A_436, %add3A_341 : i32
        %get3A_438 = arith.index_cast %add3A_437 : i32 to index
        %get3A_439 = arith.constant 112 : index
        %get3A_440 = tpu.vector_load %arg9[%get3A_438, %get3A_439] {strides = array<i32>} : memref<16x128xf32, #tpu.memory_space<vmem>>, vector<16xf32>,
        %scan3A_441 = arith.constant 0 : i32
        %scan3A_442 = arith.constant 0 : i32
        %scan3A_443 = arith.constant 96 : i32
        %scan3A_444 = arith.addi %scan3A_442, %scan3A_443 : i32
        %scan3A_445 = arith.constant 4 : i32
        scf.for %scan3A_477 = %scan3A_442 to %scan3A_444 step %scan3A_445  : i32 {
          %swap3A = arith.index_cast %scan3A_477 : i32 to index
          %swap3A_478 = arith.constant 0 : index
          %swap3A_479 = tpu.vector_load %arg14[%swap3A, %swap3A_478] {strides = array<i32>} : memref<96x256xf32, #tpu.memory_space<vmem>>, vector<16xf32>,
          tpu.vector_store %arg14[%swap3A, %swap3A_478], %get3A_379 {strides = array<i32>} : memref<96x256xf32, #tpu.memory_space<vmem>>, vector<16xf32>,
          %swap3A_480 = arith.index_cast %scan3A_477 : i32 to index
          %swap3A_481 = arith.constant 16 : index
          %swap3A_482 = tpu.vector_load %arg14[%swap3A_480, %swap3A_481] {strides = array<i32>} : memref<96x256xf32, #tpu.memory_space<vmem>>, vector<16xf32>,
          tpu.vector_store %arg14[%swap3A_480, %swap3A_481], %get3A_382 {strides = array<i32>} : memref<96x256xf32, #tpu.memory_space<vmem>>, vector<16xf32>,
          %swap3A_483 = arith.index_cast %scan3A_477 : i32 to index
          %swap3A_484 = arith.constant 32 : index
          %swap3A_485 = tpu.vector_load %arg14[%swap3A_483, %swap3A_484] {strides = array<i32>} : memref<96x256xf32, #tpu.memory_space<vmem>>, vector<16xf32>,
          tpu.vector_store %arg14[%swap3A_483, %swap3A_484], %get3A_385 {strides = array<i32>} : memref<96x256xf32, #tpu.memory_space<vmem>>, vector<16xf32>,
          %swap3A_486 = arith.index_cast %scan3A_477 : i32 to index
          %swap3A_487 = arith.constant 48 : index
          %swap3A_488 = tpu.vector_load %arg14[%swap3A_486, %swap3A_487] {strides = array<i32>} : memref<96x256xf32, #tpu.memory_space<vmem>>, vector<16xf32>,
          tpu.vector_store %arg14[%swap3A_486, %swap3A_487], %get3A_388 {strides = array<i32>} : memref<96x256xf32, #tpu.memory_space<vmem>>, vector<16xf32>,
          %swap3A_489 = arith.index_cast %scan3A_477 : i32 to index
          %swap3A_490 = arith.constant 64 : index
          %swap3A_491 = tpu.vector_load %arg14[%swap3A_489, %swap3A_490] {strides = array<i32>} : memref<96x256xf32, #tpu.memory_space<vmem>>, vector<16xf32>,
          tpu.vector_store %arg14[%swap3A_489, %swap3A_490], %get3A_391 {strides = array<i32>} : memref<96x256xf32, #tpu.memory_space<vmem>>, vector<16xf32>,
          %swap3A_492 = arith.index_cast %scan3A_477 : i32 to index
          %swap3A_493 = arith.constant 80 : index
          %swap3A_494 = tpu.vector_load %arg14[%swap3A_492, %swap3A_493] {strides = array<i32>} : memref<96x256xf32, #tpu.memory_space<vmem>>, vector<16xf32>,
          tpu.vector_store %arg14[%swap3A_492, %swap3A_493], %get3A_394 {strides = array<i32>} : memref<96x256xf32, #tpu.memory_space<vmem>>, vector<16xf32>,
          %swap3A_495 = arith.index_cast %scan3A_477 : i32 to index
          %swap3A_496 = arith.constant 96 : index
          %swap3A_497 = tpu.vector_load %arg14[%swap3A_495, %swap3A_496] {strides = array<i32>} : memref<96x256xf32, #tpu.memory_space<vmem>>, vector<16xf32>,
          tpu.vector_store %arg14[%swap3A_495, %swap3A_496], %get3A_397 {strides = array<i32>} : memref<96x256xf32, #tpu.memory_space<vmem>>, vector<16xf32>,
          %swap3A_498 = arith.index_cast %scan3A_477 : i32 to index
          %swap3A_499 = arith.constant 112 : index
          %swap3A_500 = tpu.vector_load %arg14[%swap3A_498, %swap3A_499] {strides = array<i32>} : memref<96x256xf32, #tpu.memory_space<vmem>>, vector<16xf32>,
          tpu.vector_store %arg14[%swap3A_498, %swap3A_499], %get3A_400 {strides = array<i32>} : memref<96x256xf32, #tpu.memory_space<vmem>>, vector<16xf32>,
          %swap3A_501 = arith.index_cast %scan3A_477 : i32 to index
          %swap3A_502 = arith.constant 128 : index
          %swap3A_503 = tpu.vector_load %arg14[%swap3A_501, %swap3A_502] {strides = array<i32>} : memref<96x256xf32, #tpu.memory_space<vmem>>, vector<16xf32>,
          tpu.vector_store %arg14[%swap3A_501, %swap3A_502], %get3A_405 {strides = array<i32>} : memref<96x256xf32, #tpu.memory_space<vmem>>, vector<16xf32>,
          %swap3A_504 = arith.index_cast %scan3A_477 : i32 to index
          %swap3A_505 = arith.constant 144 : index
          %swap3A_506 = tpu.vector_load %arg14[%swap3A_504, %swap3A_505] {strides = array<i32>} : memref<96x256xf32, #tpu.memory_space<vmem>>, vector<16xf32>,
          tpu.vector_store %arg14[%swap3A_504, %swap3A_505], %get3A_410 {strides = array<i32>} : memref<96x256xf32, #tpu.memory_space<vmem>>, vector<16xf32>,
          %swap3A_507 = arith.index_cast %scan3A_477 : i32 to index
          %swap3A_508 = arith.constant 160 : index
          %swap3A_509 = tpu.vector_load %arg14[%swap3A_507, %swap3A_508] {strides = array<i32>} : memref<96x256xf32, #tpu.memory_space<vmem>>, vector<16xf32>,
          tpu.vector_store %arg14[%swap3A_507, %swap3A_508], %get3A_415 {strides = array<i32>} : memref<96x256xf32, #tpu.memory_space<vmem>>, vector<16xf32>,
          %swap3A_510 = arith.index_cast %scan3A_477 : i32 to index
          %swap3A_511 = arith.constant 176 : index
          %swap3A_512 = tpu.vector_load %arg14[%swap3A_510, %swap3A_511] {strides = array<i32>} : memref<96x256xf32, #tpu.memory_space<vmem>>, vector<16xf32>,
          tpu.vector_store %arg14[%swap3A_510, %swap3A_511], %get3A_420 {strides = array<i32>} : memref<96x256xf32, #tpu.memory_space<vmem>>, vector<16xf32>,
          %swap3A_513 = arith.index_cast %scan3A_477 : i32 to index
          %swap3A_514 = arith.constant 192 : index
          %swap3A_515 = tpu.vector_load %arg14[%swap3A_513, %swap3A_514] {strides = array<i32>} : memref<96x256xf32, #tpu.memory_space<vmem>>, vector<16xf32>,
          tpu.vector_store %arg14[%swap3A_513, %swap3A_514], %get3A_425 {strides = array<i32>} : memref<96x256xf32, #tpu.memory_space<vmem>>, vector<16xf32>,
          %swap3A_516 = arith.index_cast %scan3A_477 : i32 to index
          %swap3A_517 = arith.constant 208 : index
          %swap3A_518 = tpu.vector_load %arg14[%swap3A_516, %swap3A_517] {strides = array<i32>} : memref<96x256xf32, #tpu.memory_space<vmem>>, vector<16xf32>,
          tpu.vector_store %arg14[%swap3A_516, %swap3A_517], %get3A_430 {strides = array<i32>} : memref<96x256xf32, #tpu.memory_space<vmem>>, vector<16xf32>,
          %swap3A_519 = arith.index_cast %scan3A_477 : i32 to index
          %swap3A_520 = arith.constant 224 : index
          %swap3A_521 = tpu.vector_load %arg14[%swap3A_519, %swap3A_520] {strides = array<i32>} : memref<96x256xf32, #tpu.memory_space<vmem>>, vector<16xf32>,
          tpu.vector_store %arg14[%swap3A_519, %swap3A_520], %get3A_435 {strides = array<i32>} : memref<96x256xf32, #tpu.memory_space<vmem>>, vector<16xf32>,
          %swap3A_522 = arith.index_cast %scan3A_477 : i32 to index
          %swap3A_523 = arith.constant 240 : index
          %swap3A_524 = tpu.vector_load %arg14[%swap3A_522, %swap3A_523] {strides = array<i32>} : memref<96x256xf32, #tpu.memory_space<vmem>>, vector<16xf32>,
          tpu.vector_store %arg14[%swap3A_522, %swap3A_523], %get3A_440 {strides = array<i32>} : memref<96x256xf32, #tpu.memory_space<vmem>>, vector<16xf32>,
          %scan3A_525 = arith.constant 1 : i32
          %scan3A_526 = arith.addi %scan3A_477, %scan3A_525 : i32
          %swap3A_527 = arith.index_cast %scan3A_526 : i32 to index
          %swap3A_528 = arith.constant 0 : index
          %swap3A_529 = tpu.vector_load %arg14[%swap3A_527, %swap3A_528] {strides = array<i32>} : memref<96x256xf32, #tpu.memory_space<vmem>>, vector<16xf32>,
          tpu.vector_store %arg14[%swap3A_527, %swap3A_528], %get3A_379 {strides = array<i32>} : memref<96x256xf32, #tpu.memory_space<vmem>>, vector<16xf32>,
          %swap3A_530 = arith.index_cast %scan3A_526 : i32 to index
          %swap3A_531 = arith.constant 16 : index
          %swap3A_532 = tpu.vector_load %arg14[%swap3A_530, %swap3A_531] {strides = array<i32>} : memref<96x256xf32, #tpu.memory_space<vmem>>, vector<16xf32>,
          tpu.vector_store %arg14[%swap3A_530, %swap3A_531], %get3A_382 {strides = array<i32>} : memref<96x256xf32, #tpu.memory_space<vmem>>, vector<16xf32>,
          %swap3A_533 = arith.index_cast %scan3A_526 : i32 to index
          %swap3A_534 = arith.constant 32 : index
          %swap3A_535 = tpu.vector_load %arg14[%swap3A_533, %swap3A_534] {strides = array<i32>} : memref<96x256xf32, #tpu.memory_space<vmem>>, vector<16xf32>,
          tpu.vector_store %arg14[%swap3A_533, %swap3A_534], %get3A_385 {strides = array<i32>} : memref<96x256xf32, #tpu.memory_space<vmem>>, vector<16xf32>,
          %swap3A_536 = arith.index_cast %scan3A_526 : i32 to index
          %swap3A_537 = arith.constant 48 : index
          %swap3A_538 = tpu.vector_load %arg14[%swap3A_536, %swap3A_537] {strides = array<i32>} : memref<96x256xf32, #tpu.memory_space<vmem>>, vector<16xf32>,
          tpu.vector_store %arg14[%swap3A_536, %swap3A_537], %get3A_388 {strides = array<i32>} : memref<96x256xf32, #tpu.memory_space<vmem>>, vector<16xf32>,
          %swap3A_539 = arith.index_cast %scan3A_526 : i32 to index
          %swap3A_540 = arith.constant 64 : index
          %swap3A_541 = tpu.vector_load %arg14[%swap3A_539, %swap3A_540] {strides = array<i32>} : memref<96x256xf32, #tpu.memory_space<vmem>>, vector<16xf32>,
          tpu.vector_store %arg14[%swap3A_539, %swap3A_540], %get3A_391 {strides = array<i32>} : memref<96x256xf32, #tpu.memory_space<vmem>>, vector<16xf32>,
          %swap3A_542 = arith.index_cast %scan3A_526 : i32 to index
          %swap3A_543 = arith.constant 80 : index
          %swap3A_544 = tpu.vector_load %arg14[%swap3A_542, %swap3A_543] {strides = array<i32>} : memref<96x256xf32, #tpu.memory_space<vmem>>, vector<16xf32>,
          tpu.vector_store %arg14[%swap3A_542, %swap3A_543], %get3A_394 {strides = array<i32>} : memref<96x256xf32, #tpu.memory_space<vmem>>, vector<16xf32>,
          %swap3A_545 = arith.index_cast %scan3A_526 : i32 to index
          %swap3A_546 = arith.constant 96 : index
          %swap3A_547 = tpu.vector_load %arg14[%swap3A_545, %swap3A_546] {strides = array<i32>} : memref<96x256xf32, #tpu.memory_space<vmem>>, vector<16xf32>,
          tpu.vector_store %arg14[%swap3A_545, %swap3A_546], %get3A_397 {strides = array<i32>} : memref<96x256xf32, #tpu.memory_space<vmem>>, vector<16xf32>,
          %swap3A_548 = arith.index_cast %scan3A_526 : i32 to index
          %swap3A_549 = arith.constant 112 : index
          %swap3A_550 = tpu.vector_load %arg14[%swap3A_548, %swap3A_549] {strides = array<i32>} : memref<96x256xf32, #tpu.memory_space<vmem>>, vector<16xf32>,
          tpu.vector_store %arg14[%swap3A_548, %swap3A_549], %get3A_400 {strides = array<i32>} : memref<96x256xf32, #tpu.memory_space<vmem>>, vector<16xf32>,
          %swap3A_551 = arith.index_cast %scan3A_526 : i32 to index
          %swap3A_552 = arith.constant 128 : index
          %swap3A_553 = tpu.vector_load %arg14[%swap3A_551, %swap3A_552] {strides = array<i32>} : memref<96x256xf32, #tpu.memory_space<vmem>>, vector<16xf32>,
          tpu.vector_store %arg14[%swap3A_551, %swap3A_552], %get3A_405 {strides = array<i32>} : memref<96x256xf32, #tpu.memory_space<vmem>>, vector<16xf32>,
          %swap3A_554 = arith.index_cast %scan3A_526 : i32 to index
          %swap3A_555 = arith.constant 144 : index
          %swap3A_556 = tpu.vector_load %arg14[%swap3A_554, %swap3A_555] {strides = array<i32>} : memref<96x256xf32, #tpu.memory_space<vmem>>, vector<16xf32>,
          tpu.vector_store %arg14[%swap3A_554, %swap3A_555], %get3A_410 {strides = array<i32>} : memref<96x256xf32, #tpu.memory_space<vmem>>, vector<16xf32>,
          %swap3A_557 = arith.index_cast %scan3A_526 : i32 to index
          %swap3A_558 = arith.constant 160 : index
          %swap3A_559 = tpu.vector_load %arg14[%swap3A_557, %swap3A_558] {strides = array<i32>} : memref<96x256xf32, #tpu.memory_space<vmem>>, vector<16xf32>,
          tpu.vector_store %arg14[%swap3A_557, %swap3A_558], %get3A_415 {strides = array<i32>} : memref<96x256xf32, #tpu.memory_space<vmem>>, vector<16xf32>,
          %swap3A_560 = arith.index_cast %scan3A_526 : i32 to index
          %swap3A_561 = arith.constant 176 : index
          %swap3A_562 = tpu.vector_load %arg14[%swap3A_560, %swap3A_561] {strides = array<i32>} : memref<96x256xf32, #tpu.memory_space<vmem>>, vector<16xf32>,
          tpu.vector_store %arg14[%swap3A_560, %swap3A_561], %get3A_420 {strides = array<i32>} : memref<96x256xf32, #tpu.memory_space<vmem>>, vector<16xf32>,
          %swap3A_563 = arith.index_cast %scan3A_526 : i32 to index
          %swap3A_564 = arith.constant 192 : index
          %swap3A_565 = tpu.vector_load %arg14[%swap3A_563, %swap3A_564] {strides = array<i32>} : memref<96x256xf32, #tpu.memory_space<vmem>>, vector<16xf32>,
          tpu.vector_store %arg14[%swap3A_563, %swap3A_564], %get3A_425 {strides = array<i32>} : memref<96x256xf32, #tpu.memory_space<vmem>>, vector<16xf32>,
          %swap3A_566 = arith.index_cast %scan3A_526 : i32 to index
          %swap3A_567 = arith.constant 208 : index
          %swap3A_568 = tpu.vector_load %arg14[%swap3A_566, %swap3A_567] {strides = array<i32>} : memref<96x256xf32, #tpu.memory_space<vmem>>, vector<16xf32>,
          tpu.vector_store %arg14[%swap3A_566, %swap3A_567], %get3A_430 {strides = array<i32>} : memref<96x256xf32, #tpu.memory_space<vmem>>, vector<16xf32>,
          %swap3A_569 = arith.index_cast %scan3A_526 : i32 to index
          %swap3A_570 = arith.constant 224 : index
          %swap3A_571 = tpu.vector_load %arg14[%swap3A_569, %swap3A_570] {strides = array<i32>} : memref<96x256xf32, #tpu.memory_space<vmem>>, vector<16xf32>,
          tpu.vector_store %arg14[%swap3A_569, %swap3A_570], %get3A_435 {strides = array<i32>} : memref<96x256xf32, #tpu.memory_space<vmem>>, vector<16xf32>,
          %swap3A_572 = arith.index_cast %scan3A_526 : i32 to index
          %swap3A_573 = arith.constant 240 : index
          %swap3A_574 = tpu.vector_load %arg14[%swap3A_572, %swap3A_573] {strides = array<i32>} : memref<96x256xf32, #tpu.memory_space<vmem>>, vector<16xf32>,
          tpu.vector_store %arg14[%swap3A_572, %swap3A_573], %get3A_440 {strides = array<i32>} : memref<96x256xf32, #tpu.memory_space<vmem>>, vector<16xf32>,
          %scan3A_575 = arith.constant 2 : i32
          %scan3A_576 = arith.addi %scan3A_477, %scan3A_575 : i32
          %swap3A_577 = arith.index_cast %scan3A_576 : i32 to index
          %swap3A_578 = arith.constant 0 : index
          %swap3A_579 = tpu.vector_load %arg14[%swap3A_577, %swap3A_578] {strides = array<i32>} : memref<96x256xf32, #tpu.memory_space<vmem>>, vector<16xf32>,
          tpu.vector_store %arg14[%swap3A_577, %swap3A_578], %get3A_379 {strides = array<i32>} : memref<96x256xf32, #tpu.memory_space<vmem>>, vector<16xf32>,
          %swap3A_580 = arith.index_cast %scan3A_576 : i32 to index
          %swap3A_581 = arith.constant 16 : index
          %swap3A_582 = tpu.vector_load %arg14[%swap3A_580, %swap3A_581] {strides = array<i32>} : memref<96x256xf32, #tpu.memory_space<vmem>>, vector<16xf32>,
          tpu.vector_store %arg14[%swap3A_580, %swap3A_581], %get3A_382 {strides = array<i32>} : memref<96x256xf32, #tpu.memory_space<vmem>>, vector<16xf32>,
          %swap3A_583 = arith.index_cast %scan3A_576 : i32 to index
          %swap3A_584 = arith.constant 32 : index
          %swap3A_585 = tpu.vector_load %arg14[%swap3A_583, %swap3A_584] {strides = array<i32>} : memref<96x256xf32, #tpu.memory_space<vmem>>, vector<16xf32>,
          tpu.vector_store %arg14[%swap3A_583, %swap3A_584], %get3A_385 {strides = array<i32>} : memref<96x256xf32, #tpu.memory_space<vmem>>, vector<16xf32>,
          %swap3A_586 = arith.index_cast %scan3A_576 : i32 to index
          %swap3A_587 = arith.constant 48 : index
          %swap3A_588 = tpu.vector_load %arg14[%swap3A_586, %swap3A_587] {strides = array<i32>} : memref<96x256xf32, #tpu.memory_space<vmem>>, vector<16xf32>,
          tpu.vector_store %arg14[%swap3A_586, %swap3A_587], %get3A_388 {strides = array<i32>} : memref<96x256xf32, #tpu.memory_space<vmem>>, vector<16xf32>,
          %swap3A_589 = arith.index_cast %scan3A_576 : i32 to index
          %swap3A_590 = arith.constant 64 : index
          %swap3A_591 = tpu.vector_load %arg14[%swap3A_589, %swap3A_590] {strides = array<i32>} : memref<96x256xf32, #tpu.memory_space<vmem>>, vector<16xf32>,
          tpu.vector_store %arg14[%swap3A_589, %swap3A_590], %get3A_391 {strides = array<i32>} : memref<96x256xf32, #tpu.memory_space<vmem>>, vector<16xf32>,
          %swap3A_592 = arith.index_cast %scan3A_576 : i32 to index
          %swap3A_593 = arith.constant 80 : index
          %swap3A_594 = tpu.vector_load %arg14[%swap3A_592, %swap3A_593] {strides = array<i32>} : memref<96x256xf32, #tpu.memory_space<vmem>>, vector<16xf32>,
          tpu.vector_store %arg14[%swap3A_592, %swap3A_593], %get3A_394 {strides = array<i32>} : memref<96x256xf32, #tpu.memory_space<vmem>>, vector<16xf32>,
          %swap3A_595 = arith.index_cast %scan3A_576 : i32 to index
          %swap3A_596 = arith.constant 96 : index
          %swap3A_597 = tpu.vector_load %arg14[%swap3A_595, %swap3A_596] {strides = array<i32>} : memref<96x256xf32, #tpu.memory_space<vmem>>, vector<16xf32>,
          tpu.vector_store %arg14[%swap3A_595, %swap3A_596], %get3A_397 {strides = array<i32>} : memref<96x256xf32, #tpu.memory_space<vmem>>, vector<16xf32>,
          %swap3A_598 = arith.index_cast %scan3A_576 : i32 to index
          %swap3A_599 = arith.constant 112 : index
          %swap3A_600 = tpu.vector_load %arg14[%swap3A_598, %swap3A_599] {strides = array<i32>} : memref<96x256xf32, #tpu.memory_space<vmem>>, vector<16xf32>,
          tpu.vector_store %arg14[%swap3A_598, %swap3A_599], %get3A_400 {strides = array<i32>} : memref<96x256xf32, #tpu.memory_space<vmem>>, vector<16xf32>,
          %swap3A_601 = arith.index_cast %scan3A_576 : i32 to index
          %swap3A_602 = arith.constant 128 : index
          %swap3A_603 = tpu.vector_load %arg14[%swap3A_601, %swap3A_602] {strides = array<i32>} : memref<96x256xf32, #tpu.memory_space<vmem>>, vector<16xf32>,
          tpu.vector_store %arg14[%swap3A_601, %swap3A_602], %get3A_405 {strides = array<i32>} : memref<96x256xf32, #tpu.memory_space<vmem>>, vector<16xf32>,
          %swap3A_604 = arith.index_cast %scan3A_576 : i32 to index
          %swap3A_605 = arith.constant 144 : index
          %swap3A_606 = tpu.vector_load %arg14[%swap3A_604, %swap3A_605] {strides = array<i32>} : memref<96x256xf32, #tpu.memory_space<vmem>>, vector<16xf32>,
          tpu.vector_store %arg14[%swap3A_604, %swap3A_605], %get3A_410 {strides = array<i32>} : memref<96x256xf32, #tpu.memory_space<vmem>>, vector<16xf32>,
          %swap3A_607 = arith.index_cast %scan3A_576 : i32 to index
          %swap3A_608 = arith.constant 160 : index
          %swap3A_609 = tpu.vector_load %arg14[%swap3A_607, %swap3A_608] {strides = array<i32>} : memref<96x256xf32, #tpu.memory_space<vmem>>, vector<16xf32>,
          tpu.vector_store %arg14[%swap3A_607, %swap3A_608], %get3A_415 {strides = array<i32>} : memref<96x256xf32, #tpu.memory_space<vmem>>, vector<16xf32>,
          %swap3A_610 = arith.index_cast %scan3A_576 : i32 to index
          %swap3A_611 = arith.constant 176 : index
          %swap3A_612 = tpu.vector_load %arg14[%swap3A_610, %swap3A_611] {strides = array<i32>} : memref<96x256xf32, #tpu.memory_space<vmem>>, vector<16xf32>,
          tpu.vector_store %arg14[%swap3A_610, %swap3A_611], %get3A_420 {strides = array<i32>} : memref<96x256xf32, #tpu.memory_space<vmem>>, vector<16xf32>,
          %swap3A_613 = arith.index_cast %scan3A_576 : i32 to index
          %swap3A_614 = arith.constant 192 : index
          %swap3A_615 = tpu.vector_load %arg14[%swap3A_613, %swap3A_614] {strides = array<i32>} : memref<96x256xf32, #tpu.memory_space<vmem>>, vector<16xf32>,
          tpu.vector_store %arg14[%swap3A_613, %swap3A_614], %get3A_425 {strides = array<i32>} : memref<96x256xf32, #tpu.memory_space<vmem>>, vector<16xf32>,
          %swap3A_616 = arith.index_cast %scan3A_576 : i32 to index
          %swap3A_617 = arith.constant 208 : index
          %swap3A_618 = tpu.vector_load %arg14[%swap3A_616, %swap3A_617] {strides = array<i32>} : memref<96x256xf32, #tpu.memory_space<vmem>>, vector<16xf32>,
          tpu.vector_store %arg14[%swap3A_616, %swap3A_617], %get3A_430 {strides = array<i32>} : memref<96x256xf32, #tpu.memory_space<vmem>>, vector<16xf32>,
          %swap3A_619 = arith.index_cast %scan3A_576 : i32 to index
          %swap3A_620 = arith.constant 224 : index
          %swap3A_621 = tpu.vector_load %arg14[%swap3A_619, %swap3A_620] {strides = array<i32>} : memref<96x256xf32, #tpu.memory_space<vmem>>, vector<16xf32>,
          tpu.vector_store %arg14[%swap3A_619, %swap3A_620], %get3A_435 {strides = array<i32>} : memref<96x256xf32, #tpu.memory_space<vmem>>, vector<16xf32>,
          %swap3A_622 = arith.index_cast %scan3A_576 : i32 to index
          %swap3A_623 = arith.constant 240 : index
          %swap3A_624 = tpu.vector_load %arg14[%swap3A_622, %swap3A_623] {strides = array<i32>} : memref<96x256xf32, #tpu.memory_space<vmem>>, vector<16xf32>,
          tpu.vector_store %arg14[%swap3A_622, %swap3A_623], %get3A_440 {strides = array<i32>} : memref<96x256xf32, #tpu.memory_space<vmem>>, vector<16xf32>,
          %scan3A_625 = arith.constant 3 : i32
          %scan3A_626 = arith.addi %scan3A_477, %scan3A_625 : i32
          %swap3A_627 = arith.index_cast %scan3A_626 : i32 to index
          %swap3A_628 = arith.constant 0 : index
          %swap3A_629 = tpu.vector_load %arg14[%swap3A_627, %swap3A_628] {strides = array<i32>} : memref<96x256xf32, #tpu.memory_space<vmem>>, vector<16xf32>,
          tpu.vector_store %arg14[%swap3A_627, %swap3A_628], %get3A_379 {strides = array<i32>} : memref<96x256xf32, #tpu.memory_space<vmem>>, vector<16xf32>,
          %swap3A_630 = arith.index_cast %scan3A_626 : i32 to index
          %swap3A_631 = arith.constant 16 : index
          %swap3A_632 = tpu.vector_load %arg14[%swap3A_630, %swap3A_631] {strides = array<i32>} : memref<96x256xf32, #tpu.memory_space<vmem>>, vector<16xf32>,
          tpu.vector_store %arg14[%swap3A_630, %swap3A_631], %get3A_382 {strides = array<i32>} : memref<96x256xf32, #tpu.memory_space<vmem>>, vector<16xf32>,
          %swap3A_633 = arith.index_cast %scan3A_626 : i32 to index
          %swap3A_634 = arith.constant 32 : index
          %swap3A_635 = tpu.vector_load %arg14[%swap3A_633, %swap3A_634] {strides = array<i32>} : memref<96x256xf32, #tpu.memory_space<vmem>>, vector<16xf32>,
          tpu.vector_store %arg14[%swap3A_633, %swap3A_634], %get3A_385 {strides = array<i32>} : memref<96x256xf32, #tpu.memory_space<vmem>>, vector<16xf32>,
          %swap3A_636 = arith.index_cast %scan3A_626 : i32 to index
          %swap3A_637 = arith.constant 48 : index
          %swap3A_638 = tpu.vector_load %arg14[%swap3A_636, %swap3A_637] {strides = array<i32>} : memref<96x256xf32, #tpu.memory_space<vmem>>, vector<16xf32>,
          tpu.vector_store %arg14[%swap3A_636, %swap3A_637], %get3A_388 {strides = array<i32>} : memref<96x256xf32, #tpu.memory_space<vmem>>, vector<16xf32>,
          %swap3A_639 = arith.index_cast %scan3A_626 : i32 to index
          %swap3A_640 = arith.constant 64 : index
          %swap3A_641 = tpu.vector_load %arg14[%swap3A_639, %swap3A_640] {strides = array<i32>} : memref<96x256xf32, #tpu.memory_space<vmem>>, vector<16xf32>,
          tpu.vector_store %arg14[%swap3A_639, %swap3A_640], %get3A_391 {strides = array<i32>} : memref<96x256xf32, #tpu.memory_space<vmem>>, vector<16xf32>,
          %swap3A_642 = arith.index_cast %scan3A_626 : i32 to index
          %swap3A_643 = arith.constant 80 : index
          %swap3A_644 = tpu.vector_load %arg14[%swap3A_642, %swap3A_643] {strides = array<i32>} : memref<96x256xf32, #tpu.memory_space<vmem>>, vector<16xf32>,
          tpu.vector_store %arg14[%swap3A_642, %swap3A_643], %get3A_394 {strides = array<i32>} : memref<96x256xf32, #tpu.memory_space<vmem>>, vector<16xf32>,
          %swap3A_645 = arith.index_cast %scan3A_626 : i32 to index
          %swap3A_646 = arith.constant 96 : index
          %swap3A_647 = tpu.vector_load %arg14[%swap3A_645, %swap3A_646] {strides = array<i32>} : memref<96x256xf32, #tpu.memory_space<vmem>>, vector<16xf32>,
          tpu.vector_store %arg14[%swap3A_645, %swap3A_646], %get3A_397 {strides = array<i32>} : memref<96x256xf32, #tpu.memory_space<vmem>>, vector<16xf32>,
          %swap3A_648 = arith.index_cast %scan3A_626 : i32 to index
          %swap3A_649 = arith.constant 112 : index
          %swap3A_650 = tpu.vector_load %arg14[%swap3A_648, %swap3A_649] {strides = array<i32>} : memref<96x256xf32, #tpu.memory_space<vmem>>, vector<16xf32>,
          tpu.vector_store %arg14[%swap3A_648, %swap3A_649], %get3A_400 {strides = array<i32>} : memref<96x256xf32, #tpu.memory_space<vmem>>, vector<16xf32>,
          %swap3A_651 = arith.index_cast %scan3A_626 : i32 to index
          %swap3A_652 = arith.constant 128 : index
          %swap3A_653 = tpu.vector_load %arg14[%swap3A_651, %swap3A_652] {strides = array<i32>} : memref<96x256xf32, #tpu.memory_space<vmem>>, vector<16xf32>,
          tpu.vector_store %arg14[%swap3A_651, %swap3A_652], %get3A_405 {strides = array<i32>} : memref<96x256xf32, #tpu.memory_space<vmem>>, vector<16xf32>,
          %swap3A_654 = arith.index_cast %scan3A_626 : i32 to index
          %swap3A_655 = arith.constant 144 : index
          %swap3A_656 = tpu.vector_load %arg14[%swap3A_654, %swap3A_655] {strides = array<i32>} : memref<96x256xf32, #tpu.memory_space<vmem>>, vector<16xf32>,
          tpu.vector_store %arg14[%swap3A_654, %swap3A_655], %get3A_410 {strides = array<i32>} : memref<96x256xf32, #tpu.memory_space<vmem>>, vector<16xf32>,
          %swap3A_657 = arith.index_cast %scan3A_626 : i32 to index
          %swap3A_658 = arith.constant 160 : index
          %swap3A_659 = tpu.vector_load %arg14[%swap3A_657, %swap3A_658] {strides = array<i32>} : memref<96x256xf32, #tpu.memory_space<vmem>>, vector<16xf32>,
          tpu.vector_store %arg14[%swap3A_657, %swap3A_658], %get3A_415 {strides = array<i32>} : memref<96x256xf32, #tpu.memory_space<vmem>>, vector<16xf32>,
          %swap3A_660 = arith.index_cast %scan3A_626 : i32 to index
          %swap3A_661 = arith.constant 176 : index
          %swap3A_662 = tpu.vector_load %arg14[%swap3A_660, %swap3A_661] {strides = array<i32>} : memref<96x256xf32, #tpu.memory_space<vmem>>, vector<16xf32>,
          tpu.vector_store %arg14[%swap3A_660, %swap3A_661], %get3A_420 {strides = array<i32>} : memref<96x256xf32, #tpu.memory_space<vmem>>, vector<16xf32>,
          %swap3A_663 = arith.index_cast %scan3A_626 : i32 to index
          %swap3A_664 = arith.constant 192 : index
          %swap3A_665 = tpu.vector_load %arg14[%swap3A_663, %swap3A_664] {strides = array<i32>} : memref<96x256xf32, #tpu.memory_space<vmem>>, vector<16xf32>,
          tpu.vector_store %arg14[%swap3A_663, %swap3A_664], %get3A_425 {strides = array<i32>} : memref<96x256xf32, #tpu.memory_space<vmem>>, vector<16xf32>,
          %swap3A_666 = arith.index_cast %scan3A_626 : i32 to index
          %swap3A_667 = arith.constant 208 : index
          %swap3A_668 = tpu.vector_load %arg14[%swap3A_666, %swap3A_667] {strides = array<i32>} : memref<96x256xf32, #tpu.memory_space<vmem>>, vector<16xf32>,
          tpu.vector_store %arg14[%swap3A_666, %swap3A_667], %get3A_430 {strides = array<i32>} : memref<96x256xf32, #tpu.memory_space<vmem>>, vector<16xf32>,
          %swap3A_669 = arith.index_cast %scan3A_626 : i32 to index
          %swap3A_670 = arith.constant 224 : index
          %swap3A_671 = tpu.vector_load %arg14[%swap3A_669, %swap3A_670] {strides = array<i32>} : memref<96x256xf32, #tpu.memory_space<vmem>>, vector<16xf32>,
          tpu.vector_store %arg14[%swap3A_669, %swap3A_670], %get3A_435 {strides = array<i32>} : memref<96x256xf32, #tpu.memory_space<vmem>>, vector<16xf32>,
          %swap3A_672 = arith.index_cast %scan3A_626 : i32 to index
          %swap3A_673 = arith.constant 240 : index
          %swap3A_674 = tpu.vector_load %arg14[%swap3A_672, %swap3A_673] {strides = array<i32>} : memref<96x256xf32, #tpu.memory_space<vmem>>, vector<16xf32>,
          tpu.vector_store %arg14[%swap3A_672, %swap3A_673], %get3A_440 {strides = array<i32>} : memref<96x256xf32, #tpu.memory_space<vmem>>, vector<16xf32>,
        }
        %scan3A_446 = arith.constant 96 : i32
        %dma_start3A_447 = arith.constant 0 : i32
        %dma_start3A_448 = arith.constant 128 : i32
        %dma_start3A_449 = tpu.memref_slice %arg6[%add3A_343, %dma_start3A_447, %dma_start3A_448] : memref<4096x200x384xf32, #tpu.memory_space<hbm>> -> memref<1x96x256xf32, #tpu.memory_space<hbm>>
        %dma_start3A_450 = tpu.memref_squeeze %dma_start3A_449 : memref<1x96x256xf32, #tpu.memory_space<hbm>> -> memref<96x256xf32, #tpu.memory_space<hbm>>
        %dma_start3A_451 = arith.constant 0 : i32
        %dma_start3A_452 = arith.constant 128 : i32
        %dma_start3A_453 = tpu.memref_slice %arg6[%add3A_343, %dma_start3A_451, %dma_start3A_452] : memref<4096x200x384xf32, #tpu.memory_space<hbm>> -> memref<1x96x256xf32, #tpu.memory_space<hbm>>
        %dma_start3A_454 = tpu.memref_squeeze %dma_start3A_453 : memref<1x96x256xf32, #tpu.memory_space<hbm>> -> memref<96x256xf32, #tpu.memory_space<hbm>>
        tpu.enqueue_dma source(%arg14 : memref<96x256xf32, #tpu.memory_space<vmem>>) target(%dma_start3A_454 : memref<96x256xf32, #tpu.memory_space<hbm>>) target_semaphore(%arg20 : memref<!tpu.dma_semaphore, #tpu.memory_space<semaphore_mem>>)
        %dma_start3A_455 = arith.constant 96 : i32
        %dma_start3A_456 = arith.constant 128 : i32
        %dma_start3A_457 = tpu.memref_slice %arg6[%add3A_343, %dma_start3A_455, %dma_start3A_456] : memref<4096x200x384xf32, #tpu.memory_space<hbm>> -> memref<1x96x256xf32, #tpu.memory_space<hbm>>
        %dma_start3A_458 = tpu.memref_squeeze %dma_start3A_457 : memref<1x96x256xf32, #tpu.memory_space<hbm>> -> memref<96x256xf32, #tpu.memory_space<hbm>>
        %dma_start3A_459 = arith.constant 96 : i32
        %dma_start3A_460 = arith.constant 128 : i32
        %dma_start3A_461 = tpu.memref_slice %arg6[%add3A_343, %dma_start3A_459, %dma_start3A_460] : memref<4096x200x384xf32, #tpu.memory_space<hbm>> -> memref<1x96x256xf32, #tpu.memory_space<hbm>>
        %dma_start3A_462 = tpu.memref_squeeze %dma_start3A_461 : memref<1x96x256xf32, #tpu.memory_space<hbm>> -> memref<96x256xf32, #tpu.memory_space<hbm>>
        tpu.enqueue_dma source(%arg14 : memref<96x256xf32, #tpu.memory_space<vmem>>) target(%dma_start3A_462 : memref<96x256xf32, #tpu.memory_space<hbm>>) target_semaphore(%arg20 : memref<!tpu.dma_semaphore, #tpu.memory_space<semaphore_mem>>)
        %dma_start3A_463 = arith.constant 0 : i32
        %dma_start3A_464 = arith.constant 0 : i32
        %dma_start3A_465 = tpu.memref_slice %arg14[%dma_start3A_463, %dma_start3A_464] : memref<96x256xf32, #tpu.memory_space<vmem>> -> memref<8x256xf32, #tpu.memory_space<vmem>>
        %dma_start3A_466 = arith.constant 192 : i32
        %dma_start3A_467 = arith.constant 128 : i32
        %dma_start3A_468 = tpu.memref_slice %arg6[%add3A_343, %dma_start3A_466, %dma_start3A_467] : memref<4096x200x384xf32, #tpu.memory_space<hbm>> -> memref<1x8x256xf32, #tpu.memory_space<hbm>>
        %dma_start3A_469 = tpu.memref_squeeze %dma_start3A_468 : memref<1x8x256xf32, #tpu.memory_space<hbm>> -> memref<8x256xf32, #tpu.memory_space<hbm>>
        %dma_start3A_470 = arith.constant 192 : i32
        %dma_start3A_471 = arith.constant 128 : i32
        %dma_start3A_472 = tpu.memref_slice %arg6[%add3A_343, %dma_start3A_470, %dma_start3A_471] : memref<4096x200x384xf32, #tpu.memory_space<hbm>> -> memref<1x8x256xf32, #tpu.memory_space<hbm>>
        %dma_start3A_473 = tpu.memref_squeeze %dma_start3A_472 : memref<1x8x256xf32, #tpu.memory_space<hbm>> -> memref<8x256xf32, #tpu.memory_space<hbm>>
        %dma_start3A_474 = arith.constant 0 : i32
        %dma_start3A_475 = arith.constant 0 : i32
        %dma_start3A_476 = tpu.memref_slice %arg14[%dma_start3A_474, %dma_start3A_475] : memref<96x256xf32, #tpu.memory_space<vmem>> -> memref<8x256xf32, #tpu.memory_space<vmem>>
        tpu.enqueue_dma source(%dma_start3A_476 : memref<8x256xf32, #tpu.memory_space<vmem>>) target(%dma_start3A_473 : memref<8x256xf32, #tpu.memory_space<hbm>>) target_semaphore(%arg20 : memref<!tpu.dma_semaphore, #tpu.memory_space<semaphore_mem>>)
      }
      %scan3A_153 = arith.constant 4 : i32
      %mul3A_154 = arith.constant 2 : i32
      %mul3A_155 = arith.muli %mul3A_154, %scan3A_98 : i32
      %add3A_156 = arith.constant 1 : i32
      %add3A_157 = arith.addi %mul3A_155, %add3A_156 : i32
      %mul3A_158 = arith.constant 8 : i32
      %mul3A_159 = arith.muli %add3A_157, %mul3A_158 : i32
      %add3A_160 = arith.addi %mul3A_2, %mul3A_159 : i32
      %dma_wait3A_161 = arith.constant 0 : i32
      %dma_wait3A_162 = arith.constant 0 : i32
      %dma_wait3A_163 = tpu.memref_slice %arg10[%dma_wait3A_161, %dma_wait3A_162] : memref<16x128xf32, #tpu.memory_space<vmem>> -> memref<8x128xf32, #tpu.memory_space<vmem>>
      %dma_wait3A_164 = arith.constant 0 : i32
      %dma_wait3A_165 = arith.constant 0 : i32
      %dma_wait3A_166 = tpu.memref_slice %arg4[%dma_wait3A_164, %dma_wait3A_165] : memref<100000x128xf32, #tpu.memory_space<hbm>> -> memref<8x128xf32, #tpu.memory_space<hbm>>
      %dma_wait3A_167 = arith.constant 0 : i32
      %dma_wait3A_168 = arith.constant 0 : i32
      %dma_wait3A_169 = tpu.memref_slice %arg10[%dma_wait3A_167, %dma_wait3A_168] : memref<16x128xf32, #tpu.memory_space<vmem>> -> memref<8x128xf32, #tpu.memory_space<vmem>>
      %dma_wait3A_170 = arith.constant 0 : i32
      %dma_wait3A_171 = arith.constant 0 : i32
      %dma_wait3A_172 = tpu.memref_slice %arg4[%dma_wait3A_170, %dma_wait3A_171] : memref<100000x128xf32, #tpu.memory_space<hbm>> -> memref<8x128xf32, #tpu.memory_space<hbm>>
      tpu.wait_dma2 semaphore(%arg22 : memref<!tpu.dma_semaphore, #tpu.memory_space<semaphore_mem>>) src(%dma_wait3A_172 : memref<8x128xf32, #tpu.memory_space<hbm>>) dst(%dma_wait3A_169 : memref<8x128xf32, #tpu.memory_space<vmem>>)
      %dma_wait3A_173 = arith.constant 8 : i32
      %dma_wait3A_174 = arith.constant 0 : i32
      %dma_wait3A_175 = tpu.memref_slice %arg10[%dma_wait3A_173, %dma_wait3A_174] : memref<16x128xf32, #tpu.memory_space<vmem>> -> memref<8x128xf32, #tpu.memory_space<vmem>>
      %dma_wait3A_176 = arith.constant 0 : i32
      %dma_wait3A_177 = arith.constant 0 : i32
      %dma_wait3A_178 = tpu.memref_slice %arg4[%dma_wait3A_176, %dma_wait3A_177] : memref<100000x128xf32, #tpu.memory_space<hbm>> -> memref<8x128xf32, #tpu.memory_space<hbm>>
      %dma_wait3A_179 = arith.constant 8 : i32
      %dma_wait3A_180 = arith.constant 0 : i32
      %dma_wait3A_181 = tpu.memref_slice %arg10[%dma_wait3A_179, %dma_wait3A_180] : memref<16x128xf32, #tpu.memory_space<vmem>> -> memref<8x128xf32, #tpu.memory_space<vmem>>
      %dma_wait3A_182 = arith.constant 0 : i32
      %dma_wait3A_183 = arith.constant 0 : i32
      %dma_wait3A_184 = tpu.memref_slice %arg4[%dma_wait3A_182, %dma_wait3A_183] : memref<100000x128xf32, #tpu.memory_space<hbm>> -> memref<8x128xf32, #tpu.memory_space<hbm>>
      tpu.wait_dma2 semaphore(%arg22 : memref<!tpu.dma_semaphore, #tpu.memory_space<semaphore_mem>>) src(%dma_wait3A_184 : memref<8x128xf32, #tpu.memory_space<hbm>>) dst(%dma_wait3A_181 : memref<8x128xf32, #tpu.memory_space<vmem>>)
      %le3A = arith.constant 6 : i32
      %le3A_185 = arith.cmpi sle, %scan3A_98, %le3A : i32
      %convert_element_type3A = arith.extui %le3A_185 : i1 to i32
      %cond3A = arith.constant 0 : i32
      %cond3A_186 = arith.cmpi ne, %convert_element_type3A, %cond3A : i32
      scf.if %cond3A_186 {
        %add3A_193 = arith.constant 8 : i32
        %add3A_194 = arith.addi %add3A_160, %add3A_193 : i32
        "tpu.region"() ({
          %run_scoped3A = tpu.sem_alloc : memref<!tpu.dma_semaphore, #tpu.memory_space<semaphore_mem>>
          %dma_start3A_211 = arith.constant 0 : i32
          %dma_start3A_212 = tpu.memref_slice %arg7[%dma_start3A_211] : memref<16xi32, #tpu.memory_space<vmem>> -> memref<8xi32, #tpu.memory_space<vmem>>
          %dma_start3A_213 = tpu.memref_slice %arg2[%add3A_194] : memref<4096xi32, #tpu.memory_space<hbm>> -> memref<8xi32, #tpu.memory_space<hbm>>
          %dma_start3A_214 = arith.constant 0 : i32
          %dma_start3A_215 = tpu.memref_slice %arg7[%dma_start3A_214] : memref<16xi32, #tpu.memory_space<vmem>> -> memref<8xi32, #tpu.memory_space<vmem>>
          %dma_start3A_216 = tpu.memref_slice %arg2[%add3A_194] : memref<4096xi32, #tpu.memory_space<hbm>> -> memref<8xi32, #tpu.memory_space<hbm>>
          tpu.enqueue_dma source(%dma_start3A_216 : memref<8xi32, #tpu.memory_space<hbm>>) target(%dma_start3A_215 : memref<8xi32, #tpu.memory_space<vmem>>) target_semaphore(%run_scoped3A : memref<!tpu.dma_semaphore, #tpu.memory_space<semaphore_mem>>)
          %dma_wait3A_217 = arith.constant 0 : i32
          %dma_wait3A_218 = tpu.memref_slice %arg7[%dma_wait3A_217] : memref<16xi32, #tpu.memory_space<vmem>> -> memref<8xi32, #tpu.memory_space<vmem>>
          %dma_wait3A_219 = tpu.memref_slice %arg2[%add3A_194] : memref<4096xi32, #tpu.memory_space<hbm>> -> memref<8xi32, #tpu.memory_space<hbm>>
          %dma_wait3A_220 = arith.constant 0 : i32
          %dma_wait3A_221 = tpu.memref_slice %arg7[%dma_wait3A_220] : memref<16xi32, #tpu.memory_space<vmem>> -> memref<8xi32, #tpu.memory_space<vmem>>
          %dma_wait3A_222 = tpu.memref_slice %arg2[%add3A_194] : memref<4096xi32, #tpu.memory_space<hbm>> -> memref<8xi32, #tpu.memory_space<hbm>>
          tpu.wait_dma2 semaphore(%run_scoped3A : memref<!tpu.dma_semaphore, #tpu.memory_space<semaphore_mem>>) src(%dma_wait3A_222 : memref<8xi32, #tpu.memory_space<hbm>>) dst(%dma_wait3A_221 : memref<8xi32, #tpu.memory_space<vmem>>)
          tpu.yield
        }) : () -> ()
        "tpu.region"() ({
          %run_scoped3A = tpu.sem_alloc : memref<!tpu.dma_semaphore, #tpu.memory_space<semaphore_mem>>
          %dma_start3A_211 = arith.constant 8 : i32
          %dma_start3A_212 = tpu.memref_slice %arg7[%dma_start3A_211] : memref<16xi32, #tpu.memory_space<vmem>> -> memref<8xi32, #tpu.memory_space<vmem>>
          %dma_start3A_213 = tpu.memref_slice %arg3[%add3A_194] : memref<4096xi32, #tpu.memory_space<hbm>> -> memref<8xi32, #tpu.memory_space<hbm>>
          %dma_start3A_214 = arith.constant 8 : i32
          %dma_start3A_215 = tpu.memref_slice %arg7[%dma_start3A_214] : memref<16xi32, #tpu.memory_space<vmem>> -> memref<8xi32, #tpu.memory_space<vmem>>
          %dma_start3A_216 = tpu.memref_slice %arg3[%add3A_194] : memref<4096xi32, #tpu.memory_space<hbm>> -> memref<8xi32, #tpu.memory_space<hbm>>
          tpu.enqueue_dma source(%dma_start3A_216 : memref<8xi32, #tpu.memory_space<hbm>>) target(%dma_start3A_215 : memref<8xi32, #tpu.memory_space<vmem>>) target_semaphore(%run_scoped3A : memref<!tpu.dma_semaphore, #tpu.memory_space<semaphore_mem>>)
          %dma_wait3A_217 = arith.constant 8 : i32
          %dma_wait3A_218 = tpu.memref_slice %arg7[%dma_wait3A_217] : memref<16xi32, #tpu.memory_space<vmem>> -> memref<8xi32, #tpu.memory_space<vmem>>
          %dma_wait3A_219 = tpu.memref_slice %arg3[%add3A_194] : memref<4096xi32, #tpu.memory_space<hbm>> -> memref<8xi32, #tpu.memory_space<hbm>>
          %dma_wait3A_220 = arith.constant 8 : i32
          %dma_wait3A_221 = tpu.memref_slice %arg7[%dma_wait3A_220] : memref<16xi32, #tpu.memory_space<vmem>> -> memref<8xi32, #tpu.memory_space<vmem>>
          %dma_wait3A_222 = tpu.memref_slice %arg3[%add3A_194] : memref<4096xi32, #tpu.memory_space<hbm>> -> memref<8xi32, #tpu.memory_space<hbm>>
          tpu.wait_dma2 semaphore(%run_scoped3A : memref<!tpu.dma_semaphore, #tpu.memory_space<semaphore_mem>>) src(%dma_wait3A_222 : memref<8xi32, #tpu.memory_space<hbm>>) dst(%dma_wait3A_221 : memref<8xi32, #tpu.memory_space<vmem>>)
          tpu.yield
        }) : () -> ()
        %dma_start3A_195 = arith.constant 0 : i32
        %dma_start3A_196 = arith.constant 0 : i32
        %dma_start3A_197 = tpu.memref_slice %arg9[%dma_start3A_195, %dma_start3A_196] : memref<16x128xf32, #tpu.memory_space<vmem>> -> memref<8x128xf32, #tpu.memory_space<vmem>>
        %dma_start3A_198 = arith.constant 0 : i32
        %dma_start3A_199 = tpu.memref_slice %arg7[%dma_start3A_198] : memref<16xi32, #tpu.memory_space<vmem>> -> memref<8xi32, #tpu.memory_space<vmem>>
        %dma_start3A_200 = arith.constant 0 : i32
        %dma_start3A_201 = arith.constant 0 : i32
        %dma_start3A_202 = tpu.memref_slice %arg4[%dma_start3A_200, %dma_start3A_201] : memref<100000x128xf32, #tpu.memory_space<hbm>> -> memref<100000x128xf32, #tpu.memory_space<hbm>>
        tpu.enqueue_indirect_dma source(%dma_start3A_202 : memref<100000x128xf32, #tpu.memory_space<hbm>>) target(%dma_start3A_197 : memref<8x128xf32, #tpu.memory_space<vmem>>) offsets(%dma_start3A_199 : memref<8xi32, #tpu.memory_space<vmem>>) semaphore(%arg21 : memref<!tpu.dma_semaphore, #tpu.memory_space<semaphore_mem>>)
        %dma_start3A_203 = arith.constant 8 : i32
        %dma_start3A_204 = arith.constant 0 : i32
        %dma_start3A_205 = tpu.memref_slice %arg9[%dma_start3A_203, %dma_start3A_204] : memref<16x128xf32, #tpu.memory_space<vmem>> -> memref<8x128xf32, #tpu.memory_space<vmem>>
        %dma_start3A_206 = arith.constant 8 : i32
        %dma_start3A_207 = tpu.memref_slice %arg7[%dma_start3A_206] : memref<16xi32, #tpu.memory_space<vmem>> -> memref<8xi32, #tpu.memory_space<vmem>>
        %dma_start3A_208 = arith.constant 0 : i32
        %dma_start3A_209 = arith.constant 0 : i32
        %dma_start3A_210 = tpu.memref_slice %arg4[%dma_start3A_208, %dma_start3A_209] : memref<100000x128xf32, #tpu.memory_space<hbm>> -> memref<100000x128xf32, #tpu.memory_space<hbm>>
        tpu.enqueue_indirect_dma source(%dma_start3A_210 : memref<100000x128xf32, #tpu.memory_space<hbm>>) target(%dma_start3A_205 : memref<8x128xf32, #tpu.memory_space<vmem>>) offsets(%dma_start3A_207 : memref<8xi32, #tpu.memory_space<vmem>>) semaphore(%arg21 : memref<!tpu.dma_semaphore, #tpu.memory_space<semaphore_mem>>)
      } else {
      }
      %scan3A_187 = arith.constant 0 : i32
      %scan3A_188 = arith.constant 0 : i32
      %scan3A_189 = arith.constant 4 : i32
      %scan3A_190 = arith.addi %scan3A_188, %scan3A_189 : i32
      %scan3A_191 = arith.constant 1 : i32
      scf.for %scan3A_193 = %scan3A_188 to %scan3A_190 step %scan3A_191  : i32 {
        %mul3A_194 = arith.constant 8 : i32
        %mul3A_195 = arith.muli %add3A_157, %mul3A_194 : i32
        %mul3A_196 = arith.constant 2 : i32
        %mul3A_197 = arith.muli %mul3A_196, %scan3A_193 : i32
        %add3A_198 = arith.addi %mul3A_195, %mul3A_197 : i32
        %mul3A_199 = arith.constant 2 : i32
        %mul3A_200 = arith.muli %mul3A_199, %scan3A_193 : i32
        %add3A_201 = arith.addi %add3A_160, %mul3A_200 : i32
        %mul3A_202 = arith.constant 2 : i32
        %mul3A_203 = arith.muli %mul3A_202, %scan3A_193 : i32
        %dma_wait3A_204 = arith.constant 0 : i32
        %dma_wait3A_205 = arith.constant 0 : i32
        %dma_wait3A_206 = tpu.memref_slice %arg5[%add3A_201, %dma_wait3A_204, %dma_wait3A_205] : memref<4096x200x138xf32, #tpu.memory_space<hbm>> -> memref<1x200x128xf32, #tpu.memory_space<hbm>>
        %dma_wait3A_207 = tpu.memref_squeeze %dma_wait3A_206 : memref<1x200x128xf32, #tpu.memory_space<hbm>> -> memref<200x128xf32, #tpu.memory_space<hbm>>
        %dma_wait3A_208 = arith.constant 0 : i32
        %dma_wait3A_209 = arith.constant 0 : i32
        %dma_wait3A_210 = tpu.memref_slice %arg5[%add3A_201, %dma_wait3A_208, %dma_wait3A_209] : memref<4096x200x138xf32, #tpu.memory_space<hbm>> -> memref<1x200x128xf32, #tpu.memory_space<hbm>>
        %dma_wait3A_211 = tpu.memref_squeeze %dma_wait3A_210 : memref<1x200x128xf32, #tpu.memory_space<hbm>> -> memref<200x128xf32, #tpu.memory_space<hbm>>
        tpu.wait_dma2 semaphore(%arg15 : memref<!tpu.dma_semaphore, #tpu.memory_space<semaphore_mem>>) src(%dma_wait3A_211 : memref<200x128xf32, #tpu.memory_space<hbm>>) dst(%arg11 : memref<200x128xf32, #tpu.memory_space<vmem>>)
        %dma_start3A_212 = arith.constant 0 : i32
        %dma_start3A_213 = arith.constant 0 : i32
        %dma_start3A_214 = tpu.memref_slice %arg6[%add3A_201, %dma_start3A_212, %dma_start3A_213] : memref<4096x200x384xf32, #tpu.memory_space<hbm>> -> memref<1x200x128xf32, #tpu.memory_space<hbm>>
        %dma_start3A_215 = tpu.memref_squeeze %dma_start3A_214 : memref<1x200x128xf32, #tpu.memory_space<hbm>> -> memref<200x128xf32, #tpu.memory_space<hbm>>
        %dma_start3A_216 = arith.constant 0 : i32
        %dma_start3A_217 = arith.constant 0 : i32
        %dma_start3A_218 = tpu.memref_slice %arg6[%add3A_201, %dma_start3A_216, %dma_start3A_217] : memref<4096x200x384xf32, #tpu.memory_space<hbm>> -> memref<1x200x128xf32, #tpu.memory_space<hbm>>
        %dma_start3A_219 = tpu.memref_squeeze %dma_start3A_218 : memref<1x200x128xf32, #tpu.memory_space<hbm>> -> memref<200x128xf32, #tpu.memory_space<hbm>>
        tpu.enqueue_dma source(%arg11 : memref<200x128xf32, #tpu.memory_space<vmem>>) target(%dma_start3A_219 : memref<200x128xf32, #tpu.memory_space<hbm>>) target_semaphore(%arg17 : memref<!tpu.dma_semaphore, #tpu.memory_space<semaphore_mem>>)
        %ge3A = arith.constant 1 : i32
        %ge3A_220 = arith.cmpi sge, %add3A_198, %ge3A : i32
        %convert_element_type3A_221 = arith.extui %ge3A_220 : i1 to i32
        %cond3A_222 = arith.constant 0 : i32
        %cond3A_223 = arith.cmpi ne, %convert_element_type3A_221, %cond3A_222 : i32
        scf.if %cond3A_223 {
          %dma_wait3A_477 = arith.constant 0 : i32
          %dma_wait3A_478 = arith.constant 0 : i32
          %dma_wait3A_479 = tpu.memref_slice %arg6[%add3A_201, %dma_wait3A_477, %dma_wait3A_478] : memref<4096x200x384xf32, #tpu.memory_space<hbm>> -> memref<1x200x128xf32, #tpu.memory_space<hbm>>
          %dma_wait3A_480 = tpu.memref_squeeze %dma_wait3A_479 : memref<1x200x128xf32, #tpu.memory_space<hbm>> -> memref<200x128xf32, #tpu.memory_space<hbm>>
          %dma_wait3A_481 = arith.constant 0 : i32
          %dma_wait3A_482 = arith.constant 0 : i32
          %dma_wait3A_483 = tpu.memref_slice %arg6[%add3A_201, %dma_wait3A_481, %dma_wait3A_482] : memref<4096x200x384xf32, #tpu.memory_space<hbm>> -> memref<1x200x128xf32, #tpu.memory_space<hbm>>
          %dma_wait3A_484 = tpu.memref_squeeze %dma_wait3A_483 : memref<1x200x128xf32, #tpu.memory_space<hbm>> -> memref<200x128xf32, #tpu.memory_space<hbm>>
          tpu.wait_dma2 semaphore(%arg18 : memref<!tpu.dma_semaphore, #tpu.memory_space<semaphore_mem>>) src(%arg12 : memref<200x128xf32, #tpu.memory_space<vmem>>) dst(%dma_wait3A_484 : memref<200x128xf32, #tpu.memory_space<hbm>>)
        } else {
        }
        %add3A_224 = arith.constant 1 : i32
        %add3A_225 = arith.addi %add3A_201, %add3A_224 : i32
        %dma_start3A_226 = arith.constant 0 : i32
        %dma_start3A_227 = arith.constant 0 : i32
        %dma_start3A_228 = tpu.memref_slice %arg5[%add3A_225, %dma_start3A_226, %dma_start3A_227] : memref<4096x200x138xf32, #tpu.memory_space<hbm>> -> memref<1x200x128xf32, #tpu.memory_space<hbm>>
        %dma_start3A_229 = tpu.memref_squeeze %dma_start3A_228 : memref<1x200x128xf32, #tpu.memory_space<hbm>> -> memref<200x128xf32, #tpu.memory_space<hbm>>
        %dma_start3A_230 = arith.constant 0 : i32
        %dma_start3A_231 = arith.constant 0 : i32
        %dma_start3A_232 = tpu.memref_slice %arg5[%add3A_225, %dma_start3A_230, %dma_start3A_231] : memref<4096x200x138xf32, #tpu.memory_space<hbm>> -> memref<1x200x128xf32, #tpu.memory_space<hbm>>
        %dma_start3A_233 = tpu.memref_squeeze %dma_start3A_232 : memref<1x200x128xf32, #tpu.memory_space<hbm>> -> memref<200x128xf32, #tpu.memory_space<hbm>>
        tpu.enqueue_dma source(%dma_start3A_233 : memref<200x128xf32, #tpu.memory_space<hbm>>) target(%arg12 : memref<200x128xf32, #tpu.memory_space<vmem>>) target_semaphore(%arg16 : memref<!tpu.dma_semaphore, #tpu.memory_space<semaphore_mem>>)
        %ge3A_234 = arith.constant 2 : i32
        %ge3A_235 = arith.cmpi sge, %add3A_198, %ge3A_234 : i32
        %convert_element_type3A_236 = arith.extui %ge3A_235 : i1 to i32
        %cond3A_237 = arith.constant 0 : i32
        %cond3A_238 = arith.cmpi ne, %convert_element_type3A_236, %cond3A_237 : i32
        scf.if %cond3A_238 {
          %dma_wait3A_477 = arith.constant 0 : i32
          %dma_wait3A_478 = arith.constant 128 : i32
          %dma_wait3A_479 = tpu.memref_slice %arg6[%add3A_201, %dma_wait3A_477, %dma_wait3A_478] : memref<4096x200x384xf32, #tpu.memory_space<hbm>> -> memref<1x96x256xf32, #tpu.memory_space<hbm>>
          %dma_wait3A_480 = tpu.memref_squeeze %dma_wait3A_479 : memref<1x96x256xf32, #tpu.memory_space<hbm>> -> memref<96x256xf32, #tpu.memory_space<hbm>>
          %dma_wait3A_481 = arith.constant 0 : i32
          %dma_wait3A_482 = arith.constant 128 : i32
          %dma_wait3A_483 = tpu.memref_slice %arg6[%add3A_201, %dma_wait3A_481, %dma_wait3A_482] : memref<4096x200x384xf32, #tpu.memory_space<hbm>> -> memref<1x96x256xf32, #tpu.memory_space<hbm>>
          %dma_wait3A_484 = tpu.memref_squeeze %dma_wait3A_483 : memref<1x96x256xf32, #tpu.memory_space<hbm>> -> memref<96x256xf32, #tpu.memory_space<hbm>>
          tpu.wait_dma2 semaphore(%arg19 : memref<!tpu.dma_semaphore, #tpu.memory_space<semaphore_mem>>) src(%arg13 : memref<96x256xf32, #tpu.memory_space<vmem>>) dst(%dma_wait3A_484 : memref<96x256xf32, #tpu.memory_space<hbm>>)
          %dma_wait3A_485 = arith.constant 96 : i32
          %dma_wait3A_486 = arith.constant 128 : i32
          %dma_wait3A_487 = tpu.memref_slice %arg6[%add3A_201, %dma_wait3A_485, %dma_wait3A_486] : memref<4096x200x384xf32, #tpu.memory_space<hbm>> -> memref<1x96x256xf32, #tpu.memory_space<hbm>>
          %dma_wait3A_488 = tpu.memref_squeeze %dma_wait3A_487 : memref<1x96x256xf32, #tpu.memory_space<hbm>> -> memref<96x256xf32, #tpu.memory_space<hbm>>
          %dma_wait3A_489 = arith.constant 96 : i32
          %dma_wait3A_490 = arith.constant 128 : i32
          %dma_wait3A_491 = tpu.memref_slice %arg6[%add3A_201, %dma_wait3A_489, %dma_wait3A_490] : memref<4096x200x384xf32, #tpu.memory_space<hbm>> -> memref<1x96x256xf32, #tpu.memory_space<hbm>>
          %dma_wait3A_492 = tpu.memref_squeeze %dma_wait3A_491 : memref<1x96x256xf32, #tpu.memory_space<hbm>> -> memref<96x256xf32, #tpu.memory_space<hbm>>
          tpu.wait_dma2 semaphore(%arg19 : memref<!tpu.dma_semaphore, #tpu.memory_space<semaphore_mem>>) src(%arg13 : memref<96x256xf32, #tpu.memory_space<vmem>>) dst(%dma_wait3A_492 : memref<96x256xf32, #tpu.memory_space<hbm>>)
          %dma_wait3A_493 = arith.constant 0 : i32
          %dma_wait3A_494 = arith.constant 0 : i32
          %dma_wait3A_495 = tpu.memref_slice %arg13[%dma_wait3A_493, %dma_wait3A_494] : memref<96x256xf32, #tpu.memory_space<vmem>> -> memref<8x256xf32, #tpu.memory_space<vmem>>
          %dma_wait3A_496 = arith.constant 192 : i32
          %dma_wait3A_497 = arith.constant 128 : i32
          %dma_wait3A_498 = tpu.memref_slice %arg6[%add3A_201, %dma_wait3A_496, %dma_wait3A_497] : memref<4096x200x384xf32, #tpu.memory_space<hbm>> -> memref<1x8x256xf32, #tpu.memory_space<hbm>>
          %dma_wait3A_499 = tpu.memref_squeeze %dma_wait3A_498 : memref<1x8x256xf32, #tpu.memory_space<hbm>> -> memref<8x256xf32, #tpu.memory_space<hbm>>
          %dma_wait3A_500 = arith.constant 192 : i32
          %dma_wait3A_501 = arith.constant 128 : i32
          %dma_wait3A_502 = tpu.memref_slice %arg6[%add3A_201, %dma_wait3A_500, %dma_wait3A_501] : memref<4096x200x384xf32, #tpu.memory_space<hbm>> -> memref<1x8x256xf32, #tpu.memory_space<hbm>>
          %dma_wait3A_503 = tpu.memref_squeeze %dma_wait3A_502 : memref<1x8x256xf32, #tpu.memory_space<hbm>> -> memref<8x256xf32, #tpu.memory_space<hbm>>
          %dma_wait3A_504 = arith.constant 0 : i32
          %dma_wait3A_505 = arith.constant 0 : i32
          %dma_wait3A_506 = tpu.memref_slice %arg13[%dma_wait3A_504, %dma_wait3A_505] : memref<96x256xf32, #tpu.memory_space<vmem>> -> memref<8x256xf32, #tpu.memory_space<vmem>>
          tpu.wait_dma2 semaphore(%arg19 : memref<!tpu.dma_semaphore, #tpu.memory_space<semaphore_mem>>) src(%dma_wait3A_506 : memref<8x256xf32, #tpu.memory_space<vmem>>) dst(%dma_wait3A_503 : memref<8x256xf32, #tpu.memory_space<hbm>>)
        } else {
        }
        %get3A = arith.index_cast %mul3A_203 : i32 to index
        %get3A_239 = arith.constant 0 : index
        %get3A_240 = tpu.vector_load %arg10[%get3A, %get3A_239] {strides = array<i32>} : memref<16x128xf32, #tpu.memory_space<vmem>>, vector<16xf32>,
        %get3A_241 = arith.index_cast %mul3A_203 : i32 to index
        %get3A_242 = arith.constant 16 : index
        %get3A_243 = tpu.vector_load %arg10[%get3A_241, %get3A_242] {strides = array<i32>} : memref<16x128xf32, #tpu.memory_space<vmem>>, vector<16xf32>,
        %get3A_244 = arith.index_cast %mul3A_203 : i32 to index
        %get3A_245 = arith.constant 32 : index
        %get3A_246 = tpu.vector_load %arg10[%get3A_244, %get3A_245] {strides = array<i32>} : memref<16x128xf32, #tpu.memory_space<vmem>>, vector<16xf32>,
        %get3A_247 = arith.index_cast %mul3A_203 : i32 to index
        %get3A_248 = arith.constant 48 : index
        %get3A_249 = tpu.vector_load %arg10[%get3A_247, %get3A_248] {strides = array<i32>} : memref<16x128xf32, #tpu.memory_space<vmem>>, vector<16xf32>,
        %get3A_250 = arith.index_cast %mul3A_203 : i32 to index
        %get3A_251 = arith.constant 64 : index
        %get3A_252 = tpu.vector_load %arg10[%get3A_250, %get3A_251] {strides = array<i32>} : memref<16x128xf32, #tpu.memory_space<vmem>>, vector<16xf32>,
        %get3A_253 = arith.index_cast %mul3A_203 : i32 to index
        %get3A_254 = arith.constant 80 : index
        %get3A_255 = tpu.vector_load %arg10[%get3A_253, %get3A_254] {strides = array<i32>} : memref<16x128xf32, #tpu.memory_space<vmem>>, vector<16xf32>,
        %get3A_256 = arith.index_cast %mul3A_203 : i32 to index
        %get3A_257 = arith.constant 96 : index
        %get3A_258 = tpu.vector_load %arg10[%get3A_256, %get3A_257] {strides = array<i32>} : memref<16x128xf32, #tpu.memory_space<vmem>>, vector<16xf32>,
        %get3A_259 = arith.index_cast %mul3A_203 : i32 to index
        %get3A_260 = arith.constant 112 : index
        %get3A_261 = tpu.vector_load %arg10[%get3A_259, %get3A_260] {strides = array<i32>} : memref<16x128xf32, #tpu.memory_space<vmem>>, vector<16xf32>,
        %add3A_262 = arith.constant 8 : i32
        %add3A_263 = arith.addi %add3A_262, %mul3A_203 : i32
        %get3A_264 = arith.index_cast %add3A_263 : i32 to index
        %get3A_265 = arith.constant 0 : index
        %get3A_266 = tpu.vector_load %arg10[%get3A_264, %get3A_265] {strides = array<i32>} : memref<16x128xf32, #tpu.memory_space<vmem>>, vector<16xf32>,
        %add3A_267 = arith.constant 8 : i32
        %add3A_268 = arith.addi %add3A_267, %mul3A_203 : i32
        %get3A_269 = arith.index_cast %add3A_268 : i32 to index
        %get3A_270 = arith.constant 16 : index
        %get3A_271 = tpu.vector_load %arg10[%get3A_269, %get3A_270] {strides = array<i32>} : memref<16x128xf32, #tpu.memory_space<vmem>>, vector<16xf32>,
        %add3A_272 = arith.constant 8 : i32
        %add3A_273 = arith.addi %add3A_272, %mul3A_203 : i32
        %get3A_274 = arith.index_cast %add3A_273 : i32 to index
        %get3A_275 = arith.constant 32 : index
        %get3A_276 = tpu.vector_load %arg10[%get3A_274, %get3A_275] {strides = array<i32>} : memref<16x128xf32, #tpu.memory_space<vmem>>, vector<16xf32>,
        %add3A_277 = arith.constant 8 : i32
        %add3A_278 = arith.addi %add3A_277, %mul3A_203 : i32
        %get3A_279 = arith.index_cast %add3A_278 : i32 to index
        %get3A_280 = arith.constant 48 : index
        %get3A_281 = tpu.vector_load %arg10[%get3A_279, %get3A_280] {strides = array<i32>} : memref<16x128xf32, #tpu.memory_space<vmem>>, vector<16xf32>,
        %add3A_282 = arith.constant 8 : i32
        %add3A_283 = arith.addi %add3A_282, %mul3A_203 : i32
        %get3A_284 = arith.index_cast %add3A_283 : i32 to index
        %get3A_285 = arith.constant 64 : index
        %get3A_286 = tpu.vector_load %arg10[%get3A_284, %get3A_285] {strides = array<i32>} : memref<16x128xf32, #tpu.memory_space<vmem>>, vector<16xf32>,
        %add3A_287 = arith.constant 8 : i32
        %add3A_288 = arith.addi %add3A_287, %mul3A_203 : i32
        %get3A_289 = arith.index_cast %add3A_288 : i32 to index
        %get3A_290 = arith.constant 80 : index
        %get3A_291 = tpu.vector_load %arg10[%get3A_289, %get3A_290] {strides = array<i32>} : memref<16x128xf32, #tpu.memory_space<vmem>>, vector<16xf32>,
        %add3A_292 = arith.constant 8 : i32
        %add3A_293 = arith.addi %add3A_292, %mul3A_203 : i32
        %get3A_294 = arith.index_cast %add3A_293 : i32 to index
        %get3A_295 = arith.constant 96 : index
        %get3A_296 = tpu.vector_load %arg10[%get3A_294, %get3A_295] {strides = array<i32>} : memref<16x128xf32, #tpu.memory_space<vmem>>, vector<16xf32>,
        %add3A_297 = arith.constant 8 : i32
        %add3A_298 = arith.addi %add3A_297, %mul3A_203 : i32
        %get3A_299 = arith.index_cast %add3A_298 : i32 to index
        %get3A_300 = arith.constant 112 : index
        %get3A_301 = tpu.vector_load %arg10[%get3A_299, %get3A_300] {strides = array<i32>} : memref<16x128xf32, #tpu.memory_space<vmem>>, vector<16xf32>,
        %scan3A_302 = arith.constant 0 : i32
        %scan3A_303 = arith.constant 0 : i32
        %scan3A_304 = arith.constant 96 : i32
        %scan3A_305 = arith.addi %scan3A_303, %scan3A_304 : i32
        %scan3A_306 = arith.constant 4 : i32
        scf.for %scan3A_477 = %scan3A_303 to %scan3A_305 step %scan3A_306  : i32 {
          %swap3A = arith.index_cast %scan3A_477 : i32 to index
          %swap3A_478 = arith.constant 0 : index
          %swap3A_479 = tpu.vector_load %arg13[%swap3A, %swap3A_478] {strides = array<i32>} : memref<96x256xf32, #tpu.memory_space<vmem>>, vector<16xf32>,
          tpu.vector_store %arg13[%swap3A, %swap3A_478], %get3A_240 {strides = array<i32>} : memref<96x256xf32, #tpu.memory_space<vmem>>, vector<16xf32>,
          %swap3A_480 = arith.index_cast %scan3A_477 : i32 to index
          %swap3A_481 = arith.constant 16 : index
          %swap3A_482 = tpu.vector_load %arg13[%swap3A_480, %swap3A_481] {strides = array<i32>} : memref<96x256xf32, #tpu.memory_space<vmem>>, vector<16xf32>,
          tpu.vector_store %arg13[%swap3A_480, %swap3A_481], %get3A_243 {strides = array<i32>} : memref<96x256xf32, #tpu.memory_space<vmem>>, vector<16xf32>,
          %swap3A_483 = arith.index_cast %scan3A_477 : i32 to index
          %swap3A_484 = arith.constant 32 : index
          %swap3A_485 = tpu.vector_load %arg13[%swap3A_483, %swap3A_484] {strides = array<i32>} : memref<96x256xf32, #tpu.memory_space<vmem>>, vector<16xf32>,
          tpu.vector_store %arg13[%swap3A_483, %swap3A_484], %get3A_246 {strides = array<i32>} : memref<96x256xf32, #tpu.memory_space<vmem>>, vector<16xf32>,
          %swap3A_486 = arith.index_cast %scan3A_477 : i32 to index
          %swap3A_487 = arith.constant 48 : index
          %swap3A_488 = tpu.vector_load %arg13[%swap3A_486, %swap3A_487] {strides = array<i32>} : memref<96x256xf32, #tpu.memory_space<vmem>>, vector<16xf32>,
          tpu.vector_store %arg13[%swap3A_486, %swap3A_487], %get3A_249 {strides = array<i32>} : memref<96x256xf32, #tpu.memory_space<vmem>>, vector<16xf32>,
          %swap3A_489 = arith.index_cast %scan3A_477 : i32 to index
          %swap3A_490 = arith.constant 64 : index
          %swap3A_491 = tpu.vector_load %arg13[%swap3A_489, %swap3A_490] {strides = array<i32>} : memref<96x256xf32, #tpu.memory_space<vmem>>, vector<16xf32>,
          tpu.vector_store %arg13[%swap3A_489, %swap3A_490], %get3A_252 {strides = array<i32>} : memref<96x256xf32, #tpu.memory_space<vmem>>, vector<16xf32>,
          %swap3A_492 = arith.index_cast %scan3A_477 : i32 to index
          %swap3A_493 = arith.constant 80 : index
          %swap3A_494 = tpu.vector_load %arg13[%swap3A_492, %swap3A_493] {strides = array<i32>} : memref<96x256xf32, #tpu.memory_space<vmem>>, vector<16xf32>,
          tpu.vector_store %arg13[%swap3A_492, %swap3A_493], %get3A_255 {strides = array<i32>} : memref<96x256xf32, #tpu.memory_space<vmem>>, vector<16xf32>,
          %swap3A_495 = arith.index_cast %scan3A_477 : i32 to index
          %swap3A_496 = arith.constant 96 : index
          %swap3A_497 = tpu.vector_load %arg13[%swap3A_495, %swap3A_496] {strides = array<i32>} : memref<96x256xf32, #tpu.memory_space<vmem>>, vector<16xf32>,
          tpu.vector_store %arg13[%swap3A_495, %swap3A_496], %get3A_258 {strides = array<i32>} : memref<96x256xf32, #tpu.memory_space<vmem>>, vector<16xf32>,
          %swap3A_498 = arith.index_cast %scan3A_477 : i32 to index
          %swap3A_499 = arith.constant 112 : index
          %swap3A_500 = tpu.vector_load %arg13[%swap3A_498, %swap3A_499] {strides = array<i32>} : memref<96x256xf32, #tpu.memory_space<vmem>>, vector<16xf32>,
          tpu.vector_store %arg13[%swap3A_498, %swap3A_499], %get3A_261 {strides = array<i32>} : memref<96x256xf32, #tpu.memory_space<vmem>>, vector<16xf32>,
          %swap3A_501 = arith.index_cast %scan3A_477 : i32 to index
          %swap3A_502 = arith.constant 128 : index
          %swap3A_503 = tpu.vector_load %arg13[%swap3A_501, %swap3A_502] {strides = array<i32>} : memref<96x256xf32, #tpu.memory_space<vmem>>, vector<16xf32>,
          tpu.vector_store %arg13[%swap3A_501, %swap3A_502], %get3A_266 {strides = array<i32>} : memref<96x256xf32, #tpu.memory_space<vmem>>, vector<16xf32>,
          %swap3A_504 = arith.index_cast %scan3A_477 : i32 to index
          %swap3A_505 = arith.constant 144 : index
          %swap3A_506 = tpu.vector_load %arg13[%swap3A_504, %swap3A_505] {strides = array<i32>} : memref<96x256xf32, #tpu.memory_space<vmem>>, vector<16xf32>,
          tpu.vector_store %arg13[%swap3A_504, %swap3A_505], %get3A_271 {strides = array<i32>} : memref<96x256xf32, #tpu.memory_space<vmem>>, vector<16xf32>,
          %swap3A_507 = arith.index_cast %scan3A_477 : i32 to index
          %swap3A_508 = arith.constant 160 : index
          %swap3A_509 = tpu.vector_load %arg13[%swap3A_507, %swap3A_508] {strides = array<i32>} : memref<96x256xf32, #tpu.memory_space<vmem>>, vector<16xf32>,
          tpu.vector_store %arg13[%swap3A_507, %swap3A_508], %get3A_276 {strides = array<i32>} : memref<96x256xf32, #tpu.memory_space<vmem>>, vector<16xf32>,
          %swap3A_510 = arith.index_cast %scan3A_477 : i32 to index
          %swap3A_511 = arith.constant 176 : index
          %swap3A_512 = tpu.vector_load %arg13[%swap3A_510, %swap3A_511] {strides = array<i32>} : memref<96x256xf32, #tpu.memory_space<vmem>>, vector<16xf32>,
          tpu.vector_store %arg13[%swap3A_510, %swap3A_511], %get3A_281 {strides = array<i32>} : memref<96x256xf32, #tpu.memory_space<vmem>>, vector<16xf32>,
          %swap3A_513 = arith.index_cast %scan3A_477 : i32 to index
          %swap3A_514 = arith.constant 192 : index
          %swap3A_515 = tpu.vector_load %arg13[%swap3A_513, %swap3A_514] {strides = array<i32>} : memref<96x256xf32, #tpu.memory_space<vmem>>, vector<16xf32>,
          tpu.vector_store %arg13[%swap3A_513, %swap3A_514], %get3A_286 {strides = array<i32>} : memref<96x256xf32, #tpu.memory_space<vmem>>, vector<16xf32>,
          %swap3A_516 = arith.index_cast %scan3A_477 : i32 to index
          %swap3A_517 = arith.constant 208 : index
          %swap3A_518 = tpu.vector_load %arg13[%swap3A_516, %swap3A_517] {strides = array<i32>} : memref<96x256xf32, #tpu.memory_space<vmem>>, vector<16xf32>,
          tpu.vector_store %arg13[%swap3A_516, %swap3A_517], %get3A_291 {strides = array<i32>} : memref<96x256xf32, #tpu.memory_space<vmem>>, vector<16xf32>,
          %swap3A_519 = arith.index_cast %scan3A_477 : i32 to index
          %swap3A_520 = arith.constant 224 : index
          %swap3A_521 = tpu.vector_load %arg13[%swap3A_519, %swap3A_520] {strides = array<i32>} : memref<96x256xf32, #tpu.memory_space<vmem>>, vector<16xf32>,
          tpu.vector_store %arg13[%swap3A_519, %swap3A_520], %get3A_296 {strides = array<i32>} : memref<96x256xf32, #tpu.memory_space<vmem>>, vector<16xf32>,
          %swap3A_522 = arith.index_cast %scan3A_477 : i32 to index
          %swap3A_523 = arith.constant 240 : index
          %swap3A_524 = tpu.vector_load %arg13[%swap3A_522, %swap3A_523] {strides = array<i32>} : memref<96x256xf32, #tpu.memory_space<vmem>>, vector<16xf32>,
          tpu.vector_store %arg13[%swap3A_522, %swap3A_523], %get3A_301 {strides = array<i32>} : memref<96x256xf32, #tpu.memory_space<vmem>>, vector<16xf32>,
          %scan3A_525 = arith.constant 1 : i32
          %scan3A_526 = arith.addi %scan3A_477, %scan3A_525 : i32
          %swap3A_527 = arith.index_cast %scan3A_526 : i32 to index
          %swap3A_528 = arith.constant 0 : index
          %swap3A_529 = tpu.vector_load %arg13[%swap3A_527, %swap3A_528] {strides = array<i32>} : memref<96x256xf32, #tpu.memory_space<vmem>>, vector<16xf32>,
          tpu.vector_store %arg13[%swap3A_527, %swap3A_528], %get3A_240 {strides = array<i32>} : memref<96x256xf32, #tpu.memory_space<vmem>>, vector<16xf32>,
          %swap3A_530 = arith.index_cast %scan3A_526 : i32 to index
          %swap3A_531 = arith.constant 16 : index
          %swap3A_532 = tpu.vector_load %arg13[%swap3A_530, %swap3A_531] {strides = array<i32>} : memref<96x256xf32, #tpu.memory_space<vmem>>, vector<16xf32>,
          tpu.vector_store %arg13[%swap3A_530, %swap3A_531], %get3A_243 {strides = array<i32>} : memref<96x256xf32, #tpu.memory_space<vmem>>, vector<16xf32>,
          %swap3A_533 = arith.index_cast %scan3A_526 : i32 to index
          %swap3A_534 = arith.constant 32 : index
          %swap3A_535 = tpu.vector_load %arg13[%swap3A_533, %swap3A_534] {strides = array<i32>} : memref<96x256xf32, #tpu.memory_space<vmem>>, vector<16xf32>,
          tpu.vector_store %arg13[%swap3A_533, %swap3A_534], %get3A_246 {strides = array<i32>} : memref<96x256xf32, #tpu.memory_space<vmem>>, vector<16xf32>,
          %swap3A_536 = arith.index_cast %scan3A_526 : i32 to index
          %swap3A_537 = arith.constant 48 : index
          %swap3A_538 = tpu.vector_load %arg13[%swap3A_536, %swap3A_537] {strides = array<i32>} : memref<96x256xf32, #tpu.memory_space<vmem>>, vector<16xf32>,
          tpu.vector_store %arg13[%swap3A_536, %swap3A_537], %get3A_249 {strides = array<i32>} : memref<96x256xf32, #tpu.memory_space<vmem>>, vector<16xf32>,
          %swap3A_539 = arith.index_cast %scan3A_526 : i32 to index
          %swap3A_540 = arith.constant 64 : index
          %swap3A_541 = tpu.vector_load %arg13[%swap3A_539, %swap3A_540] {strides = array<i32>} : memref<96x256xf32, #tpu.memory_space<vmem>>, vector<16xf32>,
          tpu.vector_store %arg13[%swap3A_539, %swap3A_540], %get3A_252 {strides = array<i32>} : memref<96x256xf32, #tpu.memory_space<vmem>>, vector<16xf32>,
          %swap3A_542 = arith.index_cast %scan3A_526 : i32 to index
          %swap3A_543 = arith.constant 80 : index
          %swap3A_544 = tpu.vector_load %arg13[%swap3A_542, %swap3A_543] {strides = array<i32>} : memref<96x256xf32, #tpu.memory_space<vmem>>, vector<16xf32>,
          tpu.vector_store %arg13[%swap3A_542, %swap3A_543], %get3A_255 {strides = array<i32>} : memref<96x256xf32, #tpu.memory_space<vmem>>, vector<16xf32>,
          %swap3A_545 = arith.index_cast %scan3A_526 : i32 to index
          %swap3A_546 = arith.constant 96 : index
          %swap3A_547 = tpu.vector_load %arg13[%swap3A_545, %swap3A_546] {strides = array<i32>} : memref<96x256xf32, #tpu.memory_space<vmem>>, vector<16xf32>,
          tpu.vector_store %arg13[%swap3A_545, %swap3A_546], %get3A_258 {strides = array<i32>} : memref<96x256xf32, #tpu.memory_space<vmem>>, vector<16xf32>,
          %swap3A_548 = arith.index_cast %scan3A_526 : i32 to index
          %swap3A_549 = arith.constant 112 : index
          %swap3A_550 = tpu.vector_load %arg13[%swap3A_548, %swap3A_549] {strides = array<i32>} : memref<96x256xf32, #tpu.memory_space<vmem>>, vector<16xf32>,
          tpu.vector_store %arg13[%swap3A_548, %swap3A_549], %get3A_261 {strides = array<i32>} : memref<96x256xf32, #tpu.memory_space<vmem>>, vector<16xf32>,
          %swap3A_551 = arith.index_cast %scan3A_526 : i32 to index
          %swap3A_552 = arith.constant 128 : index
          %swap3A_553 = tpu.vector_load %arg13[%swap3A_551, %swap3A_552] {strides = array<i32>} : memref<96x256xf32, #tpu.memory_space<vmem>>, vector<16xf32>,
          tpu.vector_store %arg13[%swap3A_551, %swap3A_552], %get3A_266 {strides = array<i32>} : memref<96x256xf32, #tpu.memory_space<vmem>>, vector<16xf32>,
          %swap3A_554 = arith.index_cast %scan3A_526 : i32 to index
          %swap3A_555 = arith.constant 144 : index
          %swap3A_556 = tpu.vector_load %arg13[%swap3A_554, %swap3A_555] {strides = array<i32>} : memref<96x256xf32, #tpu.memory_space<vmem>>, vector<16xf32>,
          tpu.vector_store %arg13[%swap3A_554, %swap3A_555], %get3A_271 {strides = array<i32>} : memref<96x256xf32, #tpu.memory_space<vmem>>, vector<16xf32>,
          %swap3A_557 = arith.index_cast %scan3A_526 : i32 to index
          %swap3A_558 = arith.constant 160 : index
          %swap3A_559 = tpu.vector_load %arg13[%swap3A_557, %swap3A_558] {strides = array<i32>} : memref<96x256xf32, #tpu.memory_space<vmem>>, vector<16xf32>,
          tpu.vector_store %arg13[%swap3A_557, %swap3A_558], %get3A_276 {strides = array<i32>} : memref<96x256xf32, #tpu.memory_space<vmem>>, vector<16xf32>,
          %swap3A_560 = arith.index_cast %scan3A_526 : i32 to index
          %swap3A_561 = arith.constant 176 : index
          %swap3A_562 = tpu.vector_load %arg13[%swap3A_560, %swap3A_561] {strides = array<i32>} : memref<96x256xf32, #tpu.memory_space<vmem>>, vector<16xf32>,
          tpu.vector_store %arg13[%swap3A_560, %swap3A_561], %get3A_281 {strides = array<i32>} : memref<96x256xf32, #tpu.memory_space<vmem>>, vector<16xf32>,
          %swap3A_563 = arith.index_cast %scan3A_526 : i32 to index
          %swap3A_564 = arith.constant 192 : index
          %swap3A_565 = tpu.vector_load %arg13[%swap3A_563, %swap3A_564] {strides = array<i32>} : memref<96x256xf32, #tpu.memory_space<vmem>>, vector<16xf32>,
          tpu.vector_store %arg13[%swap3A_563, %swap3A_564], %get3A_286 {strides = array<i32>} : memref<96x256xf32, #tpu.memory_space<vmem>>, vector<16xf32>,
          %swap3A_566 = arith.index_cast %scan3A_526 : i32 to index
          %swap3A_567 = arith.constant 208 : index
          %swap3A_568 = tpu.vector_load %arg13[%swap3A_566, %swap3A_567] {strides = array<i32>} : memref<96x256xf32, #tpu.memory_space<vmem>>, vector<16xf32>,
          tpu.vector_store %arg13[%swap3A_566, %swap3A_567], %get3A_291 {strides = array<i32>} : memref<96x256xf32, #tpu.memory_space<vmem>>, vector<16xf32>,
          %swap3A_569 = arith.index_cast %scan3A_526 : i32 to index
          %swap3A_570 = arith.constant 224 : index
          %swap3A_571 = tpu.vector_load %arg13[%swap3A_569, %swap3A_570] {strides = array<i32>} : memref<96x256xf32, #tpu.memory_space<vmem>>, vector<16xf32>,
          tpu.vector_store %arg13[%swap3A_569, %swap3A_570], %get3A_296 {strides = array<i32>} : memref<96x256xf32, #tpu.memory_space<vmem>>, vector<16xf32>,
          %swap3A_572 = arith.index_cast %scan3A_526 : i32 to index
          %swap3A_573 = arith.constant 240 : index
          %swap3A_574 = tpu.vector_load %arg13[%swap3A_572, %swap3A_573] {strides = array<i32>} : memref<96x256xf32, #tpu.memory_space<vmem>>, vector<16xf32>,
          tpu.vector_store %arg13[%swap3A_572, %swap3A_573], %get3A_301 {strides = array<i32>} : memref<96x256xf32, #tpu.memory_space<vmem>>, vector<16xf32>,
          %scan3A_575 = arith.constant 2 : i32
          %scan3A_576 = arith.addi %scan3A_477, %scan3A_575 : i32
          %swap3A_577 = arith.index_cast %scan3A_576 : i32 to index
          %swap3A_578 = arith.constant 0 : index
          %swap3A_579 = tpu.vector_load %arg13[%swap3A_577, %swap3A_578] {strides = array<i32>} : memref<96x256xf32, #tpu.memory_space<vmem>>, vector<16xf32>,
          tpu.vector_store %arg13[%swap3A_577, %swap3A_578], %get3A_240 {strides = array<i32>} : memref<96x256xf32, #tpu.memory_space<vmem>>, vector<16xf32>,
          %swap3A_580 = arith.index_cast %scan3A_576 : i32 to index
          %swap3A_581 = arith.constant 16 : index
          %swap3A_582 = tpu.vector_load %arg13[%swap3A_580, %swap3A_581] {strides = array<i32>} : memref<96x256xf32, #tpu.memory_space<vmem>>, vector<16xf32>,
          tpu.vector_store %arg13[%swap3A_580, %swap3A_581], %get3A_243 {strides = array<i32>} : memref<96x256xf32, #tpu.memory_space<vmem>>, vector<16xf32>,
          %swap3A_583 = arith.index_cast %scan3A_576 : i32 to index
          %swap3A_584 = arith.constant 32 : index
          %swap3A_585 = tpu.vector_load %arg13[%swap3A_583, %swap3A_584] {strides = array<i32>} : memref<96x256xf32, #tpu.memory_space<vmem>>, vector<16xf32>,
          tpu.vector_store %arg13[%swap3A_583, %swap3A_584], %get3A_246 {strides = array<i32>} : memref<96x256xf32, #tpu.memory_space<vmem>>, vector<16xf32>,
          %swap3A_586 = arith.index_cast %scan3A_576 : i32 to index
          %swap3A_587 = arith.constant 48 : index
          %swap3A_588 = tpu.vector_load %arg13[%swap3A_586, %swap3A_587] {strides = array<i32>} : memref<96x256xf32, #tpu.memory_space<vmem>>, vector<16xf32>,
          tpu.vector_store %arg13[%swap3A_586, %swap3A_587], %get3A_249 {strides = array<i32>} : memref<96x256xf32, #tpu.memory_space<vmem>>, vector<16xf32>,
          %swap3A_589 = arith.index_cast %scan3A_576 : i32 to index
          %swap3A_590 = arith.constant 64 : index
          %swap3A_591 = tpu.vector_load %arg13[%swap3A_589, %swap3A_590] {strides = array<i32>} : memref<96x256xf32, #tpu.memory_space<vmem>>, vector<16xf32>,
          tpu.vector_store %arg13[%swap3A_589, %swap3A_590], %get3A_252 {strides = array<i32>} : memref<96x256xf32, #tpu.memory_space<vmem>>, vector<16xf32>,
          %swap3A_592 = arith.index_cast %scan3A_576 : i32 to index
          %swap3A_593 = arith.constant 80 : index
          %swap3A_594 = tpu.vector_load %arg13[%swap3A_592, %swap3A_593] {strides = array<i32>} : memref<96x256xf32, #tpu.memory_space<vmem>>, vector<16xf32>,
          tpu.vector_store %arg13[%swap3A_592, %swap3A_593], %get3A_255 {strides = array<i32>} : memref<96x256xf32, #tpu.memory_space<vmem>>, vector<16xf32>,
          %swap3A_595 = arith.index_cast %scan3A_576 : i32 to index
          %swap3A_596 = arith.constant 96 : index
          %swap3A_597 = tpu.vector_load %arg13[%swap3A_595, %swap3A_596] {strides = array<i32>} : memref<96x256xf32, #tpu.memory_space<vmem>>, vector<16xf32>,
          tpu.vector_store %arg13[%swap3A_595, %swap3A_596], %get3A_258 {strides = array<i32>} : memref<96x256xf32, #tpu.memory_space<vmem>>, vector<16xf32>,
          %swap3A_598 = arith.index_cast %scan3A_576 : i32 to index
          %swap3A_599 = arith.constant 112 : index
          %swap3A_600 = tpu.vector_load %arg13[%swap3A_598, %swap3A_599] {strides = array<i32>} : memref<96x256xf32, #tpu.memory_space<vmem>>, vector<16xf32>,
          tpu.vector_store %arg13[%swap3A_598, %swap3A_599], %get3A_261 {strides = array<i32>} : memref<96x256xf32, #tpu.memory_space<vmem>>, vector<16xf32>,
          %swap3A_601 = arith.index_cast %scan3A_576 : i32 to index
          %swap3A_602 = arith.constant 128 : index
          %swap3A_603 = tpu.vector_load %arg13[%swap3A_601, %swap3A_602] {strides = array<i32>} : memref<96x256xf32, #tpu.memory_space<vmem>>, vector<16xf32>,
          tpu.vector_store %arg13[%swap3A_601, %swap3A_602], %get3A_266 {strides = array<i32>} : memref<96x256xf32, #tpu.memory_space<vmem>>, vector<16xf32>,
          %swap3A_604 = arith.index_cast %scan3A_576 : i32 to index
          %swap3A_605 = arith.constant 144 : index
          %swap3A_606 = tpu.vector_load %arg13[%swap3A_604, %swap3A_605] {strides = array<i32>} : memref<96x256xf32, #tpu.memory_space<vmem>>, vector<16xf32>,
          tpu.vector_store %arg13[%swap3A_604, %swap3A_605], %get3A_271 {strides = array<i32>} : memref<96x256xf32, #tpu.memory_space<vmem>>, vector<16xf32>,
          %swap3A_607 = arith.index_cast %scan3A_576 : i32 to index
          %swap3A_608 = arith.constant 160 : index
          %swap3A_609 = tpu.vector_load %arg13[%swap3A_607, %swap3A_608] {strides = array<i32>} : memref<96x256xf32, #tpu.memory_space<vmem>>, vector<16xf32>,
          tpu.vector_store %arg13[%swap3A_607, %swap3A_608], %get3A_276 {strides = array<i32>} : memref<96x256xf32, #tpu.memory_space<vmem>>, vector<16xf32>,
          %swap3A_610 = arith.index_cast %scan3A_576 : i32 to index
          %swap3A_611 = arith.constant 176 : index
          %swap3A_612 = tpu.vector_load %arg13[%swap3A_610, %swap3A_611] {strides = array<i32>} : memref<96x256xf32, #tpu.memory_space<vmem>>, vector<16xf32>,
          tpu.vector_store %arg13[%swap3A_610, %swap3A_611], %get3A_281 {strides = array<i32>} : memref<96x256xf32, #tpu.memory_space<vmem>>, vector<16xf32>,
          %swap3A_613 = arith.index_cast %scan3A_576 : i32 to index
          %swap3A_614 = arith.constant 192 : index
          %swap3A_615 = tpu.vector_load %arg13[%swap3A_613, %swap3A_614] {strides = array<i32>} : memref<96x256xf32, #tpu.memory_space<vmem>>, vector<16xf32>,
          tpu.vector_store %arg13[%swap3A_613, %swap3A_614], %get3A_286 {strides = array<i32>} : memref<96x256xf32, #tpu.memory_space<vmem>>, vector<16xf32>,
          %swap3A_616 = arith.index_cast %scan3A_576 : i32 to index
          %swap3A_617 = arith.constant 208 : index
          %swap3A_618 = tpu.vector_load %arg13[%swap3A_616, %swap3A_617] {strides = array<i32>} : memref<96x256xf32, #tpu.memory_space<vmem>>, vector<16xf32>,
          tpu.vector_store %arg13[%swap3A_616, %swap3A_617], %get3A_291 {strides = array<i32>} : memref<96x256xf32, #tpu.memory_space<vmem>>, vector<16xf32>,
          %swap3A_619 = arith.index_cast %scan3A_576 : i32 to index
          %swap3A_620 = arith.constant 224 : index
          %swap3A_621 = tpu.vector_load %arg13[%swap3A_619, %swap3A_620] {strides = array<i32>} : memref<96x256xf32, #tpu.memory_space<vmem>>, vector<16xf32>,
          tpu.vector_store %arg13[%swap3A_619, %swap3A_620], %get3A_296 {strides = array<i32>} : memref<96x256xf32, #tpu.memory_space<vmem>>, vector<16xf32>,
          %swap3A_622 = arith.index_cast %scan3A_576 : i32 to index
          %swap3A_623 = arith.constant 240 : index
          %swap3A_624 = tpu.vector_load %arg13[%swap3A_622, %swap3A_623] {strides = array<i32>} : memref<96x256xf32, #tpu.memory_space<vmem>>, vector<16xf32>,
          tpu.vector_store %arg13[%swap3A_622, %swap3A_623], %get3A_301 {strides = array<i32>} : memref<96x256xf32, #tpu.memory_space<vmem>>, vector<16xf32>,
          %scan3A_625 = arith.constant 3 : i32
          %scan3A_626 = arith.addi %scan3A_477, %scan3A_625 : i32
          %swap3A_627 = arith.index_cast %scan3A_626 : i32 to index
          %swap3A_628 = arith.constant 0 : index
          %swap3A_629 = tpu.vector_load %arg13[%swap3A_627, %swap3A_628] {strides = array<i32>} : memref<96x256xf32, #tpu.memory_space<vmem>>, vector<16xf32>,
          tpu.vector_store %arg13[%swap3A_627, %swap3A_628], %get3A_240 {strides = array<i32>} : memref<96x256xf32, #tpu.memory_space<vmem>>, vector<16xf32>,
          %swap3A_630 = arith.index_cast %scan3A_626 : i32 to index
          %swap3A_631 = arith.constant 16 : index
          %swap3A_632 = tpu.vector_load %arg13[%swap3A_630, %swap3A_631] {strides = array<i32>} : memref<96x256xf32, #tpu.memory_space<vmem>>, vector<16xf32>,
          tpu.vector_store %arg13[%swap3A_630, %swap3A_631], %get3A_243 {strides = array<i32>} : memref<96x256xf32, #tpu.memory_space<vmem>>, vector<16xf32>,
          %swap3A_633 = arith.index_cast %scan3A_626 : i32 to index
          %swap3A_634 = arith.constant 32 : index
          %swap3A_635 = tpu.vector_load %arg13[%swap3A_633, %swap3A_634] {strides = array<i32>} : memref<96x256xf32, #tpu.memory_space<vmem>>, vector<16xf32>,
          tpu.vector_store %arg13[%swap3A_633, %swap3A_634], %get3A_246 {strides = array<i32>} : memref<96x256xf32, #tpu.memory_space<vmem>>, vector<16xf32>,
          %swap3A_636 = arith.index_cast %scan3A_626 : i32 to index
          %swap3A_637 = arith.constant 48 : index
          %swap3A_638 = tpu.vector_load %arg13[%swap3A_636, %swap3A_637] {strides = array<i32>} : memref<96x256xf32, #tpu.memory_space<vmem>>, vector<16xf32>,
          tpu.vector_store %arg13[%swap3A_636, %swap3A_637], %get3A_249 {strides = array<i32>} : memref<96x256xf32, #tpu.memory_space<vmem>>, vector<16xf32>,
          %swap3A_639 = arith.index_cast %scan3A_626 : i32 to index
          %swap3A_640 = arith.constant 64 : index
          %swap3A_641 = tpu.vector_load %arg13[%swap3A_639, %swap3A_640] {strides = array<i32>} : memref<96x256xf32, #tpu.memory_space<vmem>>, vector<16xf32>,
          tpu.vector_store %arg13[%swap3A_639, %swap3A_640], %get3A_252 {strides = array<i32>} : memref<96x256xf32, #tpu.memory_space<vmem>>, vector<16xf32>,
          %swap3A_642 = arith.index_cast %scan3A_626 : i32 to index
          %swap3A_643 = arith.constant 80 : index
          %swap3A_644 = tpu.vector_load %arg13[%swap3A_642, %swap3A_643] {strides = array<i32>} : memref<96x256xf32, #tpu.memory_space<vmem>>, vector<16xf32>,
          tpu.vector_store %arg13[%swap3A_642, %swap3A_643], %get3A_255 {strides = array<i32>} : memref<96x256xf32, #tpu.memory_space<vmem>>, vector<16xf32>,
          %swap3A_645 = arith.index_cast %scan3A_626 : i32 to index
          %swap3A_646 = arith.constant 96 : index
          %swap3A_647 = tpu.vector_load %arg13[%swap3A_645, %swap3A_646] {strides = array<i32>} : memref<96x256xf32, #tpu.memory_space<vmem>>, vector<16xf32>,
          tpu.vector_store %arg13[%swap3A_645, %swap3A_646], %get3A_258 {strides = array<i32>} : memref<96x256xf32, #tpu.memory_space<vmem>>, vector<16xf32>,
          %swap3A_648 = arith.index_cast %scan3A_626 : i32 to index
          %swap3A_649 = arith.constant 112 : index
          %swap3A_650 = tpu.vector_load %arg13[%swap3A_648, %swap3A_649] {strides = array<i32>} : memref<96x256xf32, #tpu.memory_space<vmem>>, vector<16xf32>,
          tpu.vector_store %arg13[%swap3A_648, %swap3A_649], %get3A_261 {strides = array<i32>} : memref<96x256xf32, #tpu.memory_space<vmem>>, vector<16xf32>,
          %swap3A_651 = arith.index_cast %scan3A_626 : i32 to index
          %swap3A_652 = arith.constant 128 : index
          %swap3A_653 = tpu.vector_load %arg13[%swap3A_651, %swap3A_652] {strides = array<i32>} : memref<96x256xf32, #tpu.memory_space<vmem>>, vector<16xf32>,
          tpu.vector_store %arg13[%swap3A_651, %swap3A_652], %get3A_266 {strides = array<i32>} : memref<96x256xf32, #tpu.memory_space<vmem>>, vector<16xf32>,
          %swap3A_654 = arith.index_cast %scan3A_626 : i32 to index
          %swap3A_655 = arith.constant 144 : index
          %swap3A_656 = tpu.vector_load %arg13[%swap3A_654, %swap3A_655] {strides = array<i32>} : memref<96x256xf32, #tpu.memory_space<vmem>>, vector<16xf32>,
          tpu.vector_store %arg13[%swap3A_654, %swap3A_655], %get3A_271 {strides = array<i32>} : memref<96x256xf32, #tpu.memory_space<vmem>>, vector<16xf32>,
          %swap3A_657 = arith.index_cast %scan3A_626 : i32 to index
          %swap3A_658 = arith.constant 160 : index
          %swap3A_659 = tpu.vector_load %arg13[%swap3A_657, %swap3A_658] {strides = array<i32>} : memref<96x256xf32, #tpu.memory_space<vmem>>, vector<16xf32>,
          tpu.vector_store %arg13[%swap3A_657, %swap3A_658], %get3A_276 {strides = array<i32>} : memref<96x256xf32, #tpu.memory_space<vmem>>, vector<16xf32>,
          %swap3A_660 = arith.index_cast %scan3A_626 : i32 to index
          %swap3A_661 = arith.constant 176 : index
          %swap3A_662 = tpu.vector_load %arg13[%swap3A_660, %swap3A_661] {strides = array<i32>} : memref<96x256xf32, #tpu.memory_space<vmem>>, vector<16xf32>,
          tpu.vector_store %arg13[%swap3A_660, %swap3A_661], %get3A_281 {strides = array<i32>} : memref<96x256xf32, #tpu.memory_space<vmem>>, vector<16xf32>,
          %swap3A_663 = arith.index_cast %scan3A_626 : i32 to index
          %swap3A_664 = arith.constant 192 : index
          %swap3A_665 = tpu.vector_load %arg13[%swap3A_663, %swap3A_664] {strides = array<i32>} : memref<96x256xf32, #tpu.memory_space<vmem>>, vector<16xf32>,
          tpu.vector_store %arg13[%swap3A_663, %swap3A_664], %get3A_286 {strides = array<i32>} : memref<96x256xf32, #tpu.memory_space<vmem>>, vector<16xf32>,
          %swap3A_666 = arith.index_cast %scan3A_626 : i32 to index
          %swap3A_667 = arith.constant 208 : index
          %swap3A_668 = tpu.vector_load %arg13[%swap3A_666, %swap3A_667] {strides = array<i32>} : memref<96x256xf32, #tpu.memory_space<vmem>>, vector<16xf32>,
          tpu.vector_store %arg13[%swap3A_666, %swap3A_667], %get3A_291 {strides = array<i32>} : memref<96x256xf32, #tpu.memory_space<vmem>>, vector<16xf32>,
          %swap3A_669 = arith.index_cast %scan3A_626 : i32 to index
          %swap3A_670 = arith.constant 224 : index
          %swap3A_671 = tpu.vector_load %arg13[%swap3A_669, %swap3A_670] {strides = array<i32>} : memref<96x256xf32, #tpu.memory_space<vmem>>, vector<16xf32>,
          tpu.vector_store %arg13[%swap3A_669, %swap3A_670], %get3A_296 {strides = array<i32>} : memref<96x256xf32, #tpu.memory_space<vmem>>, vector<16xf32>,
          %swap3A_672 = arith.index_cast %scan3A_626 : i32 to index
          %swap3A_673 = arith.constant 240 : index
          %swap3A_674 = tpu.vector_load %arg13[%swap3A_672, %swap3A_673] {strides = array<i32>} : memref<96x256xf32, #tpu.memory_space<vmem>>, vector<16xf32>,
          tpu.vector_store %arg13[%swap3A_672, %swap3A_673], %get3A_301 {strides = array<i32>} : memref<96x256xf32, #tpu.memory_space<vmem>>, vector<16xf32>,
        }
        %scan3A_307 = arith.constant 96 : i32
        %dma_start3A_308 = arith.constant 0 : i32
        %dma_start3A_309 = arith.constant 128 : i32
        %dma_start3A_310 = tpu.memref_slice %arg6[%add3A_201, %dma_start3A_308, %dma_start3A_309] : memref<4096x200x384xf32, #tpu.memory_space<hbm>> -> memref<1x96x256xf32, #tpu.memory_space<hbm>>
        %dma_start3A_311 = tpu.memref_squeeze %dma_start3A_310 : memref<1x96x256xf32, #tpu.memory_space<hbm>> -> memref<96x256xf32, #tpu.memory_space<hbm>>
        %dma_start3A_312 = arith.constant 0 : i32
        %dma_start3A_313 = arith.constant 128 : i32
        %dma_start3A_314 = tpu.memref_slice %arg6[%add3A_201, %dma_start3A_312, %dma_start3A_313] : memref<4096x200x384xf32, #tpu.memory_space<hbm>> -> memref<1x96x256xf32, #tpu.memory_space<hbm>>
        %dma_start3A_315 = tpu.memref_squeeze %dma_start3A_314 : memref<1x96x256xf32, #tpu.memory_space<hbm>> -> memref<96x256xf32, #tpu.memory_space<hbm>>
        tpu.enqueue_dma source(%arg13 : memref<96x256xf32, #tpu.memory_space<vmem>>) target(%dma_start3A_315 : memref<96x256xf32, #tpu.memory_space<hbm>>) target_semaphore(%arg19 : memref<!tpu.dma_semaphore, #tpu.memory_space<semaphore_mem>>)
        %dma_start3A_316 = arith.constant 96 : i32
        %dma_start3A_317 = arith.constant 128 : i32
        %dma_start3A_318 = tpu.memref_slice %arg6[%add3A_201, %dma_start3A_316, %dma_start3A_317] : memref<4096x200x384xf32, #tpu.memory_space<hbm>> -> memref<1x96x256xf32, #tpu.memory_space<hbm>>
        %dma_start3A_319 = tpu.memref_squeeze %dma_start3A_318 : memref<1x96x256xf32, #tpu.memory_space<hbm>> -> memref<96x256xf32, #tpu.memory_space<hbm>>
        %dma_start3A_320 = arith.constant 96 : i32
        %dma_start3A_321 = arith.constant 128 : i32
        %dma_start3A_322 = tpu.memref_slice %arg6[%add3A_201, %dma_start3A_320, %dma_start3A_321] : memref<4096x200x384xf32, #tpu.memory_space<hbm>> -> memref<1x96x256xf32, #tpu.memory_space<hbm>>
        %dma_start3A_323 = tpu.memref_squeeze %dma_start3A_322 : memref<1x96x256xf32, #tpu.memory_space<hbm>> -> memref<96x256xf32, #tpu.memory_space<hbm>>
        tpu.enqueue_dma source(%arg13 : memref<96x256xf32, #tpu.memory_space<vmem>>) target(%dma_start3A_323 : memref<96x256xf32, #tpu.memory_space<hbm>>) target_semaphore(%arg19 : memref<!tpu.dma_semaphore, #tpu.memory_space<semaphore_mem>>)
        %dma_start3A_324 = arith.constant 0 : i32
        %dma_start3A_325 = arith.constant 0 : i32
        %dma_start3A_326 = tpu.memref_slice %arg13[%dma_start3A_324, %dma_start3A_325] : memref<96x256xf32, #tpu.memory_space<vmem>> -> memref<8x256xf32, #tpu.memory_space<vmem>>
        %dma_start3A_327 = arith.constant 192 : i32
        %dma_start3A_328 = arith.constant 128 : i32
        %dma_start3A_329 = tpu.memref_slice %arg6[%add3A_201, %dma_start3A_327, %dma_start3A_328] : memref<4096x200x384xf32, #tpu.memory_space<hbm>> -> memref<1x8x256xf32, #tpu.memory_space<hbm>>
        %dma_start3A_330 = tpu.memref_squeeze %dma_start3A_329 : memref<1x8x256xf32, #tpu.memory_space<hbm>> -> memref<8x256xf32, #tpu.memory_space<hbm>>
        %dma_start3A_331 = arith.constant 192 : i32
        %dma_start3A_332 = arith.constant 128 : i32
        %dma_start3A_333 = tpu.memref_slice %arg6[%add3A_201, %dma_start3A_331, %dma_start3A_332] : memref<4096x200x384xf32, #tpu.memory_space<hbm>> -> memref<1x8x256xf32, #tpu.memory_space<hbm>>
        %dma_start3A_334 = tpu.memref_squeeze %dma_start3A_333 : memref<1x8x256xf32, #tpu.memory_space<hbm>> -> memref<8x256xf32, #tpu.memory_space<hbm>>
        %dma_start3A_335 = arith.constant 0 : i32
        %dma_start3A_336 = arith.constant 0 : i32
        %dma_start3A_337 = tpu.memref_slice %arg13[%dma_start3A_335, %dma_start3A_336] : memref<96x256xf32, #tpu.memory_space<vmem>> -> memref<8x256xf32, #tpu.memory_space<vmem>>
        tpu.enqueue_dma source(%dma_start3A_337 : memref<8x256xf32, #tpu.memory_space<vmem>>) target(%dma_start3A_334 : memref<8x256xf32, #tpu.memory_space<hbm>>) target_semaphore(%arg19 : memref<!tpu.dma_semaphore, #tpu.memory_space<semaphore_mem>>)
        %add3A_338 = arith.constant 1 : i32
        %add3A_339 = arith.addi %add3A_198, %add3A_338 : i32
        %add3A_340 = arith.constant 1 : i32
        %add3A_341 = arith.addi %mul3A_203, %add3A_340 : i32
        %add3A_342 = arith.constant 1 : i32
        %add3A_343 = arith.addi %add3A_201, %add3A_342 : i32
        %dma_wait3A_344 = arith.constant 0 : i32
        %dma_wait3A_345 = arith.constant 0 : i32
        %dma_wait3A_346 = tpu.memref_slice %arg5[%add3A_343, %dma_wait3A_344, %dma_wait3A_345] : memref<4096x200x138xf32, #tpu.memory_space<hbm>> -> memref<1x200x128xf32, #tpu.memory_space<hbm>>
        %dma_wait3A_347 = tpu.memref_squeeze %dma_wait3A_346 : memref<1x200x128xf32, #tpu.memory_space<hbm>> -> memref<200x128xf32, #tpu.memory_space<hbm>>
        %dma_wait3A_348 = arith.constant 0 : i32
        %dma_wait3A_349 = arith.constant 0 : i32
        %dma_wait3A_350 = tpu.memref_slice %arg5[%add3A_343, %dma_wait3A_348, %dma_wait3A_349] : memref<4096x200x138xf32, #tpu.memory_space<hbm>> -> memref<1x200x128xf32, #tpu.memory_space<hbm>>
        %dma_wait3A_351 = tpu.memref_squeeze %dma_wait3A_350 : memref<1x200x128xf32, #tpu.memory_space<hbm>> -> memref<200x128xf32, #tpu.memory_space<hbm>>
        tpu.wait_dma2 semaphore(%arg16 : memref<!tpu.dma_semaphore, #tpu.memory_space<semaphore_mem>>) src(%dma_wait3A_351 : memref<200x128xf32, #tpu.memory_space<hbm>>) dst(%arg12 : memref<200x128xf32, #tpu.memory_space<vmem>>)
        %dma_start3A_352 = arith.constant 0 : i32
        %dma_start3A_353 = arith.constant 0 : i32
        %dma_start3A_354 = tpu.memref_slice %arg6[%add3A_343, %dma_start3A_352, %dma_start3A_353] : memref<4096x200x384xf32, #tpu.memory_space<hbm>> -> memref<1x200x128xf32, #tpu.memory_space<hbm>>
        %dma_start3A_355 = tpu.memref_squeeze %dma_start3A_354 : memref<1x200x128xf32, #tpu.memory_space<hbm>> -> memref<200x128xf32, #tpu.memory_space<hbm>>
        %dma_start3A_356 = arith.constant 0 : i32
        %dma_start3A_357 = arith.constant 0 : i32
        %dma_start3A_358 = tpu.memref_slice %arg6[%add3A_343, %dma_start3A_356, %dma_start3A_357] : memref<4096x200x384xf32, #tpu.memory_space<hbm>> -> memref<1x200x128xf32, #tpu.memory_space<hbm>>
        %dma_start3A_359 = tpu.memref_squeeze %dma_start3A_358 : memref<1x200x128xf32, #tpu.memory_space<hbm>> -> memref<200x128xf32, #tpu.memory_space<hbm>>
        tpu.enqueue_dma source(%arg12 : memref<200x128xf32, #tpu.memory_space<vmem>>) target(%dma_start3A_359 : memref<200x128xf32, #tpu.memory_space<hbm>>) target_semaphore(%arg18 : memref<!tpu.dma_semaphore, #tpu.memory_space<semaphore_mem>>)
        %ge3A_360 = arith.constant 1 : i32
        %ge3A_361 = arith.cmpi sge, %add3A_339, %ge3A_360 : i32
        %convert_element_type3A_362 = arith.extui %ge3A_361 : i1 to i32
        %cond3A_363 = arith.constant 0 : i32
        %cond3A_364 = arith.cmpi ne, %convert_element_type3A_362, %cond3A_363 : i32
        scf.if %cond3A_364 {
          %dma_wait3A_477 = arith.constant 0 : i32
          %dma_wait3A_478 = arith.constant 0 : i32
          %dma_wait3A_479 = tpu.memref_slice %arg6[%add3A_343, %dma_wait3A_477, %dma_wait3A_478] : memref<4096x200x384xf32, #tpu.memory_space<hbm>> -> memref<1x200x128xf32, #tpu.memory_space<hbm>>
          %dma_wait3A_480 = tpu.memref_squeeze %dma_wait3A_479 : memref<1x200x128xf32, #tpu.memory_space<hbm>> -> memref<200x128xf32, #tpu.memory_space<hbm>>
          %dma_wait3A_481 = arith.constant 0 : i32
          %dma_wait3A_482 = arith.constant 0 : i32
          %dma_wait3A_483 = tpu.memref_slice %arg6[%add3A_343, %dma_wait3A_481, %dma_wait3A_482] : memref<4096x200x384xf32, #tpu.memory_space<hbm>> -> memref<1x200x128xf32, #tpu.memory_space<hbm>>
          %dma_wait3A_484 = tpu.memref_squeeze %dma_wait3A_483 : memref<1x200x128xf32, #tpu.memory_space<hbm>> -> memref<200x128xf32, #tpu.memory_space<hbm>>
          tpu.wait_dma2 semaphore(%arg17 : memref<!tpu.dma_semaphore, #tpu.memory_space<semaphore_mem>>) src(%arg11 : memref<200x128xf32, #tpu.memory_space<vmem>>) dst(%dma_wait3A_484 : memref<200x128xf32, #tpu.memory_space<hbm>>)
        } else {
        }
        %add3A_365 = arith.constant 2 : i32
        %add3A_366 = arith.addi %add3A_198, %add3A_365 : i32
        %le3A_367 = arith.constant 127 : i32
        %le3A_368 = arith.cmpi sle, %add3A_366, %le3A_367 : i32
        %convert_element_type3A_369 = arith.extui %le3A_368 : i1 to i32
        %cond3A_370 = arith.constant 0 : i32
        %cond3A_371 = arith.cmpi ne, %convert_element_type3A_369, %cond3A_370 : i32
        scf.if %cond3A_371 {
          %add3A_477 = arith.constant 2 : i32
          %add3A_478 = arith.addi %add3A_201, %add3A_477 : i32
          %dma_start3A_479 = arith.constant 0 : i32
          %dma_start3A_480 = arith.constant 0 : i32
          %dma_start3A_481 = tpu.memref_slice %arg5[%add3A_478, %dma_start3A_479, %dma_start3A_480] : memref<4096x200x138xf32, #tpu.memory_space<hbm>> -> memref<1x200x128xf32, #tpu.memory_space<hbm>>
          %dma_start3A_482 = tpu.memref_squeeze %dma_start3A_481 : memref<1x200x128xf32, #tpu.memory_space<hbm>> -> memref<200x128xf32, #tpu.memory_space<hbm>>
          %dma_start3A_483 = arith.constant 0 : i32
          %dma_start3A_484 = arith.constant 0 : i32
          %dma_start3A_485 = tpu.memref_slice %arg5[%add3A_478, %dma_start3A_483, %dma_start3A_484] : memref<4096x200x138xf32, #tpu.memory_space<hbm>> -> memref<1x200x128xf32, #tpu.memory_space<hbm>>
          %dma_start3A_486 = tpu.memref_squeeze %dma_start3A_485 : memref<1x200x128xf32, #tpu.memory_space<hbm>> -> memref<200x128xf32, #tpu.memory_space<hbm>>
          tpu.enqueue_dma source(%dma_start3A_486 : memref<200x128xf32, #tpu.memory_space<hbm>>) target(%arg11 : memref<200x128xf32, #tpu.memory_space<vmem>>) target_semaphore(%arg15 : memref<!tpu.dma_semaphore, #tpu.memory_space<semaphore_mem>>)
        } else {
        }
        %ge3A_372 = arith.constant 2 : i32
        %ge3A_373 = arith.cmpi sge, %add3A_339, %ge3A_372 : i32
        %convert_element_type3A_374 = arith.extui %ge3A_373 : i1 to i32
        %cond3A_375 = arith.constant 0 : i32
        %cond3A_376 = arith.cmpi ne, %convert_element_type3A_374, %cond3A_375 : i32
        scf.if %cond3A_376 {
          %dma_wait3A_477 = arith.constant 0 : i32
          %dma_wait3A_478 = arith.constant 128 : i32
          %dma_wait3A_479 = tpu.memref_slice %arg6[%add3A_343, %dma_wait3A_477, %dma_wait3A_478] : memref<4096x200x384xf32, #tpu.memory_space<hbm>> -> memref<1x96x256xf32, #tpu.memory_space<hbm>>
          %dma_wait3A_480 = tpu.memref_squeeze %dma_wait3A_479 : memref<1x96x256xf32, #tpu.memory_space<hbm>> -> memref<96x256xf32, #tpu.memory_space<hbm>>
          %dma_wait3A_481 = arith.constant 0 : i32
          %dma_wait3A_482 = arith.constant 128 : i32
          %dma_wait3A_483 = tpu.memref_slice %arg6[%add3A_343, %dma_wait3A_481, %dma_wait3A_482] : memref<4096x200x384xf32, #tpu.memory_space<hbm>> -> memref<1x96x256xf32, #tpu.memory_space<hbm>>
          %dma_wait3A_484 = tpu.memref_squeeze %dma_wait3A_483 : memref<1x96x256xf32, #tpu.memory_space<hbm>> -> memref<96x256xf32, #tpu.memory_space<hbm>>
          tpu.wait_dma2 semaphore(%arg20 : memref<!tpu.dma_semaphore, #tpu.memory_space<semaphore_mem>>) src(%arg14 : memref<96x256xf32, #tpu.memory_space<vmem>>) dst(%dma_wait3A_484 : memref<96x256xf32, #tpu.memory_space<hbm>>)
          %dma_wait3A_485 = arith.constant 96 : i32
          %dma_wait3A_486 = arith.constant 128 : i32
          %dma_wait3A_487 = tpu.memref_slice %arg6[%add3A_343, %dma_wait3A_485, %dma_wait3A_486] : memref<4096x200x384xf32, #tpu.memory_space<hbm>> -> memref<1x96x256xf32, #tpu.memory_space<hbm>>
          %dma_wait3A_488 = tpu.memref_squeeze %dma_wait3A_487 : memref<1x96x256xf32, #tpu.memory_space<hbm>> -> memref<96x256xf32, #tpu.memory_space<hbm>>
          %dma_wait3A_489 = arith.constant 96 : i32
          %dma_wait3A_490 = arith.constant 128 : i32
          %dma_wait3A_491 = tpu.memref_slice %arg6[%add3A_343, %dma_wait3A_489, %dma_wait3A_490] : memref<4096x200x384xf32, #tpu.memory_space<hbm>> -> memref<1x96x256xf32, #tpu.memory_space<hbm>>
          %dma_wait3A_492 = tpu.memref_squeeze %dma_wait3A_491 : memref<1x96x256xf32, #tpu.memory_space<hbm>> -> memref<96x256xf32, #tpu.memory_space<hbm>>
          tpu.wait_dma2 semaphore(%arg20 : memref<!tpu.dma_semaphore, #tpu.memory_space<semaphore_mem>>) src(%arg14 : memref<96x256xf32, #tpu.memory_space<vmem>>) dst(%dma_wait3A_492 : memref<96x256xf32, #tpu.memory_space<hbm>>)
          %dma_wait3A_493 = arith.constant 0 : i32
          %dma_wait3A_494 = arith.constant 0 : i32
          %dma_wait3A_495 = tpu.memref_slice %arg14[%dma_wait3A_493, %dma_wait3A_494] : memref<96x256xf32, #tpu.memory_space<vmem>> -> memref<8x256xf32, #tpu.memory_space<vmem>>
          %dma_wait3A_496 = arith.constant 192 : i32
          %dma_wait3A_497 = arith.constant 128 : i32
          %dma_wait3A_498 = tpu.memref_slice %arg6[%add3A_343, %dma_wait3A_496, %dma_wait3A_497] : memref<4096x200x384xf32, #tpu.memory_space<hbm>> -> memref<1x8x256xf32, #tpu.memory_space<hbm>>
          %dma_wait3A_499 = tpu.memref_squeeze %dma_wait3A_498 : memref<1x8x256xf32, #tpu.memory_space<hbm>> -> memref<8x256xf32, #tpu.memory_space<hbm>>
          %dma_wait3A_500 = arith.constant 192 : i32
          %dma_wait3A_501 = arith.constant 128 : i32
          %dma_wait3A_502 = tpu.memref_slice %arg6[%add3A_343, %dma_wait3A_500, %dma_wait3A_501] : memref<4096x200x384xf32, #tpu.memory_space<hbm>> -> memref<1x8x256xf32, #tpu.memory_space<hbm>>
          %dma_wait3A_503 = tpu.memref_squeeze %dma_wait3A_502 : memref<1x8x256xf32, #tpu.memory_space<hbm>> -> memref<8x256xf32, #tpu.memory_space<hbm>>
          %dma_wait3A_504 = arith.constant 0 : i32
          %dma_wait3A_505 = arith.constant 0 : i32
          %dma_wait3A_506 = tpu.memref_slice %arg14[%dma_wait3A_504, %dma_wait3A_505] : memref<96x256xf32, #tpu.memory_space<vmem>> -> memref<8x256xf32, #tpu.memory_space<vmem>>
          tpu.wait_dma2 semaphore(%arg20 : memref<!tpu.dma_semaphore, #tpu.memory_space<semaphore_mem>>) src(%dma_wait3A_506 : memref<8x256xf32, #tpu.memory_space<vmem>>) dst(%dma_wait3A_503 : memref<8x256xf32, #tpu.memory_space<hbm>>)
        } else {
        }
        %get3A_377 = arith.index_cast %add3A_341 : i32 to index
        %get3A_378 = arith.constant 0 : index
        %get3A_379 = tpu.vector_load %arg10[%get3A_377, %get3A_378] {strides = array<i32>} : memref<16x128xf32, #tpu.memory_space<vmem>>, vector<16xf32>,
        %get3A_380 = arith.index_cast %add3A_341 : i32 to index
        %get3A_381 = arith.constant 16 : index
        %get3A_382 = tpu.vector_load %arg10[%get3A_380, %get3A_381] {strides = array<i32>} : memref<16x128xf32, #tpu.memory_space<vmem>>, vector<16xf32>,
        %get3A_383 = arith.index_cast %add3A_341 : i32 to index
        %get3A_384 = arith.constant 32 : index
        %get3A_385 = tpu.vector_load %arg10[%get3A_383, %get3A_384] {strides = array<i32>} : memref<16x128xf32, #tpu.memory_space<vmem>>, vector<16xf32>,
        %get3A_386 = arith.index_cast %add3A_341 : i32 to index
        %get3A_387 = arith.constant 48 : index
        %get3A_388 = tpu.vector_load %arg10[%get3A_386, %get3A_387] {strides = array<i32>} : memref<16x128xf32, #tpu.memory_space<vmem>>, vector<16xf32>,
        %get3A_389 = arith.index_cast %add3A_341 : i32 to index
        %get3A_390 = arith.constant 64 : index
        %get3A_391 = tpu.vector_load %arg10[%get3A_389, %get3A_390] {strides = array<i32>} : memref<16x128xf32, #tpu.memory_space<vmem>>, vector<16xf32>,
        %get3A_392 = arith.index_cast %add3A_341 : i32 to index
        %get3A_393 = arith.constant 80 : index
        %get3A_394 = tpu.vector_load %arg10[%get3A_392, %get3A_393] {strides = array<i32>} : memref<16x128xf32, #tpu.memory_space<vmem>>, vector<16xf32>,
        %get3A_395 = arith.index_cast %add3A_341 : i32 to index
        %get3A_396 = arith.constant 96 : index
        %get3A_397 = tpu.vector_load %arg10[%get3A_395, %get3A_396] {strides = array<i32>} : memref<16x128xf32, #tpu.memory_space<vmem>>, vector<16xf32>,
        %get3A_398 = arith.index_cast %add3A_341 : i32 to index
        %get3A_399 = arith.constant 112 : index
        %get3A_400 = tpu.vector_load %arg10[%get3A_398, %get3A_399] {strides = array<i32>} : memref<16x128xf32, #tpu.memory_space<vmem>>, vector<16xf32>,
        %add3A_401 = arith.constant 8 : i32
        %add3A_402 = arith.addi %add3A_401, %add3A_341 : i32
        %get3A_403 = arith.index_cast %add3A_402 : i32 to index
        %get3A_404 = arith.constant 0 : index
        %get3A_405 = tpu.vector_load %arg10[%get3A_403, %get3A_404] {strides = array<i32>} : memref<16x128xf32, #tpu.memory_space<vmem>>, vector<16xf32>,
        %add3A_406 = arith.constant 8 : i32
        %add3A_407 = arith.addi %add3A_406, %add3A_341 : i32
        %get3A_408 = arith.index_cast %add3A_407 : i32 to index
        %get3A_409 = arith.constant 16 : index
        %get3A_410 = tpu.vector_load %arg10[%get3A_408, %get3A_409] {strides = array<i32>} : memref<16x128xf32, #tpu.memory_space<vmem>>, vector<16xf32>,
        %add3A_411 = arith.constant 8 : i32
        %add3A_412 = arith.addi %add3A_411, %add3A_341 : i32
        %get3A_413 = arith.index_cast %add3A_412 : i32 to index
        %get3A_414 = arith.constant 32 : index
        %get3A_415 = tpu.vector_load %arg10[%get3A_413, %get3A_414] {strides = array<i32>} : memref<16x128xf32, #tpu.memory_space<vmem>>, vector<16xf32>,
        %add3A_416 = arith.constant 8 : i32
        %add3A_417 = arith.addi %add3A_416, %add3A_341 : i32
        %get3A_418 = arith.index_cast %add3A_417 : i32 to index
        %get3A_419 = arith.constant 48 : index
        %get3A_420 = tpu.vector_load %arg10[%get3A_418, %get3A_419] {strides = array<i32>} : memref<16x128xf32, #tpu.memory_space<vmem>>, vector<16xf32>,
        %add3A_421 = arith.constant 8 : i32
        %add3A_422 = arith.addi %add3A_421, %add3A_341 : i32
        %get3A_423 = arith.index_cast %add3A_422 : i32 to index
        %get3A_424 = arith.constant 64 : index
        %get3A_425 = tpu.vector_load %arg10[%get3A_423, %get3A_424] {strides = array<i32>} : memref<16x128xf32, #tpu.memory_space<vmem>>, vector<16xf32>,
        %add3A_426 = arith.constant 8 : i32
        %add3A_427 = arith.addi %add3A_426, %add3A_341 : i32
        %get3A_428 = arith.index_cast %add3A_427 : i32 to index
        %get3A_429 = arith.constant 80 : index
        %get3A_430 = tpu.vector_load %arg10[%get3A_428, %get3A_429] {strides = array<i32>} : memref<16x128xf32, #tpu.memory_space<vmem>>, vector<16xf32>,
        %add3A_431 = arith.constant 8 : i32
        %add3A_432 = arith.addi %add3A_431, %add3A_341 : i32
        %get3A_433 = arith.index_cast %add3A_432 : i32 to index
        %get3A_434 = arith.constant 96 : index
        %get3A_435 = tpu.vector_load %arg10[%get3A_433, %get3A_434] {strides = array<i32>} : memref<16x128xf32, #tpu.memory_space<vmem>>, vector<16xf32>,
        %add3A_436 = arith.constant 8 : i32
        %add3A_437 = arith.addi %add3A_436, %add3A_341 : i32
        %get3A_438 = arith.index_cast %add3A_437 : i32 to index
        %get3A_439 = arith.constant 112 : index
        %get3A_440 = tpu.vector_load %arg10[%get3A_438, %get3A_439] {strides = array<i32>} : memref<16x128xf32, #tpu.memory_space<vmem>>, vector<16xf32>,
        %scan3A_441 = arith.constant 0 : i32
        %scan3A_442 = arith.constant 0 : i32
        %scan3A_443 = arith.constant 96 : i32
        %scan3A_444 = arith.addi %scan3A_442, %scan3A_443 : i32
        %scan3A_445 = arith.constant 4 : i32
        scf.for %scan3A_477 = %scan3A_442 to %scan3A_444 step %scan3A_445  : i32 {
          %swap3A = arith.index_cast %scan3A_477 : i32 to index
          %swap3A_478 = arith.constant 0 : index
          %swap3A_479 = tpu.vector_load %arg14[%swap3A, %swap3A_478] {strides = array<i32>} : memref<96x256xf32, #tpu.memory_space<vmem>>, vector<16xf32>,
          tpu.vector_store %arg14[%swap3A, %swap3A_478], %get3A_379 {strides = array<i32>} : memref<96x256xf32, #tpu.memory_space<vmem>>, vector<16xf32>,
          %swap3A_480 = arith.index_cast %scan3A_477 : i32 to index
          %swap3A_481 = arith.constant 16 : index
          %swap3A_482 = tpu.vector_load %arg14[%swap3A_480, %swap3A_481] {strides = array<i32>} : memref<96x256xf32, #tpu.memory_space<vmem>>, vector<16xf32>,
          tpu.vector_store %arg14[%swap3A_480, %swap3A_481], %get3A_382 {strides = array<i32>} : memref<96x256xf32, #tpu.memory_space<vmem>>, vector<16xf32>,
          %swap3A_483 = arith.index_cast %scan3A_477 : i32 to index
          %swap3A_484 = arith.constant 32 : index
          %swap3A_485 = tpu.vector_load %arg14[%swap3A_483, %swap3A_484] {strides = array<i32>} : memref<96x256xf32, #tpu.memory_space<vmem>>, vector<16xf32>,
          tpu.vector_store %arg14[%swap3A_483, %swap3A_484], %get3A_385 {strides = array<i32>} : memref<96x256xf32, #tpu.memory_space<vmem>>, vector<16xf32>,
          %swap3A_486 = arith.index_cast %scan3A_477 : i32 to index
          %swap3A_487 = arith.constant 48 : index
          %swap3A_488 = tpu.vector_load %arg14[%swap3A_486, %swap3A_487] {strides = array<i32>} : memref<96x256xf32, #tpu.memory_space<vmem>>, vector<16xf32>,
          tpu.vector_store %arg14[%swap3A_486, %swap3A_487], %get3A_388 {strides = array<i32>} : memref<96x256xf32, #tpu.memory_space<vmem>>, vector<16xf32>,
          %swap3A_489 = arith.index_cast %scan3A_477 : i32 to index
          %swap3A_490 = arith.constant 64 : index
          %swap3A_491 = tpu.vector_load %arg14[%swap3A_489, %swap3A_490] {strides = array<i32>} : memref<96x256xf32, #tpu.memory_space<vmem>>, vector<16xf32>,
          tpu.vector_store %arg14[%swap3A_489, %swap3A_490], %get3A_391 {strides = array<i32>} : memref<96x256xf32, #tpu.memory_space<vmem>>, vector<16xf32>,
          %swap3A_492 = arith.index_cast %scan3A_477 : i32 to index
          %swap3A_493 = arith.constant 80 : index
          %swap3A_494 = tpu.vector_load %arg14[%swap3A_492, %swap3A_493] {strides = array<i32>} : memref<96x256xf32, #tpu.memory_space<vmem>>, vector<16xf32>,
          tpu.vector_store %arg14[%swap3A_492, %swap3A_493], %get3A_394 {strides = array<i32>} : memref<96x256xf32, #tpu.memory_space<vmem>>, vector<16xf32>,
          %swap3A_495 = arith.index_cast %scan3A_477 : i32 to index
          %swap3A_496 = arith.constant 96 : index
          %swap3A_497 = tpu.vector_load %arg14[%swap3A_495, %swap3A_496] {strides = array<i32>} : memref<96x256xf32, #tpu.memory_space<vmem>>, vector<16xf32>,
          tpu.vector_store %arg14[%swap3A_495, %swap3A_496], %get3A_397 {strides = array<i32>} : memref<96x256xf32, #tpu.memory_space<vmem>>, vector<16xf32>,
          %swap3A_498 = arith.index_cast %scan3A_477 : i32 to index
          %swap3A_499 = arith.constant 112 : index
          %swap3A_500 = tpu.vector_load %arg14[%swap3A_498, %swap3A_499] {strides = array<i32>} : memref<96x256xf32, #tpu.memory_space<vmem>>, vector<16xf32>,
          tpu.vector_store %arg14[%swap3A_498, %swap3A_499], %get3A_400 {strides = array<i32>} : memref<96x256xf32, #tpu.memory_space<vmem>>, vector<16xf32>,
          %swap3A_501 = arith.index_cast %scan3A_477 : i32 to index
          %swap3A_502 = arith.constant 128 : index
          %swap3A_503 = tpu.vector_load %arg14[%swap3A_501, %swap3A_502] {strides = array<i32>} : memref<96x256xf32, #tpu.memory_space<vmem>>, vector<16xf32>,
          tpu.vector_store %arg14[%swap3A_501, %swap3A_502], %get3A_405 {strides = array<i32>} : memref<96x256xf32, #tpu.memory_space<vmem>>, vector<16xf32>,
          %swap3A_504 = arith.index_cast %scan3A_477 : i32 to index
          %swap3A_505 = arith.constant 144 : index
          %swap3A_506 = tpu.vector_load %arg14[%swap3A_504, %swap3A_505] {strides = array<i32>} : memref<96x256xf32, #tpu.memory_space<vmem>>, vector<16xf32>,
          tpu.vector_store %arg14[%swap3A_504, %swap3A_505], %get3A_410 {strides = array<i32>} : memref<96x256xf32, #tpu.memory_space<vmem>>, vector<16xf32>,
          %swap3A_507 = arith.index_cast %scan3A_477 : i32 to index
          %swap3A_508 = arith.constant 160 : index
          %swap3A_509 = tpu.vector_load %arg14[%swap3A_507, %swap3A_508] {strides = array<i32>} : memref<96x256xf32, #tpu.memory_space<vmem>>, vector<16xf32>,
          tpu.vector_store %arg14[%swap3A_507, %swap3A_508], %get3A_415 {strides = array<i32>} : memref<96x256xf32, #tpu.memory_space<vmem>>, vector<16xf32>,
          %swap3A_510 = arith.index_cast %scan3A_477 : i32 to index
          %swap3A_511 = arith.constant 176 : index
          %swap3A_512 = tpu.vector_load %arg14[%swap3A_510, %swap3A_511] {strides = array<i32>} : memref<96x256xf32, #tpu.memory_space<vmem>>, vector<16xf32>,
          tpu.vector_store %arg14[%swap3A_510, %swap3A_511], %get3A_420 {strides = array<i32>} : memref<96x256xf32, #tpu.memory_space<vmem>>, vector<16xf32>,
          %swap3A_513 = arith.index_cast %scan3A_477 : i32 to index
          %swap3A_514 = arith.constant 192 : index
          %swap3A_515 = tpu.vector_load %arg14[%swap3A_513, %swap3A_514] {strides = array<i32>} : memref<96x256xf32, #tpu.memory_space<vmem>>, vector<16xf32>,
          tpu.vector_store %arg14[%swap3A_513, %swap3A_514], %get3A_425 {strides = array<i32>} : memref<96x256xf32, #tpu.memory_space<vmem>>, vector<16xf32>,
          %swap3A_516 = arith.index_cast %scan3A_477 : i32 to index
          %swap3A_517 = arith.constant 208 : index
          %swap3A_518 = tpu.vector_load %arg14[%swap3A_516, %swap3A_517] {strides = array<i32>} : memref<96x256xf32, #tpu.memory_space<vmem>>, vector<16xf32>,
          tpu.vector_store %arg14[%swap3A_516, %swap3A_517], %get3A_430 {strides = array<i32>} : memref<96x256xf32, #tpu.memory_space<vmem>>, vector<16xf32>,
          %swap3A_519 = arith.index_cast %scan3A_477 : i32 to index
          %swap3A_520 = arith.constant 224 : index
          %swap3A_521 = tpu.vector_load %arg14[%swap3A_519, %swap3A_520] {strides = array<i32>} : memref<96x256xf32, #tpu.memory_space<vmem>>, vector<16xf32>,
          tpu.vector_store %arg14[%swap3A_519, %swap3A_520], %get3A_435 {strides = array<i32>} : memref<96x256xf32, #tpu.memory_space<vmem>>, vector<16xf32>,
          %swap3A_522 = arith.index_cast %scan3A_477 : i32 to index
          %swap3A_523 = arith.constant 240 : index
          %swap3A_524 = tpu.vector_load %arg14[%swap3A_522, %swap3A_523] {strides = array<i32>} : memref<96x256xf32, #tpu.memory_space<vmem>>, vector<16xf32>,
          tpu.vector_store %arg14[%swap3A_522, %swap3A_523], %get3A_440 {strides = array<i32>} : memref<96x256xf32, #tpu.memory_space<vmem>>, vector<16xf32>,
          %scan3A_525 = arith.constant 1 : i32
          %scan3A_526 = arith.addi %scan3A_477, %scan3A_525 : i32
          %swap3A_527 = arith.index_cast %scan3A_526 : i32 to index
          %swap3A_528 = arith.constant 0 : index
          %swap3A_529 = tpu.vector_load %arg14[%swap3A_527, %swap3A_528] {strides = array<i32>} : memref<96x256xf32, #tpu.memory_space<vmem>>, vector<16xf32>,
          tpu.vector_store %arg14[%swap3A_527, %swap3A_528], %get3A_379 {strides = array<i32>} : memref<96x256xf32, #tpu.memory_space<vmem>>, vector<16xf32>,
          %swap3A_530 = arith.index_cast %scan3A_526 : i32 to index
          %swap3A_531 = arith.constant 16 : index
          %swap3A_532 = tpu.vector_load %arg14[%swap3A_530, %swap3A_531] {strides = array<i32>} : memref<96x256xf32, #tpu.memory_space<vmem>>, vector<16xf32>,
          tpu.vector_store %arg14[%swap3A_530, %swap3A_531], %get3A_382 {strides = array<i32>} : memref<96x256xf32, #tpu.memory_space<vmem>>, vector<16xf32>,
          %swap3A_533 = arith.index_cast %scan3A_526 : i32 to index
          %swap3A_534 = arith.constant 32 : index
          %swap3A_535 = tpu.vector_load %arg14[%swap3A_533, %swap3A_534] {strides = array<i32>} : memref<96x256xf32, #tpu.memory_space<vmem>>, vector<16xf32>,
          tpu.vector_store %arg14[%swap3A_533, %swap3A_534], %get3A_385 {strides = array<i32>} : memref<96x256xf32, #tpu.memory_space<vmem>>, vector<16xf32>,
          %swap3A_536 = arith.index_cast %scan3A_526 : i32 to index
          %swap3A_537 = arith.constant 48 : index
          %swap3A_538 = tpu.vector_load %arg14[%swap3A_536, %swap3A_537] {strides = array<i32>} : memref<96x256xf32, #tpu.memory_space<vmem>>, vector<16xf32>,
          tpu.vector_store %arg14[%swap3A_536, %swap3A_537], %get3A_388 {strides = array<i32>} : memref<96x256xf32, #tpu.memory_space<vmem>>, vector<16xf32>,
          %swap3A_539 = arith.index_cast %scan3A_526 : i32 to index
          %swap3A_540 = arith.constant 64 : index
          %swap3A_541 = tpu.vector_load %arg14[%swap3A_539, %swap3A_540] {strides = array<i32>} : memref<96x256xf32, #tpu.memory_space<vmem>>, vector<16xf32>,
          tpu.vector_store %arg14[%swap3A_539, %swap3A_540], %get3A_391 {strides = array<i32>} : memref<96x256xf32, #tpu.memory_space<vmem>>, vector<16xf32>,
          %swap3A_542 = arith.index_cast %scan3A_526 : i32 to index
          %swap3A_543 = arith.constant 80 : index
          %swap3A_544 = tpu.vector_load %arg14[%swap3A_542, %swap3A_543] {strides = array<i32>} : memref<96x256xf32, #tpu.memory_space<vmem>>, vector<16xf32>,
          tpu.vector_store %arg14[%swap3A_542, %swap3A_543], %get3A_394 {strides = array<i32>} : memref<96x256xf32, #tpu.memory_space<vmem>>, vector<16xf32>,
          %swap3A_545 = arith.index_cast %scan3A_526 : i32 to index
          %swap3A_546 = arith.constant 96 : index
          %swap3A_547 = tpu.vector_load %arg14[%swap3A_545, %swap3A_546] {strides = array<i32>} : memref<96x256xf32, #tpu.memory_space<vmem>>, vector<16xf32>,
          tpu.vector_store %arg14[%swap3A_545, %swap3A_546], %get3A_397 {strides = array<i32>} : memref<96x256xf32, #tpu.memory_space<vmem>>, vector<16xf32>,
          %swap3A_548 = arith.index_cast %scan3A_526 : i32 to index
          %swap3A_549 = arith.constant 112 : index
          %swap3A_550 = tpu.vector_load %arg14[%swap3A_548, %swap3A_549] {strides = array<i32>} : memref<96x256xf32, #tpu.memory_space<vmem>>, vector<16xf32>,
          tpu.vector_store %arg14[%swap3A_548, %swap3A_549], %get3A_400 {strides = array<i32>} : memref<96x256xf32, #tpu.memory_space<vmem>>, vector<16xf32>,
          %swap3A_551 = arith.index_cast %scan3A_526 : i32 to index
          %swap3A_552 = arith.constant 128 : index
          %swap3A_553 = tpu.vector_load %arg14[%swap3A_551, %swap3A_552] {strides = array<i32>} : memref<96x256xf32, #tpu.memory_space<vmem>>, vector<16xf32>,
          tpu.vector_store %arg14[%swap3A_551, %swap3A_552], %get3A_405 {strides = array<i32>} : memref<96x256xf32, #tpu.memory_space<vmem>>, vector<16xf32>,
          %swap3A_554 = arith.index_cast %scan3A_526 : i32 to index
          %swap3A_555 = arith.constant 144 : index
          %swap3A_556 = tpu.vector_load %arg14[%swap3A_554, %swap3A_555] {strides = array<i32>} : memref<96x256xf32, #tpu.memory_space<vmem>>, vector<16xf32>,
          tpu.vector_store %arg14[%swap3A_554, %swap3A_555], %get3A_410 {strides = array<i32>} : memref<96x256xf32, #tpu.memory_space<vmem>>, vector<16xf32>,
          %swap3A_557 = arith.index_cast %scan3A_526 : i32 to index
          %swap3A_558 = arith.constant 160 : index
          %swap3A_559 = tpu.vector_load %arg14[%swap3A_557, %swap3A_558] {strides = array<i32>} : memref<96x256xf32, #tpu.memory_space<vmem>>, vector<16xf32>,
          tpu.vector_store %arg14[%swap3A_557, %swap3A_558], %get3A_415 {strides = array<i32>} : memref<96x256xf32, #tpu.memory_space<vmem>>, vector<16xf32>,
          %swap3A_560 = arith.index_cast %scan3A_526 : i32 to index
          %swap3A_561 = arith.constant 176 : index
          %swap3A_562 = tpu.vector_load %arg14[%swap3A_560, %swap3A_561] {strides = array<i32>} : memref<96x256xf32, #tpu.memory_space<vmem>>, vector<16xf32>,
          tpu.vector_store %arg14[%swap3A_560, %swap3A_561], %get3A_420 {strides = array<i32>} : memref<96x256xf32, #tpu.memory_space<vmem>>, vector<16xf32>,
          %swap3A_563 = arith.index_cast %scan3A_526 : i32 to index
          %swap3A_564 = arith.constant 192 : index
          %swap3A_565 = tpu.vector_load %arg14[%swap3A_563, %swap3A_564] {strides = array<i32>} : memref<96x256xf32, #tpu.memory_space<vmem>>, vector<16xf32>,
          tpu.vector_store %arg14[%swap3A_563, %swap3A_564], %get3A_425 {strides = array<i32>} : memref<96x256xf32, #tpu.memory_space<vmem>>, vector<16xf32>,
          %swap3A_566 = arith.index_cast %scan3A_526 : i32 to index
          %swap3A_567 = arith.constant 208 : index
          %swap3A_568 = tpu.vector_load %arg14[%swap3A_566, %swap3A_567] {strides = array<i32>} : memref<96x256xf32, #tpu.memory_space<vmem>>, vector<16xf32>,
          tpu.vector_store %arg14[%swap3A_566, %swap3A_567], %get3A_430 {strides = array<i32>} : memref<96x256xf32, #tpu.memory_space<vmem>>, vector<16xf32>,
          %swap3A_569 = arith.index_cast %scan3A_526 : i32 to index
          %swap3A_570 = arith.constant 224 : index
          %swap3A_571 = tpu.vector_load %arg14[%swap3A_569, %swap3A_570] {strides = array<i32>} : memref<96x256xf32, #tpu.memory_space<vmem>>, vector<16xf32>,
          tpu.vector_store %arg14[%swap3A_569, %swap3A_570], %get3A_435 {strides = array<i32>} : memref<96x256xf32, #tpu.memory_space<vmem>>, vector<16xf32>,
          %swap3A_572 = arith.index_cast %scan3A_526 : i32 to index
          %swap3A_573 = arith.constant 240 : index
          %swap3A_574 = tpu.vector_load %arg14[%swap3A_572, %swap3A_573] {strides = array<i32>} : memref<96x256xf32, #tpu.memory_space<vmem>>, vector<16xf32>,
          tpu.vector_store %arg14[%swap3A_572, %swap3A_573], %get3A_440 {strides = array<i32>} : memref<96x256xf32, #tpu.memory_space<vmem>>, vector<16xf32>,
          %scan3A_575 = arith.constant 2 : i32
          %scan3A_576 = arith.addi %scan3A_477, %scan3A_575 : i32
          %swap3A_577 = arith.index_cast %scan3A_576 : i32 to index
          %swap3A_578 = arith.constant 0 : index
          %swap3A_579 = tpu.vector_load %arg14[%swap3A_577, %swap3A_578] {strides = array<i32>} : memref<96x256xf32, #tpu.memory_space<vmem>>, vector<16xf32>,
          tpu.vector_store %arg14[%swap3A_577, %swap3A_578], %get3A_379 {strides = array<i32>} : memref<96x256xf32, #tpu.memory_space<vmem>>, vector<16xf32>,
          %swap3A_580 = arith.index_cast %scan3A_576 : i32 to index
          %swap3A_581 = arith.constant 16 : index
          %swap3A_582 = tpu.vector_load %arg14[%swap3A_580, %swap3A_581] {strides = array<i32>} : memref<96x256xf32, #tpu.memory_space<vmem>>, vector<16xf32>,
          tpu.vector_store %arg14[%swap3A_580, %swap3A_581], %get3A_382 {strides = array<i32>} : memref<96x256xf32, #tpu.memory_space<vmem>>, vector<16xf32>,
          %swap3A_583 = arith.index_cast %scan3A_576 : i32 to index
          %swap3A_584 = arith.constant 32 : index
          %swap3A_585 = tpu.vector_load %arg14[%swap3A_583, %swap3A_584] {strides = array<i32>} : memref<96x256xf32, #tpu.memory_space<vmem>>, vector<16xf32>,
          tpu.vector_store %arg14[%swap3A_583, %swap3A_584], %get3A_385 {strides = array<i32>} : memref<96x256xf32, #tpu.memory_space<vmem>>, vector<16xf32>,
          %swap3A_586 = arith.index_cast %scan3A_576 : i32 to index
          %swap3A_587 = arith.constant 48 : index
          %swap3A_588 = tpu.vector_load %arg14[%swap3A_586, %swap3A_587] {strides = array<i32>} : memref<96x256xf32, #tpu.memory_space<vmem>>, vector<16xf32>,
          tpu.vector_store %arg14[%swap3A_586, %swap3A_587], %get3A_388 {strides = array<i32>} : memref<96x256xf32, #tpu.memory_space<vmem>>, vector<16xf32>,
          %swap3A_589 = arith.index_cast %scan3A_576 : i32 to index
          %swap3A_590 = arith.constant 64 : index
          %swap3A_591 = tpu.vector_load %arg14[%swap3A_589, %swap3A_590] {strides = array<i32>} : memref<96x256xf32, #tpu.memory_space<vmem>>, vector<16xf32>,
          tpu.vector_store %arg14[%swap3A_589, %swap3A_590], %get3A_391 {strides = array<i32>} : memref<96x256xf32, #tpu.memory_space<vmem>>, vector<16xf32>,
          %swap3A_592 = arith.index_cast %scan3A_576 : i32 to index
          %swap3A_593 = arith.constant 80 : index
          %swap3A_594 = tpu.vector_load %arg14[%swap3A_592, %swap3A_593] {strides = array<i32>} : memref<96x256xf32, #tpu.memory_space<vmem>>, vector<16xf32>,
          tpu.vector_store %arg14[%swap3A_592, %swap3A_593], %get3A_394 {strides = array<i32>} : memref<96x256xf32, #tpu.memory_space<vmem>>, vector<16xf32>,
          %swap3A_595 = arith.index_cast %scan3A_576 : i32 to index
          %swap3A_596 = arith.constant 96 : index
          %swap3A_597 = tpu.vector_load %arg14[%swap3A_595, %swap3A_596] {strides = array<i32>} : memref<96x256xf32, #tpu.memory_space<vmem>>, vector<16xf32>,
          tpu.vector_store %arg14[%swap3A_595, %swap3A_596], %get3A_397 {strides = array<i32>} : memref<96x256xf32, #tpu.memory_space<vmem>>, vector<16xf32>,
          %swap3A_598 = arith.index_cast %scan3A_576 : i32 to index
          %swap3A_599 = arith.constant 112 : index
          %swap3A_600 = tpu.vector_load %arg14[%swap3A_598, %swap3A_599] {strides = array<i32>} : memref<96x256xf32, #tpu.memory_space<vmem>>, vector<16xf32>,
          tpu.vector_store %arg14[%swap3A_598, %swap3A_599], %get3A_400 {strides = array<i32>} : memref<96x256xf32, #tpu.memory_space<vmem>>, vector<16xf32>,
          %swap3A_601 = arith.index_cast %scan3A_576 : i32 to index
          %swap3A_602 = arith.constant 128 : index
          %swap3A_603 = tpu.vector_load %arg14[%swap3A_601, %swap3A_602] {strides = array<i32>} : memref<96x256xf32, #tpu.memory_space<vmem>>, vector<16xf32>,
          tpu.vector_store %arg14[%swap3A_601, %swap3A_602], %get3A_405 {strides = array<i32>} : memref<96x256xf32, #tpu.memory_space<vmem>>, vector<16xf32>,
          %swap3A_604 = arith.index_cast %scan3A_576 : i32 to index
          %swap3A_605 = arith.constant 144 : index
          %swap3A_606 = tpu.vector_load %arg14[%swap3A_604, %swap3A_605] {strides = array<i32>} : memref<96x256xf32, #tpu.memory_space<vmem>>, vector<16xf32>,
          tpu.vector_store %arg14[%swap3A_604, %swap3A_605], %get3A_410 {strides = array<i32>} : memref<96x256xf32, #tpu.memory_space<vmem>>, vector<16xf32>,
          %swap3A_607 = arith.index_cast %scan3A_576 : i32 to index
          %swap3A_608 = arith.constant 160 : index
          %swap3A_609 = tpu.vector_load %arg14[%swap3A_607, %swap3A_608] {strides = array<i32>} : memref<96x256xf32, #tpu.memory_space<vmem>>, vector<16xf32>,
          tpu.vector_store %arg14[%swap3A_607, %swap3A_608], %get3A_415 {strides = array<i32>} : memref<96x256xf32, #tpu.memory_space<vmem>>, vector<16xf32>,
          %swap3A_610 = arith.index_cast %scan3A_576 : i32 to index
          %swap3A_611 = arith.constant 176 : index
          %swap3A_612 = tpu.vector_load %arg14[%swap3A_610, %swap3A_611] {strides = array<i32>} : memref<96x256xf32, #tpu.memory_space<vmem>>, vector<16xf32>,
          tpu.vector_store %arg14[%swap3A_610, %swap3A_611], %get3A_420 {strides = array<i32>} : memref<96x256xf32, #tpu.memory_space<vmem>>, vector<16xf32>,
          %swap3A_613 = arith.index_cast %scan3A_576 : i32 to index
          %swap3A_614 = arith.constant 192 : index
          %swap3A_615 = tpu.vector_load %arg14[%swap3A_613, %swap3A_614] {strides = array<i32>} : memref<96x256xf32, #tpu.memory_space<vmem>>, vector<16xf32>,
          tpu.vector_store %arg14[%swap3A_613, %swap3A_614], %get3A_425 {strides = array<i32>} : memref<96x256xf32, #tpu.memory_space<vmem>>, vector<16xf32>,
          %swap3A_616 = arith.index_cast %scan3A_576 : i32 to index
          %swap3A_617 = arith.constant 208 : index
          %swap3A_618 = tpu.vector_load %arg14[%swap3A_616, %swap3A_617] {strides = array<i32>} : memref<96x256xf32, #tpu.memory_space<vmem>>, vector<16xf32>,
          tpu.vector_store %arg14[%swap3A_616, %swap3A_617], %get3A_430 {strides = array<i32>} : memref<96x256xf32, #tpu.memory_space<vmem>>, vector<16xf32>,
          %swap3A_619 = arith.index_cast %scan3A_576 : i32 to index
          %swap3A_620 = arith.constant 224 : index
          %swap3A_621 = tpu.vector_load %arg14[%swap3A_619, %swap3A_620] {strides = array<i32>} : memref<96x256xf32, #tpu.memory_space<vmem>>, vector<16xf32>,
          tpu.vector_store %arg14[%swap3A_619, %swap3A_620], %get3A_435 {strides = array<i32>} : memref<96x256xf32, #tpu.memory_space<vmem>>, vector<16xf32>,
          %swap3A_622 = arith.index_cast %scan3A_576 : i32 to index
          %swap3A_623 = arith.constant 240 : index
          %swap3A_624 = tpu.vector_load %arg14[%swap3A_622, %swap3A_623] {strides = array<i32>} : memref<96x256xf32, #tpu.memory_space<vmem>>, vector<16xf32>,
          tpu.vector_store %arg14[%swap3A_622, %swap3A_623], %get3A_440 {strides = array<i32>} : memref<96x256xf32, #tpu.memory_space<vmem>>, vector<16xf32>,
          %scan3A_625 = arith.constant 3 : i32
          %scan3A_626 = arith.addi %scan3A_477, %scan3A_625 : i32
          %swap3A_627 = arith.index_cast %scan3A_626 : i32 to index
          %swap3A_628 = arith.constant 0 : index
          %swap3A_629 = tpu.vector_load %arg14[%swap3A_627, %swap3A_628] {strides = array<i32>} : memref<96x256xf32, #tpu.memory_space<vmem>>, vector<16xf32>,
          tpu.vector_store %arg14[%swap3A_627, %swap3A_628], %get3A_379 {strides = array<i32>} : memref<96x256xf32, #tpu.memory_space<vmem>>, vector<16xf32>,
          %swap3A_630 = arith.index_cast %scan3A_626 : i32 to index
          %swap3A_631 = arith.constant 16 : index
          %swap3A_632 = tpu.vector_load %arg14[%swap3A_630, %swap3A_631] {strides = array<i32>} : memref<96x256xf32, #tpu.memory_space<vmem>>, vector<16xf32>,
          tpu.vector_store %arg14[%swap3A_630, %swap3A_631], %get3A_382 {strides = array<i32>} : memref<96x256xf32, #tpu.memory_space<vmem>>, vector<16xf32>,
          %swap3A_633 = arith.index_cast %scan3A_626 : i32 to index
          %swap3A_634 = arith.constant 32 : index
          %swap3A_635 = tpu.vector_load %arg14[%swap3A_633, %swap3A_634] {strides = array<i32>} : memref<96x256xf32, #tpu.memory_space<vmem>>, vector<16xf32>,
          tpu.vector_store %arg14[%swap3A_633, %swap3A_634], %get3A_385 {strides = array<i32>} : memref<96x256xf32, #tpu.memory_space<vmem>>, vector<16xf32>,
          %swap3A_636 = arith.index_cast %scan3A_626 : i32 to index
          %swap3A_637 = arith.constant 48 : index
          %swap3A_638 = tpu.vector_load %arg14[%swap3A_636, %swap3A_637] {strides = array<i32>} : memref<96x256xf32, #tpu.memory_space<vmem>>, vector<16xf32>,
          tpu.vector_store %arg14[%swap3A_636, %swap3A_637], %get3A_388 {strides = array<i32>} : memref<96x256xf32, #tpu.memory_space<vmem>>, vector<16xf32>,
          %swap3A_639 = arith.index_cast %scan3A_626 : i32 to index
          %swap3A_640 = arith.constant 64 : index
          %swap3A_641 = tpu.vector_load %arg14[%swap3A_639, %swap3A_640] {strides = array<i32>} : memref<96x256xf32, #tpu.memory_space<vmem>>, vector<16xf32>,
          tpu.vector_store %arg14[%swap3A_639, %swap3A_640], %get3A_391 {strides = array<i32>} : memref<96x256xf32, #tpu.memory_space<vmem>>, vector<16xf32>,
          %swap3A_642 = arith.index_cast %scan3A_626 : i32 to index
          %swap3A_643 = arith.constant 80 : index
          %swap3A_644 = tpu.vector_load %arg14[%swap3A_642, %swap3A_643] {strides = array<i32>} : memref<96x256xf32, #tpu.memory_space<vmem>>, vector<16xf32>,
          tpu.vector_store %arg14[%swap3A_642, %swap3A_643], %get3A_394 {strides = array<i32>} : memref<96x256xf32, #tpu.memory_space<vmem>>, vector<16xf32>,
          %swap3A_645 = arith.index_cast %scan3A_626 : i32 to index
          %swap3A_646 = arith.constant 96 : index
          %swap3A_647 = tpu.vector_load %arg14[%swap3A_645, %swap3A_646] {strides = array<i32>} : memref<96x256xf32, #tpu.memory_space<vmem>>, vector<16xf32>,
          tpu.vector_store %arg14[%swap3A_645, %swap3A_646], %get3A_397 {strides = array<i32>} : memref<96x256xf32, #tpu.memory_space<vmem>>, vector<16xf32>,
          %swap3A_648 = arith.index_cast %scan3A_626 : i32 to index
          %swap3A_649 = arith.constant 112 : index
          %swap3A_650 = tpu.vector_load %arg14[%swap3A_648, %swap3A_649] {strides = array<i32>} : memref<96x256xf32, #tpu.memory_space<vmem>>, vector<16xf32>,
          tpu.vector_store %arg14[%swap3A_648, %swap3A_649], %get3A_400 {strides = array<i32>} : memref<96x256xf32, #tpu.memory_space<vmem>>, vector<16xf32>,
          %swap3A_651 = arith.index_cast %scan3A_626 : i32 to index
          %swap3A_652 = arith.constant 128 : index
          %swap3A_653 = tpu.vector_load %arg14[%swap3A_651, %swap3A_652] {strides = array<i32>} : memref<96x256xf32, #tpu.memory_space<vmem>>, vector<16xf32>,
          tpu.vector_store %arg14[%swap3A_651, %swap3A_652], %get3A_405 {strides = array<i32>} : memref<96x256xf32, #tpu.memory_space<vmem>>, vector<16xf32>,
          %swap3A_654 = arith.index_cast %scan3A_626 : i32 to index
          %swap3A_655 = arith.constant 144 : index
          %swap3A_656 = tpu.vector_load %arg14[%swap3A_654, %swap3A_655] {strides = array<i32>} : memref<96x256xf32, #tpu.memory_space<vmem>>, vector<16xf32>,
          tpu.vector_store %arg14[%swap3A_654, %swap3A_655], %get3A_410 {strides = array<i32>} : memref<96x256xf32, #tpu.memory_space<vmem>>, vector<16xf32>,
          %swap3A_657 = arith.index_cast %scan3A_626 : i32 to index
          %swap3A_658 = arith.constant 160 : index
          %swap3A_659 = tpu.vector_load %arg14[%swap3A_657, %swap3A_658] {strides = array<i32>} : memref<96x256xf32, #tpu.memory_space<vmem>>, vector<16xf32>,
          tpu.vector_store %arg14[%swap3A_657, %swap3A_658], %get3A_415 {strides = array<i32>} : memref<96x256xf32, #tpu.memory_space<vmem>>, vector<16xf32>,
          %swap3A_660 = arith.index_cast %scan3A_626 : i32 to index
          %swap3A_661 = arith.constant 176 : index
          %swap3A_662 = tpu.vector_load %arg14[%swap3A_660, %swap3A_661] {strides = array<i32>} : memref<96x256xf32, #tpu.memory_space<vmem>>, vector<16xf32>,
          tpu.vector_store %arg14[%swap3A_660, %swap3A_661], %get3A_420 {strides = array<i32>} : memref<96x256xf32, #tpu.memory_space<vmem>>, vector<16xf32>,
          %swap3A_663 = arith.index_cast %scan3A_626 : i32 to index
          %swap3A_664 = arith.constant 192 : index
          %swap3A_665 = tpu.vector_load %arg14[%swap3A_663, %swap3A_664] {strides = array<i32>} : memref<96x256xf32, #tpu.memory_space<vmem>>, vector<16xf32>,
          tpu.vector_store %arg14[%swap3A_663, %swap3A_664], %get3A_425 {strides = array<i32>} : memref<96x256xf32, #tpu.memory_space<vmem>>, vector<16xf32>,
          %swap3A_666 = arith.index_cast %scan3A_626 : i32 to index
          %swap3A_667 = arith.constant 208 : index
          %swap3A_668 = tpu.vector_load %arg14[%swap3A_666, %swap3A_667] {strides = array<i32>} : memref<96x256xf32, #tpu.memory_space<vmem>>, vector<16xf32>,
          tpu.vector_store %arg14[%swap3A_666, %swap3A_667], %get3A_430 {strides = array<i32>} : memref<96x256xf32, #tpu.memory_space<vmem>>, vector<16xf32>,
          %swap3A_669 = arith.index_cast %scan3A_626 : i32 to index
          %swap3A_670 = arith.constant 224 : index
          %swap3A_671 = tpu.vector_load %arg14[%swap3A_669, %swap3A_670] {strides = array<i32>} : memref<96x256xf32, #tpu.memory_space<vmem>>, vector<16xf32>,
          tpu.vector_store %arg14[%swap3A_669, %swap3A_670], %get3A_435 {strides = array<i32>} : memref<96x256xf32, #tpu.memory_space<vmem>>, vector<16xf32>,
          %swap3A_672 = arith.index_cast %scan3A_626 : i32 to index
          %swap3A_673 = arith.constant 240 : index
          %swap3A_674 = tpu.vector_load %arg14[%swap3A_672, %swap3A_673] {strides = array<i32>} : memref<96x256xf32, #tpu.memory_space<vmem>>, vector<16xf32>,
          tpu.vector_store %arg14[%swap3A_672, %swap3A_673], %get3A_440 {strides = array<i32>} : memref<96x256xf32, #tpu.memory_space<vmem>>, vector<16xf32>,
        }
        %scan3A_446 = arith.constant 96 : i32
        %dma_start3A_447 = arith.constant 0 : i32
        %dma_start3A_448 = arith.constant 128 : i32
        %dma_start3A_449 = tpu.memref_slice %arg6[%add3A_343, %dma_start3A_447, %dma_start3A_448] : memref<4096x200x384xf32, #tpu.memory_space<hbm>> -> memref<1x96x256xf32, #tpu.memory_space<hbm>>
        %dma_start3A_450 = tpu.memref_squeeze %dma_start3A_449 : memref<1x96x256xf32, #tpu.memory_space<hbm>> -> memref<96x256xf32, #tpu.memory_space<hbm>>
        %dma_start3A_451 = arith.constant 0 : i32
        %dma_start3A_452 = arith.constant 128 : i32
        %dma_start3A_453 = tpu.memref_slice %arg6[%add3A_343, %dma_start3A_451, %dma_start3A_452] : memref<4096x200x384xf32, #tpu.memory_space<hbm>> -> memref<1x96x256xf32, #tpu.memory_space<hbm>>
        %dma_start3A_454 = tpu.memref_squeeze %dma_start3A_453 : memref<1x96x256xf32, #tpu.memory_space<hbm>> -> memref<96x256xf32, #tpu.memory_space<hbm>>
        tpu.enqueue_dma source(%arg14 : memref<96x256xf32, #tpu.memory_space<vmem>>) target(%dma_start3A_454 : memref<96x256xf32, #tpu.memory_space<hbm>>) target_semaphore(%arg20 : memref<!tpu.dma_semaphore, #tpu.memory_space<semaphore_mem>>)
        %dma_start3A_455 = arith.constant 96 : i32
        %dma_start3A_456 = arith.constant 128 : i32
        %dma_start3A_457 = tpu.memref_slice %arg6[%add3A_343, %dma_start3A_455, %dma_start3A_456] : memref<4096x200x384xf32, #tpu.memory_space<hbm>> -> memref<1x96x256xf32, #tpu.memory_space<hbm>>
        %dma_start3A_458 = tpu.memref_squeeze %dma_start3A_457 : memref<1x96x256xf32, #tpu.memory_space<hbm>> -> memref<96x256xf32, #tpu.memory_space<hbm>>
        %dma_start3A_459 = arith.constant 96 : i32
        %dma_start3A_460 = arith.constant 128 : i32
        %dma_start3A_461 = tpu.memref_slice %arg6[%add3A_343, %dma_start3A_459, %dma_start3A_460] : memref<4096x200x384xf32, #tpu.memory_space<hbm>> -> memref<1x96x256xf32, #tpu.memory_space<hbm>>
        %dma_start3A_462 = tpu.memref_squeeze %dma_start3A_461 : memref<1x96x256xf32, #tpu.memory_space<hbm>> -> memref<96x256xf32, #tpu.memory_space<hbm>>
        tpu.enqueue_dma source(%arg14 : memref<96x256xf32, #tpu.memory_space<vmem>>) target(%dma_start3A_462 : memref<96x256xf32, #tpu.memory_space<hbm>>) target_semaphore(%arg20 : memref<!tpu.dma_semaphore, #tpu.memory_space<semaphore_mem>>)
        %dma_start3A_463 = arith.constant 0 : i32
        %dma_start3A_464 = arith.constant 0 : i32
        %dma_start3A_465 = tpu.memref_slice %arg14[%dma_start3A_463, %dma_start3A_464] : memref<96x256xf32, #tpu.memory_space<vmem>> -> memref<8x256xf32, #tpu.memory_space<vmem>>
        %dma_start3A_466 = arith.constant 192 : i32
        %dma_start3A_467 = arith.constant 128 : i32
        %dma_start3A_468 = tpu.memref_slice %arg6[%add3A_343, %dma_start3A_466, %dma_start3A_467] : memref<4096x200x384xf32, #tpu.memory_space<hbm>> -> memref<1x8x256xf32, #tpu.memory_space<hbm>>
        %dma_start3A_469 = tpu.memref_squeeze %dma_start3A_468 : memref<1x8x256xf32, #tpu.memory_space<hbm>> -> memref<8x256xf32, #tpu.memory_space<hbm>>
        %dma_start3A_470 = arith.constant 192 : i32
        %dma_start3A_471 = arith.constant 128 : i32
        %dma_start3A_472 = tpu.memref_slice %arg6[%add3A_343, %dma_start3A_470, %dma_start3A_471] : memref<4096x200x384xf32, #tpu.memory_space<hbm>> -> memref<1x8x256xf32, #tpu.memory_space<hbm>>
        %dma_start3A_473 = tpu.memref_squeeze %dma_start3A_472 : memref<1x8x256xf32, #tpu.memory_space<hbm>> -> memref<8x256xf32, #tpu.memory_space<hbm>>
        %dma_start3A_474 = arith.constant 0 : i32
        %dma_start3A_475 = arith.constant 0 : i32
        %dma_start3A_476 = tpu.memref_slice %arg14[%dma_start3A_474, %dma_start3A_475] : memref<96x256xf32, #tpu.memory_space<vmem>> -> memref<8x256xf32, #tpu.memory_space<vmem>>
        tpu.enqueue_dma source(%dma_start3A_476 : memref<8x256xf32, #tpu.memory_space<vmem>>) target(%dma_start3A_473 : memref<8x256xf32, #tpu.memory_space<hbm>>) target_semaphore(%arg20 : memref<!tpu.dma_semaphore, #tpu.memory_space<semaphore_mem>>)
      }
      %scan3A_192 = arith.constant 4 : i32
    }
    %scan3A_30 = arith.constant 8 : i32
    %dma_wait3A = arith.constant 0 : i32
    %dma_wait3A_31 = arith.constant 128 : i32
    %dma_wait3A_32 = tpu.memref_slice %arg6[%mul3A_2, %dma_wait3A, %dma_wait3A_31] : memref<4096x200x384xf32, #tpu.memory_space<hbm>> -> memref<1x96x256xf32, #tpu.memory_space<hbm>>
    %dma_wait3A_33 = tpu.memref_squeeze %dma_wait3A_32 : memref<1x96x256xf32, #tpu.memory_space<hbm>> -> memref<96x256xf32, #tpu.memory_space<hbm>>
    %dma_wait3A_34 = arith.constant 0 : i32
    %dma_wait3A_35 = arith.constant 128 : i32
    %dma_wait3A_36 = tpu.memref_slice %arg6[%mul3A_2, %dma_wait3A_34, %dma_wait3A_35] : memref<4096x200x384xf32, #tpu.memory_space<hbm>> -> memref<1x96x256xf32, #tpu.memory_space<hbm>>
    %dma_wait3A_37 = tpu.memref_squeeze %dma_wait3A_36 : memref<1x96x256xf32, #tpu.memory_space<hbm>> -> memref<96x256xf32, #tpu.memory_space<hbm>>
    tpu.wait_dma2 semaphore(%arg19 : memref<!tpu.dma_semaphore, #tpu.memory_space<semaphore_mem>>) src(%arg13 : memref<96x256xf32, #tpu.memory_space<vmem>>) dst(%dma_wait3A_37 : memref<96x256xf32, #tpu.memory_space<hbm>>)
    %dma_wait3A_38 = arith.constant 96 : i32
    %dma_wait3A_39 = arith.constant 128 : i32
    %dma_wait3A_40 = tpu.memref_slice %arg6[%mul3A_2, %dma_wait3A_38, %dma_wait3A_39] : memref<4096x200x384xf32, #tpu.memory_space<hbm>> -> memref<1x96x256xf32, #tpu.memory_space<hbm>>
    %dma_wait3A_41 = tpu.memref_squeeze %dma_wait3A_40 : memref<1x96x256xf32, #tpu.memory_space<hbm>> -> memref<96x256xf32, #tpu.memory_space<hbm>>
    %dma_wait3A_42 = arith.constant 96 : i32
    %dma_wait3A_43 = arith.constant 128 : i32
    %dma_wait3A_44 = tpu.memref_slice %arg6[%mul3A_2, %dma_wait3A_42, %dma_wait3A_43] : memref<4096x200x384xf32, #tpu.memory_space<hbm>> -> memref<1x96x256xf32, #tpu.memory_space<hbm>>
    %dma_wait3A_45 = tpu.memref_squeeze %dma_wait3A_44 : memref<1x96x256xf32, #tpu.memory_space<hbm>> -> memref<96x256xf32, #tpu.memory_space<hbm>>
    tpu.wait_dma2 semaphore(%arg19 : memref<!tpu.dma_semaphore, #tpu.memory_space<semaphore_mem>>) src(%arg13 : memref<96x256xf32, #tpu.memory_space<vmem>>) dst(%dma_wait3A_45 : memref<96x256xf32, #tpu.memory_space<hbm>>)
    %dma_wait3A_46 = arith.constant 0 : i32
    %dma_wait3A_47 = arith.constant 0 : i32
    %dma_wait3A_48 = tpu.memref_slice %arg13[%dma_wait3A_46, %dma_wait3A_47] : memref<96x256xf32, #tpu.memory_space<vmem>> -> memref<8x256xf32, #tpu.memory_space<vmem>>
    %dma_wait3A_49 = arith.constant 192 : i32
    %dma_wait3A_50 = arith.constant 128 : i32
    %dma_wait3A_51 = tpu.memref_slice %arg6[%mul3A_2, %dma_wait3A_49, %dma_wait3A_50] : memref<4096x200x384xf32, #tpu.memory_space<hbm>> -> memref<1x8x256xf32, #tpu.memory_space<hbm>>
    %dma_wait3A_52 = tpu.memref_squeeze %dma_wait3A_51 : memref<1x8x256xf32, #tpu.memory_space<hbm>> -> memref<8x256xf32, #tpu.memory_space<hbm>>
    %dma_wait3A_53 = arith.constant 192 : i32
    %dma_wait3A_54 = arith.constant 128 : i32
    %dma_wait3A_55 = tpu.memref_slice %arg6[%mul3A_2, %dma_wait3A_53, %dma_wait3A_54] : memref<4096x200x384xf32, #tpu.memory_space<hbm>> -> memref<1x8x256xf32, #tpu.memory_space<hbm>>
    %dma_wait3A_56 = tpu.memref_squeeze %dma_wait3A_55 : memref<1x8x256xf32, #tpu.memory_space<hbm>> -> memref<8x256xf32, #tpu.memory_space<hbm>>
    %dma_wait3A_57 = arith.constant 0 : i32
    %dma_wait3A_58 = arith.constant 0 : i32
    %dma_wait3A_59 = tpu.memref_slice %arg13[%dma_wait3A_57, %dma_wait3A_58] : memref<96x256xf32, #tpu.memory_space<vmem>> -> memref<8x256xf32, #tpu.memory_space<vmem>>
    tpu.wait_dma2 semaphore(%arg19 : memref<!tpu.dma_semaphore, #tpu.memory_space<semaphore_mem>>) src(%dma_wait3A_59 : memref<8x256xf32, #tpu.memory_space<vmem>>) dst(%dma_wait3A_56 : memref<8x256xf32, #tpu.memory_space<hbm>>)
    %dma_wait3A_60 = arith.constant 0 : i32
    %dma_wait3A_61 = arith.constant 128 : i32
    %dma_wait3A_62 = tpu.memref_slice %arg6[%mul3A_2, %dma_wait3A_60, %dma_wait3A_61] : memref<4096x200x384xf32, #tpu.memory_space<hbm>> -> memref<1x96x256xf32, #tpu.memory_space<hbm>>
    %dma_wait3A_63 = tpu.memref_squeeze %dma_wait3A_62 : memref<1x96x256xf32, #tpu.memory_space<hbm>> -> memref<96x256xf32, #tpu.memory_space<hbm>>
    %dma_wait3A_64 = arith.constant 0 : i32
    %dma_wait3A_65 = arith.constant 128 : i32
    %dma_wait3A_66 = tpu.memref_slice %arg6[%mul3A_2, %dma_wait3A_64, %dma_wait3A_65] : memref<4096x200x384xf32, #tpu.memory_space<hbm>> -> memref<1x96x256xf32, #tpu.memory_space<hbm>>
    %dma_wait3A_67 = tpu.memref_squeeze %dma_wait3A_66 : memref<1x96x256xf32, #tpu.memory_space<hbm>> -> memref<96x256xf32, #tpu.memory_space<hbm>>
    tpu.wait_dma2 semaphore(%arg20 : memref<!tpu.dma_semaphore, #tpu.memory_space<semaphore_mem>>) src(%arg14 : memref<96x256xf32, #tpu.memory_space<vmem>>) dst(%dma_wait3A_67 : memref<96x256xf32, #tpu.memory_space<hbm>>)
    %dma_wait3A_68 = arith.constant 96 : i32
    %dma_wait3A_69 = arith.constant 128 : i32
    %dma_wait3A_70 = tpu.memref_slice %arg6[%mul3A_2, %dma_wait3A_68, %dma_wait3A_69] : memref<4096x200x384xf32, #tpu.memory_space<hbm>> -> memref<1x96x256xf32, #tpu.memory_space<hbm>>
    %dma_wait3A_71 = tpu.memref_squeeze %dma_wait3A_70 : memref<1x96x256xf32, #tpu.memory_space<hbm>> -> memref<96x256xf32, #tpu.memory_space<hbm>>
    %dma_wait3A_72 = arith.constant 96 : i32
    %dma_wait3A_73 = arith.constant 128 : i32
    %dma_wait3A_74 = tpu.memref_slice %arg6[%mul3A_2, %dma_wait3A_72, %dma_wait3A_73] : memref<4096x200x384xf32, #tpu.memory_space<hbm>> -> memref<1x96x256xf32, #tpu.memory_space<hbm>>
    %dma_wait3A_75 = tpu.memref_squeeze %dma_wait3A_74 : memref<1x96x256xf32, #tpu.memory_space<hbm>> -> memref<96x256xf32, #tpu.memory_space<hbm>>
    tpu.wait_dma2 semaphore(%arg20 : memref<!tpu.dma_semaphore, #tpu.memory_space<semaphore_mem>>) src(%arg14 : memref<96x256xf32, #tpu.memory_space<vmem>>) dst(%dma_wait3A_75 : memref<96x256xf32, #tpu.memory_space<hbm>>)
    %dma_wait3A_76 = arith.constant 0 : i32
    %dma_wait3A_77 = arith.constant 0 : i32
    %dma_wait3A_78 = tpu.memref_slice %arg14[%dma_wait3A_76, %dma_wait3A_77] : memref<96x256xf32, #tpu.memory_space<vmem>> -> memref<8x256xf32, #tpu.memory_space<vmem>>
    %dma_wait3A_79 = arith.constant 192 : i32
    %dma_wait3A_80 = arith.constant 128 : i32
    %dma_wait3A_81 = tpu.memref_slice %arg6[%mul3A_2, %dma_wait3A_79, %dma_wait3A_80] : memref<4096x200x384xf32, #tpu.memory_space<hbm>> -> memref<1x8x256xf32, #tpu.memory_space<hbm>>
    %dma_wait3A_82 = tpu.memref_squeeze %dma_wait3A_81 : memref<1x8x256xf32, #tpu.memory_space<hbm>> -> memref<8x256xf32, #tpu.memory_space<hbm>>
    %dma_wait3A_83 = arith.constant 192 : i32
    %dma_wait3A_84 = arith.constant 128 : i32
    %dma_wait3A_85 = tpu.memref_slice %arg6[%mul3A_2, %dma_wait3A_83, %dma_wait3A_84] : memref<4096x200x384xf32, #tpu.memory_space<hbm>> -> memref<1x8x256xf32, #tpu.memory_space<hbm>>
    %dma_wait3A_86 = tpu.memref_squeeze %dma_wait3A_85 : memref<1x8x256xf32, #tpu.memory_space<hbm>> -> memref<8x256xf32, #tpu.memory_space<hbm>>
    %dma_wait3A_87 = arith.constant 0 : i32
    %dma_wait3A_88 = arith.constant 0 : i32
    %dma_wait3A_89 = tpu.memref_slice %arg14[%dma_wait3A_87, %dma_wait3A_88] : memref<96x256xf32, #tpu.memory_space<vmem>> -> memref<8x256xf32, #tpu.memory_space<vmem>>
    tpu.wait_dma2 semaphore(%arg20 : memref<!tpu.dma_semaphore, #tpu.memory_space<semaphore_mem>>) src(%dma_wait3A_89 : memref<8x256xf32, #tpu.memory_space<vmem>>) dst(%dma_wait3A_86 : memref<8x256xf32, #tpu.memory_space<hbm>>)
    %dma_wait3A_90 = arith.constant 0 : i32
    %dma_wait3A_91 = arith.constant 0 : i32
    %dma_wait3A_92 = tpu.memref_slice %arg6[%mul3A_2, %dma_wait3A_90, %dma_wait3A_91] : memref<4096x200x384xf32, #tpu.memory_space<hbm>> -> memref<1x200x128xf32, #tpu.memory_space<hbm>>
    %dma_wait3A_93 = tpu.memref_squeeze %dma_wait3A_92 : memref<1x200x128xf32, #tpu.memory_space<hbm>> -> memref<200x128xf32, #tpu.memory_space<hbm>>
    %dma_wait3A_94 = arith.constant 0 : i32
    %dma_wait3A_95 = arith.constant 0 : i32
    %dma_wait3A_96 = tpu.memref_slice %arg6[%mul3A_2, %dma_wait3A_94, %dma_wait3A_95] : memref<4096x200x384xf32, #tpu.memory_space<hbm>> -> memref<1x200x128xf32, #tpu.memory_space<hbm>>
    %dma_wait3A_97 = tpu.memref_squeeze %dma_wait3A_96 : memref<1x200x128xf32, #tpu.memory_space<hbm>> -> memref<200x128xf32, #tpu.memory_space<hbm>>
    tpu.wait_dma2 semaphore(%arg18 : memref<!tpu.dma_semaphore, #tpu.memory_space<semaphore_mem>>) src(%arg12 : memref<200x128xf32, #tpu.memory_space<vmem>>) dst(%dma_wait3A_97 : memref<200x128xf32, #tpu.memory_space<hbm>>)
    return
  }
}

</mosaic_0001>

<sc_bundles>
// kernel: _run.4.cloned.1.call-start
scs
__scs_entry_jumppad:
0x0: {  	(pc) =	sbr.rel $0x88, $3  }
0x1: {  	(tag) =	ssettag $0x0;
	lr =	simm.s32 $0x1  }
0x2: {  	[smem:$0x3F99] =	sst lr;
	_ =	strace $0xD0000000  }
0x3: {  	_ = 	snop  }
0x4: {  	_ = 	snop  }
0x5: {  	_ = 	snop  }
0x6: {  	_ = 	snop  }
0x7: {  	_ = 	snop  }
__scs_overlays_trampoline_lowered:
0x8: {  	[smem:$0x3FA8] =	sst s0  }
0x9: {  	[smem:$0x3FA9] =	sst s1  }
0xa: {  	[smem:$0x3FAA] =	sst s2  }
0xb: {  	[smem:$0x3FAB] =	sst s3  }
0xc: {  	[smem:$0x3FAC] =	sst s4  }
0xd: {  	[smem:$0x3FAD] =	sst s5  }
0xe: {  	[smem:$0x3FAE] =	sst s6  }
0xf: {  	[smem:$0x3FAF] =	sst s7  }
0x10: {  	[smem:$0x3FB0] =	sst s8  }
0x11: {  	[smem:$0x3FB1] =	sst s9;
	s0 =	simm.s32 @!p0 $0x0  }
0x12: {  	s1 =	sld [smem:$0x3F97];
	s0 =	simm.s32 @p0 $0x1  }
0x13: {  	[smem:$0x3FB2] =	sst s0;
	s0 =	simm.s32 @!p1 $0x0  }
0x14: {  	s2 =	sld [smem:$0x3F96];
	s0 =	simm.s32 @p1 $0x1  }
0x15: {  	[smem:$0x3FB3] =	sst s0;
	s0 =	simm.s32 @!p2 $0x0  }
0x16: {  	s3 =	sld [smem:$0x3FDB];
	s0 =	simm.s32 @p2 $0x1  }
0x17: {  	s4 =	simm.s32 $0x1BF5;
	[smem:$0x3FB5] =	sst s0  }
0x18: {  	s0 =	sld [smem:$0x3F98];
	_ =	swait.ge [sflag:s4], $0x0  }
0x19: {  	s7 =	sld [smem:$0x3F99]  }
0x1a: {  	s8 =	sadd.s32 $0xFFFFE003, lr  }
0x1b: {  	s9 =	sadd.s32 $0xFFFFFEF7, lr;
	s5 =	simm.s32 $0xFFFFFFFF;
	p2 =	slt.u32 s8, $0xFFFFF086  }
0x1c: {  	p1 =	slt.u32 s9, $0xF7A;
	s5 =	simm.s32 @!p2 $0x0  }
0x1d: {  	s5 =	simm.s32 @p1 $0x1;
	p0 =	seq.s32 s7, s2  }
0x1e: {  	s7 =	smul.u32 @!p0 $0xF7A, s2;
	p2 =	seq.s32 @!p0 s5, $0x0  }
0x1f: {  	s9 =	smul.u32 $0xF7A, s1;
	s8 =	simm.s32 @!p0 $0x1BF5;
	p2 =	por !p2, p0  }
0x20: {  	[sflag:s8] =	ssyncset.s32 @!p0 $0xFFFFF086;
	s6 =	sadd.s32 @!p0 s3, s7;
	s7 =	simm.s32 @!p0 $0x108  }
0x21: {  	s3 =	sadd.s32 s3, s9;
	s6 =	sadd.s32 @!p0 $0x88, s6;
	s7 =	simm.s32 @p2 $0x1082  }
0x22: {  	[simem:s7], [sflag:s8] =	dma.local @!p0 [hbm:s6], $0xF7A  }
0x23: {  	s9 =	sor.u32 $0xD0000000, s2;
	s6 =	simm.s32 $0x108;
	_ =	swait.ge @!p0 [sflag:s8], $0x0  }
0x24: {  	s3 =	sadd.s32 $0x88, s3;
	s6 =	simm.s32 @!p1 $0x1082;
	[sflag:s4] =	ssyncset.s32 $0xFFFFF086  }
0x25: {  	[simem:s6], [sflag:s4] =	dma.local [hbm:s3], $0xF7A  }
0x26: {  	[smem:$0x3F99] =	sst s1;
	(tag) =	ssettag s2;
	_ =	strace s9  }
0x27: {  	s1 =	sld [smem:$0x3FA9]  }
0x28: {  	s2 =	sld [smem:$0x3FAA]  }
0x29: {  	s4 =	sld [smem:$0x3FAC]  }
0x2a: {  	p0 =	seq.s32 s5, $0x0;
	s5 =	sld [smem:$0x3FAD]  }
0x2b: {  	s6 =	sld [smem:$0x3FAE]  }
0x2c: {  	s7 =	sld [smem:$0x3FAF]  }
0x2d: {  	s3 =	simm.s32 $0x108;
	s8 =	sld [smem:$0x3FB0]  }
0x2e: {  	s3 =	simm.s32 @!p0 $0x1082;
	s9 =	sld [smem:$0x3FB1]  }
0x2f: {  	lr =	sadd.s32 s0, s3;
	s0 =	sld [smem:$0x3FA8]  }
0x30: {  	s3 =	sld [smem:$0x3FAB]  }
0x31: {  	[smem:$0x3FB4] =	sst s10  }
0x32: {  	s10 =	sld [smem:$0x3FB2];
	_ =	sdelay $0x3  }
0x33: {  	p0 =	seq.s32 s10, $0x1;
	s10 =	sld [smem:$0x3FB4];
	_ =	sdelay $0x3  }
0x34: {  	[smem:$0x3FB4] =	sst s10  }
0x35: {  	s10 =	sld [smem:$0x3FB3];
	_ =	sdelay $0x3  }
0x36: {  	p1 =	seq.s32 s10, $0x1;
	s10 =	sld [smem:$0x3FB4];
	_ =	sdelay $0x3  }
0x37: {  	[smem:$0x3FB4] =	sst s10  }
0x38: {  	s10 =	sld [smem:$0x3FB5]  }
0x39: {  	_ = 	snop;
	(pc) =	sbr.ind lr, $3  }
0x3a: {  	_ = 	snop  }
0x3b: {  	_ = 	snop  }
0x3c: {  	p2 =	seq.s32 s10, $0x1;
	s10 =	sld [smem:$0x3FB4]  }
0x3d: {  	_ =	shalt  }
0x3e: {  	_ =	shalt  }
0x3f: {  	_ =	shalt  }
0x40: {  	_ =	shalt  }
0x41: {  	_ =	shalt  }
0x42: {  	_ =	shalt  }
0x43: {  	_ =	shalt  }
0x44: {  	_ =	shalt  }
0x45: {  	_ =	shalt  }
0x46: {  	_ =	shalt  }
0x47: {  	_ =	shalt  }
0x48: {  	_ =	shalt  }
0x49: {  	_ =	shalt  }
0x4a: {  	_ =	shalt  }
0x4b: {  	_ =	shalt  }
0x4c: {  	_ =	shalt  }
0x4d: {  	_ =	shalt  }
0x4e: {  	_ =	shalt  }
0x4f: {  	_ =	shalt  }
0x50: {  	_ =	shalt  }
0x51: {  	_ =	shalt  }
0x52: {  	_ =	shalt  }
0x53: {  	_ =	shalt  }
0x54: {  	_ =	shalt  }
0x55: {  	_ =	shalt  }
0x56: {  	_ =	shalt  }
0x57: {  	_ =	shalt  }
0x58: {  	_ =	shalt  }
0x59: {  	_ =	shalt  }
0x5a: {  	_ =	shalt  }
0x5b: {  	_ =	shalt  }
0x5c: {  	_ =	shalt  }
0x5d: {  	_ =	shalt  }
0x5e: {  	_ =	shalt  }
0x5f: {  	_ =	shalt  }
0x60: {  	_ =	shalt  }
0x61: {  	_ =	shalt  }
0x62: {  	_ =	shalt  }
0x63: {  	_ =	shalt  }
0x64: {  	_ =	shalt  }
0x65: {  	_ =	shalt  }
0x66: {  	_ =	shalt  }
0x67: {  	_ =	shalt  }
0x68: {  	_ =	shalt  }
0x69: {  	_ =	shalt  }
0x6a: {  	_ =	shalt  }
0x6b: {  	_ =	shalt  }
0x6c: {  	_ =	shalt  }
0x6d: {  	_ =	shalt  }
0x6e: {  	_ =	shalt  }
0x6f: {  	_ =	shalt  }
0x70: {  	_ =	shalt  }
0x71: {  	_ =	shalt  }
0x72: {  	_ =	shalt  }
0x73: {  	_ =	shalt  }
0x74: {  	_ =	shalt  }
0x75: {  	_ =	shalt  }
0x76: {  	_ =	shalt  }
0x77: {  	_ =	shalt  }
0x78: {  	_ =	shalt  }
0x79: {  	_ =	shalt  }
0x7a: {  	_ =	shalt  }
0x7b: {  	_ =	shalt  }
0x7c: {  	_ =	shalt  }
0x7d: {  	_ =	shalt  }
0x7e: {  	_ =	shalt  }
0x7f: {  	_ =	shalt  }
0x80: {  	_ =	shalt  }
0x81: {  	_ =	shalt  }
0x82: {  	_ =	shalt  }
0x83: {  	_ =	shalt  }
0x84: {  	_ =	shalt  }
0x85: {  	_ =	shalt  }
0x86: {  	_ =	shalt  }
0x87: {  	_ =	shalt  }
.Lfunc_end0:
.L_simem_size_0:
called_computation_lowered:
.L_overlay_start_0:
0x88: {  	s2 =	sld [smem:$0x3FD9]  }
0x89: {  	s3 =	sld [smem:$0x3FFE];
	_ =	sdelay $0x1  }
0x8a: {  	s1 =	srdreg.scid  }
0x8b: {  	s0 =	sand.u32 $0x1, s1  }
0x8c: {  	s17 =	sshll.u32 s0, $0xA;
	s2 =	sadd.s32 s3, s2  }
0x8d: {  	s2 =	sadd.s32 s2, s17  }
0x8e: {  	[smem:$0x3FC0] =	sst s2  }
0x8f: {  	_ = 	snop  }
0x90: {  	s2 =	sld [smem:$0x3FC9]  }
0x91: {  	s18 =	sld [smem:$0x3FC8]  }
0x92: {  	s4 =	sld [smem:$0x3FC7]  }
0x93: {  	s5 =	sld [smem:$0x3FC4]  }
0x94: {  	s6 =	sld [smem:$0x3FC3]  }
0x95: {  	s7 =	sld [smem:$0x3FC2];
	(tm) =	ssettm $0x1  }
0x96: {  	s8 =	sld [smem:$0x3FFB];
	_ =	sdelay $0x3  }
0x97: {  	_ =	strace s8  }
0x98: {  	s8 =	sld [smem:$0x3FFC];
	_ =	sdelay $0x3  }
0x99: {  	_ =	strace s8  }
0x9a: {  	s8 =	sld [smem:$0x3FFD];
	_ =	sdelay $0x3  }
0x9b: {  	_ =	strace s8  }
0x9c: {  	_ =	strace $0x8FFFFFFF  }
0x9d: {  	s19 =	sld [smem:$0x3FDB];
	_ =	sdelay $0x1  }
0x9e: {  	s9 =	simm.s32 $_scs_section_size  }
0x9f: {  	s10 =	simm.s32 $_size__tile_overlayer_lowered;
	s11 =	simm.s32 $_tile_overlayer_lowered  }
0xa0: {  	s22 =	simm.s32 $0x1BFF;
	s21 =	sshll.u32 s11, $0x1;
	s8 =	sadd.s32 s9, s19  }
0xa1: {  	s12 =	simm.s32 $0x0;
	s20 =	sshll.u32 s10, $0x1;
	s10 =	sadd.s32 s21, s8  }
0xa2: {  	[timem:s12], [sflag:s22] =	dma.local [hbm:s10], s20  }
0xa3: {  	_ =	swait.ge [sflag:s22], s20  }
0xa4: {  	s9 =	ssub.s32 $0x0, s20;
	[sflag:s22] =	ssyncset.done $0x0  }
0xa5: {  	[sflag:s22] =	ssyncadd.s32 s9;
	_ =	sdelay $0x1  }
0xa6: {  	s23 =	simm.s32 $0x1B8B  }
0xa7: {  	_ =	swait.ge [sflag:s23], $0x1  }
0xa8: {  	[sflag:s23] =	ssyncset.done $0x0  }
0xa9: {  	s25 =	simm.s32 $0x1B8E;
	s24 =	sld [smem:$0x3FFE];
	[sflag:s23] =	ssyncadd.s32 $0xFFFFFFFF  }
0xaa: {  	s26 =	simm.s32 $execute0_lowered;
	[smem:$0x3FD2] =	sst s25  }
0xab: {  	s10 =	sshll.u32 s26, $0x1;
	_ =	strace $0x80000046;
	[dreg:$0x1] =	wrdreg $0xFFFFFFFF  }
0xac: {  	s28 =	simm.s32 $_size_execute0_lowered;
	s8 =	sadd.s32 s8, s10;
	[dreg:$0x0] =	wrdreg $0x0  }
0xad: {  	s10 =	sshll.u32 s28, $0x1;
	[dreg:$0x2] =	wrdreg s8  }
0xae: {  	[dreg:$0x3] =	wrdreg s10  }
0xaf: {  	[dreg:$0x4] =	wrdreg $0xC0  }
0xb0: {  	_ =	task [dreg:s12], $0x5FFFF  }
0xb1: {  	[dreg:$0x1] =	wrdreg $0xFFFFFFFF  }
0xb2: {  	[dreg:$0x0] =	wrdreg $0x60  }
0xb3: {  	[dreg:$0x2] =	wrdreg s2  }
0xb4: {  	[dreg:$0x3] =	wrdreg s18  }
0xb5: {  	[dreg:$0x4] =	wrdreg s4  }
0xb6: {  	[dreg:$0x5] =	wrdreg s5  }
0xb7: {  	[dreg:$0x6] =	wrdreg s6  }
0xb8: {  	[dreg:$0x7] =	wrdreg s7  }
0xb9: {  	[dreg:$0x8] =	wrdreg s24  }
0xba: {  	[dreg:$0x9] =	wrdreg $0x9  }
0xbb: {  	_ =	task.clear_ibuf [dreg:s12], $0xAFFFF;
	_ =	strace $0x90000046  }
0xbc: {  	s29 =	simm.s32 $0x9;
	_ =	strace $0x80000048  }
0xbd: {  	_ =	swait.ge [sflag:s29], $0x1  }
0xbe: {  	[sflag:s29] =	ssyncadd.s32 $0xFFFFFFFF  }
0xbf: {  	_ =	strace $0x90000048  }
0xc0: {  	_ =	sfence  }
0xc1: {  	s30 =	sld [smem:$0x0];
	_ =	sdelay $0x2  }
0xc2: {  	s31 =	sshll.u32 s1, $0xD;
	s1 =	sshrl.u32 s1, $0x2  }
0xc3: {  	s3 =	sand.u32 $0x4000, s31;
	s1 =	sadd.s32 s1, s30  }
0xc4: {  	s0 =	sor.u32 s3, s0;
	s1 =	sshll.u32 s1, $0x11  }
0xc5: {  	s0 =	sor.u32 s1, s0  }
0xc6: {  	s0 =	sadd.s32 $0x8F2B, s0  }
0xc7: {  	[sflag:s0] =	ssyncadd.remote.s32 $0x1  }
0xc8: {  	_ =	sfence.sel $0xFFFF  }
0xc9: {  	[dreg:$0x0] =	wrdreg $0xFFFFFFFF;
	(pc) =	sbr.abs _section_cstart, $3  }
0xca: {  	[dreg:$0x1] =	wrdreg $0xFFFFFFFF  }
0xcb: {  	_ =	task.clear_ibuf [dreg:s12], $0x2FFFF;
	_ =	strace $0x9FFFFFFF  }
0xcc: {  	(tm) =	ssettm $0x7FFFFFFF  }
0xcd: {  	_ =	shalt  }
tec
execute0_lowered:
.L_overlay_start_1:
0x0: {  	(tag) =	ssettag $0x1  }
0x1: {  	s30 =	rddreg [dreg:$0x0]  }
0x2: {  	s6 =	rddreg [dreg:$0x1]  }
0x3: {  	s7 =	rddreg [dreg:$0x2]  }
0x4: {  	s4 =	rddreg [dreg:$0x3]  }
0x5: {  	s0 =	rddreg [dreg:$0x6]  }
0x6: {  	s1 =	srdreg.scid;
	s2 =	stileid.u32  }
0x7: {  	s5 =	simm.s32 $0x0;
	s17 =	simm.s32 $0x15300;
	s19 =	simm.s32 $0x15700  }
0x8: {  	s28 =	simm.s32 $0x2700;
	s29 =	simm.s32 $0x60;
	s31 =	simm.s32 $0x1  }
0x9: {  	s11 =	simm.s32 $0x3;
	s12 =	simm.s32 $0x7;
	s8 =	simm.s32 $0x4  }
0xa: {  	s1 =	sand.u32 $0x1, s1;
	s2 =	sshll.u32 s2, $0x1;
	[smem:$0x7FF] =	sst s5  }
0xb: {  	s9 =	sadd.s32 $0x800, s0;
	s14 =	sadd.s32 $0x880, s0;
	s5 =	simm.s32 $0x800  }
0xc: {  	s3 =	ssub.s32 $0x2, s1;
	s1 =	sor.u32 s1, s2;
	_ =	strace $0x80000047  }
0xd: {  	s20 =	sshrl.u32 s3, $0x1;
	s21 =	smul.u32 $0xC80, s1;
	s1 =	sshll.u32 s1, $0x7  }
0xe: {  	s2 =	ssub.s32 s3, s20;
	[dreg:$0x8] =	wrdreg s1;
	s25 =	sor.u32 $0x10, s1  }
0xf: {  	s3 =	simm.s32 $0x400;
	s22 =	sadd.s32 s30, s21;
	[dreg:$0xc] =	wrdreg s25  }
0x10: {  	s20 =	simm.s32 $0xEF00;
	s23 =	sadd.s32 s6, s21;
	[dreg:$0x9] =	wrdreg s22  }
0x11: {  	s1 =	simm.s32 $0x0;
	s24 =	sadd.s32 s7, s21;
	[dreg:$0xa] =	wrdreg s23  }
0x12: {  	s26 =	smax.u32 s2, $0x1;
	s6 =	simm.s32 $0x8B00;
	[dreg:$0xb] =	wrdreg s24  }
0x13: {  	v0 =	vlaneseq.u32;
	s21 =	simm.s32 $0x2;
	[dreg:$0xd] =	wrdreg s26;
	s26 =	simm.s32 $0x68  }
.LBB2_1:
0x14: {  	[dreg:$0xe] =	wrdreg s1  }
0x15: {  	s0 =	rddreg [dreg:$0x4];
	s15 =	simm.s32 $0x0;
	s2 =	simm.s32 $0x8  }
0x16: {  	[tilespmem:s17], [sflag:$0x8] =	stream.linear.gather [hbm4b:s0+s15], $0x400, $0x38;
	[tilespmem:$0x15B00] =	vst v63  }
0x17: {  	_ =	swait.ge [sflag:s2], $0x400  }
0x18: {  	[sflag:s2] =	ssyncset.done $0x0  }
0x19: {  	[sflag:s2] =	ssyncadd.s32 $0xFFFFFC00  }
0x1a: {  	s16 =	rddreg [dreg:$0x5]  }
0x1b: {  	[tilespmem:s19], [sflag:$0x8] =	stream.linear.gather [hbm4b:s16+s15], $0x400, $0x38;
	[tilespmem:$0x15B00] =	vst v63  }
0x1c: {  	_ =	swait.ge [sflag:s2], $0x400  }
0x1d: {  	[sflag:s2] =	ssyncset.done $0x0  }
0x1e: {  	s18 =	rddreg [dreg:$0x9];
	[sflag:s2] =	ssyncadd.s32 $0xFFFFFC00  }
0x1f: {  	[tilespmem:s15], [sflag:$0x5] =	stream.linear.gather [hbm4b:s18+s15], $0x640, $0x38;
	[tilespmem:$0x15B00] =	vst v63  }
0x20: {  	s23 =	simm.s32 $0xD00;
	s22 =	rddreg [dreg:$0xa]  }
0x21: {  	[tilespmem:s23], [sflag:$0x5] =	stream.linear.gather [hbm4b:s22+s15], $0x640, $0x38;
	[tilespmem:$0x15B00] =	vst v63  }
0x22: {  	s25 =	simm.s32 $0x1A00;
	s24 =	rddreg [dreg:$0xb];
	s18 =	simm.s32 $0x0  }
0x23: {  	[tilespmem:s25], [sflag:$0x5] =	stream.linear.gather [hbm4b:s24+s15], $0x640, $0x38;
	[tilespmem:$0x15B00] =	vst v63  }
.LBB2_2:
0x24: {  	s2 =	simm.s32 $0x5  }
0x25: {  	_ =	swait.ge [sflag:s2], $0x640  }
0x26: {  	[sflag:s2] =	ssyncset.done $0x0  }
0x27: {  	[sflag:s2] =	ssyncadd.s32 $0xFFFFF9C0  }
0x28: {  	_ =	swait.ge [sflag:s2], $0x640  }
0x29: {  	s1 =	sshll.u32 s18, $0x4;
	s0 =	rddreg [dreg:$0x8];
	[sflag:s2] =	ssyncset.done $0x0  }
0x2a: {  	[dreg:$0xf] =	wrdreg s1;
	s16 =	sor.u32 s1, s0;
	[sflag:s2] =	ssyncadd.s32 $0xFFFFF9C0  }
0x2b: {  	s24 =	sor.u32 $0x8, s16;
	_ =	swait.ge [sflag:s2], $0x640  }
0x2c: {  	s10 =	smul.u32 $0x19, s24;
	[sflag:s2] =	ssyncset.done $0x0  }
0x2d: {  	s7 =	simm.s32 $0x680;
	[sflag:s2] =	ssyncadd.s32 $0xFFFFF9C0  }
0x2e: {  	s0 =	simm.s32 $0x0;
	s13 =	sadd.s32 s30, s10;
	s15 =	rddreg [dreg:$0x1]  }
0x2f: {  	[tilespmem:s7], [sflag:$0x6] =	stream.linear.gather [hbm4b:s13+s0], $0x640, $0x38;
	[tilespmem:$0x15B00] =	vst v63  }
0x30: {  	s22 =	simm.s32 $0x1380;
	s23 =	rddreg [dreg:$0x2];
	s2 =	sadd.s32 s15, s10  }
0x31: {  	[tilespmem:s22], [sflag:$0x6] =	stream.linear.gather [hbm4b:s2+s0], $0x640, $0x38;
	[tilespmem:$0x15B00] =	vst v63  }
0x32: {  	s25 =	simm.s32 $0x2080;
	s1 =	sadd.s32 s23, s10  }
0x33: {  	[tilespmem:s25], [sflag:$0x6] =	stream.linear.gather [hbm4b:s1+s0], $0x640, $0x38;
	[tilespmem:$0x15B00] =	vst v63  }
0x34: {  	s30 =	simm.s32 $0x5B00;
	s13 =	simm.s32 $0x1A00  }
0x35: {  	[tilespmem:s28], [sflag:$0x1] =	stream.indirect.gather [hbm4b:s4+s26], $0x80, s0, s26, $0xb8;
	[tilespmem:$0x15B00] =	vst v63  }
0x36: {  	s10 =	simm.s32 $0xDC8;
	s15 =	simm.s32 $0x1AC8;
	s25 =	simm.s32 $0xD00  }
0x37: {  	[tilespmem:s30], [sflag:$0x1] =	stream.indirect.gather [hbm4b:s4+s29], $0x80, s26, s29, $0xb8;
	[tilespmem:$0x15B00] =	vst v63  }
.LBB2_3:
0x38: {  	s1 =	sshll.u32 s0, $0x1;
	_ =	swait.ge [sflag:s31], $0x3400  }
0x39: {  	s1 =	sadd.s32 s16, s1;
	[sflag:s31] =	ssyncset.done $0x0  }
0x3a: {  	[sflag:s31] =	ssyncadd.s32 $0xFFFFCC00;
	s1 =	smul.u32 $0xC800, s1  }
0x3b: {  	s7 =	sor.u32 s18, s0;
	_ =	swait.ge [sflag:s31], $0x3000  }
0x3c: {  	p0 =	seq.s32 s7, $0x0;
	[sflag:s31] =	ssyncset.done $0x0;
	s22 =	sshrl.u32 s1, $0x3  }
0x3d: {  	s1 =	simm.s32 @!p0 $0x4;
	[sflag:s31] =	ssyncadd.s32 $0xFFFFD000;
	s23 =	sadd.s32 s9, s22  }
0x3e: {  	[hbm4b:s23+s3] =	stream.strided.scatter [tilespmem:s28], [sflag:$0x3], $0x6400, s5, s3, $0x38;
	[tilespmem:$0x15B00] =	vst v63  }
0x3f: {  	s30 =	smul.u32 $0x190, s0;
	_ =	swait.ge @!p0 [sflag:s1], $0x6400  }
0x40: {  	[sflag:s1] =	ssyncset.done @!p0 $0x0  }
0x41: {  	s2 =	sadd.s32 $0xC8, s30;
	[sflag:s1] =	ssyncadd.s32 @!p0 $0xFFFF9C00  }
0x42: {  	[tilespmem:s6], [sflag:$0x2] =	stream.indirect.gather [hbm4b:s4+s26], $0x80, s2, s26, $0xb8;
	[tilespmem:$0x15B00] =	vst v63  }
0x43: {  	s7 =	sadd.s32 $0x130, s30;
	s1 =	simm.s32 @!p0 $0x7;
	s2 =	simm.s32 $0xBF00  }
0x44: {  	[tilespmem:s2], [sflag:$0x2] =	stream.indirect.gather [hbm4b:s4+s29], $0x80, s7, s29, $0xb8;
	[tilespmem:$0x15B00] =	vst v63  }
0x45: {  	_ =	swait.ge @!p0 [sflag:s1], $0x6400  }
0x46: {  	s2 =	smov.u32 s13;
	[sflag:s1] =	ssyncset.done @!p0 $0x0  }
0x47: {  	s7 =	simm.s32 $0x0;
	[sflag:s1] =	ssyncadd.s32 @!p0 $0xFFFF9C00;
	s1 =	smov.u32 s25  }
.LBB2_4:
0x48: {  	v1 =	vld [tilespmem:s1+$0x0];
	_ =	sdelay $0x4  }
0x49: {  	v2 =	vor.u32 s7, v0;
	v1 =	vmul.u32 $0x5, v1  }
0x4a: {  	vm0 =	vlt.u32 v2, $0xC8  }
0x4b: {  	v1 =	vnsel vm0, $0x0, v1;
	_ =	sdelay $0x4  }
0x4c: {  	v2 =	vshll.u32 v2, $0x7;
	v3 =	vld.idx.msk [tilespmem:v1+s17+$0x0], $0xffff  }
0x4d: {  	v4 =	vadd.s32 $0x1, v1;
	_ =	sdelay $0x3  }
0x4e: {  	[tilespmem:v2+s20+$0x0] =	vst.idx.msk vm0, v3  }
0x4f: {  	v53 =	vor.u32 $0x1, v2;
	v3 =	vld.idx.msk [tilespmem:v4+s17+$0x0], $0xffff  }
0x50: {  	v5 =	vadd.s32 $0x2, v1;
	_ =	sdelay $0x3  }
0x51: {  	[tilespmem:v53+s20+$0x0] =	vst.idx.msk vm0, v3  }
0x52: {  	v54 =	vor.u32 $0x2, v2;
	v3 =	vld.idx.msk [tilespmem:v5+s17+$0x0], $0xffff  }
0x53: {  	v55 =	vadd.s32 $0x3, v1;
	_ =	sdelay $0x3  }
0x54: {  	[tilespmem:v54+s20+$0x0] =	vst.idx.msk vm0, v3  }
0x55: {  	v56 =	vor.u32 $0x3, v2;
	v3 =	vld.idx.msk [tilespmem:v55+s17+$0x0], $0xffff  }
0x56: {  	v1 =	vadd.s32 $0x4, v1;
	_ =	sdelay $0x3  }
0x57: {  	[tilespmem:v56+s20+$0x0] =	vst.idx.msk vm0, v3  }
0x58: {  	v3 =	vor.u32 $0x4, v2;
	v1 =	vld.idx.msk [tilespmem:v1+s17+$0x0], $0xffff;
	_ =	sdelay $0x4  }
0x59: {  	[tilespmem:v3+s20+$0x0] =	vst.idx.msk vm0, v1  }
0x5a: {  	v1 =	vld [tilespmem:s2+$0x0];
	_ =	sdelay $0x4  }
0x5b: {  	v1 =	vmul.u32 $0x5, v1;
	_ =	sdelay $0x1  }
0x5c: {  	v1 =	vnsel vm0, $0x0, v1;
	_ =	sdelay $0x4  }
0x5d: {  	v57 =	vor.u32 $0x5, v2;
	v3 =	vld.idx.msk [tilespmem:v1+s19+$0x0], $0xffff  }
0x5e: {  	v58 =	vadd.s32 $0x1, v1;
	_ =	sdelay $0x3  }
0x5f: {  	[tilespmem:v57+s20+$0x0] =	vst.idx.msk vm0, v3  }
0x60: {  	v59 =	vor.u32 $0x6, v2;
	v3 =	vld.idx.msk [tilespmem:v58+s19+$0x0], $0xffff  }
0x61: {  	v60 =	vadd.s32 $0x2, v1;
	_ =	sdelay $0x3  }
0x62: {  	[tilespmem:v59+s20+$0x0] =	vst.idx.msk vm0, v3  }
0x63: {  	v61 =	vor.u32 $0x7, v2;
	v3 =	vld.idx.msk [tilespmem:v60+s19+$0x0], $0xffff  }
0x64: {  	v62 =	vadd.s32 $0x3, v1;
	_ =	sdelay $0x3  }
0x65: {  	[tilespmem:v61+s20+$0x0] =	vst.idx.msk vm0, v3  }
0x66: {  	v63 =	vor.u32 $0x8, v2;
	v3 =	vld.idx.msk [tilespmem:v62+s19+$0x0], $0xffff  }
0x67: {  	v1 =	vadd.s32 $0x4, v1;
	_ =	sdelay $0x3  }
0x68: {  	[tilespmem:v63+s20+$0x0] =	vst.idx.msk vm0, v3  }
0x69: {  	p0 =	sne.s32 s7, $0xC0;
	v2 =	vor.u32 $0x9, v2;
	v1 =	vld.idx.msk [tilespmem:v1+s19+$0x0], $0xffff  }
.Ltmp0:
0x6a: {  	_ = 	snop;
	(pc) =	sbr.rel @p0 .LBB2_4-.Ltmp0, $2  }
0x6b: {  	_ =	sdelay $0x2  }
0x6c: {  	s1 =	sadd.s32 $0x10, s1;
	s7 =	sadd.s32 $0x10, s7;
	s2 =	sadd.s32 $0x10, s2;
	[tilespmem:v2+s20+$0x0] =	vst.idx.msk vm0, v1  }
0x6d: {  	s1 =	sadd.s32 s22, s14  }
0x6e: {  	[hbm4b:s1+s3] =	stream.strided.scatter [tilespmem:s20], [sflag:$0x7], $0x6400, s5, s3, $0x38;
	[tilespmem:$0x15B00] =	vst v63  }
0x6f: {  	_ =	swait.ge [sflag:s21], $0x3400  }
0x70: {  	[sflag:s21] =	ssyncset.done $0x0  }
0x71: {  	[sflag:s21] =	ssyncadd.s32 $0xFFFFCC00  }
0x72: {  	_ =	swait.ge [sflag:s21], $0x3000  }
0x73: {  	[sflag:s21] =	ssyncset.done $0x0  }
0x74: {  	s22 =	sadd.s32 $0x1900, s23;
	[sflag:s21] =	ssyncadd.s32 $0xFFFFD000  }
0x75: {  	[hbm4b:s22+s3] =	stream.strided.scatter [tilespmem:s6], [sflag:$0x4], $0x6400, s5, s3, $0x38;
	[tilespmem:$0x15B00] =	vst v63  }
0x76: {  	p0 =	seq.s32 s0, $0x3;
	_ =	swait.ge [sflag:s11], $0x6400  }
0x77: {  	s1 =	sadd.s32 @!p0 $0x190, s30;
	[sflag:s11] =	ssyncset.done $0x0  }
0x78: {  	s2 =	simm.s32 @!p0 $0x68;
	s7 =	simm.s32 @!p0 $0x2700;
	[sflag:s11] =	ssyncadd.s32 $0xFFFF9C00  }
0x79: {  	[tilespmem:s7], [sflag:$0x1] =	stream.indirect.gather @!p0 [hbm4b:s4+s2], $0x80, s1, s2, $0xb8;
	[tilespmem:$0x15B00] =	vst v63  }
0x7a: {  	s1 =	sadd.s32 @!p0 $0x1F8, s30;
	s2 =	simm.s32 @!p0 $0x60;
	s7 =	simm.s32 @!p0 $0x5B00  }
0x7b: {  	[tilespmem:s7], [sflag:$0x1] =	stream.indirect.gather @!p0 [hbm4b:s4+s2], $0x80, s1, s2, $0xb8;
	[tilespmem:$0x15B00] =	vst v63  }
0x7c: {  	_ =	swait.ge [sflag:s12], $0x6400  }
0x7d: {  	s2 =	simm.s32 $0x0;
	[sflag:s12] =	ssyncset.done $0x0  }
0x7e: {  	s1 =	smov.u32 s15;
	s7 =	smov.u32 s10;
	[sflag:s12] =	ssyncadd.s32 $0xFFFF9C00  }
.LBB2_6:
0x7f: {  	v1 =	vld [tilespmem:s7+$0x0];
	_ =	sdelay $0x4  }
0x80: {  	v2 =	vor.u32 s2, v0;
	v1 =	vmul.u32 $0x5, v1  }
0x81: {  	vm0 =	vlt.u32 v2, $0xC8  }
0x82: {  	v1 =	vnsel vm0, $0x0, v1;
	_ =	sdelay $0x4  }
0x83: {  	v2 =	vshll.u32 v2, $0x7;
	v3 =	vld.idx.msk [tilespmem:v1+s17+$0x0], $0xffff  }
0x84: {  	v4 =	vadd.s32 $0x1, v1;
	_ =	sdelay $0x3  }
0x85: {  	[tilespmem:v2+s20+$0x0] =	vst.idx.msk vm0, v3  }
0x86: {  	v53 =	vor.u32 $0x1, v2;
	v3 =	vld.idx.msk [tilespmem:v4+s17+$0x0], $0xffff  }
0x87: {  	v5 =	vadd.s32 $0x2, v1;
	_ =	sdelay $0x3  }
0x88: {  	[tilespmem:v53+s20+$0x0] =	vst.idx.msk vm0, v3  }
0x89: {  	v54 =	vor.u32 $0x2, v2;
	v3 =	vld.idx.msk [tilespmem:v5+s17+$0x0], $0xffff  }
0x8a: {  	v55 =	vadd.s32 $0x3, v1;
	_ =	sdelay $0x3  }
0x8b: {  	[tilespmem:v54+s20+$0x0] =	vst.idx.msk vm0, v3  }
0x8c: {  	v56 =	vor.u32 $0x3, v2;
	v3 =	vld.idx.msk [tilespmem:v55+s17+$0x0], $0xffff  }
0x8d: {  	v1 =	vadd.s32 $0x4, v1;
	_ =	sdelay $0x3  }
0x8e: {  	[tilespmem:v56+s20+$0x0] =	vst.idx.msk vm0, v3  }
0x8f: {  	v3 =	vor.u32 $0x4, v2;
	v1 =	vld.idx.msk [tilespmem:v1+s17+$0x0], $0xffff;
	_ =	sdelay $0x4  }
0x90: {  	[tilespmem:v3+s20+$0x0] =	vst.idx.msk vm0, v1  }
0x91: {  	v1 =	vld [tilespmem:s1+$0x0];
	_ =	sdelay $0x4  }
0x92: {  	v1 =	vmul.u32 $0x5, v1;
	_ =	sdelay $0x1  }
0x93: {  	v1 =	vnsel vm0, $0x0, v1;
	_ =	sdelay $0x4  }
0x94: {  	v57 =	vor.u32 $0x5, v2;
	v3 =	vld.idx.msk [tilespmem:v1+s19+$0x0], $0xffff  }
0x95: {  	v58 =	vadd.s32 $0x1, v1;
	_ =	sdelay $0x3  }
0x96: {  	[tilespmem:v57+s20+$0x0] =	vst.idx.msk vm0, v3  }
0x97: {  	v59 =	vor.u32 $0x6, v2;
	v3 =	vld.idx.msk [tilespmem:v58+s19+$0x0], $0xffff  }
0x98: {  	v60 =	vadd.s32 $0x2, v1;
	_ =	sdelay $0x3  }
0x99: {  	[tilespmem:v59+s20+$0x0] =	vst.idx.msk vm0, v3  }
0x9a: {  	v61 =	vor.u32 $0x7, v2;
	v3 =	vld.idx.msk [tilespmem:v60+s19+$0x0], $0xffff  }
0x9b: {  	v62 =	vadd.s32 $0x3, v1;
	_ =	sdelay $0x3  }
0x9c: {  	[tilespmem:v61+s20+$0x0] =	vst.idx.msk vm0, v3  }
0x9d: {  	v63 =	vor.u32 $0x8, v2;
	v3 =	vld.idx.msk [tilespmem:v62+s19+$0x0], $0xffff  }
0x9e: {  	v1 =	vadd.s32 $0x4, v1;
	_ =	sdelay $0x3  }
0x9f: {  	[tilespmem:v63+s20+$0x0] =	vst.idx.msk vm0, v3  }
0xa0: {  	p0 =	sne.s32 s2, $0xC0;
	v2 =	vor.u32 $0x9, v2;
	v1 =	vld.idx.msk [tilespmem:v1+s19+$0x0], $0xffff  }
.Ltmp1:
0xa1: {  	_ = 	snop;
	(pc) =	sbr.rel @p0 .LBB2_6-.Ltmp1, $2  }
0xa2: {  	_ =	sdelay $0x2  }
0xa3: {  	s7 =	sadd.s32 $0x10, s7;
	s2 =	sadd.s32 $0x10, s2;
	s1 =	sadd.s32 $0x10, s1;
	[tilespmem:v2+s20+$0x0] =	vst.idx.msk vm0, v1  }
0xa4: {  	s0 =	sadd.s32 $0x1, s0  }
0xa5: {  	p0 =	sne.s32 s0, $0x4  }
.Ltmp2:
0xa6: {  	_ = 	snop;
	(pc) =	sbr.rel @p0 .LBB2_3-.Ltmp2, $4  }
0xa7: {  	_ = 	snop  }
0xa8: {  	s1 =	sadd.s32 $0x1980, s23;
	s25 =	sadd.s32 $0x190, s25  }
0xa9: {  	s13 =	sadd.s32 $0x190, s13;
	s10 =	sadd.s32 $0x190, s10;
	s15 =	sadd.s32 $0x190, s15  }
0xaa: {  	[hbm4b:s1+s3] =	stream.strided.scatter [tilespmem:s20], [sflag:$0x7], $0x6400, s5, s3, $0x38;
	[tilespmem:$0x15B00] =	vst v63  }
0xab: {  	s1 =	simm.s32 $0x6  }
0xac: {  	_ =	swait.ge [sflag:s1], $0x640  }
0xad: {  	[sflag:s1] =	ssyncset.done $0x0  }
0xae: {  	[sflag:s1] =	ssyncadd.s32 $0xFFFFF9C0  }
0xaf: {  	_ =	swait.ge [sflag:s1], $0x640  }
0xb0: {  	[sflag:s1] =	ssyncset.done $0x0  }
0xb1: {  	s0 =	rddreg [dreg:$0xc];
	[sflag:s1] =	ssyncadd.s32 $0xFFFFF9C0  }
0xb2: {  	p0 =	seq.s32 s18, $0x7;
	s2 =	rddreg [dreg:$0xf];
	_ =	swait.ge [sflag:s1], $0x640  }
0xb3: {  	s0 =	sadd.s32 @!p0 s2, s0;
	[sflag:s1] =	ssyncset.done $0x0  }
0xb4: {  	s0 =	smul.u32 @!p0 $0x19, s0;
	[sflag:s1] =	ssyncadd.s32 $0xFFFFF9C0  }
0xb5: {  	s30 =	rddreg [dreg:$0x0]  }
0xb6: {  	s2 =	simm.s32 @!p0 $0x0;
	s1 =	sadd.s32 @!p0 s30, s0  }
0xb7: {  	[tilespmem:s2], [sflag:$0x5] =	stream.linear.gather @!p0 [hbm4b:s1+s2], $0x640, $0x38;
	[tilespmem:$0x15B00] =	vst v63  }
0xb8: {  	s1 =	rddreg [dreg:$0x1]  }
0xb9: {  	s7 =	simm.s32 @!p0 $0xD00;
	s1 =	sadd.s32 @!p0 s1, s0  }
0xba: {  	[tilespmem:s7], [sflag:$0x5] =	stream.linear.gather @!p0 [hbm4b:s1+s2], $0x640, $0x38;
	[tilespmem:$0x15B00] =	vst v63  }
0xbb: {  	s22 =	simm.s32 $0x680;
	s1 =	rddreg [dreg:$0x2]  }
0xbc: {  	s23 =	simm.s32 $0x5B00;
	s0 =	sadd.s32 @!p0 s1, s0;
	s1 =	simm.s32 @!p0 $0x1A00  }
0xbd: {  	[tilespmem:s1], [sflag:$0x5] =	stream.linear.gather @!p0 [hbm4b:s0+s2], $0x640, $0x38;
	[tilespmem:$0x15B00] =	vst v63  }
0xbe: {  	s25 =	simm.s32 $0x6E8;
	s10 =	simm.s32 $0x1448;
	s15 =	simm.s32 $0x2148  }
0xbf: {  	[tilespmem:s28], [sflag:$0x1] =	stream.indirect.gather [hbm4b:s4+s26], $0x80, s22, s26, $0xb8;
	[tilespmem:$0x15B00] =	vst v63  }
0xc0: {  	s0 =	simm.s32 $0x0;
	s1 =	simm.s32 $0x1380;
	s2 =	simm.s32 $0x2080  }
0xc1: {  	[tilespmem:s23], [sflag:$0x1] =	stream.indirect.gather [hbm4b:s4+s29], $0x80, s25, s29, $0xb8;
	[tilespmem:$0x15B00] =	vst v63  }
.LBB2_9:
0xc2: {  	s7 =	sshll.u32 s0, $0x1;
	_ =	swait.ge [sflag:s31], $0x3400  }
0xc3: {  	s7 =	sadd.s32 s24, s7;
	[sflag:s31] =	ssyncset.done $0x0  }
0xc4: {  	[sflag:s31] =	ssyncadd.s32 $0xFFFFCC00;
	s7 =	smul.u32 $0xC800, s7  }
0xc5: {  	_ =	swait.ge [sflag:s31], $0x3000  }
0xc6: {  	[sflag:s31] =	ssyncset.done $0x0;
	s22 =	sshrl.u32 s7, $0x3  }
0xc7: {  	[sflag:s31] =	ssyncadd.s32 $0xFFFFD000;
	s16 =	sadd.s32 s9, s22  }
0xc8: {  	[hbm4b:s16+s3] =	stream.strided.scatter [tilespmem:s28], [sflag:$0x3], $0x6400, s5, s3, $0x38;
	[tilespmem:$0x15B00] =	vst v63  }
0xc9: {  	s23 =	smul.u32 $0x190, s0;
	_ =	swait.ge [sflag:s8], $0x6400  }
0xca: {  	[sflag:s8] =	ssyncset.done $0x0  }
0xcb: {  	s13 =	sadd.s32 $0x748, s23;
	[sflag:s8] =	ssyncadd.s32 $0xFFFF9C00  }
0xcc: {  	[tilespmem:s6], [sflag:$0x2] =	stream.indirect.gather [hbm4b:s4+s26], $0x80, s13, s26, $0xb8;
	[tilespmem:$0x15B00] =	vst v63  }
0xcd: {  	s25 =	sadd.s32 $0x7B0, s23;
	s13 =	simm.s32 $0xBF00  }
0xce: {  	[tilespmem:s13], [sflag:$0x2] =	stream.indirect.gather [hbm4b:s4+s29], $0x80, s25, s29, $0xb8;
	[tilespmem:$0x15B00] =	vst v63  }
0xcf: {  	_ =	swait.ge [sflag:s12], $0x6400  }
0xd0: {  	s7 =	simm.s32 $0x0;
	[sflag:s12] =	ssyncset.done $0x0  }
0xd1: {  	s13 =	smov.u32 s2;
	s25 =	smov.u32 s1;
	[sflag:s12] =	ssyncadd.s32 $0xFFFF9C00  }
.LBB2_10:
0xd2: {  	v1 =	vld [tilespmem:s25+$0x0];
	_ =	sdelay $0x4  }
0xd3: {  	v2 =	vor.u32 s7, v0;
	v1 =	vmul.u32 $0x5, v1  }
0xd4: {  	vm0 =	vlt.u32 v2, $0xC8  }
0xd5: {  	v1 =	vnsel vm0, $0x0, v1;
	_ =	sdelay $0x4  }
0xd6: {  	v2 =	vshll.u32 v2, $0x7;
	v3 =	vld.idx.msk [tilespmem:v1+s17+$0x0], $0xffff  }
0xd7: {  	v4 =	vadd.s32 $0x1, v1;
	_ =	sdelay $0x3  }
0xd8: {  	[tilespmem:v2+s20+$0x0] =	vst.idx.msk vm0, v3  }
0xd9: {  	v53 =	vor.u32 $0x1, v2;
	v3 =	vld.idx.msk [tilespmem:v4+s17+$0x0], $0xffff  }
0xda: {  	v5 =	vadd.s32 $0x2, v1;
	_ =	sdelay $0x3  }
0xdb: {  	[tilespmem:v53+s20+$0x0] =	vst.idx.msk vm0, v3  }
0xdc: {  	v54 =	vor.u32 $0x2, v2;
	v3 =	vld.idx.msk [tilespmem:v5+s17+$0x0], $0xffff  }
0xdd: {  	v55 =	vadd.s32 $0x3, v1;
	_ =	sdelay $0x3  }
0xde: {  	[tilespmem:v54+s20+$0x0] =	vst.idx.msk vm0, v3  }
0xdf: {  	v56 =	vor.u32 $0x3, v2;
	v3 =	vld.idx.msk [tilespmem:v55+s17+$0x0], $0xffff  }
0xe0: {  	v1 =	vadd.s32 $0x4, v1;
	_ =	sdelay $0x3  }
0xe1: {  	[tilespmem:v56+s20+$0x0] =	vst.idx.msk vm0, v3  }
0xe2: {  	v3 =	vor.u32 $0x4, v2;
	v1 =	vld.idx.msk [tilespmem:v1+s17+$0x0], $0xffff;
	_ =	sdelay $0x4  }
0xe3: {  	[tilespmem:v3+s20+$0x0] =	vst.idx.msk vm0, v1  }
0xe4: {  	v1 =	vld [tilespmem:s13+$0x0];
	_ =	sdelay $0x4  }
0xe5: {  	v1 =	vmul.u32 $0x5, v1;
	_ =	sdelay $0x1  }
0xe6: {  	v1 =	vnsel vm0, $0x0, v1;
	_ =	sdelay $0x4  }
0xe7: {  	v57 =	vor.u32 $0x5, v2;
	v3 =	vld.idx.msk [tilespmem:v1+s19+$0x0], $0xffff  }
0xe8: {  	v58 =	vadd.s32 $0x1, v1;
	_ =	sdelay $0x3  }
0xe9: {  	[tilespmem:v57+s20+$0x0] =	vst.idx.msk vm0, v3  }
0xea: {  	v59 =	vor.u32 $0x6, v2;
	v3 =	vld.idx.msk [tilespmem:v58+s19+$0x0], $0xffff  }
0xeb: {  	v60 =	vadd.s32 $0x2, v1;
	_ =	sdelay $0x3  }
0xec: {  	[tilespmem:v59+s20+$0x0] =	vst.idx.msk vm0, v3  }
0xed: {  	v61 =	vor.u32 $0x7, v2;
	v3 =	vld.idx.msk [tilespmem:v60+s19+$0x0], $0xffff  }
0xee: {  	v62 =	vadd.s32 $0x3, v1;
	_ =	sdelay $0x3  }
0xef: {  	[tilespmem:v61+s20+$0x0] =	vst.idx.msk vm0, v3  }
0xf0: {  	v63 =	vor.u32 $0x8, v2;
	v3 =	vld.idx.msk [tilespmem:v62+s19+$0x0], $0xffff  }
0xf1: {  	v1 =	vadd.s32 $0x4, v1;
	_ =	sdelay $0x3  }
0xf2: {  	[tilespmem:v63+s20+$0x0] =	vst.idx.msk vm0, v3  }
0xf3: {  	p0 =	sne.s32 s7, $0xC0;
	v2 =	vor.u32 $0x9, v2;
	v1 =	vld.idx.msk [tilespmem:v1+s19+$0x0], $0xffff  }
.Ltmp3:
0xf4: {  	_ = 	snop;
	(pc) =	sbr.rel @p0 .LBB2_10-.Ltmp3, $2  }
0xf5: {  	_ =	sdelay $0x2  }
0xf6: {  	s25 =	sadd.s32 $0x10, s25;
	s7 =	sadd.s32 $0x10, s7;
	s13 =	sadd.s32 $0x10, s13;
	[tilespmem:v2+s20+$0x0] =	vst.idx.msk vm0, v1  }
0xf7: {  	s7 =	sadd.s32 s22, s14  }
0xf8: {  	[hbm4b:s7+s3] =	stream.strided.scatter [tilespmem:s20], [sflag:$0x7], $0x6400, s5, s3, $0x38;
	[tilespmem:$0x15B00] =	vst v63  }
0xf9: {  	_ =	swait.ge [sflag:s21], $0x3400  }
0xfa: {  	[sflag:s21] =	ssyncset.done $0x0  }
0xfb: {  	[sflag:s21] =	ssyncadd.s32 $0xFFFFCC00  }
0xfc: {  	_ =	swait.ge [sflag:s21], $0x3000  }
0xfd: {  	[sflag:s21] =	ssyncset.done $0x0  }
0xfe: {  	s25 =	sadd.s32 $0x1900, s16;
	[sflag:s21] =	ssyncadd.s32 $0xFFFFD000  }
0xff: {  	[hbm4b:s25+s3] =	stream.strided.scatter [tilespmem:s6], [sflag:$0x4], $0x6400, s5, s3, $0x38;
	[tilespmem:$0x15B00] =	vst v63  }
0x100: {  	p0 =	seq.s32 s0, $0x3;
	_ =	swait.ge [sflag:s11], $0x6400  }
0x101: {  	s7 =	sadd.s32 @!p0 $0x810, s23;
	[sflag:s11] =	ssyncset.done $0x0  }
0x102: {  	s13 =	simm.s32 @!p0 $0x68;
	s22 =	simm.s32 @!p0 $0x2700;
	[sflag:s11] =	ssyncadd.s32 $0xFFFF9C00  }
0x103: {  	[tilespmem:s22], [sflag:$0x1] =	stream.indirect.gather @!p0 [hbm4b:s4+s13], $0x80, s7, s13, $0xb8;
	[tilespmem:$0x15B00] =	vst v63  }
0x104: {  	s7 =	sadd.s32 @!p0 $0x878, s23;
	s13 =	simm.s32 @!p0 $0x60;
	s22 =	simm.s32 @!p0 $0x5B00  }
0x105: {  	[tilespmem:s22], [sflag:$0x1] =	stream.indirect.gather @!p0 [hbm4b:s4+s13], $0x80, s7, s13, $0xb8;
	[tilespmem:$0x15B00] =	vst v63  }
0x106: {  	_ =	swait.ge [sflag:s12], $0x6400  }
0x107: {  	s13 =	simm.s32 $0x0;
	[sflag:s12] =	ssyncset.done $0x0  }
0x108: {  	s22 =	smov.u32 s15;
	s7 =	smov.u32 s10;
	[sflag:s12] =	ssyncadd.s32 $0xFFFF9C00  }
.LBB2_12:
0x109: {  	v1 =	vld [tilespmem:s7+$0x0];
	_ =	sdelay $0x4  }
0x10a: {  	v2 =	vor.u32 s13, v0;
	v1 =	vmul.u32 $0x5, v1  }
0x10b: {  	vm0 =	vlt.u32 v2, $0xC8  }
0x10c: {  	v1 =	vnsel vm0, $0x0, v1;
	_ =	sdelay $0x4  }
0x10d: {  	v2 =	vshll.u32 v2, $0x7;
	v3 =	vld.idx.msk [tilespmem:v1+s17+$0x0], $0xffff  }
0x10e: {  	v4 =	vadd.s32 $0x1, v1;
	_ =	sdelay $0x3  }
0x10f: {  	[tilespmem:v2+s20+$0x0] =	vst.idx.msk vm0, v3  }
0x110: {  	v53 =	vor.u32 $0x1, v2;
	v3 =	vld.idx.msk [tilespmem:v4+s17+$0x0], $0xffff  }
0x111: {  	v5 =	vadd.s32 $0x2, v1;
	_ =	sdelay $0x3  }
0x112: {  	[tilespmem:v53+s20+$0x0] =	vst.idx.msk vm0, v3  }
0x113: {  	v54 =	vor.u32 $0x2, v2;
	v3 =	vld.idx.msk [tilespmem:v5+s17+$0x0], $0xffff  }
0x114: {  	v55 =	vadd.s32 $0x3, v1;
	_ =	sdelay $0x3  }
0x115: {  	[tilespmem:v54+s20+$0x0] =	vst.idx.msk vm0, v3  }
0x116: {  	v56 =	vor.u32 $0x3, v2;
	v3 =	vld.idx.msk [tilespmem:v55+s17+$0x0], $0xffff  }
0x117: {  	v1 =	vadd.s32 $0x4, v1;
	_ =	sdelay $0x3  }
0x118: {  	[tilespmem:v56+s20+$0x0] =	vst.idx.msk vm0, v3  }
0x119: {  	v3 =	vor.u32 $0x4, v2;
	v1 =	vld.idx.msk [tilespmem:v1+s17+$0x0], $0xffff;
	_ =	sdelay $0x4  }
0x11a: {  	[tilespmem:v3+s20+$0x0] =	vst.idx.msk vm0, v1  }
0x11b: {  	v1 =	vld [tilespmem:s22+$0x0];
	_ =	sdelay $0x4  }
0x11c: {  	v1 =	vmul.u32 $0x5, v1;
	_ =	sdelay $0x1  }
0x11d: {  	v1 =	vnsel vm0, $0x0, v1;
	_ =	sdelay $0x4  }
0x11e: {  	v57 =	vor.u32 $0x5, v2;
	v3 =	vld.idx.msk [tilespmem:v1+s19+$0x0], $0xffff  }
0x11f: {  	v58 =	vadd.s32 $0x1, v1;
	_ =	sdelay $0x3  }
0x120: {  	[tilespmem:v57+s20+$0x0] =	vst.idx.msk vm0, v3  }
0x121: {  	v59 =	vor.u32 $0x6, v2;
	v3 =	vld.idx.msk [tilespmem:v58+s19+$0x0], $0xffff  }
0x122: {  	v60 =	vadd.s32 $0x2, v1;
	_ =	sdelay $0x3  }
0x123: {  	[tilespmem:v59+s20+$0x0] =	vst.idx.msk vm0, v3  }
0x124: {  	v61 =	vor.u32 $0x7, v2;
	v3 =	vld.idx.msk [tilespmem:v60+s19+$0x0], $0xffff  }
0x125: {  	v62 =	vadd.s32 $0x3, v1;
	_ =	sdelay $0x3  }
0x126: {  	[tilespmem:v61+s20+$0x0] =	vst.idx.msk vm0, v3  }
0x127: {  	v63 =	vor.u32 $0x8, v2;
	v3 =	vld.idx.msk [tilespmem:v62+s19+$0x0], $0xffff  }
0x128: {  	v1 =	vadd.s32 $0x4, v1;
	_ =	sdelay $0x3  }
0x129: {  	[tilespmem:v63+s20+$0x0] =	vst.idx.msk vm0, v3  }
0x12a: {  	p0 =	sne.s32 s13, $0xC0;
	v2 =	vor.u32 $0x9, v2;
	v1 =	vld.idx.msk [tilespmem:v1+s19+$0x0], $0xffff  }
.Ltmp4:
0x12b: {  	_ = 	snop;
	(pc) =	sbr.rel @p0 .LBB2_12-.Ltmp4, $2  }
0x12c: {  	_ =	sdelay $0x2  }
0x12d: {  	s7 =	sadd.s32 $0x10, s7;
	s13 =	sadd.s32 $0x10, s13;
	s22 =	sadd.s32 $0x10, s22;
	[tilespmem:v2+s20+$0x0] =	vst.idx.msk vm0, v1  }
0x12e: {  	s0 =	sadd.s32 $0x1, s0  }
0x12f: {  	p0 =	sne.s32 s0, $0x4  }
.Ltmp5:
0x130: {  	_ = 	snop;
	(pc) =	sbr.rel @p0 .LBB2_9-.Ltmp5, $4  }
0x131: {  	_ = 	snop  }
0x132: {  	s7 =	sadd.s32 $0x1980, s16;
	s1 =	sadd.s32 $0x190, s1  }
0x133: {  	s2 =	sadd.s32 $0x190, s2;
	s10 =	sadd.s32 $0x190, s10;
	s15 =	sadd.s32 $0x190, s15  }
0x134: {  	[hbm4b:s7+s3] =	stream.strided.scatter [tilespmem:s20], [sflag:$0x7], $0x6400, s5, s3, $0x38;
	[tilespmem:$0x15B00] =	vst v63  }
0x135: {  	s18 =	sadd.s32 $0x1, s18  }
0x136: {  	p0 =	sne.s32 s18, $0x8  }
.Ltmp6:
0x137: {  	_ = 	snop;
	(pc) =	sbr.rel @p0 .LBB2_2-.Ltmp6, $1  }
0x138: {  	_ =	sdelay $0x3  }
0x139: {  	_ =	swait.ge [sflag:s8], $0x6400  }
0x13a: {  	[sflag:s8] =	ssyncset.done $0x0  }
0x13b: {  	[sflag:s8] =	ssyncadd.s32 $0xFFFF9C00  }
0x13c: {  	_ =	swait.ge [sflag:s12], $0x6400  }
0x13d: {  	s1 =	rddreg [dreg:$0xe]  }
0x13e: {  	s0 =	rddreg [dreg:$0xd];
	s1 =	sadd.s32 $0x1, s1  }
0x13f: {  	p0 =	sne.s32 s1, s0  }
.Ltmp7:
0x140: {  	_ = 	snop;
	(pc) =	sbr.rel @p0 .LBB2_1-.Ltmp7, $3  }
0x141: {  	_ =	sdelay $0x1  }
0x142: {  	[sflag:s12] =	ssyncset.done $0x0  }
0x143: {  	[sflag:s12] =	ssyncadd.s32 $0xFFFF9C00  }
0x144: {  	_ =	sfence.sel $0x180000  }
0x145: {  	[bflag:$0x0] =	sbarrier.arrive $0xFFFF  }
0x146: {  	_ =	strace $0x90000047  }
0x147: {  	s0 =	stileid.u32;
	[bflag:$0x2] =	sbarrier.arrive $0xFFFF  }
0x148: {  	p0 =	sne.s32 s0, $0x0;
	s0 =	rddreg [dreg:$0x7]  }
0x149: {  	s0 =	sadd.s32 @!p0 $0x100000, s0  }
0x14a: {  	[sflag:s0] =	ssyncadd.tile.s32 @!p0 $0x1;
	_ =	shalt  }
.Lfunc_end2:
_tile_overlayer_lowered:
.L_overlay_start_2:
0x14b: {  	(tag) =	ssettag $0x2  }
0x14c: {  	s0 =	rddreg [dreg:$0x0];
	s2 =	stileid.u32  }
0x14d: {  	s1 =	rddreg [dreg:$0x1];
	p0 =	sne.s32 s2, $0x0  }
0x14e: {  	s3 =	rddreg [dreg:$0x2];
	[bflag:$0x3] =	sbarrier.arrive $0xFFFF;
	s2 =	simm.s32 @!p0 $0x1C08  }
0x14f: {  	[timem:s3], [sflag:s2] =	dma.local @!p0 [hbm:s0], s1  }
0x150: {  	s0 =	simm.s32 @!p0 $0x8  }
0x151: {  	_ =	swait.ge @!p0 [sflag:s0], s1  }
0x152: {  	s1 =	ssub.s32 @!p0 $0x0, s1;
	[sflag:s0] =	ssyncset.done @!p0 $0x0  }
0x153: {  	[sflag:s0] =	ssyncadd.s32 @!p0 s1  }
0x154: {  	[bflag:$0x3] =	sbarrier.arrive $0xFFFF  }
0x155: {  	_ =	shalt  }

// kernel: _run.7.cloned.1.call-start
scs
__scs_entry_jumppad:
0x0: {  	(pc) =	sbr.rel $0x88, $3  }
0x1: {  	(tag) =	ssettag $0x0;
	lr =	simm.s32 $0x1  }
0x2: {  	[smem:$0x3F99] =	sst lr;
	_ =	strace $0xD0000000  }
0x3: {  	_ = 	snop  }
0x4: {  	_ = 	snop  }
0x5: {  	_ = 	snop  }
0x6: {  	_ = 	snop  }
0x7: {  	_ = 	snop  }
__scs_overlays_trampoline_lowered:
0x8: {  	[smem:$0x3FA8] =	sst s0  }
0x9: {  	[smem:$0x3FA9] =	sst s1  }
0xa: {  	[smem:$0x3FAA] =	sst s2  }
0xb: {  	[smem:$0x3FAB] =	sst s3  }
0xc: {  	[smem:$0x3FAC] =	sst s4  }
0xd: {  	[smem:$0x3FAD] =	sst s5  }
0xe: {  	[smem:$0x3FAE] =	sst s6  }
0xf: {  	[smem:$0x3FAF] =	sst s7  }
0x10: {  	[smem:$0x3FB0] =	sst s8  }
0x11: {  	[smem:$0x3FB1] =	sst s9;
	s0 =	simm.s32 @!p0 $0x0  }
0x12: {  	s1 =	sld [smem:$0x3F97];
	s0 =	simm.s32 @p0 $0x1  }
0x13: {  	[smem:$0x3FB2] =	sst s0;
	s0 =	simm.s32 @!p1 $0x0  }
0x14: {  	s2 =	sld [smem:$0x3F96];
	s0 =	simm.s32 @p1 $0x1  }
0x15: {  	[smem:$0x3FB3] =	sst s0;
	s0 =	simm.s32 @!p2 $0x0  }
0x16: {  	s3 =	sld [smem:$0x3FDB];
	s0 =	simm.s32 @p2 $0x1  }
0x17: {  	s4 =	simm.s32 $0x1BF5;
	[smem:$0x3FB5] =	sst s0  }
0x18: {  	s0 =	sld [smem:$0x3F98];
	_ =	swait.ge [sflag:s4], $0x0  }
0x19: {  	s7 =	sld [smem:$0x3F99]  }
0x1a: {  	s8 =	sadd.s32 $0xFFFFE003, lr  }
0x1b: {  	s9 =	sadd.s32 $0xFFFFFEF7, lr;
	s5 =	simm.s32 $0xFFFFFFFF;
	p2 =	slt.u32 s8, $0xFFFFF086  }
0x1c: {  	p1 =	slt.u32 s9, $0xF7A;
	s5 =	simm.s32 @!p2 $0x0  }
0x1d: {  	s5 =	simm.s32 @p1 $0x1;
	p0 =	seq.s32 s7, s2  }
0x1e: {  	s7 =	smul.u32 @!p0 $0xF7A, s2;
	p2 =	seq.s32 @!p0 s5, $0x0  }
0x1f: {  	s9 =	smul.u32 $0xF7A, s1;
	s8 =	simm.s32 @!p0 $0x1BF5;
	p2 =	por !p2, p0  }
0x20: {  	[sflag:s8] =	ssyncset.s32 @!p0 $0xFFFFF086;
	s6 =	sadd.s32 @!p0 s3, s7;
	s7 =	simm.s32 @!p0 $0x108  }
0x21: {  	s3 =	sadd.s32 s3, s9;
	s6 =	sadd.s32 @!p0 $0x88, s6;
	s7 =	simm.s32 @p2 $0x1082  }
0x22: {  	[simem:s7], [sflag:s8] =	dma.local @!p0 [hbm:s6], $0xF7A  }
0x23: {  	s9 =	sor.u32 $0xD0000000, s2;
	s6 =	simm.s32 $0x108;
	_ =	swait.ge @!p0 [sflag:s8], $0x0  }
0x24: {  	s3 =	sadd.s32 $0x88, s3;
	s6 =	simm.s32 @!p1 $0x1082;
	[sflag:s4] =	ssyncset.s32 $0xFFFFF086  }
0x25: {  	[simem:s6], [sflag:s4] =	dma.local [hbm:s3], $0xF7A  }
0x26: {  	[smem:$0x3F99] =	sst s1;
	(tag) =	ssettag s2;
	_ =	strace s9  }
0x27: {  	s1 =	sld [smem:$0x3FA9]  }
0x28: {  	s2 =	sld [smem:$0x3FAA]  }
0x29: {  	s4 =	sld [smem:$0x3FAC]  }
0x2a: {  	p0 =	seq.s32 s5, $0x0;
	s5 =	sld [smem:$0x3FAD]  }
0x2b: {  	s6 =	sld [smem:$0x3FAE]  }
0x2c: {  	s7 =	sld [smem:$0x3FAF]  }
0x2d: {  	s3 =	simm.s32 $0x108;
	s8 =	sld [smem:$0x3FB0]  }
0x2e: {  	s3 =	simm.s32 @!p0 $0x1082;
	s9 =	sld [smem:$0x3FB1]  }
0x2f: {  	lr =	sadd.s32 s0, s3;
	s0 =	sld [smem:$0x3FA8]  }
0x30: {  	s3 =	sld [smem:$0x3FAB]  }
0x31: {  	[smem:$0x3FB4] =	sst s10  }
0x32: {  	s10 =	sld [smem:$0x3FB2];
	_ =	sdelay $0x3  }
0x33: {  	p0 =	seq.s32 s10, $0x1;
	s10 =	sld [smem:$0x3FB4];
	_ =	sdelay $0x3  }
0x34: {  	[smem:$0x3FB4] =	sst s10  }
0x35: {  	s10 =	sld [smem:$0x3FB3];
	_ =	sdelay $0x3  }
0x36: {  	p1 =	seq.s32 s10, $0x1;
	s10 =	sld [smem:$0x3FB4];
	_ =	sdelay $0x3  }
0x37: {  	[smem:$0x3FB4] =	sst s10  }
0x38: {  	s10 =	sld [smem:$0x3FB5]  }
0x39: {  	_ = 	snop;
	(pc) =	sbr.ind lr, $3  }
0x3a: {  	_ = 	snop  }
0x3b: {  	_ = 	snop  }
0x3c: {  	p2 =	seq.s32 s10, $0x1;
	s10 =	sld [smem:$0x3FB4]  }
0x3d: {  	_ =	shalt  }
0x3e: {  	_ =	shalt  }
0x3f: {  	_ =	shalt  }
0x40: {  	_ =	shalt  }
0x41: {  	_ =	shalt  }
0x42: {  	_ =	shalt  }
0x43: {  	_ =	shalt  }
0x44: {  	_ =	shalt  }
0x45: {  	_ =	shalt  }
0x46: {  	_ =	shalt  }
0x47: {  	_ =	shalt  }
0x48: {  	_ =	shalt  }
0x49: {  	_ =	shalt  }
0x4a: {  	_ =	shalt  }
0x4b: {  	_ =	shalt  }
0x4c: {  	_ =	shalt  }
0x4d: {  	_ =	shalt  }
0x4e: {  	_ =	shalt  }
0x4f: {  	_ =	shalt  }
0x50: {  	_ =	shalt  }
0x51: {  	_ =	shalt  }
0x52: {  	_ =	shalt  }
0x53: {  	_ =	shalt  }
0x54: {  	_ =	shalt  }
0x55: {  	_ =	shalt  }
0x56: {  	_ =	shalt  }
0x57: {  	_ =	shalt  }
0x58: {  	_ =	shalt  }
0x59: {  	_ =	shalt  }
0x5a: {  	_ =	shalt  }
0x5b: {  	_ =	shalt  }
0x5c: {  	_ =	shalt  }
0x5d: {  	_ =	shalt  }
0x5e: {  	_ =	shalt  }
0x5f: {  	_ =	shalt  }
0x60: {  	_ =	shalt  }
0x61: {  	_ =	shalt  }
0x62: {  	_ =	shalt  }
0x63: {  	_ =	shalt  }
0x64: {  	_ =	shalt  }
0x65: {  	_ =	shalt  }
0x66: {  	_ =	shalt  }
0x67: {  	_ =	shalt  }
0x68: {  	_ =	shalt  }
0x69: {  	_ =	shalt  }
0x6a: {  	_ =	shalt  }
0x6b: {  	_ =	shalt  }
0x6c: {  	_ =	shalt  }
0x6d: {  	_ =	shalt  }
0x6e: {  	_ =	shalt  }
0x6f: {  	_ =	shalt  }
0x70: {  	_ =	shalt  }
0x71: {  	_ =	shalt  }
0x72: {  	_ =	shalt  }
0x73: {  	_ =	shalt  }
0x74: {  	_ =	shalt  }
0x75: {  	_ =	shalt  }
0x76: {  	_ =	shalt  }
0x77: {  	_ =	shalt  }
0x78: {  	_ =	shalt  }
0x79: {  	_ =	shalt  }
0x7a: {  	_ =	shalt  }
0x7b: {  	_ =	shalt  }
0x7c: {  	_ =	shalt  }
0x7d: {  	_ =	shalt  }
0x7e: {  	_ =	shalt  }
0x7f: {  	_ =	shalt  }
0x80: {  	_ =	shalt  }
0x81: {  	_ =	shalt  }
0x82: {  	_ =	shalt  }
0x83: {  	_ =	shalt  }
0x84: {  	_ =	shalt  }
0x85: {  	_ =	shalt  }
0x86: {  	_ =	shalt  }
0x87: {  	_ =	shalt  }
.Lfunc_end0:
.L_simem_size_0:
called_computation.1_lowered:
.L_overlay_start_0:
0x88: {  	s2 =	sld [smem:$0x3FD9]  }
0x89: {  	s3 =	sld [smem:$0x3FFE];
	_ =	sdelay $0x1  }
0x8a: {  	s1 =	srdreg.scid  }
0x8b: {  	s0 =	sand.u32 $0x1, s1  }
0x8c: {  	s14 =	sshll.u32 s0, $0xA;
	s2 =	sadd.s32 s3, s2  }
0x8d: {  	s2 =	sadd.s32 s2, s14  }
0x8e: {  	[smem:$0x3FC0] =	sst s2  }
0x8f: {  	_ = 	snop  }
0x90: {  	s2 =	sld [smem:$0x3FD0]  }
0x91: {  	s15 =	sld [smem:$0x3FC6]  }
0x92: {  	s4 =	sld [smem:$0x3FC5]  }
0x93: {  	s6 =	simm.s32 $0xA;
	s7 =	simm.s32 $0x10;
	s5 =	sld [smem:$0x3FC4]  }
0x94: {  	[smem:s7], [sflag:s6] =	dma.local [hbm:s2], $0x1  }
0x95: {  	_ =	swait.eq [sflag:s6], $0x1  }
0x96: {  	[sflag:s6] =	ssyncset.done $0x0  }
0x97: {  	[sflag:s6] =	ssyncadd.s32 $0xFFFFFFFF  }
0x98: {  	s16 =	sld [smem:$0x11];
	(tm) =	ssettm $0x1  }
0x99: {  	s17 =	sld [smem:$0x3FFB];
	_ =	sdelay $0x3  }
0x9a: {  	_ =	strace s17  }
0x9b: {  	s6 =	sld [smem:$0x3FFC];
	_ =	sdelay $0x3  }
0x9c: {  	_ =	strace s6  }
0x9d: {  	s6 =	sld [smem:$0x3FFD];
	_ =	sdelay $0x3  }
0x9e: {  	_ =	strace s6  }
0x9f: {  	_ =	strace $0x8FFFFFFF  }
0xa0: {  	s18 =	sld [smem:$0x3FDB];
	_ =	sdelay $0x1  }
0xa1: {  	s19 =	simm.s32 $_scs_section_size  }
0xa2: {  	s8 =	simm.s32 $_size__tile_overlayer_lowered;
	s9 =	simm.s32 $_tile_overlayer_lowered  }
0xa3: {  	s22 =	simm.s32 $0x1BFF;
	s21 =	sshll.u32 s9, $0x1;
	s6 =	sadd.s32 s19, s18  }
0xa4: {  	s10 =	simm.s32 $0x0;
	s20 =	sshll.u32 s8, $0x1;
	s8 =	sadd.s32 s21, s6  }
0xa5: {  	[timem:s10], [sflag:s22] =	dma.local [hbm:s8], s20  }
0xa6: {  	_ =	swait.ge [sflag:s22], s20  }
0xa7: {  	s7 =	ssub.s32 $0x0, s20;
	[sflag:s22] =	ssyncset.done $0x0  }
0xa8: {  	[sflag:s22] =	ssyncadd.s32 s7;
	_ =	sdelay $0x1  }
0xa9: {  	s23 =	simm.s32 $0x1B8B  }
0xaa: {  	_ =	swait.ge [sflag:s23], $0x1  }
0xab: {  	[sflag:s23] =	ssyncset.done $0x0  }
0xac: {  	s25 =	simm.s32 $0x1B8E;
	s24 =	sld [smem:$0x3FFE];
	[sflag:s23] =	ssyncadd.s32 $0xFFFFFFFF  }
0xad: {  	s26 =	simm.s32 $execute0_lowered;
	[smem:$0x3FD2] =	sst s25  }
0xae: {  	s8 =	sshll.u32 s26, $0x1;
	_ =	strace $0x80000049;
	[dreg:$0x1] =	wrdreg $0xFFFFFFFF  }
0xaf: {  	s28 =	simm.s32 $_size_execute0_lowered;
	s6 =	sadd.s32 s6, s8;
	[dreg:$0x0] =	wrdreg $0x0  }
0xb0: {  	s8 =	sshll.u32 s28, $0x1;
	[dreg:$0x2] =	wrdreg s6  }
0xb1: {  	[dreg:$0x3] =	wrdreg s8  }
0xb2: {  	[dreg:$0x4] =	wrdreg $0xC0  }
0xb3: {  	_ =	task [dreg:s10], $0x5FFFF  }
0xb4: {  	[dreg:$0x1] =	wrdreg $0xFFFFFFFF  }
0xb5: {  	[dreg:$0x0] =	wrdreg $0x60  }
0xb6: {  	[dreg:$0x2] =	wrdreg s15  }
0xb7: {  	[dreg:$0x3] =	wrdreg s4  }
0xb8: {  	[dreg:$0x4] =	wrdreg s5  }
0xb9: {  	[dreg:$0x5] =	wrdreg s24  }
0xba: {  	[dreg:$0x6] =	wrdreg s16  }
0xbb: {  	[dreg:$0x7] =	wrdreg $0x9  }
0xbc: {  	_ =	task.clear_ibuf [dreg:s10], $0x8FFFF;
	_ =	strace $0x90000049  }
0xbd: {  	s29 =	simm.s32 $0x9;
	_ =	strace $0x8000004B  }
0xbe: {  	_ =	swait.ge [sflag:s29], $0x1  }
0xbf: {  	[sflag:s29] =	ssyncadd.s32 $0xFFFFFFFF  }
0xc0: {  	_ =	strace $0x9000004B  }
0xc1: {  	_ =	sfence  }
0xc2: {  	s30 =	sld [smem:$0x0];
	_ =	sdelay $0x2  }
0xc3: {  	s31 =	sshll.u32 s1, $0xD;
	s1 =	sshrl.u32 s1, $0x2  }
0xc4: {  	s3 =	sand.u32 $0x4000, s31;
	s1 =	sadd.s32 s1, s30  }
0xc5: {  	s0 =	sor.u32 s3, s0;
	s1 =	sshll.u32 s1, $0x11  }
0xc6: {  	s0 =	sor.u32 s1, s0  }
0xc7: {  	s0 =	sadd.s32 $0x8F2B, s0  }
0xc8: {  	[sflag:s0] =	ssyncadd.remote.s32 $0x1  }
0xc9: {  	_ =	sfence.sel $0xFFFF  }
0xca: {  	[dreg:$0x0] =	wrdreg $0xFFFFFFFF;
	(pc) =	sbr.abs _section_cstart, $3  }
0xcb: {  	[dreg:$0x1] =	wrdreg $0xFFFFFFFF  }
0xcc: {  	_ =	task.clear_ibuf [dreg:s10], $0x2FFFF;
	_ =	strace $0x9FFFFFFF  }
0xcd: {  	(tm) =	ssettm $0x7FFFFFFF  }
tec
execute0_lowered:
.L_overlay_start_1:
0x0: {  	(tag) =	ssettag $0x1  }
0x1: {  	s5 =	rddreg [dreg:$0x0]  }
0x2: {  	s6 =	rddreg [dreg:$0x1]  }
0x3: {  	s0 =	rddreg [dreg:$0x3]  }
0x4: {  	s16 =	rddreg [dreg:$0x4];
	s1 =	srdreg.scid;
	s20 =	simm.s32 $0x0  }
0x5: {  	s2 =	stileid.u32;
	s18 =	simm.s32 $0x400;
	s19 =	simm.s32 $0x800  }
0x6: {  	s28 =	simm.s32 $0xC00;
	s21 =	simm.s32 $0x7500;
	s30 =	simm.s32 $0xD900  }
0x7: {  	s31 =	simm.s32 $0x2;
	s17 =	simm.s32 $0x5;
	s9 =	simm.s32 $0x6  }
0x8: {  	s1 =	sand.u32 $0x1, s1;
	[smem:$0x7FF] =	sst s20;
	s2 =	sshll.u32 s2, $0x8  }
0x9: {  	s8 =	sadd.s32 $0x800, s0;
	s29 =	sadd.s32 $0x80, s16;
	s3 =	sshll.u32 s1, $0x7  }
0xa: {  	_ =	strace $0x8000004A;
	s1 =	ssub.s32 $0x2, s1;
	s4 =	sor.u32 s3, s2  }
0xb: {  	[dreg:$0xa] =	wrdreg s29;
	s22 =	sshrl.u32 s1, $0x1;
	s3 =	sshrl.u32 s4, $0x3  }
0xc: {  	[dreg:$0x6] =	wrdreg s4;
	s4 =	smul.u32 $0x1900, s4;
	s24 =	sadd.s32 s5, s3  }
0xd: {  	s23 =	ssub.s32 s1, s22;
	s25 =	sadd.s32 s6, s3;
	[dreg:$0x7] =	wrdreg s24  }
0xe: {  	s0 =	smax.u32 s23, $0x1;
	s3 =	simm.s32 $0x0;
	[dreg:$0x8] =	wrdreg s25  }
0xf: {  	s26 =	sadd.s32 s8, s4;
	[dreg:$0xb] =	wrdreg s0;
	s0 =	simm.s32 $0x3  }
0x10: {  	s4 =	simm.s32 $0x13900;
	[dreg:$0x9] =	wrdreg s26;
	s26 =	simm.s32 $0x1  }
.LBB2_1:
0x11: {  	[dreg:$0xc] =	wrdreg s3  }
0x12: {  	s1 =	rddreg [dreg:$0x7];
	s2 =	simm.s32 $0x9  }
0x13: {  	[tilespmem:s20], [sflag:$0x9] =	stream.linear.gather [hbm4b:s1+s20], $0x8, $0x38;
	[tilespmem:$0x19900] =	vst v63  }
0x14: {  	_ =	swait.ge [sflag:s2], $0x8  }
0x15: {  	[sflag:s2] =	ssyncset.done $0x0  }
0x16: {  	s15 =	simm.s32 $0x8;
	s14 =	rddreg [dreg:$0x8];
	[sflag:s2] =	ssyncadd.s32 $0xFFFFFFF8  }
0x17: {  	[tilespmem:s15], [sflag:$0x9] =	stream.linear.gather [hbm4b:s14+s20], $0x8, $0x38;
	[tilespmem:$0x19900] =	vst v63  }
0x18: {  	_ =	swait.ge [sflag:s2], $0x8  }
0x19: {  	[sflag:s2] =	ssyncset.done $0x0  }
0x1a: {  	[sflag:s2] =	ssyncadd.s32 $0xFFFFFFF8  }
0x1b: {  	s23 =	simm.s32 $0x100;
	s22 =	rddreg [dreg:$0x2]  }
0x1c: {  	[tilespmem:s23], [sflag:$0x7] =	stream.indirect.gather [hbm4b:s22+s15], $0x80, s20, s15, $0xb8;
	[tilespmem:$0x19900] =	vst v63  }
0x1d: {  	s24 =	simm.s32 $0x500  }
0x1e: {  	[tilespmem:s24], [sflag:$0x7] =	stream.indirect.gather [hbm4b:s22+s15], $0x80, s15, s15, $0xb8;
	[tilespmem:$0x19900] =	vst v63  }
0x1f: {  	s29 =	simm.s32 $0x1100;
	s1 =	simm.s32 $0x0;
	s25 =	rddreg [dreg:$0x9]  }
0x20: {  	[tilespmem:s29], [sflag:$0x1] =	stream.strided.gather [hbm4b:s25+s18], $0x6400, s19, s18, $0x38;
	[tilespmem:$0x19900] =	vst v63  }
.LBB2_2:
0x21: {  	s2 =	simm.s32 $0x7  }
0x22: {  	_ =	swait.ge [sflag:s2], $0x400  }
0x23: {  	[sflag:s2] =	ssyncset.done $0x0  }
0x24: {  	[dreg:$0xd] =	wrdreg s1;
	[sflag:s2] =	ssyncadd.s32 $0xFFFFFC00  }
0x25: {  	s10 =	sshll.u32 s1, $0x4;
	s15 =	rddreg [dreg:$0x6];
	_ =	swait.ge [sflag:s2], $0x400  }
0x26: {  	s24 =	sor.u32 s15, s10;
	[sflag:s2] =	ssyncset.done $0x0  }
0x27: {  	s1 =	sshrl.u32 s24, $0x3;
	[sflag:s2] =	ssyncadd.s32 $0xFFFFFC00  }
0x28: {  	s7 =	simm.s32 $0x0;
	s1 =	sor.u32 $0x1, s1;
	s2 =	rddreg [dreg:$0x0]  }
0x29: {  	s5 =	simm.s32 $0x80;
	s3 =	simm.s32 $0x9;
	s2 =	sadd.s32 s2, s1  }
0x2a: {  	[tilespmem:s5], [sflag:$0x9] =	stream.linear.gather [hbm4b:s2+s7], $0x8, $0x38;
	[tilespmem:$0x19900] =	vst v63  }
0x2b: {  	_ =	swait.ge [sflag:s3], $0x8  }
0x2c: {  	[sflag:s3] =	ssyncset.done $0x0  }
0x2d: {  	[sflag:s3] =	ssyncadd.s32 $0xFFFFFFF8  }
0x2e: {  	s20 =	rddreg [dreg:$0x1]  }
0x2f: {  	s6 =	simm.s32 $0x88;
	s1 =	sadd.s32 s20, s1  }
0x30: {  	[tilespmem:s6], [sflag:$0x9] =	stream.linear.gather [hbm4b:s1+s7], $0x8, $0x38;
	[tilespmem:$0x19900] =	vst v63  }
0x31: {  	_ =	swait.ge [sflag:s3], $0x8  }
0x32: {  	[sflag:s3] =	ssyncset.done $0x0  }
0x33: {  	[sflag:s3] =	ssyncadd.s32 $0xFFFFFFF8  }
0x34: {  	s23 =	simm.s32 $0x8;
	s25 =	simm.s32 $0x900;
	s22 =	rddreg [dreg:$0x2]  }
0x35: {  	[tilespmem:s25], [sflag:$0x8] =	stream.indirect.gather [hbm4b:s22+s23], $0x80, s5, s23, $0xb8;
	[tilespmem:$0x19900] =	vst v63  }
0x36: {  	s29 =	simm.s32 $0xD00;
	s25 =	simm.s32 $0x0  }
0x37: {  	[tilespmem:s29], [sflag:$0x8] =	stream.indirect.gather [hbm4b:s22+s23], $0x80, s6, s23, $0xb8;
	[tilespmem:$0x19900] =	vst v63  }
.LBB2_3:
0x38: {  	s1 =	sshll.u32 s25, $0x1  }
0x39: {  	s2 =	sor.u32 s24, s1  }
0x3a: {  	_ =	swait.ge [sflag:s26], $0x6400;
	s3 =	smul.u32 $0x12C00, s2  }
0x3b: {  	s11 =	simm.s32 $0x1100;
	[sflag:s26] =	ssyncset.done $0x0;
	s1 =	sor.u32 s10, s1  }
0x3c: {  	[sflag:s26] =	ssyncadd.s32 $0xFFFF9C00;
	p0 =	seq.s32 s1, $0x0;
	s23 =	sshrl.u32 s3, $0x3  }
0x3d: {  	s7 =	sor.u32 $0x1, s2;
	s1 =	simm.s32 @!p0 $0x4;
	s22 =	sadd.s32 s16, s23  }
0x3e: {  	[hbm4b:s22+s18] =	stream.strided.scatter [tilespmem:s11], [sflag:$0x3], $0x6400, s28, s18, $0x38;
	[tilespmem:$0x19900] =	vst v63  }
0x3f: {  	s12 =	smul.u32 $0x1900, s7;
	_ =	swait.ge @!p0 [sflag:s1], $0x6400  }
0x40: {  	[sflag:s1] =	ssyncset.done @!p0 $0x0  }
0x41: {  	s14 =	sadd.s32 s8, s12;
	[sflag:s1] =	ssyncadd.s32 @!p0 $0xFFFF9C00;
	s1 =	simm.s32 @!p0 $0x5  }
0x42: {  	[tilespmem:s21], [sflag:$0x2] =	stream.strided.gather [hbm4b:s14+s18], $0x6400, s19, s18, $0x38;
	[tilespmem:$0x19900] =	vst v63  }
0x43: {  	_ =	swait.ge @!p0 [sflag:s1], $0x6000  }
0x44: {  	[sflag:s1] =	ssyncset.done @!p0 $0x0  }
0x45: {  	[sflag:s1] =	ssyncadd.s32 @!p0 $0xFFFFA000  }
0x46: {  	_ =	swait.ge @!p0 [sflag:s1], $0x6000  }
0x47: {  	[sflag:s1] =	ssyncset.done @!p0 $0x0  }
0x48: {  	[sflag:s1] =	ssyncadd.s32 @!p0 $0xFFFFA000  }
0x49: {  	_ =	swait.ge @!p0 [sflag:s1], $0x800  }
0x4a: {  	s15 =	sshll.u32 s25, $0x8;
	[sflag:s1] =	ssyncset.done @!p0 $0x0  }
0x4b: {  	[sflag:s1] =	ssyncadd.s32 @!p0 $0xFFFFF800;
	s1 =	sand.u32 $0x3FFFFF00, s15  }
0x4c: {  	v0 =	vld [tilespmem:s1+$0x100]  }
0x4d: {  	v1 =	vld [tilespmem:s1+$0x110]  }
0x4e: {  	v2 =	vld [tilespmem:s1+$0x120]  }
0x4f: {  	v3 =	vld [tilespmem:s1+$0x130]  }
0x50: {  	v4 =	vld [tilespmem:s1+$0x140]  }
0x51: {  	v5 =	vld [tilespmem:s1+$0x150]  }
0x52: {  	v6 =	vld [tilespmem:s1+$0x160]  }
0x53: {  	v7 =	vld [tilespmem:s1+$0x170]  }
0x54: {  	v8 =	vld [tilespmem:s1+$0x500]  }
0x55: {  	v9 =	vld [tilespmem:s1+$0x510]  }
0x56: {  	v10 =	vld [tilespmem:s1+$0x520]  }
0x57: {  	v11 =	vld [tilespmem:s1+$0x530]  }
0x58: {  	s5 =	simm.s32 $0x0;
	v12 =	vld [tilespmem:s1+$0x540]  }
0x59: {  	s13 =	smov.u32 s16;
	s16 =	sand.u32 $0x7800, s5;
	s5 =	sand.u32 $0x200, s5;
	v14 =	vld [tilespmem:s1+$0x550]  }
0x5a: {  	s3 =	sor.u32 s5, s16;
	v13 =	vld [tilespmem:s1+$0x560]  }
0x5b: {  	v15 =	vld [tilespmem:s1+$0x570];
	[tilespmem:s3+$0xD970] =	vst v7  }
0x5c: {  	[tilespmem:s3+$0xD960] =	vst v6  }
0x5d: {  	[tilespmem:s3+$0xD950] =	vst v5  }
0x5e: {  	p1 =	por $0x0, $0x0;
	s5 =	simm.s32 $0x1;
	[tilespmem:s3+$0xD940] =	vst v4  }
0x5f: {  	s5 =	simm.s32 @!p1 $0x0;
	[tilespmem:s3+$0xD920] =	vst v2  }
0x60: {  	s5 =	sshll.u32 s5, $0x9;
	[tilespmem:s3+$0xD910] =	vst v1  }
0x61: {  	s11 =	sadd.s32 $0x0, s5;
	[tilespmem:s3+$0xD900] =	vst v0  }
0x62: {  	s5 =	sor.u32 $0x400, s11;
	[tilespmem:s3+$0xD930] =	vst v3  }
0x63: {  	s20 =	sor.u32 $0x410, s11;
	[tilespmem:s5+$0xD900] =	vst v8  }
0x64: {  	s21 =	sor.u32 $0x420, s11;
	[tilespmem:s20+$0xD900] =	vst v9  }
0x65: {  	s29 =	sor.u32 $0x430, s11;
	[tilespmem:s21+$0xD900] =	vst v10  }
0x66: {  	s14 =	sor.u32 $0x440, s11;
	[tilespmem:s29+$0xD900] =	vst v11  }
0x67: {  	s6 =	sor.u32 $0x450, s11;
	[tilespmem:s14+$0xD900] =	vst v12  }
0x68: {  	s12 =	sor.u32 $0x460, s11;
	[tilespmem:s6+$0xD900] =	vst v14  }
0x69: {  	s14 =	sor.u32 $0x470, s11;
	[tilespmem:s12+$0xD900] =	vst v13  }
0x6a: {  	[tilespmem:s14+$0xD900] =	vst v15  }
0x6b: {  	[tilespmem:s3+$0xD9C0] =	vst v4  }
0x6c: {  	[tilespmem:s3+$0xD9F0] =	vst v7  }
0x6d: {  	[tilespmem:s3+$0xD9D0] =	vst v5  }
0x6e: {  	[tilespmem:s3+$0xD990] =	vst v1  }
0x6f: {  	[tilespmem:s3+$0xD9B0] =	vst v3  }
0x70: {  	[tilespmem:s3+$0xD9E0] =	vst v6  }
0x71: {  	s5 =	sadd.s32 $0x80, s11;
	[tilespmem:s3+$0xD9A0] =	vst v2  }
0x72: {  	s15 =	sor.u32 $0x400, s5;
	[tilespmem:s3+$0xD980] =	vst v0  }
0x73: {  	s16 =	sor.u32 $0x410, s5;
	[tilespmem:s15+$0xD900] =	vst v8  }
0x74: {  	s20 =	sor.u32 $0x420, s5;
	[tilespmem:s16+$0xD900] =	vst v9  }
0x75: {  	s21 =	sor.u32 $0x430, s5;
	[tilespmem:s20+$0xD900] =	vst v10  }
0x76: {  	s29 =	sor.u32 $0x440, s5;
	[tilespmem:s21+$0xD900] =	vst v11  }
0x77: {  	s6 =	sor.u32 $0x450, s5;
	[tilespmem:s29+$0xD900] =	vst v12  }
0x78: {  	s12 =	sor.u32 $0x460, s5;
	[tilespmem:s6+$0xD900] =	vst v14  }
0x79: {  	s5 =	sor.u32 $0x470, s5;
	[tilespmem:s12+$0xD900] =	vst v13  }
0x7a: {  	[tilespmem:s5+$0xD900] =	vst v15  }
0x7b: {  	[tilespmem:s3+$0xDA60] =	vst v6  }
0x7c: {  	[tilespmem:s3+$0xDA70] =	vst v7  }
0x7d: {  	[tilespmem:s3+$0xDA50] =	vst v5  }
0x7e: {  	[tilespmem:s3+$0xDA40] =	vst v4  }
0x7f: {  	[tilespmem:s3+$0xDA10] =	vst v1  }
0x80: {  	[tilespmem:s3+$0xDA20] =	vst v2  }
0x81: {  	s5 =	sadd.s32 $0x100, s11;
	[tilespmem:s3+$0xDA30] =	vst v3  }
0x82: {  	[tilespmem:s3+$0xDA00] =	vst v0;
	s15 =	sor.u32 $0x400, s5  }
0x83: {  	s16 =	sor.u32 $0x410, s5;
	[tilespmem:s15+$0xD900] =	vst v8  }
0x84: {  	s20 =	sor.u32 $0x420, s5;
	[tilespmem:s16+$0xD900] =	vst v9  }
0x85: {  	s21 =	sor.u32 $0x430, s5;
	[tilespmem:s20+$0xD900] =	vst v10  }
0x86: {  	s29 =	sor.u32 $0x440, s5;
	[tilespmem:s21+$0xD900] =	vst v11  }
0x87: {  	s6 =	sor.u32 $0x450, s5;
	[tilespmem:s29+$0xD900] =	vst v12  }
0x88: {  	s12 =	sor.u32 $0x460, s5;
	[tilespmem:s6+$0xD900] =	vst v14  }
0x89: {  	s5 =	sor.u32 $0x470, s5;
	[tilespmem:s12+$0xD900] =	vst v13  }
0x8a: {  	[tilespmem:s5+$0xD900] =	vst v15  }
0x8b: {  	[tilespmem:s3+$0xDAC0] =	vst v4  }
0x8c: {  	[tilespmem:s3+$0xDAF0] =	vst v7  }
0x8d: {  	[tilespmem:s3+$0xDAE0] =	vst v6  }
0x8e: {  	[tilespmem:s3+$0xDAD0] =	vst v5  }
0x8f: {  	[tilespmem:s3+$0xDA90] =	vst v1  }
0x90: {  	[tilespmem:s3+$0xDAB0] =	vst v3  }
0x91: {  	s11 =	sadd.s32 $0x180, s11;
	[tilespmem:s3+$0xDAA0] =	vst v2  }
0x92: {  	s14 =	sor.u32 $0x400, s11;
	[tilespmem:s3+$0xDA80] =	vst v0  }
0x93: {  	s15 =	sor.u32 $0x410, s11;
	[tilespmem:s14+$0xD900] =	vst v8  }
0x94: {  	s16 =	sor.u32 $0x420, s11;
	[tilespmem:s15+$0xD900] =	vst v9  }
0x95: {  	s20 =	sor.u32 $0x430, s11;
	[tilespmem:s16+$0xD900] =	vst v10  }
0x96: {  	p1 =	por !p1, !p1;
	s21 =	sor.u32 $0x440, s11;
	[tilespmem:s20+$0xD900] =	vst v11  }
0x97: {  	s29 =	sor.u32 $0x450, s11;
	s5 =	sor.u32 $0x460, s11;
	s3 =	simm.s32 $0x0;
	[tilespmem:s21+$0xD900] =	vst v12  }
0x98: {  	s14 =	simm.s32 $0x400;
	s15 =	sor.u32 $0x470, s11;
	s21 =	simm.s32 $0x200;
	[tilespmem:s29+$0xD900] =	vst v14  }
.LBB2_4:
0x99: {  	s11 =	sand.u32 $0x7800, s14  }
0x9a: {  	s16 =	sand.u32 $0x200, s21;
	s3 =	sadd.s32 $0x4, s3;
	[tilespmem:s5+$0xD900] =	vst v13;
	s5 =	simm.s32 $0x1  }
0x9b: {  	s5 =	simm.s32 @!p1 $0x0;
	s11 =	sor.u32 s16, s11;
	p2 =	slt.u32 s3, $0x5C;
	[tilespmem:s15+$0xD900] =	vst v15  }
0x9c: {  	s5 =	sshll.u32 s5, $0x9;
	[tilespmem:s11+$0xD970] =	vst v7  }
0x9d: {  	s5 =	sadd.s32 s5, s14;
	[tilespmem:s11+$0xD960] =	vst v6  }
0x9e: {  	[tilespmem:s11+$0xD950] =	vst v5;
	s6 =	sor.u32 $0x400, s5;
	s16 =	sadd.s32 $0x80, s5;
	s20 =	sadd.s32 $0x100, s5  }
0x9f: {  	s15 =	sadd.s32 $0x180, s5;
	[tilespmem:s11+$0xD940] =	vst v4  }
0xa0: {  	[tilespmem:s11+$0xD920] =	vst v2  }
0xa1: {  	[tilespmem:s11+$0xD910] =	vst v1  }
0xa2: {  	[tilespmem:s11+$0xD900] =	vst v0  }
0xa3: {  	[tilespmem:s11+$0xD930] =	vst v3  }
0xa4: {  	s12 =	sor.u32 $0x440, s5;
	[tilespmem:s6+$0xD900] =	vst v8;
	s6 =	sor.u32 $0x410, s5  }
0xa5: {  	[tilespmem:s6+$0xD900] =	vst v9;
	s6 =	sor.u32 $0x420, s5  }
0xa6: {  	s29 =	sor.u32 $0x450, s5;
	[tilespmem:s6+$0xD900] =	vst v10;
	s6 =	sor.u32 $0x430, s5  }
0xa7: {  	[tilespmem:s6+$0xD900] =	vst v11  }
0xa8: {  	[tilespmem:s12+$0xD900] =	vst v12  }
0xa9: {  	s6 =	sor.u32 $0x460, s5;
	[tilespmem:s29+$0xD900] =	vst v14  }
0xaa: {  	s5 =	sor.u32 $0x470, s5;
	[tilespmem:s6+$0xD900] =	vst v13  }
0xab: {  	[tilespmem:s5+$0xD900] =	vst v15  }
0xac: {  	[tilespmem:s11+$0xD9C0] =	vst v4  }
0xad: {  	[tilespmem:s11+$0xD9F0] =	vst v7  }
0xae: {  	[tilespmem:s11+$0xD9D0] =	vst v5  }
0xaf: {  	[tilespmem:s11+$0xD990] =	vst v1  }
0xb0: {  	[tilespmem:s11+$0xD9B0] =	vst v3  }
0xb1: {  	[tilespmem:s11+$0xD9E0] =	vst v6  }
0xb2: {  	[tilespmem:s11+$0xD9A0] =	vst v2  }
0xb3: {  	s5 =	sor.u32 $0x400, s16;
	[tilespmem:s11+$0xD980] =	vst v0  }
0xb4: {  	[tilespmem:s5+$0xD900] =	vst v8;
	s5 =	sor.u32 $0x410, s16  }
0xb5: {  	[tilespmem:s5+$0xD900] =	vst v9;
	s5 =	sor.u32 $0x420, s16  }
0xb6: {  	[tilespmem:s5+$0xD900] =	vst v10;
	s5 =	sor.u32 $0x430, s16  }
0xb7: {  	[tilespmem:s5+$0xD900] =	vst v11;
	s5 =	sor.u32 $0x440, s16  }
0xb8: {  	[tilespmem:s5+$0xD900] =	vst v12;
	s5 =	sor.u32 $0x450, s16  }
0xb9: {  	[tilespmem:s5+$0xD900] =	vst v14;
	s5 =	sor.u32 $0x460, s16  }
0xba: {  	[tilespmem:s5+$0xD900] =	vst v13;
	s5 =	sor.u32 $0x470, s16  }
0xbb: {  	[tilespmem:s5+$0xD900] =	vst v15  }
0xbc: {  	[tilespmem:s11+$0xDA60] =	vst v6  }
0xbd: {  	[tilespmem:s11+$0xDA70] =	vst v7  }
0xbe: {  	[tilespmem:s11+$0xDA50] =	vst v5  }
0xbf: {  	[tilespmem:s11+$0xDA40] =	vst v4  }
0xc0: {  	[tilespmem:s11+$0xDA10] =	vst v1  }
0xc1: {  	[tilespmem:s11+$0xDA20] =	vst v2  }
0xc2: {  	[tilespmem:s11+$0xDA30] =	vst v3  }
0xc3: {  	s5 =	sor.u32 $0x400, s20;
	[tilespmem:s11+$0xDA00] =	vst v0  }
0xc4: {  	[tilespmem:s5+$0xD900] =	vst v8;
	s5 =	sor.u32 $0x410, s20  }
0xc5: {  	[tilespmem:s5+$0xD900] =	vst v9;
	s5 =	sor.u32 $0x420, s20  }
0xc6: {  	[tilespmem:s5+$0xD900] =	vst v10;
	s5 =	sor.u32 $0x430, s20  }
0xc7: {  	[tilespmem:s5+$0xD900] =	vst v11;
	s5 =	sor.u32 $0x440, s20  }
0xc8: {  	[tilespmem:s5+$0xD900] =	vst v12;
	s5 =	sor.u32 $0x450, s20  }
0xc9: {  	[tilespmem:s5+$0xD900] =	vst v14;
	s5 =	sor.u32 $0x460, s20  }
0xca: {  	[tilespmem:s5+$0xD900] =	vst v13;
	s5 =	sor.u32 $0x470, s20  }
0xcb: {  	[tilespmem:s5+$0xD900] =	vst v15  }
0xcc: {  	[tilespmem:s11+$0xDAC0] =	vst v4  }
0xcd: {  	[tilespmem:s11+$0xDAF0] =	vst v7  }
0xce: {  	[tilespmem:s11+$0xDAE0] =	vst v6  }
0xcf: {  	[tilespmem:s11+$0xDAD0] =	vst v5  }
0xd0: {  	[tilespmem:s11+$0xDA90] =	vst v1  }
0xd1: {  	[tilespmem:s11+$0xDAB0] =	vst v3  }
0xd2: {  	s5 =	sor.u32 $0x400, s15;
	[tilespmem:s11+$0xDAA0] =	vst v2  }
0xd3: {  	s6 =	sor.u32 $0x410, s15;
	[tilespmem:s11+$0xDA80] =	vst v0  }
0xd4: {  	[tilespmem:s5+$0xD900] =	vst v8;
	s5 =	sor.u32 $0x420, s15  }
.Ltmp0:
0xd5: {  	[tilespmem:s6+$0xD900] =	vst v9;
	s6 =	sor.u32 $0x430, s15;
	(pc) =	sbr.rel @p2 .LBB2_4-.Ltmp0, $4  }
0xd6: {  	[tilespmem:s5+$0xD900] =	vst v10;
	s5 =	sor.u32 $0x440, s15  }
0xd7: {  	[tilespmem:s6+$0xD900] =	vst v11;
	s6 =	sor.u32 $0x450, s15  }
0xd8: {  	p1 =	por !p1, !p1;
	[tilespmem:s5+$0xD900] =	vst v12;
	s5 =	sor.u32 $0x460, s15  }
0xd9: {  	s21 =	sadd.s32 $0x200, s21;
	s14 =	sadd.s32 $0x400, s14;
	s15 =	sor.u32 $0x470, s15;
	[tilespmem:s6+$0xD900] =	vst v14  }
0xda: {  	[tilespmem:s5+$0xD900] =	vst v13;
	s3 =	rddreg [dreg:$0xa]  }
0xdb: {  	[tilespmem:s15+$0xD900] =	vst v15;
	s3 =	sadd.s32 s23, s3  }
0xdc: {  	[hbm4b:s3+s19] =	stream.strided.scatter [tilespmem:s30], [sflag:$0x5], $0x6000, s28, s19, $0x38;
	[tilespmem:$0x19900] =	vst v63  }
0xdd: {  	s23 =	sadd.s32 $0x1280, s22  }
0xde: {  	[hbm4b:s23+s19] =	stream.strided.scatter [tilespmem:s30], [sflag:$0x5], $0x6000, s28, s19, $0x38;
	[tilespmem:$0x19900] =	vst v63  }
0xdf: {  	s29 =	sadd.s32 $0x2480, s22;
	s20 =	simm.s32 $0x0;
	s5 =	smul.u32 $0x12C00, s7  }
0xe0: {  	[hbm4b:s29+s20] =	stream.linear.scatter [tilespmem:s30], [sflag:$0x5], $0x800, $0x38;
	[tilespmem:$0x19900] =	vst v63  }
0xe1: {  	_ =	swait.ge [sflag:s31], $0x6400  }
0xe2: {  	s2 =	smul.u32 $0xC800, s2;
	s3 =	sshrl.u32 s5, $0x3;
	[sflag:s31] =	ssyncset.done $0x0  }
0xe3: {  	s21 =	simm.s32 $0x7500;
	s22 =	sadd.s32 s13, s3;
	[sflag:s31] =	ssyncadd.s32 $0xFFFF9C00  }
0xe4: {  	[hbm4b:s22+s18] =	stream.strided.scatter [tilespmem:s21], [sflag:$0x4], $0x6400, s28, s18, $0x38;
	[tilespmem:$0x19900] =	vst v63  }
0xe5: {  	s2 =	sshrl.u32 s2, $0x3;
	_ =	swait.ge [sflag:s0], $0x6400  }
0xe6: {  	s2 =	sadd.s32 s8, s2;
	[sflag:s0] =	ssyncset.done $0x0  }
0xe7: {  	s6 =	simm.s32 $0x1100;
	s2 =	sadd.s32 $0x3200, s2;
	[sflag:s0] =	ssyncadd.s32 $0xFFFF9C00  }
0xe8: {  	[tilespmem:s6], [sflag:$0x1] =	stream.strided.gather [hbm4b:s2+s18], $0x6400, s19, s18, $0x38;
	[tilespmem:$0x19900] =	vst v63  }
0xe9: {  	s2 =	simm.s32 @!p0 $0x6  }
0xea: {  	_ =	swait.ge @!p0 [sflag:s2], $0x6000  }
0xeb: {  	[sflag:s2] =	ssyncset.done @!p0 $0x0  }
0xec: {  	[sflag:s2] =	ssyncadd.s32 @!p0 $0xFFFFA000  }
0xed: {  	_ =	swait.ge @!p0 [sflag:s2], $0x6000  }
0xee: {  	[sflag:s2] =	ssyncset.done @!p0 $0x0  }
0xef: {  	[sflag:s2] =	ssyncadd.s32 @!p0 $0xFFFFA000  }
0xf0: {  	_ =	swait.ge @!p0 [sflag:s2], $0x800  }
0xf1: {  	[sflag:s2] =	ssyncset.done @!p0 $0x0  }
0xf2: {  	[sflag:s2] =	ssyncadd.s32 @!p0 $0xFFFFF800  }
0xf3: {  	v0 =	vld [tilespmem:s1+$0x180]  }
0xf4: {  	v1 =	vld [tilespmem:s1+$0x190]  }
0xf5: {  	v2 =	vld [tilespmem:s1+$0x1A0]  }
0xf6: {  	v3 =	vld [tilespmem:s1+$0x1B0]  }
0xf7: {  	v4 =	vld [tilespmem:s1+$0x1C0]  }
0xf8: {  	v5 =	vld [tilespmem:s1+$0x1D0]  }
0xf9: {  	v6 =	vld [tilespmem:s1+$0x1E0]  }
0xfa: {  	v7 =	vld [tilespmem:s1+$0x1F0]  }
0xfb: {  	v8 =	vld [tilespmem:s1+$0x580]  }
0xfc: {  	v9 =	vld [tilespmem:s1+$0x590]  }
0xfd: {  	v10 =	vld [tilespmem:s1+$0x5A0]  }
0xfe: {  	v11 =	vld [tilespmem:s1+$0x5B0]  }
0xff: {  	s7 =	simm.s32 $0x0;
	v12 =	vld [tilespmem:s1+$0x5C0]  }
0x100: {  	s11 =	sand.u32 $0x7800, s7;
	s2 =	sand.u32 $0x200, s7;
	v13 =	vld [tilespmem:s1+$0x5D0]  }
0x101: {  	v14 =	vld [tilespmem:s1+$0x5E0];
	s12 =	sor.u32 s2, s11  }
0x102: {  	v15 =	vld [tilespmem:s1+$0x5F0];
	s1 =	sadd.s32 $0x13900, s12;
	[tilespmem:s12+$0x13900] =	vst v0  }
0x103: {  	[tilespmem:s1+$0x60] =	vst v6  }
0x104: {  	[tilespmem:s1+$0x70] =	vst v7  }
0x105: {  	p0 =	por $0x0, $0x0;
	s2 =	simm.s32 $0x1;
	[tilespmem:s1+$0x50] =	vst v5  }
0x106: {  	s2 =	simm.s32 @!p0 $0x0;
	[tilespmem:s1+$0x40] =	vst v4  }
0x107: {  	s2 =	sshll.u32 s2, $0x9;
	[tilespmem:s1+$0x30] =	vst v3  }
0x108: {  	s2 =	sadd.s32 $0x0, s2;
	[tilespmem:s1+$0x20] =	vst v2  }
0x109: {  	s14 =	sor.u32 $0x400, s2;
	[tilespmem:s1+$0x10] =	vst v1  }
0x10a: {  	s15 =	sor.u32 $0x410, s2;
	[tilespmem:s14+$0x13900] =	vst v8  }
0x10b: {  	s23 =	sor.u32 $0x420, s2;
	[tilespmem:s15+$0x13900] =	vst v9  }
0x10c: {  	s29 =	sor.u32 $0x430, s2;
	[tilespmem:s23+$0x13900] =	vst v10  }
0x10d: {  	s5 =	sor.u32 $0x440, s2;
	[tilespmem:s29+$0x13900] =	vst v11  }
0x10e: {  	s6 =	sor.u32 $0x450, s2;
	[tilespmem:s5+$0x13900] =	vst v12  }
0x10f: {  	s7 =	sor.u32 $0x460, s2;
	[tilespmem:s6+$0x13900] =	vst v13  }
0x110: {  	s11 =	sor.u32 $0x470, s2;
	[tilespmem:s7+$0x13900] =	vst v14  }
0x111: {  	[tilespmem:s11+$0x13900] =	vst v15  }
0x112: {  	[tilespmem:s1+$0xC0] =	vst v4  }
0x113: {  	[tilespmem:s1+$0xF0] =	vst v7  }
0x114: {  	[tilespmem:s1+$0xE0] =	vst v6  }
0x115: {  	[tilespmem:s1+$0xD0] =	vst v5  }
0x116: {  	[tilespmem:s1+$0x90] =	vst v1  }
0x117: {  	[tilespmem:s1+$0xA0] =	vst v2  }
0x118: {  	s12 =	sadd.s32 $0x80, s2;
	[tilespmem:s1+$0x80] =	vst v0  }
0x119: {  	s14 =	sor.u32 $0x400, s12;
	[tilespmem:s1+$0xB0] =	vst v3  }
0x11a: {  	s15 =	sor.u32 $0x410, s12;
	[tilespmem:s14+$0x13900] =	vst v8  }
0x11b: {  	s23 =	sor.u32 $0x420, s12;
	[tilespmem:s15+$0x13900] =	vst v9  }
0x11c: {  	s29 =	sor.u32 $0x430, s12;
	[tilespmem:s23+$0x13900] =	vst v10  }
0x11d: {  	s6 =	sor.u32 $0x440, s12;
	[tilespmem:s29+$0x13900] =	vst v11  }
0x11e: {  	s7 =	sor.u32 $0x450, s12;
	[tilespmem:s6+$0x13900] =	vst v12  }
0x11f: {  	s11 =	sor.u32 $0x460, s12;
	[tilespmem:s7+$0x13900] =	vst v13  }
0x120: {  	s3 =	sor.u32 $0x470, s12;
	[tilespmem:s11+$0x13900] =	vst v14  }
0x121: {  	[tilespmem:s3+$0x13900] =	vst v15  }
0x122: {  	[tilespmem:s1+$0x160] =	vst v6  }
0x123: {  	[tilespmem:s1+$0x170] =	vst v7  }
0x124: {  	[tilespmem:s1+$0x150] =	vst v5  }
0x125: {  	[tilespmem:s1+$0x140] =	vst v4  }
0x126: {  	[tilespmem:s1+$0x120] =	vst v2  }
0x127: {  	[tilespmem:s1+$0x110] =	vst v1  }
0x128: {  	s12 =	sadd.s32 $0x100, s2;
	[tilespmem:s1+$0x130] =	vst v3  }
0x129: {  	s14 =	sor.u32 $0x400, s12;
	[tilespmem:s1+$0x100] =	vst v0  }
0x12a: {  	s15 =	sor.u32 $0x410, s12;
	[tilespmem:s14+$0x13900] =	vst v8  }
0x12b: {  	s23 =	sor.u32 $0x420, s12;
	[tilespmem:s15+$0x13900] =	vst v9  }
0x12c: {  	s29 =	sor.u32 $0x430, s12;
	[tilespmem:s23+$0x13900] =	vst v10  }
0x12d: {  	s6 =	sor.u32 $0x440, s12;
	[tilespmem:s29+$0x13900] =	vst v11  }
0x12e: {  	s7 =	sor.u32 $0x450, s12;
	[tilespmem:s6+$0x13900] =	vst v12  }
0x12f: {  	s11 =	sor.u32 $0x460, s12;
	[tilespmem:s7+$0x13900] =	vst v13  }
0x130: {  	s3 =	sor.u32 $0x470, s12;
	[tilespmem:s11+$0x13900] =	vst v14  }
0x131: {  	[tilespmem:s3+$0x13900] =	vst v15  }
0x132: {  	[tilespmem:s1+$0x1C0] =	vst v4  }
0x133: {  	[tilespmem:s1+$0x1F0] =	vst v7  }
0x134: {  	[tilespmem:s1+$0x1E0] =	vst v6  }
0x135: {  	[tilespmem:s1+$0x1D0] =	vst v5  }
0x136: {  	[tilespmem:s1+$0x190] =	vst v1  }
0x137: {  	[tilespmem:s1+$0x1B0] =	vst v3  }
0x138: {  	s2 =	sadd.s32 $0x180, s2;
	[tilespmem:s1+$0x1A0] =	vst v2  }
0x139: {  	s12 =	sor.u32 $0x400, s2;
	[tilespmem:s1+$0x180] =	vst v0  }
0x13a: {  	s14 =	sor.u32 $0x410, s2;
	[tilespmem:s12+$0x13900] =	vst v8  }
0x13b: {  	s15 =	sor.u32 $0x420, s2;
	[tilespmem:s14+$0x13900] =	vst v9  }
0x13c: {  	s23 =	sor.u32 $0x430, s2;
	[tilespmem:s15+$0x13900] =	vst v10  }
0x13d: {  	s16 =	smov.u32 s13;
	p0 =	por !p0, !p0;
	s29 =	sor.u32 $0x440, s2;
	[tilespmem:s23+$0x13900] =	vst v11  }
0x13e: {  	s5 =	sor.u32 $0x460, s2;
	s6 =	sor.u32 $0x450, s2;
	s7 =	sor.u32 $0x470, s2;
	[tilespmem:s29+$0x13900] =	vst v12  }
0x13f: {  	s2 =	simm.s32 $0x200;
	s3 =	simm.s32 $0x400;
	s1 =	simm.s32 $0x0;
	[tilespmem:s6+$0x13900] =	vst v13  }
.LBB2_6:
0x140: {  	s6 =	sand.u32 $0x7800, s3;
	s11 =	sand.u32 $0x200, s2;
	s1 =	sadd.s32 $0x4, s1;
	[tilespmem:s5+$0x13900] =	vst v14  }
0x141: {  	s5 =	sor.u32 s11, s6;
	p1 =	slt.u32 s1, $0x5C;
	[tilespmem:s7+$0x13900] =	vst v15;
	s6 =	simm.s32 $0x1  }
0x142: {  	s6 =	simm.s32 @!p0 $0x0;
	[tilespmem:s5+$0x13900] =	vst v0;
	s11 =	sadd.s32 $0x13900, s5  }
0x143: {  	s5 =	sshll.u32 s6, $0x9;
	[tilespmem:s11+$0x60] =	vst v6  }
0x144: {  	s6 =	sadd.s32 s5, s3;
	[tilespmem:s11+$0x70] =	vst v7  }
0x145: {  	[tilespmem:s11+$0x50] =	vst v5;
	s12 =	sor.u32 $0x400, s6;
	s5 =	sadd.s32 $0x80, s6;
	s14 =	sadd.s32 $0x100, s6  }
0x146: {  	s7 =	sadd.s32 $0x180, s6;
	[tilespmem:s11+$0x30] =	vst v3  }
0x147: {  	[tilespmem:s11+$0x20] =	vst v2  }
0x148: {  	[tilespmem:s11+$0x10] =	vst v1  }
0x149: {  	s15 =	sor.u32 $0x410, s6;
	[tilespmem:s11+$0x40] =	vst v4  }
0x14a: {  	[tilespmem:s12+$0x13900] =	vst v8  }
0x14b: {  	s12 =	sor.u32 $0x420, s6;
	[tilespmem:s15+$0x13900] =	vst v9  }
0x14c: {  	[tilespmem:s12+$0x13900] =	vst v10;
	s12 =	sor.u32 $0x430, s6  }
0x14d: {  	[tilespmem:s12+$0x13900] =	vst v11;
	s12 =	sor.u32 $0x440, s6  }
0x14e: {  	[tilespmem:s12+$0x13900] =	vst v12;
	s12 =	sor.u32 $0x450, s6  }
0x14f: {  	[tilespmem:s12+$0x13900] =	vst v13;
	s12 =	sor.u32 $0x460, s6  }
0x150: {  	s6 =	sor.u32 $0x470, s6;
	[tilespmem:s12+$0x13900] =	vst v14  }
0x151: {  	[tilespmem:s6+$0x13900] =	vst v15  }
0x152: {  	[tilespmem:s11+$0xC0] =	vst v4  }
0x153: {  	[tilespmem:s11+$0xF0] =	vst v7  }
0x154: {  	[tilespmem:s11+$0xE0] =	vst v6  }
0x155: {  	[tilespmem:s11+$0xD0] =	vst v5  }
0x156: {  	[tilespmem:s11+$0x90] =	vst v1  }
0x157: {  	[tilespmem:s11+$0xA0] =	vst v2  }
0x158: {  	[tilespmem:s11+$0x80] =	vst v0  }
0x159: {  	s6 =	sor.u32 $0x400, s5;
	[tilespmem:s11+$0xB0] =	vst v3  }
0x15a: {  	[tilespmem:s6+$0x13900] =	vst v8;
	s6 =	sor.u32 $0x410, s5  }
0x15b: {  	[tilespmem:s6+$0x13900] =	vst v9;
	s6 =	sor.u32 $0x420, s5  }
0x15c: {  	[tilespmem:s6+$0x13900] =	vst v10;
	s6 =	sor.u32 $0x430, s5  }
0x15d: {  	[tilespmem:s6+$0x13900] =	vst v11;
	s6 =	sor.u32 $0x440, s5  }
0x15e: {  	[tilespmem:s6+$0x13900] =	vst v12;
	s6 =	sor.u32 $0x450, s5  }
0x15f: {  	[tilespmem:s6+$0x13900] =	vst v13;
	s6 =	sor.u32 $0x460, s5  }
0x160: {  	s5 =	sor.u32 $0x470, s5;
	[tilespmem:s6+$0x13900] =	vst v14  }
0x161: {  	[tilespmem:s5+$0x13900] =	vst v15  }
0x162: {  	[tilespmem:s11+$0x160] =	vst v6  }
0x163: {  	[tilespmem:s11+$0x170] =	vst v7  }
0x164: {  	[tilespmem:s11+$0x150] =	vst v5  }
0x165: {  	[tilespmem:s11+$0x140] =	vst v4  }
0x166: {  	[tilespmem:s11+$0x120] =	vst v2  }
0x167: {  	[tilespmem:s11+$0x110] =	vst v1  }
0x168: {  	[tilespmem:s11+$0x130] =	vst v3  }
0x169: {  	s5 =	sor.u32 $0x400, s14;
	[tilespmem:s11+$0x100] =	vst v0  }
0x16a: {  	[tilespmem:s5+$0x13900] =	vst v8;
	s5 =	sor.u32 $0x410, s14  }
0x16b: {  	[tilespmem:s5+$0x13900] =	vst v9;
	s5 =	sor.u32 $0x420, s14  }
0x16c: {  	[tilespmem:s5+$0x13900] =	vst v10;
	s5 =	sor.u32 $0x430, s14  }
0x16d: {  	[tilespmem:s5+$0x13900] =	vst v11;
	s5 =	sor.u32 $0x440, s14  }
0x16e: {  	[tilespmem:s5+$0x13900] =	vst v12;
	s5 =	sor.u32 $0x450, s14  }
0x16f: {  	[tilespmem:s5+$0x13900] =	vst v13;
	s5 =	sor.u32 $0x460, s14  }
0x170: {  	[tilespmem:s5+$0x13900] =	vst v14;
	s5 =	sor.u32 $0x470, s14  }
0x171: {  	[tilespmem:s5+$0x13900] =	vst v15  }
0x172: {  	[tilespmem:s11+$0x1C0] =	vst v4  }
0x173: {  	[tilespmem:s11+$0x1F0] =	vst v7  }
0x174: {  	[tilespmem:s11+$0x1E0] =	vst v6  }
0x175: {  	[tilespmem:s11+$0x1D0] =	vst v5  }
0x176: {  	[tilespmem:s11+$0x190] =	vst v1  }
0x177: {  	[tilespmem:s11+$0x1B0] =	vst v3  }
0x178: {  	s5 =	sor.u32 $0x400, s7;
	[tilespmem:s11+$0x1A0] =	vst v2  }
0x179: {  	s6 =	sor.u32 $0x410, s7;
	[tilespmem:s11+$0x180] =	vst v0  }
0x17a: {  	[tilespmem:s5+$0x13900] =	vst v8;
	s5 =	sor.u32 $0x420, s7  }
.Ltmp1:
0x17b: {  	[tilespmem:s6+$0x13900] =	vst v9;
	s6 =	sor.u32 $0x430, s7;
	(pc) =	sbr.rel @p1 .LBB2_6-.Ltmp1, $4  }
0x17c: {  	[tilespmem:s5+$0x13900] =	vst v10;
	s5 =	sor.u32 $0x440, s7  }
0x17d: {  	[tilespmem:s6+$0x13900] =	vst v11;
	s6 =	sor.u32 $0x450, s7  }
0x17e: {  	p0 =	por !p0, !p0;
	[tilespmem:s5+$0x13900] =	vst v12;
	s5 =	sor.u32 $0x460, s7  }
0x17f: {  	s2 =	sadd.s32 $0x200, s2;
	s3 =	sadd.s32 $0x400, s3;
	s7 =	sor.u32 $0x470, s7;
	[tilespmem:s6+$0x13900] =	vst v13  }
0x180: {  	[tilespmem:s5+$0x13900] =	vst v14;
	s25 =	sadd.s32 $0x1, s25  }
0x181: {  	s1 =	sadd.s32 $0x80, s22;
	[tilespmem:s7+$0x13900] =	vst v15;
	p0 =	sne.s32 s25, $0x4  }
0x182: {  	[hbm4b:s1+s19] =	stream.strided.scatter [tilespmem:s4], [sflag:$0x6], $0x6000, s28, s19, $0x38;
	[tilespmem:$0x19900] =	vst v63  }
.Ltmp2:
0x183: {  	_ = 	snop;
	(pc) =	sbr.rel @p0 .LBB2_3-.Ltmp2, $4  }
0x184: {  	s23 =	sadd.s32 $0x1280, s22  }
0x185: {  	[hbm4b:s23+s19] =	stream.strided.scatter [tilespmem:s4], [sflag:$0x6], $0x6000, s28, s19, $0x38;
	[tilespmem:$0x19900] =	vst v63  }
0x186: {  	s29 =	sadd.s32 $0x2480, s22  }
0x187: {  	[hbm4b:s29+s20] =	stream.linear.scatter [tilespmem:s4], [sflag:$0x6], $0x800, $0x38;
	[tilespmem:$0x19900] =	vst v63  }
0x188: {  	s2 =	simm.s32 $0x8  }
0x189: {  	s3 =	sor.u32 $0x8, s10;
	_ =	swait.ge [sflag:s2], $0x400  }
0x18a: {  	[dreg:$0xe] =	wrdreg s3;
	[sflag:s2] =	ssyncset.done $0x0  }
0x18b: {  	s1 =	rddreg [dreg:$0x6];
	[sflag:s2] =	ssyncadd.s32 $0xFFFFFC00  }
0x18c: {  	s29 =	rddreg [dreg:$0xd];
	_ =	swait.ge [sflag:s2], $0x400  }
0x18d: {  	s10 =	sor.u32 s1, s3;
	p0 =	seq.s32 s29, $0x7;
	[sflag:s2] =	ssyncset.done $0x0  }
0x18e: {  	s1 =	sadd.s32 @!p0 $0x8, s10;
	[sflag:s2] =	ssyncadd.s32 $0xFFFFFC00  }
0x18f: {  	s1 =	sshrl.u32 @!p0 s1, $0x3;
	s2 =	rddreg [dreg:$0x0]  }
0x190: {  	s3 =	simm.s32 @!p0 $0x0;
	s2 =	sadd.s32 @!p0 s2, s1  }
0x191: {  	[tilespmem:s3], [sflag:$0x9] =	stream.linear.gather @!p0 [hbm4b:s2+s3], $0x8, $0x38;
	[tilespmem:$0x19900] =	vst v63  }
0x192: {  	s2 =	simm.s32 @!p0 $0x9  }
0x193: {  	_ =	swait.ge @!p0 [sflag:s2], $0x8  }
0x194: {  	[sflag:s2] =	ssyncset.done @!p0 $0x0  }
0x195: {  	[sflag:s2] =	ssyncadd.s32 @!p0 $0xFFFFFFF8  }
0x196: {  	s5 =	rddreg [dreg:$0x1]  }
0x197: {  	s1 =	sadd.s32 @!p0 s5, s1;
	s5 =	simm.s32 @!p0 $0x8  }
0x198: {  	[tilespmem:s5], [sflag:$0x9] =	stream.linear.gather @!p0 [hbm4b:s1+s3], $0x8, $0x38;
	[tilespmem:$0x19900] =	vst v63  }
0x199: {  	_ =	swait.ge @!p0 [sflag:s2], $0x8  }
0x19a: {  	[sflag:s2] =	ssyncset.done @!p0 $0x0  }
0x19b: {  	[sflag:s2] =	ssyncadd.s32 @!p0 $0xFFFFFFF8  }
0x19c: {  	s1 =	simm.s32 @!p0 $0x100;
	s2 =	rddreg [dreg:$0x2]  }
0x19d: {  	[tilespmem:s1], [sflag:$0x7] =	stream.indirect.gather @!p0 [hbm4b:s2+s5], $0x80, s3, s5, $0xb8;
	[tilespmem:$0x19900] =	vst v63  }
0x19e: {  	s25 =	simm.s32 $0x0;
	s1 =	simm.s32 @!p0 $0x500  }
0x19f: {  	[tilespmem:s1], [sflag:$0x7] =	stream.indirect.gather @!p0 [hbm4b:s2+s5], $0x80, s5, s5, $0xb8;
	[tilespmem:$0x19900] =	vst v63  }
.LBB2_9:
0x1a0: {  	s22 =	sshll.u32 s25, $0x1  }
0x1a1: {  	s2 =	sor.u32 s10, s22  }
0x1a2: {  	s1 =	smul.u32 $0x12C00, s2  }
0x1a3: {  	_ =	swait.ge [sflag:s26], $0x6400  }
0x1a4: {  	[sflag:s26] =	ssyncset.done $0x0;
	s3 =	sshrl.u32 s1, $0x3  }
0x1a5: {  	s7 =	simm.s32 $0x1100;
	[sflag:s26] =	ssyncadd.s32 $0xFFFF9C00;
	s23 =	sadd.s32 s16, s3  }
0x1a6: {  	[hbm4b:s23+s18] =	stream.strided.scatter [tilespmem:s7], [sflag:$0x3], $0x6400, s28, s18, $0x38;
	[tilespmem:$0x19900] =	vst v63  }
0x1a7: {  	s5 =	simm.s32 $0x4;
	s7 =	sor.u32 $0x1, s2  }
0x1a8: {  	_ =	swait.ge [sflag:s5], $0x6400;
	s11 =	smul.u32 $0x1900, s7  }
0x1a9: {  	[sflag:s5] =	ssyncset.done $0x0  }
0x1aa: {  	[sflag:s5] =	ssyncadd.s32 $0xFFFF9C00;
	s1 =	sadd.s32 s8, s11  }
0x1ab: {  	[tilespmem:s21], [sflag:$0x2] =	stream.strided.gather [hbm4b:s1+s18], $0x6400, s19, s18, $0x38;
	[tilespmem:$0x19900] =	vst v63  }
0x1ac: {  	_ =	swait.ge [sflag:s17], $0x6000  }
0x1ad: {  	[sflag:s17] =	ssyncset.done $0x0  }
0x1ae: {  	[sflag:s17] =	ssyncadd.s32 $0xFFFFA000  }
0x1af: {  	_ =	swait.ge [sflag:s17], $0x6000  }
0x1b0: {  	[sflag:s17] =	ssyncset.done $0x0  }
0x1b1: {  	[sflag:s17] =	ssyncadd.s32 $0xFFFFA000  }
0x1b2: {  	_ =	swait.ge [sflag:s17], $0x800  }
0x1b3: {  	s12 =	sshll.u32 s25, $0x8;
	[sflag:s17] =	ssyncset.done $0x0  }
0x1b4: {  	s1 =	sand.u32 $0x3FFFFF00, s12;
	[sflag:s17] =	ssyncadd.s32 $0xFFFFF800  }
0x1b5: {  	v0 =	vld [tilespmem:s1+$0x900]  }
0x1b6: {  	v1 =	vld [tilespmem:s1+$0x910]  }
0x1b7: {  	v2 =	vld [tilespmem:s1+$0x920]  }
0x1b8: {  	v3 =	vld [tilespmem:s1+$0x930]  }
0x1b9: {  	v4 =	vld [tilespmem:s1+$0x940]  }
0x1ba: {  	v5 =	vld [tilespmem:s1+$0x950]  }
0x1bb: {  	v6 =	vld [tilespmem:s1+$0x960]  }
0x1bc: {  	v7 =	vld [tilespmem:s1+$0x970]  }
0x1bd: {  	v8 =	vld [tilespmem:s1+$0xD00]  }
0x1be: {  	v9 =	vld [tilespmem:s1+$0xD10]  }
0x1bf: {  	v10 =	vld [tilespmem:s1+$0xD20]  }
0x1c0: {  	v11 =	vld [tilespmem:s1+$0xD30]  }
0x1c1: {  	s6 =	simm.s32 $0x0;
	v12 =	vld [tilespmem:s1+$0xD40]  }
0x1c2: {  	s14 =	sand.u32 $0x7800, s6;
	s6 =	sand.u32 $0x200, s6;
	v14 =	vld [tilespmem:s1+$0xD50]  }
0x1c3: {  	s11 =	sor.u32 s6, s14;
	v13 =	vld [tilespmem:s1+$0xD60]  }
0x1c4: {  	v15 =	vld [tilespmem:s1+$0xD70];
	[tilespmem:s11+$0xD970] =	vst v7  }
0x1c5: {  	[tilespmem:s11+$0xD960] =	vst v6  }
0x1c6: {  	[tilespmem:s11+$0xD950] =	vst v5  }
0x1c7: {  	p0 =	por $0x0, $0x0;
	s5 =	simm.s32 $0x1;
	[tilespmem:s11+$0xD940] =	vst v4  }
0x1c8: {  	s5 =	simm.s32 @!p0 $0x0;
	[tilespmem:s11+$0xD920] =	vst v2  }
0x1c9: {  	s5 =	sshll.u32 s5, $0x9;
	[tilespmem:s11+$0xD910] =	vst v1  }
0x1ca: {  	s14 =	sadd.s32 $0x0, s5;
	[tilespmem:s11+$0xD900] =	vst v0  }
0x1cb: {  	s5 =	sor.u32 $0x400, s14;
	[tilespmem:s11+$0xD930] =	vst v3  }
0x1cc: {  	s15 =	sor.u32 $0x410, s14;
	[tilespmem:s5+$0xD900] =	vst v8  }
0x1cd: {  	s16 =	sor.u32 $0x420, s14;
	[tilespmem:s15+$0xD900] =	vst v9  }
0x1ce: {  	s20 =	sor.u32 $0x430, s14;
	[tilespmem:s16+$0xD900] =	vst v10  }
0x1cf: {  	s21 =	sor.u32 $0x440, s14;
	[tilespmem:s20+$0xD900] =	vst v11  }
0x1d0: {  	s24 =	sor.u32 $0x450, s14;
	[tilespmem:s21+$0xD900] =	vst v12  }
0x1d1: {  	s29 =	sor.u32 $0x460, s14;
	[tilespmem:s24+$0xD900] =	vst v14  }
0x1d2: {  	s6 =	sor.u32 $0x470, s14;
	[tilespmem:s29+$0xD900] =	vst v13  }
0x1d3: {  	[tilespmem:s6+$0xD900] =	vst v15  }
0x1d4: {  	[tilespmem:s11+$0xD9C0] =	vst v4  }
0x1d5: {  	[tilespmem:s11+$0xD9F0] =	vst v7  }
0x1d6: {  	[tilespmem:s11+$0xD9D0] =	vst v5  }
0x1d7: {  	[tilespmem:s11+$0xD990] =	vst v1  }
0x1d8: {  	[tilespmem:s11+$0xD9B0] =	vst v3  }
0x1d9: {  	[tilespmem:s11+$0xD9E0] =	vst v6  }
0x1da: {  	s5 =	sadd.s32 $0x80, s14;
	[tilespmem:s11+$0xD9A0] =	vst v2  }
0x1db: {  	s12 =	sor.u32 $0x400, s5;
	[tilespmem:s11+$0xD980] =	vst v0  }
0x1dc: {  	s15 =	sor.u32 $0x410, s5;
	[tilespmem:s12+$0xD900] =	vst v8  }
0x1dd: {  	s16 =	sor.u32 $0x420, s5;
	[tilespmem:s15+$0xD900] =	vst v9  }
0x1de: {  	s20 =	sor.u32 $0x430, s5;
	[tilespmem:s16+$0xD900] =	vst v10  }
0x1df: {  	s21 =	sor.u32 $0x440, s5;
	[tilespmem:s20+$0xD900] =	vst v11  }
0x1e0: {  	s24 =	sor.u32 $0x450, s5;
	[tilespmem:s21+$0xD900] =	vst v12  }
0x1e1: {  	s29 =	sor.u32 $0x460, s5;
	[tilespmem:s24+$0xD900] =	vst v14  }
0x1e2: {  	s5 =	sor.u32 $0x470, s5;
	[tilespmem:s29+$0xD900] =	vst v13  }
0x1e3: {  	[tilespmem:s5+$0xD900] =	vst v15  }
0x1e4: {  	[tilespmem:s11+$0xDA60] =	vst v6  }
0x1e5: {  	[tilespmem:s11+$0xDA70] =	vst v7  }
0x1e6: {  	[tilespmem:s11+$0xDA50] =	vst v5  }
0x1e7: {  	[tilespmem:s11+$0xDA40] =	vst v4  }
0x1e8: {  	[tilespmem:s11+$0xDA10] =	vst v1  }
0x1e9: {  	[tilespmem:s11+$0xDA20] =	vst v2  }
0x1ea: {  	s5 =	sadd.s32 $0x100, s14;
	[tilespmem:s11+$0xDA30] =	vst v3  }
0x1eb: {  	[tilespmem:s11+$0xDA00] =	vst v0;
	s12 =	sor.u32 $0x400, s5  }
0x1ec: {  	s15 =	sor.u32 $0x410, s5;
	[tilespmem:s12+$0xD900] =	vst v8  }
0x1ed: {  	s16 =	sor.u32 $0x420, s5;
	[tilespmem:s15+$0xD900] =	vst v9  }
0x1ee: {  	s20 =	sor.u32 $0x430, s5;
	[tilespmem:s16+$0xD900] =	vst v10  }
0x1ef: {  	s21 =	sor.u32 $0x440, s5;
	[tilespmem:s20+$0xD900] =	vst v11  }
0x1f0: {  	s24 =	sor.u32 $0x450, s5;
	[tilespmem:s21+$0xD900] =	vst v12  }
0x1f1: {  	s29 =	sor.u32 $0x460, s5;
	[tilespmem:s24+$0xD900] =	vst v14  }
0x1f2: {  	s5 =	sor.u32 $0x470, s5;
	[tilespmem:s29+$0xD900] =	vst v13  }
0x1f3: {  	[tilespmem:s5+$0xD900] =	vst v15  }
0x1f4: {  	[tilespmem:s11+$0xDAC0] =	vst v4  }
0x1f5: {  	[tilespmem:s11+$0xDAF0] =	vst v7  }
0x1f6: {  	[tilespmem:s11+$0xDAE0] =	vst v6  }
0x1f7: {  	[tilespmem:s11+$0xDAD0] =	vst v5  }
0x1f8: {  	[tilespmem:s11+$0xDA90] =	vst v1  }
0x1f9: {  	[tilespmem:s11+$0xDAB0] =	vst v3  }
0x1fa: {  	s12 =	sadd.s32 $0x180, s14;
	[tilespmem:s11+$0xDAA0] =	vst v2  }
0x1fb: {  	s14 =	sor.u32 $0x400, s12;
	[tilespmem:s11+$0xDA80] =	vst v0  }
0x1fc: {  	s15 =	sor.u32 $0x410, s12;
	[tilespmem:s14+$0xD900] =	vst v8  }
0x1fd: {  	s16 =	sor.u32 $0x420, s12;
	[tilespmem:s15+$0xD900] =	vst v9  }
0x1fe: {  	s20 =	sor.u32 $0x430, s12;
	[tilespmem:s16+$0xD900] =	vst v10  }
0x1ff: {  	p0 =	por !p0, !p0;
	s24 =	sor.u32 $0x440, s12;
	[tilespmem:s20+$0xD900] =	vst v11  }
0x200: {  	s21 =	simm.s32 $0x0;
	s29 =	sor.u32 $0x450, s12;
	s5 =	sor.u32 $0x460, s12;
	[tilespmem:s24+$0xD900] =	vst v12  }
0x201: {  	s11 =	sor.u32 $0x470, s12;
	s14 =	simm.s32 $0x200;
	s15 =	simm.s32 $0x400;
	[tilespmem:s29+$0xD900] =	vst v14  }
.LBB2_10:
0x202: {  	s6 =	sand.u32 $0x7800, s15  }
0x203: {  	s12 =	sand.u32 $0x200, s14;
	s21 =	sadd.s32 $0x4, s21;
	[tilespmem:s5+$0xD900] =	vst v13;
	s5 =	simm.s32 $0x1  }
0x204: {  	s5 =	simm.s32 @!p0 $0x0;
	s20 =	sor.u32 s12, s6;
	p1 =	slt.u32 s21, $0x5C;
	[tilespmem:s11+$0xD900] =	vst v15  }
0x205: {  	s5 =	sshll.u32 s5, $0x9;
	[tilespmem:s20+$0xD970] =	vst v7  }
0x206: {  	s6 =	sadd.s32 s5, s15;
	[tilespmem:s20+$0xD960] =	vst v6  }
0x207: {  	[tilespmem:s20+$0xD950] =	vst v5;
	s12 =	sor.u32 $0x400, s6;
	s5 =	sadd.s32 $0x80, s6;
	s16 =	sadd.s32 $0x100, s6  }
0x208: {  	s11 =	sadd.s32 $0x180, s6;
	[tilespmem:s20+$0xD940] =	vst v4  }
0x209: {  	[tilespmem:s20+$0xD920] =	vst v2  }
0x20a: {  	[tilespmem:s20+$0xD910] =	vst v1  }
0x20b: {  	[tilespmem:s20+$0xD900] =	vst v0  }
0x20c: {  	[tilespmem:s20+$0xD930] =	vst v3  }
0x20d: {  	s29 =	sor.u32 $0x440, s6;
	[tilespmem:s12+$0xD900] =	vst v8;
	s12 =	sor.u32 $0x410, s6  }
0x20e: {  	[tilespmem:s12+$0xD900] =	vst v9;
	s12 =	sor.u32 $0x420, s6  }
0x20f: {  	s24 =	sor.u32 $0x450, s6;
	[tilespmem:s12+$0xD900] =	vst v10;
	s12 =	sor.u32 $0x430, s6  }
0x210: {  	[tilespmem:s12+$0xD900] =	vst v11  }
0x211: {  	[tilespmem:s29+$0xD900] =	vst v12  }
0x212: {  	s12 =	sor.u32 $0x460, s6;
	[tilespmem:s24+$0xD900] =	vst v14  }
0x213: {  	s6 =	sor.u32 $0x470, s6;
	[tilespmem:s12+$0xD900] =	vst v13  }
0x214: {  	[tilespmem:s6+$0xD900] =	vst v15  }
0x215: {  	[tilespmem:s20+$0xD9C0] =	vst v4  }
0x216: {  	[tilespmem:s20+$0xD9F0] =	vst v7  }
0x217: {  	[tilespmem:s20+$0xD9D0] =	vst v5  }
0x218: {  	[tilespmem:s20+$0xD990] =	vst v1  }
0x219: {  	[tilespmem:s20+$0xD9B0] =	vst v3  }
0x21a: {  	[tilespmem:s20+$0xD9E0] =	vst v6  }
0x21b: {  	[tilespmem:s20+$0xD9A0] =	vst v2  }
0x21c: {  	s6 =	sor.u32 $0x400, s5;
	[tilespmem:s20+$0xD980] =	vst v0  }
0x21d: {  	[tilespmem:s6+$0xD900] =	vst v8;
	s6 =	sor.u32 $0x410, s5  }
0x21e: {  	[tilespmem:s6+$0xD900] =	vst v9;
	s6 =	sor.u32 $0x420, s5  }
0x21f: {  	[tilespmem:s6+$0xD900] =	vst v10;
	s6 =	sor.u32 $0x430, s5  }
0x220: {  	[tilespmem:s6+$0xD900] =	vst v11;
	s6 =	sor.u32 $0x440, s5  }
0x221: {  	[tilespmem:s6+$0xD900] =	vst v12;
	s6 =	sor.u32 $0x450, s5  }
0x222: {  	[tilespmem:s6+$0xD900] =	vst v14;
	s6 =	sor.u32 $0x460, s5  }
0x223: {  	s5 =	sor.u32 $0x470, s5;
	[tilespmem:s6+$0xD900] =	vst v13  }
0x224: {  	[tilespmem:s5+$0xD900] =	vst v15  }
0x225: {  	[tilespmem:s20+$0xDA60] =	vst v6  }
0x226: {  	[tilespmem:s20+$0xDA70] =	vst v7  }
0x227: {  	[tilespmem:s20+$0xDA50] =	vst v5  }
0x228: {  	[tilespmem:s20+$0xDA40] =	vst v4  }
0x229: {  	[tilespmem:s20+$0xDA10] =	vst v1  }
0x22a: {  	[tilespmem:s20+$0xDA20] =	vst v2  }
0x22b: {  	[tilespmem:s20+$0xDA30] =	vst v3  }
0x22c: {  	s5 =	sor.u32 $0x400, s16;
	[tilespmem:s20+$0xDA00] =	vst v0  }
0x22d: {  	[tilespmem:s5+$0xD900] =	vst v8;
	s5 =	sor.u32 $0x410, s16  }
0x22e: {  	[tilespmem:s5+$0xD900] =	vst v9;
	s5 =	sor.u32 $0x420, s16  }
0x22f: {  	[tilespmem:s5+$0xD900] =	vst v10;
	s5 =	sor.u32 $0x430, s16  }
0x230: {  	[tilespmem:s5+$0xD900] =	vst v11;
	s5 =	sor.u32 $0x440, s16  }
0x231: {  	[tilespmem:s5+$0xD900] =	vst v12;
	s5 =	sor.u32 $0x450, s16  }
0x232: {  	[tilespmem:s5+$0xD900] =	vst v14;
	s5 =	sor.u32 $0x460, s16  }
0x233: {  	[tilespmem:s5+$0xD900] =	vst v13;
	s5 =	sor.u32 $0x470, s16  }
0x234: {  	[tilespmem:s5+$0xD900] =	vst v15  }
0x235: {  	[tilespmem:s20+$0xDAC0] =	vst v4  }
0x236: {  	[tilespmem:s20+$0xDAF0] =	vst v7  }
0x237: {  	[tilespmem:s20+$0xDAE0] =	vst v6  }
0x238: {  	[tilespmem:s20+$0xDAD0] =	vst v5  }
0x239: {  	[tilespmem:s20+$0xDA90] =	vst v1  }
0x23a: {  	[tilespmem:s20+$0xDAB0] =	vst v3  }
0x23b: {  	s5 =	sor.u32 $0x400, s11;
	[tilespmem:s20+$0xDAA0] =	vst v2  }
0x23c: {  	s6 =	sor.u32 $0x410, s11;
	[tilespmem:s20+$0xDA80] =	vst v0  }
0x23d: {  	[tilespmem:s5+$0xD900] =	vst v8;
	s5 =	sor.u32 $0x420, s11  }
.Ltmp3:
0x23e: {  	[tilespmem:s6+$0xD900] =	vst v9;
	s6 =	sor.u32 $0x430, s11;
	(pc) =	sbr.rel @p1 .LBB2_10-.Ltmp3, $4  }
0x23f: {  	[tilespmem:s5+$0xD900] =	vst v10;
	s5 =	sor.u32 $0x440, s11  }
0x240: {  	[tilespmem:s6+$0xD900] =	vst v11;
	s6 =	sor.u32 $0x450, s11  }
0x241: {  	p0 =	por !p0, !p0;
	[tilespmem:s5+$0xD900] =	vst v12;
	s5 =	sor.u32 $0x460, s11  }
0x242: {  	s14 =	sadd.s32 $0x200, s14;
	s15 =	sadd.s32 $0x400, s15;
	s11 =	sor.u32 $0x470, s11;
	[tilespmem:s6+$0xD900] =	vst v14  }
0x243: {  	[tilespmem:s5+$0xD900] =	vst v13;
	s29 =	rddreg [dreg:$0xa]  }
0x244: {  	[tilespmem:s11+$0xD900] =	vst v15;
	s3 =	sadd.s32 s3, s29  }
0x245: {  	[hbm4b:s3+s19] =	stream.strided.scatter [tilespmem:s30], [sflag:$0x5], $0x6000, s28, s19, $0x38;
	[tilespmem:$0x19900] =	vst v63  }
0x246: {  	s5 =	sadd.s32 $0x1280, s23;
	s6 =	sadd.s32 $0x2480, s23  }
0x247: {  	[hbm4b:s5+s19] =	stream.strided.scatter [tilespmem:s30], [sflag:$0x5], $0x6000, s28, s19, $0x38;
	[tilespmem:$0x19900] =	vst v63  }
0x248: {  	s20 =	simm.s32 $0x0;
	s12 =	rddreg [dreg:$0xe];
	s11 =	smul.u32 $0x12C00, s7  }
0x249: {  	[hbm4b:s6+s20] =	stream.linear.scatter [tilespmem:s30], [sflag:$0x5], $0x800, $0x38;
	[tilespmem:$0x19900] =	vst v63  }
0x24a: {  	s21 =	simm.s32 $0x7500;
	s5 =	sor.u32 s12, s22;
	_ =	swait.ge [sflag:s31], $0x6400  }
0x24b: {  	s3 =	sshrl.u32 s11, $0x3;
	p0 =	sgt.u32 s5, $0x7D;
	[sflag:s31] =	ssyncset.done $0x0  }
0x24c: {  	s22 =	sadd.s32 s13, s3;
	s2 =	smul.u32 @!p0 $0xC800, s2;
	[sflag:s31] =	ssyncadd.s32 $0xFFFF9C00  }
0x24d: {  	[hbm4b:s22+s18] =	stream.strided.scatter [tilespmem:s21], [sflag:$0x4], $0x6400, s28, s18, $0x38;
	[tilespmem:$0x19900] =	vst v63  }
0x24e: {  	s3 =	simm.s32 @!p0 $0x400;
	s2 =	sshrl.u32 @!p0 s2, $0x3;
	_ =	swait.ge [sflag:s0], $0x6400  }
0x24f: {  	s5 =	simm.s32 @!p0 $0x800;
	s2 =	sadd.s32 @!p0 s8, s2;
	[sflag:s0] =	ssyncset.done $0x0  }
0x250: {  	s6 =	simm.s32 @!p0 $0x1100;
	s2 =	sadd.s32 @!p0 $0x3200, s2;
	[sflag:s0] =	ssyncadd.s32 $0xFFFF9C00  }
0x251: {  	[tilespmem:s6], [sflag:$0x1] =	stream.strided.gather @!p0 [hbm4b:s2+s3], $0x6400, s5, s3, $0x38;
	[tilespmem:$0x19900] =	vst v63  }
0x252: {  	_ =	swait.ge [sflag:s9], $0x6000  }
0x253: {  	[sflag:s9] =	ssyncset.done $0x0  }
0x254: {  	[sflag:s9] =	ssyncadd.s32 $0xFFFFA000  }
0x255: {  	_ =	swait.ge [sflag:s9], $0x6000  }
0x256: {  	[sflag:s9] =	ssyncset.done $0x0  }
0x257: {  	[sflag:s9] =	ssyncadd.s32 $0xFFFFA000  }
0x258: {  	_ =	swait.ge [sflag:s9], $0x800  }
0x259: {  	[sflag:s9] =	ssyncset.done $0x0  }
0x25a: {  	[sflag:s9] =	ssyncadd.s32 $0xFFFFF800  }
0x25b: {  	v0 =	vld [tilespmem:s1+$0x980]  }
0x25c: {  	v1 =	vld [tilespmem:s1+$0x990]  }
0x25d: {  	v2 =	vld [tilespmem:s1+$0x9A0]  }
0x25e: {  	v3 =	vld [tilespmem:s1+$0x9B0]  }
0x25f: {  	v4 =	vld [tilespmem:s1+$0x9C0]  }
0x260: {  	v5 =	vld [tilespmem:s1+$0x9D0]  }
0x261: {  	v6 =	vld [tilespmem:s1+$0x9E0]  }
0x262: {  	v7 =	vld [tilespmem:s1+$0x9F0]  }
0x263: {  	v8 =	vld [tilespmem:s1+$0xD80]  }
0x264: {  	v9 =	vld [tilespmem:s1+$0xD90]  }
0x265: {  	v10 =	vld [tilespmem:s1+$0xDA0]  }
0x266: {  	v11 =	vld [tilespmem:s1+$0xDB0]  }
0x267: {  	s14 =	simm.s32 $0x0;
	v12 =	vld [tilespmem:s1+$0xDC0]  }
0x268: {  	s15 =	sand.u32 $0x7800, s14;
	s2 =	sand.u32 $0x200, s14;
	v13 =	vld [tilespmem:s1+$0xDD0]  }
0x269: {  	s23 =	sor.u32 s2, s15;
	v14 =	vld [tilespmem:s1+$0xDE0]  }
0x26a: {  	v15 =	vld [tilespmem:s1+$0xDF0];
	s1 =	sadd.s32 $0x13900, s23;
	[tilespmem:s23+$0x13900] =	vst v0  }
0x26b: {  	[tilespmem:s1+$0x60] =	vst v6  }
0x26c: {  	[tilespmem:s1+$0x70] =	vst v7  }
0x26d: {  	p0 =	por $0x0, $0x0;
	s2 =	simm.s32 $0x1;
	[tilespmem:s1+$0x50] =	vst v5  }
0x26e: {  	s2 =	simm.s32 @!p0 $0x0;
	[tilespmem:s1+$0x40] =	vst v4  }
0x26f: {  	s2 =	sshll.u32 s2, $0x9;
	[tilespmem:s1+$0x30] =	vst v3  }
0x270: {  	s2 =	sadd.s32 $0x0, s2;
	[tilespmem:s1+$0x20] =	vst v2  }
0x271: {  	s24 =	sor.u32 $0x400, s2;
	[tilespmem:s1+$0x10] =	vst v1  }
0x272: {  	s29 =	sor.u32 $0x410, s2;
	[tilespmem:s24+$0x13900] =	vst v8  }
0x273: {  	s5 =	sor.u32 $0x420, s2;
	[tilespmem:s29+$0x13900] =	vst v9  }
0x274: {  	s6 =	sor.u32 $0x430, s2;
	[tilespmem:s5+$0x13900] =	vst v10  }
0x275: {  	s7 =	sor.u32 $0x440, s2;
	[tilespmem:s6+$0x13900] =	vst v11  }
0x276: {  	s11 =	sor.u32 $0x450, s2;
	[tilespmem:s7+$0x13900] =	vst v12  }
0x277: {  	s12 =	sor.u32 $0x460, s2;
	[tilespmem:s11+$0x13900] =	vst v13  }
0x278: {  	s14 =	sor.u32 $0x470, s2;
	[tilespmem:s12+$0x13900] =	vst v14  }
0x279: {  	[tilespmem:s14+$0x13900] =	vst v15  }
0x27a: {  	[tilespmem:s1+$0xC0] =	vst v4  }
0x27b: {  	[tilespmem:s1+$0xF0] =	vst v7  }
0x27c: {  	[tilespmem:s1+$0xE0] =	vst v6  }
0x27d: {  	[tilespmem:s1+$0xD0] =	vst v5  }
0x27e: {  	[tilespmem:s1+$0x90] =	vst v1  }
0x27f: {  	[tilespmem:s1+$0xA0] =	vst v2  }
0x280: {  	s15 =	sadd.s32 $0x80, s2;
	[tilespmem:s1+$0x80] =	vst v0  }
0x281: {  	s23 =	sor.u32 $0x400, s15;
	[tilespmem:s1+$0xB0] =	vst v3  }
0x282: {  	s24 =	sor.u32 $0x410, s15;
	[tilespmem:s23+$0x13900] =	vst v8  }
0x283: {  	s29 =	sor.u32 $0x420, s15;
	[tilespmem:s24+$0x13900] =	vst v9  }
0x284: {  	s6 =	sor.u32 $0x430, s15;
	[tilespmem:s29+$0x13900] =	vst v10  }
0x285: {  	s7 =	sor.u32 $0x440, s15;
	[tilespmem:s6+$0x13900] =	vst v11  }
0x286: {  	s11 =	sor.u32 $0x450, s15;
	[tilespmem:s7+$0x13900] =	vst v12  }
0x287: {  	s12 =	sor.u32 $0x460, s15;
	[tilespmem:s11+$0x13900] =	vst v13  }
0x288: {  	s3 =	sor.u32 $0x470, s15;
	[tilespmem:s12+$0x13900] =	vst v14  }
0x289: {  	[tilespmem:s3+$0x13900] =	vst v15  }
0x28a: {  	[tilespmem:s1+$0x160] =	vst v6  }
0x28b: {  	[tilespmem:s1+$0x170] =	vst v7  }
0x28c: {  	[tilespmem:s1+$0x150] =	vst v5  }
0x28d: {  	[tilespmem:s1+$0x140] =	vst v4  }
0x28e: {  	[tilespmem:s1+$0x120] =	vst v2  }
0x28f: {  	[tilespmem:s1+$0x110] =	vst v1  }
0x290: {  	s14 =	sadd.s32 $0x100, s2;
	[tilespmem:s1+$0x130] =	vst v3  }
0x291: {  	s15 =	sor.u32 $0x400, s14;
	[tilespmem:s1+$0x100] =	vst v0  }
0x292: {  	s23 =	sor.u32 $0x410, s14;
	[tilespmem:s15+$0x13900] =	vst v8  }
0x293: {  	s24 =	sor.u32 $0x420, s14;
	[tilespmem:s23+$0x13900] =	vst v9  }
0x294: {  	s29 =	sor.u32 $0x430, s14;
	[tilespmem:s24+$0x13900] =	vst v10  }
0x295: {  	s6 =	sor.u32 $0x440, s14;
	[tilespmem:s29+$0x13900] =	vst v11  }
0x296: {  	s7 =	sor.u32 $0x450, s14;
	[tilespmem:s6+$0x13900] =	vst v12  }
0x297: {  	s11 =	sor.u32 $0x460, s14;
	[tilespmem:s7+$0x13900] =	vst v13  }
0x298: {  	s3 =	sor.u32 $0x470, s14;
	[tilespmem:s11+$0x13900] =	vst v14  }
0x299: {  	[tilespmem:s3+$0x13900] =	vst v15  }
0x29a: {  	[tilespmem:s1+$0x1C0] =	vst v4  }
0x29b: {  	[tilespmem:s1+$0x1F0] =	vst v7  }
0x29c: {  	[tilespmem:s1+$0x1E0] =	vst v6  }
0x29d: {  	[tilespmem:s1+$0x1D0] =	vst v5  }
0x29e: {  	[tilespmem:s1+$0x190] =	vst v1  }
0x29f: {  	[tilespmem:s1+$0x1B0] =	vst v3  }
0x2a0: {  	s2 =	sadd.s32 $0x180, s2;
	[tilespmem:s1+$0x1A0] =	vst v2  }
0x2a1: {  	s12 =	sor.u32 $0x400, s2;
	[tilespmem:s1+$0x180] =	vst v0  }
0x2a2: {  	s14 =	sor.u32 $0x410, s2;
	[tilespmem:s12+$0x13900] =	vst v8  }
0x2a3: {  	s15 =	sor.u32 $0x420, s2;
	[tilespmem:s14+$0x13900] =	vst v9  }
0x2a4: {  	s23 =	sor.u32 $0x430, s2;
	[tilespmem:s15+$0x13900] =	vst v10  }
0x2a5: {  	s16 =	smov.u32 s13;
	p0 =	por !p0, !p0;
	s24 =	sor.u32 $0x440, s2;
	[tilespmem:s23+$0x13900] =	vst v11  }
0x2a6: {  	s5 =	sor.u32 $0x460, s2;
	s29 =	sor.u32 $0x450, s2;
	s7 =	sor.u32 $0x470, s2;
	[tilespmem:s24+$0x13900] =	vst v12  }
0x2a7: {  	s2 =	simm.s32 $0x200;
	s3 =	simm.s32 $0x400;
	s1 =	simm.s32 $0x0;
	[tilespmem:s29+$0x13900] =	vst v13  }
.LBB2_12:
0x2a8: {  	s6 =	sand.u32 $0x7800, s3;
	s11 =	sand.u32 $0x200, s2;
	s1 =	sadd.s32 $0x4, s1;
	[tilespmem:s5+$0x13900] =	vst v14  }
0x2a9: {  	s5 =	sor.u32 s11, s6;
	p1 =	slt.u32 s1, $0x5C;
	[tilespmem:s7+$0x13900] =	vst v15;
	s6 =	simm.s32 $0x1  }
0x2aa: {  	s6 =	simm.s32 @!p0 $0x0;
	[tilespmem:s5+$0x13900] =	vst v0;
	s11 =	sadd.s32 $0x13900, s5  }
0x2ab: {  	s5 =	sshll.u32 s6, $0x9;
	[tilespmem:s11+$0x60] =	vst v6  }
0x2ac: {  	s6 =	sadd.s32 s5, s3;
	[tilespmem:s11+$0x70] =	vst v7  }
0x2ad: {  	[tilespmem:s11+$0x50] =	vst v5;
	s12 =	sor.u32 $0x400, s6;
	s5 =	sadd.s32 $0x80, s6;
	s14 =	sadd.s32 $0x100, s6  }
0x2ae: {  	s7 =	sadd.s32 $0x180, s6;
	[tilespmem:s11+$0x30] =	vst v3  }
0x2af: {  	[tilespmem:s11+$0x20] =	vst v2  }
0x2b0: {  	[tilespmem:s11+$0x10] =	vst v1  }
0x2b1: {  	s15 =	sor.u32 $0x410, s6;
	[tilespmem:s11+$0x40] =	vst v4  }
0x2b2: {  	[tilespmem:s12+$0x13900] =	vst v8  }
0x2b3: {  	s12 =	sor.u32 $0x420, s6;
	[tilespmem:s15+$0x13900] =	vst v9  }
0x2b4: {  	[tilespmem:s12+$0x13900] =	vst v10;
	s12 =	sor.u32 $0x430, s6  }
0x2b5: {  	[tilespmem:s12+$0x13900] =	vst v11;
	s12 =	sor.u32 $0x440, s6  }
0x2b6: {  	[tilespmem:s12+$0x13900] =	vst v12;
	s12 =	sor.u32 $0x450, s6  }
0x2b7: {  	[tilespmem:s12+$0x13900] =	vst v13;
	s12 =	sor.u32 $0x460, s6  }
0x2b8: {  	s6 =	sor.u32 $0x470, s6;
	[tilespmem:s12+$0x13900] =	vst v14  }
0x2b9: {  	[tilespmem:s6+$0x13900] =	vst v15  }
0x2ba: {  	[tilespmem:s11+$0xC0] =	vst v4  }
0x2bb: {  	[tilespmem:s11+$0xF0] =	vst v7  }
0x2bc: {  	[tilespmem:s11+$0xE0] =	vst v6  }
0x2bd: {  	[tilespmem:s11+$0xD0] =	vst v5  }
0x2be: {  	[tilespmem:s11+$0x90] =	vst v1  }
0x2bf: {  	[tilespmem:s11+$0xA0] =	vst v2  }
0x2c0: {  	[tilespmem:s11+$0x80] =	vst v0  }
0x2c1: {  	s6 =	sor.u32 $0x400, s5;
	[tilespmem:s11+$0xB0] =	vst v3  }
0x2c2: {  	[tilespmem:s6+$0x13900] =	vst v8;
	s6 =	sor.u32 $0x410, s5  }
0x2c3: {  	[tilespmem:s6+$0x13900] =	vst v9;
	s6 =	sor.u32 $0x420, s5  }
0x2c4: {  	[tilespmem:s6+$0x13900] =	vst v10;
	s6 =	sor.u32 $0x430, s5  }
0x2c5: {  	[tilespmem:s6+$0x13900] =	vst v11;
	s6 =	sor.u32 $0x440, s5  }
0x2c6: {  	[tilespmem:s6+$0x13900] =	vst v12;
	s6 =	sor.u32 $0x450, s5  }
0x2c7: {  	[tilespmem:s6+$0x13900] =	vst v13;
	s6 =	sor.u32 $0x460, s5  }
0x2c8: {  	s5 =	sor.u32 $0x470, s5;
	[tilespmem:s6+$0x13900] =	vst v14  }
0x2c9: {  	[tilespmem:s5+$0x13900] =	vst v15  }
0x2ca: {  	[tilespmem:s11+$0x160] =	vst v6  }
0x2cb: {  	[tilespmem:s11+$0x170] =	vst v7  }
0x2cc: {  	[tilespmem:s11+$0x150] =	vst v5  }
0x2cd: {  	[tilespmem:s11+$0x140] =	vst v4  }
0x2ce: {  	[tilespmem:s11+$0x120] =	vst v2  }
0x2cf: {  	[tilespmem:s11+$0x110] =	vst v1  }
0x2d0: {  	[tilespmem:s11+$0x130] =	vst v3  }
0x2d1: {  	s5 =	sor.u32 $0x400, s14;
	[tilespmem:s11+$0x100] =	vst v0  }
0x2d2: {  	[tilespmem:s5+$0x13900] =	vst v8;
	s5 =	sor.u32 $0x410, s14  }
0x2d3: {  	[tilespmem:s5+$0x13900] =	vst v9;
	s5 =	sor.u32 $0x420, s14  }
0x2d4: {  	[tilespmem:s5+$0x13900] =	vst v10;
	s5 =	sor.u32 $0x430, s14  }
0x2d5: {  	[tilespmem:s5+$0x13900] =	vst v11;
	s5 =	sor.u32 $0x440, s14  }
0x2d6: {  	[tilespmem:s5+$0x13900] =	vst v12;
	s5 =	sor.u32 $0x450, s14  }
0x2d7: {  	[tilespmem:s5+$0x13900] =	vst v13;
	s5 =	sor.u32 $0x460, s14  }
0x2d8: {  	[tilespmem:s5+$0x13900] =	vst v14;
	s5 =	sor.u32 $0x470, s14  }
0x2d9: {  	[tilespmem:s5+$0x13900] =	vst v15  }
0x2da: {  	[tilespmem:s11+$0x1C0] =	vst v4  }
0x2db: {  	[tilespmem:s11+$0x1F0] =	vst v7  }
0x2dc: {  	[tilespmem:s11+$0x1E0] =	vst v6  }
0x2dd: {  	[tilespmem:s11+$0x1D0] =	vst v5  }
0x2de: {  	[tilespmem:s11+$0x190] =	vst v1  }
0x2df: {  	[tilespmem:s11+$0x1B0] =	vst v3  }
0x2e0: {  	s5 =	sor.u32 $0x400, s7;
	[tilespmem:s11+$0x1A0] =	vst v2  }
0x2e1: {  	s6 =	sor.u32 $0x410, s7;
	[tilespmem:s11+$0x180] =	vst v0  }
0x2e2: {  	[tilespmem:s5+$0x13900] =	vst v8;
	s5 =	sor.u32 $0x420, s7  }
.Ltmp4:
0x2e3: {  	[tilespmem:s6+$0x13900] =	vst v9;
	s6 =	sor.u32 $0x430, s7;
	(pc) =	sbr.rel @p1 .LBB2_12-.Ltmp4, $4  }
0x2e4: {  	[tilespmem:s5+$0x13900] =	vst v10;
	s5 =	sor.u32 $0x440, s7  }
0x2e5: {  	[tilespmem:s6+$0x13900] =	vst v11;
	s6 =	sor.u32 $0x450, s7  }
0x2e6: {  	p0 =	por !p0, !p0;
	[tilespmem:s5+$0x13900] =	vst v12;
	s5 =	sor.u32 $0x460, s7  }
0x2e7: {  	s2 =	sadd.s32 $0x200, s2;
	s3 =	sadd.s32 $0x400, s3;
	s7 =	sor.u32 $0x470, s7;
	[tilespmem:s6+$0x13900] =	vst v13  }
0x2e8: {  	[tilespmem:s5+$0x13900] =	vst v14;
	s25 =	sadd.s32 $0x1, s25  }
0x2e9: {  	s1 =	sadd.s32 $0x80, s22;
	[tilespmem:s7+$0x13900] =	vst v15;
	p0 =	sne.s32 s25, $0x4  }
0x2ea: {  	[hbm4b:s1+s19] =	stream.strided.scatter [tilespmem:s4], [sflag:$0x6], $0x6000, s28, s19, $0x38;
	[tilespmem:$0x19900] =	vst v63  }
.Ltmp5:
0x2eb: {  	_ = 	snop;
	(pc) =	sbr.rel @p0 .LBB2_9-.Ltmp5, $4  }
0x2ec: {  	s24 =	sadd.s32 $0x1280, s22  }
0x2ed: {  	[hbm4b:s24+s19] =	stream.strided.scatter [tilespmem:s4], [sflag:$0x6], $0x6000, s28, s19, $0x38;
	[tilespmem:$0x19900] =	vst v63  }
0x2ee: {  	s29 =	sadd.s32 $0x2480, s22  }
0x2ef: {  	[hbm4b:s29+s20] =	stream.linear.scatter [tilespmem:s4], [sflag:$0x6], $0x800, $0x38;
	[tilespmem:$0x19900] =	vst v63  }
0x2f0: {  	s1 =	rddreg [dreg:$0xd]  }
0x2f1: {  	s1 =	sadd.s32 $0x1, s1  }
0x2f2: {  	p0 =	sne.s32 s1, $0x8  }
.Ltmp6:
0x2f3: {  	_ = 	snop;
	(pc) =	sbr.rel @p0 .LBB2_2-.Ltmp6, $1  }
0x2f4: {  	_ =	sdelay $0x3  }
0x2f5: {  	_ =	swait.ge [sflag:s17], $0x6000  }
0x2f6: {  	[sflag:s17] =	ssyncset.done $0x0  }
0x2f7: {  	[sflag:s17] =	ssyncadd.s32 $0xFFFFA000  }
0x2f8: {  	_ =	swait.ge [sflag:s17], $0x6000  }
0x2f9: {  	[sflag:s17] =	ssyncset.done $0x0  }
0x2fa: {  	[sflag:s17] =	ssyncadd.s32 $0xFFFFA000  }
0x2fb: {  	_ =	swait.ge [sflag:s17], $0x800  }
0x2fc: {  	[sflag:s17] =	ssyncset.done $0x0  }
0x2fd: {  	[sflag:s17] =	ssyncadd.s32 $0xFFFFF800  }
0x2fe: {  	_ =	swait.ge [sflag:s9], $0x6000  }
0x2ff: {  	[sflag:s9] =	ssyncset.done $0x0  }
0x300: {  	[sflag:s9] =	ssyncadd.s32 $0xFFFFA000  }
0x301: {  	_ =	swait.ge [sflag:s9], $0x6000  }
0x302: {  	[sflag:s9] =	ssyncset.done $0x0  }
0x303: {  	[sflag:s9] =	ssyncadd.s32 $0xFFFFA000  }
0x304: {  	_ =	swait.ge [sflag:s9], $0x800  }
0x305: {  	[sflag:s9] =	ssyncset.done $0x0  }
0x306: {  	s2 =	simm.s32 $0x4;
	[sflag:s9] =	ssyncadd.s32 $0xFFFFF800  }
0x307: {  	_ =	swait.ge [sflag:s2], $0x6400  }
0x308: {  	s3 =	rddreg [dreg:$0xc]  }
0x309: {  	s1 =	rddreg [dreg:$0xb];
	s3 =	sadd.s32 $0x1, s3  }
0x30a: {  	p0 =	sne.s32 s3, s1  }
.Ltmp7:
0x30b: {  	_ = 	snop;
	(pc) =	sbr.rel @p0 .LBB2_1-.Ltmp7, $3  }
0x30c: {  	_ =	sdelay $0x1  }
0x30d: {  	[sflag:s2] =	ssyncset.done $0x0  }
0x30e: {  	[sflag:s2] =	ssyncadd.s32 $0xFFFF9C00  }
0x30f: {  	_ =	sfence.sel $0x180000  }
0x310: {  	[bflag:$0x0] =	sbarrier.arrive $0xFFFF  }
0x311: {  	_ =	strace $0x9000004A  }
0x312: {  	s0 =	stileid.u32;
	[bflag:$0x2] =	sbarrier.arrive $0xFFFF  }
0x313: {  	p0 =	sne.s32 s0, $0x0;
	s0 =	rddreg [dreg:$0x5]  }
0x314: {  	s0 =	sadd.s32 @!p0 $0x100000, s0  }
0x315: {  	[sflag:s0] =	ssyncadd.tile.s32 @!p0 $0x1;
	_ =	shalt  }
.Lfunc_end2:
_tile_overlayer_lowered:
.L_overlay_start_2:
0x316: {  	(tag) =	ssettag $0x2  }
0x317: {  	s0 =	rddreg [dreg:$0x0];
	s2 =	stileid.u32  }
0x318: {  	s1 =	rddreg [dreg:$0x1];
	p0 =	sne.s32 s2, $0x0  }
0x319: {  	s3 =	rddreg [dreg:$0x2];
	[bflag:$0x3] =	sbarrier.arrive $0xFFFF;
	s2 =	simm.s32 @!p0 $0x1C09  }
0x31a: {  	[timem:s3], [sflag:s2] =	dma.local @!p0 [hbm:s0], s1  }
0x31b: {  	s0 =	simm.s32 @!p0 $0x9  }
0x31c: {  	_ =	swait.ge @!p0 [sflag:s0], s1  }
0x31d: {  	s1 =	ssub.s32 @!p0 $0x0, s1;
	[sflag:s0] =	ssyncset.done @!p0 $0x0  }
0x31e: {  	[sflag:s0] =	ssyncadd.s32 @!p0 s1  }
0x31f: {  	[bflag:$0x3] =	sbarrier.arrive $0xFFFF  }
0x320: {  	_ =	shalt  }

</sc_bundles>
